<compile_context>
chip_gen: v7x
topology: tpu7x:2x2x1
jax: 0.10.2.dev20260603
libtpu: 0.0.44.dev20260713+nightly
codegen_flags: <defaults>
</compile_context>

<pallas_src>
import functools

import jax
import jax.numpy as jnp
from jax import lax
from jax.experimental import pallas as pl
from jax.experimental.pallas import tpu as pltpu
from jax.experimental.pallas import tpu_sc as plsc

N = 10000
D = 128
NC, NS = 2, 16
NW = NC * NS
N_PAD = 10240
ROWS_PER_S = N_PAD // NS
CHUNK = 128
NBUF = 2
HALVES = 2
ROW_BLK = 1000
DEG_W = 128

TOT_PER_S = 160
C0_PER_S = 124
C1_PER_S = TOT_PER_S - C0_PER_S
HALF_MAX = max(C0_PER_S, TOT_PER_S - C0_PER_S) // HALVES


def _sc_mesh():
    return plsc.VectorSubcoreMesh(core_axis_name="c", subcore_axis_name="s",
                                  num_cores=NC, num_subcores=NS)


@functools.cache
def _make_deg(e_pad: int):
    per_w = e_pad // NW
    n_chunks = per_w // CHUNK

    @functools.partial(
        pl.kernel,
        out_type=jax.ShapeDtypeStruct((NC, N_PAD, DEG_W), jnp.float32),
        mesh=_sc_mesh(),
        scratch_types=[
            pltpu.VMEM((CHUNK,), jnp.int32),
            pltpu.VMEM((CHUNK, DEG_W), jnp.float32),
            pltpu.VMEM_SHARED((N_PAD, DEG_W), jnp.float32),
        ])
    def deg(dst_hbm, ones_hbm, zeros_hbm, out_hbm, dst_v, ones_v, acc_sh):
        c = lax.axis_index("c")
        s = lax.axis_index("s")
        wid = s * NC + c
        r0 = pl.multiple_of(s * ROWS_PER_S, 8)
        pltpu.sync_copy(ones_hbm, ones_v)
        pltpu.sync_copy(zeros_hbm.at[pl.ds(r0, ROWS_PER_S)],
                        acc_sh.at[pl.ds(r0, ROWS_PER_S)])
        plsc.subcore_barrier()
        base = wid * per_w

        def body(i, carry):
            off = pl.multiple_of(base + i * CHUNK, 8)
            pltpu.sync_copy(dst_hbm.at[pl.ds(off, CHUNK)], dst_v)
            pltpu.sync_copy(ones_v, acc_sh.at[dst_v], add=True)
            return carry

        lax.fori_loop(0, n_chunks, body, 0)
        plsc.subcore_barrier()
        pltpu.sync_copy(acc_sh.at[pl.ds(r0, ROWS_PER_S)],
                        out_hbm.at[c, pl.ds(r0, ROWS_PER_S)])

    return deg


@functools.cache
def _make_agg(n_chunks_tot: int):

    @functools.partial(
        pl.kernel,
        out_type=jax.ShapeDtypeStruct((NC, N_PAD, D), jnp.float32),
        mesh=_sc_mesh(),
        scratch_types=[
            pltpu.VMEM((HALF_MAX, 2, CHUNK), jnp.int32),
            pltpu.VMEM((NBUF, CHUNK, D), jnp.float32),
            pltpu.VMEM_SHARED((N_PAD, D), jnp.float32),
        ] + [pltpu.SemaphoreType.DMA] * (2 * NBUF),
        )
    def agg(edges_hbm, table_hbm, zeros_hbm, out_hbm,
            idx_v, rows_v, acc_sh, *sems):
        gsem, ssem = sems[:NBUF], sems[NBUF:]
        c = lax.axis_index("c")
        s = lax.axis_index("s")
        r0 = pl.multiple_of(s * ROWS_PER_S, 8)
        pltpu.sync_copy(zeros_hbm.at[pl.ds(r0, ROWS_PER_S)],
                        acc_sh.at[pl.ds(r0, ROWS_PER_S)])
        plsc.subcore_barrier()

        per_s = jnp.where(c == 0, C0_PER_S, C1_PER_S)
        n_half = per_s // HALVES
        chunk0 = jnp.where(c == 0, s * C0_PER_S,
                           NS * C0_PER_S + s * C1_PER_S)

        def gather(i, b):
            pltpu.async_copy(table_hbm.at[idx_v.at[i, 0]], rows_v.at[b],
                             gsem[b])

        def wait_gather(i, b):
            pltpu.make_async_copy(table_hbm.at[idx_v.at[i, 0]], rows_v.at[b],
                                  gsem[b]).wait()

        def scatter(i, b):
            pltpu.async_copy(rows_v.at[b], acc_sh.at[idx_v.at[i, 1]],
                             ssem[b], add=True)

        def wait_scatter(i, b):
            pltpu.make_async_copy(rows_v.at[b], acc_sh.at[idx_v.at[i, 1]],
                                  ssem[b]).wait()

        for h in range(HALVES):
            pltpu.sync_copy(
                edges_hbm.at[pl.ds(chunk0 + h * n_half, HALF_MAX)], idx_v)
            for b in range(NBUF):
                gather(b, b)

            def inner(o, carry):
                for b in range(NBUF):
                    i = o * NBUF + b
                    wait_gather(i, b)
                    scatter(i, b)
                    j = i + NBUF - 1
                    bj = (b - 1) % NBUF

                    @pl.when(jnp.logical_and(i >= 1, j < n_half))
                    def _():
                        wait_scatter(i - 1, bj)
                        gather(j, bj)
                return carry

            lax.fori_loop(0, n_half // NBUF, inner, 0)
            for b in range(NBUF):
                wait_scatter(0, b)
        plsc.subcore_barrier()
        pltpu.sync_copy(acc_sh.at[pl.ds(r0, ROWS_PER_S)],
                        out_hbm.at[c, pl.ds(r0, ROWS_PER_S)])

    return agg


def _dis(deg):
    return lax.rsqrt(deg[0, :, :1] + deg[1, :, :1] + 1.0)


def _pre_body(deg_ref, x_ref, w_ref, o_ref):
    dis = _dis(deg_ref[...])
    o_ref[...] = dis * jnp.dot(x_ref[...], w_ref[...],
                               preferred_element_type=jnp.float32)


def _mid_body(deg_ref, parts_ref, yhat_ref, b_ref, w_ref, o_ref):
    dis = _dis(deg_ref[...])
    p = parts_ref[...]
    h = dis * (p[0] + p[1] + yhat_ref[...]) + b_ref[...]
    o_ref[...] = dis * jnp.dot(h, w_ref[...],
                               preferred_element_type=jnp.float32)


def _fin_body(deg_ref, parts_ref, yhat_ref, b_ref, o_ref):
    dis = _dis(deg_ref[...])
    p = parts_ref[...]
    o_ref[...] = dis * (p[0] + p[1] + yhat_ref[...]) + b_ref[...]


_DEG_SPEC = pl.BlockSpec((NC, ROW_BLK, DEG_W), lambda i: (0, i, 0))
_PARTS_SPEC = pl.BlockSpec((NC, ROW_BLK, D), lambda i: (0, i, 0))
_ROW_SPEC = pl.BlockSpec((ROW_BLK, D), lambda i: (i, 0))
_W_SPEC = pl.BlockSpec((D, D), lambda i: (0, 0))
_B_SPEC = pl.BlockSpec((1, D), lambda i: (0, 0))
_OUT = jax.ShapeDtypeStruct((N, D), jnp.float32)
_GRID = (N // ROW_BLK,)


def _tc_pre(deg_parts, x, w):
    return pl.pallas_call(
        _pre_body, grid=_GRID,
        in_specs=[_DEG_SPEC, _ROW_SPEC, _W_SPEC],
        out_specs=_ROW_SPEC, out_shape=_OUT,
    )(deg_parts, x, w)


def _tc_mid(deg_parts, parts, yhat, b, w):
    return pl.pallas_call(
        _mid_body, grid=_GRID,
        in_specs=[_DEG_SPEC, _PARTS_SPEC, _ROW_SPEC, _B_SPEC, _W_SPEC],
        out_specs=_ROW_SPEC, out_shape=_OUT,
    )(deg_parts, parts, yhat, b, w)


def _tc_fin(deg_parts, parts, yhat, b):
    return pl.pallas_call(
        _fin_body, grid=_GRID,
        in_specs=[_DEG_SPEC, _PARTS_SPEC, _ROW_SPEC, _B_SPEC],
        out_specs=_ROW_SPEC, out_shape=_OUT,
    )(deg_parts, parts, yhat, b)


def kernel(x, edge_index, W1, b1, W2, b2, W3, b3):
    src = edge_index[0].astype(jnp.int32)
    dst = edge_index[1].astype(jnp.int32)
    e = src.shape[0]
    unit = NS * CHUNK * TOT_PER_S
    e_pad = -(-e // unit) * unit
    n_chunks_tot = e_pad // CHUNK
    n_chunks_arr = n_chunks_tot + HALF_MAX
    pad = n_chunks_arr * CHUNK - e
    src_p = jnp.concatenate([src, jnp.zeros((pad,), jnp.int32)])
    dst_p = jnp.concatenate([dst, jnp.full((pad,), N, jnp.int32)])
    edges = jnp.stack([src_p.reshape(n_chunks_arr, CHUNK),
                       dst_p.reshape(n_chunks_arr, CHUNK)], axis=1)

    zeros_d = jnp.zeros((N_PAD, D), jnp.float32)
    ones_g = jnp.ones((CHUNK, DEG_W), jnp.float32)

    agg_d = _make_agg(n_chunks_tot)

    deg_parts = _make_deg(e_pad)(dst_p[:e_pad], ones_g, zeros_d)
    b1r, b2r, b3r = (b.reshape(1, D) for b in (b1, b2, b3))

    yhat1 = _tc_pre(deg_parts, x, W1)
    parts1 = agg_d(edges, yhat1, zeros_d)
    yhat2 = _tc_mid(deg_parts, parts1, yhat1, b1r, W2)
    parts2 = agg_d(edges, yhat2, zeros_d)
    yhat3 = _tc_mid(deg_parts, parts2, yhat2, b2r, W3)
    parts3 = agg_d(edges, yhat3, zeros_d)
    return _tc_fin(deg_parts, parts3, yhat3, b3r)

# --- scband reference (transcript-rebuilt; emitter-appended) ---
"""Pipeline reference for scband-graph-encoder-70677981823563 (READ-ONLY COPY).

The authoritative reference and input builder live on the scoring server;
editing this copy changes nothing except your own understanding.
"""

import jax, jax.numpy as jnp
import numpy as np

N = 10000
E = 320000
D_IN = 128
D_HID = 128
D_OUT = 128

def setup_inputs(seed: int = 0) -> dict:
    key = jax.random.key(seed)
    ks = jax.random.split(key, 10)
    x = jax.random.normal(ks[0], (N, D_IN), dtype=jnp.float32)
    edge_index = jax.random.randint(ks[1], (2, E), 0, N, dtype=jnp.int32).astype(jnp.int64)
    s1 = 1.0 / np.sqrt(D_IN)
    s2 = 1.0 / np.sqrt(D_HID)
    W1 = jax.random.normal(ks[2], (D_IN, D_HID), dtype=jnp.float32) * s1
    b1 = jnp.zeros((D_HID,), dtype=jnp.float32)
    W2 = jax.random.normal(ks[3], (D_HID, D_HID), dtype=jnp.float32) * s2
    b2 = jnp.zeros((D_HID,), dtype=jnp.float32)
    W3 = jax.random.normal(ks[4], (D_HID, D_OUT), dtype=jnp.float32) * s2
    b3 = jnp.zeros((D_OUT,), dtype=jnp.float32)
    return {"x": x, "edge_index": edge_index, "W1": W1, "b1": b1, "W2": W2, "b2": b2, "W3": W3, "b3": b3}


def _gcn_layer(x, W, b, src, dst, norm, n_nodes):
    # GCNConv: x' = D^{-1/2} (A + I) D^{-1/2} (x W) + b
    xw = x @ W
    msg = xw[src] * norm[:, None]
    out = jnp.zeros((n_nodes, W.shape[1]), dtype=x.dtype).at[dst].add(msg)
    return out + b


def reference(x, edge_index, W1, b1, W2, b2, W3, b3):
    n_nodes = x.shape[0]
    src = edge_index[0]
    dst = edge_index[1]
    loop = jnp.arange(n_nodes, dtype=src.dtype)
    src = jnp.concatenate([src, loop])
    dst = jnp.concatenate([dst, loop])
    # symmetric normalization with self-loops (PyG GCNConv default)
    deg = jnp.zeros((n_nodes,), dtype=x.dtype).at[dst].add(1.0)
    deg_inv_sqrt = jnp.where(deg > 0, 1.0 / jnp.sqrt(deg), 0.0)
    norm = deg_inv_sqrt[src] * deg_inv_sqrt[dst]
    h = _gcn_layer(x, W1, b1, src, dst, norm, n_nodes)
    h = _gcn_layer(h, W2, b2, src, dst, norm, n_nodes)
    h = _gcn_layer(h, W3, b3, src, dst, norm, n_nodes)
    return h

if __name__ == "__main__":
    import jax
    _d = setup_inputs()
    print(jax.jit(kernel)(*tuple(_d.values())))

</pallas_src>

<mosaic_0001>
#map = affine_map<(d0, d1) -> (0, 0, 0)>
#map1 = affine_map<(d0, d1) -> (0, 0)>
module attributes {stable_mosaic.version = 14 : i64} {
  func.func @agg(%arg0: i32, %arg1: i32, %arg2: memref<2622x2x128xi32, #tpu.memory_space<hbm>>, %arg3: memref<10000x128xf32, #tpu.memory_space<hbm>>, %arg4: memref<10240x128xf32, #tpu.memory_space<hbm>>, %arg5: memref<2x10240x128xf32, #tpu.memory_space<hbm>>, %arg6: memref<62x2x128xi32, #tpu.memory_space<vmem>>, %arg7: memref<2x128x128xf32, #tpu.memory_space<vmem>>, %arg8: memref<10240x128xf32, #tpu.memory_space<vmem_shared>>, %arg9: memref<!tpu.dma_semaphore, #tpu.memory_space<semaphore_mem>>, %arg10: memref<!tpu.dma_semaphore, #tpu.memory_space<semaphore_mem>>, %arg11: memref<!tpu.dma_semaphore, #tpu.memory_space<semaphore_mem>>, %arg12: memref<!tpu.dma_semaphore, #tpu.memory_space<semaphore_mem>>) attributes {dimension_semantics = [#tpu.dimension_semantics<core_parallel>, #tpu.dimension_semantics<subcore_parallel>], iteration_bounds = array<i64: 2, 16>, scalar_prefetch = 0 : i64, scratch_operands = 7 : i64, tpu.core_type = #tpu.core_type<sc_vector_subcore>, window_params = [{transform_indices = #map}, {transform_indices = #map1}, {transform_indices = #map1}, {transform_indices = #map}]} {
    %mul3A = arith.constant 640 : i32
    %mul3A_0 = arith.muli %arg1, %mul3A : i32
    %multiple_of3A = tpu.assume_multiple %mul3A_0, 8 : i32
    "tpu.region"() ({
      %run_scoped3A = tpu.sem_alloc : memref<!tpu.dma_semaphore, #tpu.memory_space<semaphore_mem>>
      %dma_start3A_205 = arith.constant 0 : i32
      %dma_start3A_206 = tpu.memref_slice %arg8[%multiple_of3A, %dma_start3A_205] : memref<10240x128xf32, #tpu.memory_space<vmem_shared>> -> memref<640x128xf32, #tpu.memory_space<vmem_shared>>
      %dma_start3A_207 = arith.constant 0 : i32
      %dma_start3A_208 = tpu.memref_slice %arg4[%multiple_of3A, %dma_start3A_207] : memref<10240x128xf32, #tpu.memory_space<hbm>> -> memref<640x128xf32, #tpu.memory_space<hbm>>
      tpu.enqueue_dma source(%dma_start3A_208 : memref<640x128xf32, #tpu.memory_space<hbm>>) target(%dma_start3A_206 : memref<640x128xf32, #tpu.memory_space<vmem_shared>>) target_semaphore(%run_scoped3A : memref<!tpu.dma_semaphore, #tpu.memory_space<semaphore_mem>>)
      %dma_wait3A_209 = arith.constant 0 : i32
      %dma_wait3A_210 = tpu.memref_slice %arg8[%multiple_of3A, %dma_wait3A_209] : memref<10240x128xf32, #tpu.memory_space<vmem_shared>> -> memref<640x128xf32, #tpu.memory_space<vmem_shared>>
      %dma_wait3A_211 = arith.constant 0 : i32
      %dma_wait3A_212 = tpu.memref_slice %arg4[%multiple_of3A, %dma_wait3A_211] : memref<10240x128xf32, #tpu.memory_space<hbm>> -> memref<640x128xf32, #tpu.memory_space<hbm>>
      tpu.wait_dma2 semaphore(%run_scoped3A : memref<!tpu.dma_semaphore, #tpu.memory_space<semaphore_mem>>) src(%dma_wait3A_212 : memref<640x128xf32, #tpu.memory_space<hbm>>) dst(%dma_wait3A_210 : memref<640x128xf32, #tpu.memory_space<vmem_shared>>)
      tpu.yield
    }) : () -> ()
    %barrier3A = arith.constant 0 : index
    tpu.barrier barrier_id(%barrier3A)
    %eq3A = arith.constant 0 : i32
    %eq3A_1 = arith.cmpi eq, %arg0, %eq3A : i32
    %jit3A = arith.constant 124 : i32
    %jit3A_2 = arith.constant 36 : i32
    %select_n3A = arith.select %eq3A_1, %jit3A, %jit3A_2 : i32
    %jit3A_3 = arith.constant 2 : i32
    %div3A = arith.divsi %select_n3A, %jit3A_3 : i32
    %sign3A = arith.constant 0 : i32
    %sign3A_4 = arith.cmpi sgt, %select_n3A, %sign3A : i32
    %sign3A_5 = arith.extui %sign3A_4 : i1 to i32
    %sign3A_6 = arith.constant 0 : i32
    %sign3A_7 = arith.cmpi slt, %select_n3A, %sign3A_6 : i32
    %sign3A_8 = arith.extui %sign3A_7 : i1 to i32
    %sign3A_9 = arith.subi %sign3A_5, %sign3A_8 : i32
    %sign3A_10 = arith.constant 0 : i32
    %sign3A_11 = arith.cmpi sgt, %jit3A_3, %sign3A_10 : i32
    %sign3A_12 = arith.extui %sign3A_11 : i1 to i32
    %sign3A_13 = arith.constant 0 : i32
    %sign3A_14 = arith.cmpi slt, %jit3A_3, %sign3A_13 : i32
    %sign3A_15 = arith.extui %sign3A_14 : i1 to i32
    %sign3A_16 = arith.subi %sign3A_12, %sign3A_15 : i32
    %ne3A = arith.cmpi ne, %sign3A_9, %sign3A_16 : i32
    %rem3A = arith.remsi %select_n3A, %jit3A_3 : i32
    %ne3A_17 = arith.constant 0 : i32
    %ne3A_18 = arith.cmpi ne, %rem3A, %ne3A_17 : i32
    %and3A = arith.andi %ne3A, %ne3A_18 : i1
    %sub3A = arith.constant 1 : i32
    %sub3A_19 = arith.subi %div3A, %sub3A : i32
    %select_n3A_20 = arith.select %and3A, %sub3A_19, %div3A : i32
    %eq3A_21 = arith.constant 0 : i32
    %eq3A_22 = arith.cmpi eq, %arg0, %eq3A_21 : i32
    %mul3A_23 = arith.constant 124 : i32
    %mul3A_24 = arith.muli %arg1, %mul3A_23 : i32
    %mul3A_25 = arith.constant 36 : i32
    %mul3A_26 = arith.muli %arg1, %mul3A_25 : i32
    %add3A = arith.constant 1984 : i32
    %add3A_27 = arith.addi %add3A, %mul3A_26 : i32
    %select_n3A_28 = arith.select %eq3A_22, %mul3A_24, %add3A_27 : i32
    %mul3A_29 = arith.constant 0 : i32
    %mul3A_30 = arith.muli %mul3A_29, %select_n3A_20 : i32
    %add3A_31 = arith.addi %select_n3A_28, %mul3A_30 : i32
    "tpu.region"() ({
      %run_scoped3A = tpu.sem_alloc : memref<!tpu.dma_semaphore, #tpu.memory_space<semaphore_mem>>
      %dma_start3A_205 = arith.constant 0 : i32
      %dma_start3A_206 = arith.constant 0 : i32
      %dma_start3A_207 = tpu.memref_slice %arg2[%add3A_31, %dma_start3A_205, %dma_start3A_206] : memref<2622x2x128xi32, #tpu.memory_space<hbm>> -> memref<62x2x128xi32, #tpu.memory_space<hbm>>
      %dma_start3A_208 = arith.constant 0 : i32
      %dma_start3A_209 = arith.constant 0 : i32
      %dma_start3A_210 = tpu.memref_slice %arg2[%add3A_31, %dma_start3A_208, %dma_start3A_209] : memref<2622x2x128xi32, #tpu.memory_space<hbm>> -> memref<62x2x128xi32, #tpu.memory_space<hbm>>
      tpu.enqueue_dma source(%dma_start3A_210 : memref<62x2x128xi32, #tpu.memory_space<hbm>>) target(%arg6 : memref<62x2x128xi32, #tpu.memory_space<vmem>>) target_semaphore(%run_scoped3A : memref<!tpu.dma_semaphore, #tpu.memory_space<semaphore_mem>>)
      %dma_wait3A_211 = arith.constant 0 : i32
      %dma_wait3A_212 = arith.constant 0 : i32
      %dma_wait3A_213 = tpu.memref_slice %arg2[%add3A_31, %dma_wait3A_211, %dma_wait3A_212] : memref<2622x2x128xi32, #tpu.memory_space<hbm>> -> memref<62x2x128xi32, #tpu.memory_space<hbm>>
      %dma_wait3A_214 = arith.constant 0 : i32
      %dma_wait3A_215 = arith.constant 0 : i32
      %dma_wait3A_216 = tpu.memref_slice %arg2[%add3A_31, %dma_wait3A_214, %dma_wait3A_215] : memref<2622x2x128xi32, #tpu.memory_space<hbm>> -> memref<62x2x128xi32, #tpu.memory_space<hbm>>
      tpu.wait_dma2 semaphore(%run_scoped3A : memref<!tpu.dma_semaphore, #tpu.memory_space<semaphore_mem>>) src(%dma_wait3A_216 : memref<62x2x128xi32, #tpu.memory_space<hbm>>) dst(%arg6 : memref<62x2x128xi32, #tpu.memory_space<vmem>>)
      tpu.yield
    }) : () -> ()
    %dma_start3A = arith.constant 0 : i32
    %dma_start3A_32 = arith.constant 0 : i32
    %dma_start3A_33 = arith.constant 0 : i32
    %dma_start3A_34 = arith.constant 0 : i32
    %dma_start3A_35 = arith.constant 0 : i32
    %dma_start3A_36 = tpu.memref_slice %arg7[%dma_start3A_33, %dma_start3A_34, %dma_start3A_35] : memref<2x128x128xf32, #tpu.memory_space<vmem>> -> memref<1x128x128xf32, #tpu.memory_space<vmem>>
    %dma_start3A_37 = tpu.memref_squeeze %dma_start3A_36 : memref<1x128x128xf32, #tpu.memory_space<vmem>> -> memref<128x128xf32, #tpu.memory_space<vmem>>
    %dma_start3A_38 = arith.constant 0 : i32
    %dma_start3A_39 = tpu.memref_slice %arg6[%dma_start3A, %dma_start3A_32, %dma_start3A_38] : memref<62x2x128xi32, #tpu.memory_space<vmem>> -> memref<1x1x128xi32, #tpu.memory_space<vmem>>
    %dma_start3A_40 = tpu.memref_squeeze %dma_start3A_39 : memref<1x1x128xi32, #tpu.memory_space<vmem>> -> memref<128xi32, #tpu.memory_space<vmem>>
    %dma_start3A_41 = arith.constant 0 : i32
    %dma_start3A_42 = arith.constant 0 : i32
    %dma_start3A_43 = tpu.memref_slice %arg3[%dma_start3A_41, %dma_start3A_42] : memref<10000x128xf32, #tpu.memory_space<hbm>> -> memref<10000x128xf32, #tpu.memory_space<hbm>>
    tpu.enqueue_indirect_dma source(%dma_start3A_43 : memref<10000x128xf32, #tpu.memory_space<hbm>>) target(%dma_start3A_37 : memref<128x128xf32, #tpu.memory_space<vmem>>) offsets(%dma_start3A_40 : memref<128xi32, #tpu.memory_space<vmem>>) semaphore(%arg9 : memref<!tpu.dma_semaphore, #tpu.memory_space<semaphore_mem>>)
    %dma_start3A_44 = arith.constant 1 : i32
    %dma_start3A_45 = arith.constant 0 : i32
    %dma_start3A_46 = arith.constant 1 : i32
    %dma_start3A_47 = arith.constant 0 : i32
    %dma_start3A_48 = arith.constant 0 : i32
    %dma_start3A_49 = tpu.memref_slice %arg7[%dma_start3A_46, %dma_start3A_47, %dma_start3A_48] : memref<2x128x128xf32, #tpu.memory_space<vmem>> -> memref<1x128x128xf32, #tpu.memory_space<vmem>>
    %dma_start3A_50 = tpu.memref_squeeze %dma_start3A_49 : memref<1x128x128xf32, #tpu.memory_space<vmem>> -> memref<128x128xf32, #tpu.memory_space<vmem>>
    %dma_start3A_51 = arith.constant 0 : i32
    %dma_start3A_52 = tpu.memref_slice %arg6[%dma_start3A_44, %dma_start3A_45, %dma_start3A_51] : memref<62x2x128xi32, #tpu.memory_space<vmem>> -> memref<1x1x128xi32, #tpu.memory_space<vmem>>
    %dma_start3A_53 = tpu.memref_squeeze %dma_start3A_52 : memref<1x1x128xi32, #tpu.memory_space<vmem>> -> memref<128xi32, #tpu.memory_space<vmem>>
    %dma_start3A_54 = arith.constant 0 : i32
    %dma_start3A_55 = arith.constant 0 : i32
    %dma_start3A_56 = tpu.memref_slice %arg3[%dma_start3A_54, %dma_start3A_55] : memref<10000x128xf32, #tpu.memory_space<hbm>> -> memref<10000x128xf32, #tpu.memory_space<hbm>>
    tpu.enqueue_indirect_dma source(%dma_start3A_56 : memref<10000x128xf32, #tpu.memory_space<hbm>>) target(%dma_start3A_50 : memref<128x128xf32, #tpu.memory_space<vmem>>) offsets(%dma_start3A_53 : memref<128xi32, #tpu.memory_space<vmem>>) semaphore(%arg10 : memref<!tpu.dma_semaphore, #tpu.memory_space<semaphore_mem>>)
    %jit3A_57 = arith.constant 2 : i32
    %div3A_58 = arith.divsi %select_n3A_20, %jit3A_57 : i32
    %sign3A_59 = arith.constant 0 : i32
    %sign3A_60 = arith.cmpi sgt, %select_n3A_20, %sign3A_59 : i32
    %sign3A_61 = arith.extui %sign3A_60 : i1 to i32
    %sign3A_62 = arith.constant 0 : i32
    %sign3A_63 = arith.cmpi slt, %select_n3A_20, %sign3A_62 : i32
    %sign3A_64 = arith.extui %sign3A_63 : i1 to i32
    %sign3A_65 = arith.subi %sign3A_61, %sign3A_64 : i32
    %sign3A_66 = arith.constant 0 : i32
    %sign3A_67 = arith.cmpi sgt, %jit3A_57, %sign3A_66 : i32
    %sign3A_68 = arith.extui %sign3A_67 : i1 to i32
    %sign3A_69 = arith.constant 0 : i32
    %sign3A_70 = arith.cmpi slt, %jit3A_57, %sign3A_69 : i32
    %sign3A_71 = arith.extui %sign3A_70 : i1 to i32
    %sign3A_72 = arith.subi %sign3A_68, %sign3A_71 : i32
    %ne3A_73 = arith.cmpi ne, %sign3A_65, %sign3A_72 : i32
    %rem3A_74 = arith.remsi %select_n3A_20, %jit3A_57 : i32
    %ne3A_75 = arith.constant 0 : i32
    %ne3A_76 = arith.cmpi ne, %rem3A_74, %ne3A_75 : i32
    %and3A_77 = arith.andi %ne3A_73, %ne3A_76 : i1
    %sub3A_78 = arith.constant 1 : i32
    %sub3A_79 = arith.subi %div3A_58, %sub3A_78 : i32
    %select_n3A_80 = arith.select %and3A_77, %sub3A_79, %div3A_58 : i32
    %while3A = arith.constant 0 : i32
    %while3A_81 = arith.constant 0 : i32
    %while3A_82 = arith.subi %select_n3A_80, %while3A_81 : i32
    %while3A_83 = arith.addi %while3A_81, %while3A_82 : i32
    %while3A_84 = arith.constant 1 : i32
    %while3A_85 = arith.divsi %while3A_82, %while3A_84 : i32
    %while3A_86 = arith.muli %while3A_85, %while3A_84 : i32
    %while3A_87 = arith.addi %while3A_81, %while3A_86 : i32
    %while3A_88 = arith.constant 1 : i32
    scf.for %while3A_205 = %while3A_81 to %while3A_87 step %while3A_88  : i32 {
      %mul3A_206 = arith.constant 2 : i32
      %mul3A_207 = arith.muli %while3A_205, %mul3A_206 : i32
      %add3A_208 = arith.constant 0 : i32
      %add3A_209 = arith.addi %mul3A_207, %add3A_208 : i32
      %dma_wait3A_210 = arith.constant 0 : i32
      %dma_wait3A_211 = arith.constant 0 : i32
      %dma_wait3A_212 = arith.constant 0 : i32
      %dma_wait3A_213 = arith.constant 0 : i32
      %dma_wait3A_214 = tpu.memref_slice %arg7[%dma_wait3A_211, %dma_wait3A_212, %dma_wait3A_213] : memref<2x128x128xf32, #tpu.memory_space<vmem>> -> memref<1x128x128xf32, #tpu.memory_space<vmem>>
      %dma_wait3A_215 = tpu.memref_squeeze %dma_wait3A_214 : memref<1x128x128xf32, #tpu.memory_space<vmem>> -> memref<128x128xf32, #tpu.memory_space<vmem>>
      %dma_wait3A_216 = arith.constant 0 : i32
      %dma_wait3A_217 = tpu.memref_slice %arg6[%add3A_209, %dma_wait3A_210, %dma_wait3A_216] : memref<62x2x128xi32, #tpu.memory_space<vmem>> -> memref<1x1x128xi32, #tpu.memory_space<vmem>>
      %dma_wait3A_218 = tpu.memref_squeeze %dma_wait3A_217 : memref<1x1x128xi32, #tpu.memory_space<vmem>> -> memref<128xi32, #tpu.memory_space<vmem>>
      %dma_wait3A_219 = arith.constant 0 : i32
      %dma_wait3A_220 = arith.constant 0 : i32
      %dma_wait3A_221 = tpu.memref_slice %arg3[%dma_wait3A_219, %dma_wait3A_220] : memref<10000x128xf32, #tpu.memory_space<hbm>> -> memref<10000x128xf32, #tpu.memory_space<hbm>>
      tpu.wait_indirect_dma semaphore(%arg9 : memref<!tpu.dma_semaphore, #tpu.memory_space<semaphore_mem>>) src(%dma_wait3A_221 : memref<10000x128xf32, #tpu.memory_space<hbm>>) dst(%dma_wait3A_215 : memref<128x128xf32, #tpu.memory_space<vmem>>)
      %dma_start3A_222 = arith.constant 0 : i32
      %dma_start3A_223 = arith.constant 1 : i32
      %dma_start3A_224 = arith.constant 0 : i32
      %dma_start3A_225 = arith.constant 0 : i32
      %dma_start3A_226 = tpu.memref_slice %arg7[%dma_start3A_222, %dma_start3A_224, %dma_start3A_225] : memref<2x128x128xf32, #tpu.memory_space<vmem>> -> memref<1x128x128xf32, #tpu.memory_space<vmem>>
      %dma_start3A_227 = tpu.memref_squeeze %dma_start3A_226 : memref<1x128x128xf32, #tpu.memory_space<vmem>> -> memref<128x128xf32, #tpu.memory_space<vmem>>
      %dma_start3A_228 = arith.constant 0 : i32
      %dma_start3A_229 = tpu.memref_slice %arg6[%add3A_209, %dma_start3A_223, %dma_start3A_228] : memref<62x2x128xi32, #tpu.memory_space<vmem>> -> memref<1x1x128xi32, #tpu.memory_space<vmem>>
      %dma_start3A_230 = tpu.memref_squeeze %dma_start3A_229 : memref<1x1x128xi32, #tpu.memory_space<vmem>> -> memref<128xi32, #tpu.memory_space<vmem>>
      %dma_start3A_231 = arith.constant 0 : i32
      %dma_start3A_232 = arith.constant 0 : i32
      %dma_start3A_233 = tpu.memref_slice %arg8[%dma_start3A_231, %dma_start3A_232] : memref<10240x128xf32, #tpu.memory_space<vmem_shared>> -> memref<10240x128xf32, #tpu.memory_space<vmem_shared>>
      tpu.enqueue_indirect_dma source(%dma_start3A_227 : memref<128x128xf32, #tpu.memory_space<vmem>>) target(%dma_start3A_233 : memref<10240x128xf32, #tpu.memory_space<vmem_shared>>) offsets(%dma_start3A_230 : memref<128xi32, #tpu.memory_space<vmem>>) semaphore(%arg11 : memref<!tpu.dma_semaphore, #tpu.memory_space<semaphore_mem>>) {add = true}
      %add3A_234 = arith.constant 2 : i32
      %add3A_235 = arith.addi %add3A_209, %add3A_234 : i32
      %sub3A_236 = arith.constant 1 : i32
      %sub3A_237 = arith.subi %add3A_235, %sub3A_236 : i32
      %ge3A = arith.constant 1 : i32
      %ge3A_238 = arith.cmpi sge, %add3A_209, %ge3A : i32
      %lt3A = arith.cmpi slt, %sub3A_237, %select_n3A_20 : i32
      %and3A_239 = arith.andi %ge3A_238, %lt3A : i1
      %convert_element_type3A = arith.extui %and3A_239 : i1 to i32
      %cond3A = arith.constant 0 : i32
      %cond3A_240 = arith.cmpi ne, %convert_element_type3A, %cond3A : i32
      scf.if %cond3A_240 {
        %sub3A_280 = arith.constant 1 : i32
        %sub3A_281 = arith.subi %add3A_209, %sub3A_280 : i32
        %dma_wait3A_282 = arith.constant 1 : i32
        %dma_wait3A_283 = arith.constant 1 : i32
        %dma_wait3A_284 = arith.constant 0 : i32
        %dma_wait3A_285 = arith.constant 0 : i32
        %dma_wait3A_286 = tpu.memref_slice %arg7[%dma_wait3A_282, %dma_wait3A_284, %dma_wait3A_285] : memref<2x128x128xf32, #tpu.memory_space<vmem>> -> memref<1x128x128xf32, #tpu.memory_space<vmem>>
        %dma_wait3A_287 = tpu.memref_squeeze %dma_wait3A_286 : memref<1x128x128xf32, #tpu.memory_space<vmem>> -> memref<128x128xf32, #tpu.memory_space<vmem>>
        %dma_wait3A_288 = arith.constant 0 : i32
        %dma_wait3A_289 = tpu.memref_slice %arg6[%sub3A_281, %dma_wait3A_283, %dma_wait3A_288] : memref<62x2x128xi32, #tpu.memory_space<vmem>> -> memref<1x1x128xi32, #tpu.memory_space<vmem>>
        %dma_wait3A_290 = tpu.memref_squeeze %dma_wait3A_289 : memref<1x1x128xi32, #tpu.memory_space<vmem>> -> memref<128xi32, #tpu.memory_space<vmem>>
        %dma_wait3A_291 = arith.constant 0 : i32
        %dma_wait3A_292 = arith.constant 0 : i32
        %dma_wait3A_293 = tpu.memref_slice %arg8[%dma_wait3A_291, %dma_wait3A_292] : memref<10240x128xf32, #tpu.memory_space<vmem_shared>> -> memref<10240x128xf32, #tpu.memory_space<vmem_shared>>
        tpu.wait_indirect_dma semaphore(%arg12 : memref<!tpu.dma_semaphore, #tpu.memory_space<semaphore_mem>>) src(%dma_wait3A_287 : memref<128x128xf32, #tpu.memory_space<vmem>>) dst(%dma_wait3A_293 : memref<10240x128xf32, #tpu.memory_space<vmem_shared>>)
        %dma_start3A_294 = arith.constant 0 : i32
        %dma_start3A_295 = arith.constant 1 : i32
        %dma_start3A_296 = arith.constant 0 : i32
        %dma_start3A_297 = arith.constant 0 : i32
        %dma_start3A_298 = tpu.memref_slice %arg7[%dma_start3A_295, %dma_start3A_296, %dma_start3A_297] : memref<2x128x128xf32, #tpu.memory_space<vmem>> -> memref<1x128x128xf32, #tpu.memory_space<vmem>>
        %dma_start3A_299 = tpu.memref_squeeze %dma_start3A_298 : memref<1x128x128xf32, #tpu.memory_space<vmem>> -> memref<128x128xf32, #tpu.memory_space<vmem>>
        %dma_start3A_300 = arith.constant 0 : i32
        %dma_start3A_301 = tpu.memref_slice %arg6[%sub3A_237, %dma_start3A_294, %dma_start3A_300] : memref<62x2x128xi32, #tpu.memory_space<vmem>> -> memref<1x1x128xi32, #tpu.memory_space<vmem>>
        %dma_start3A_302 = tpu.memref_squeeze %dma_start3A_301 : memref<1x1x128xi32, #tpu.memory_space<vmem>> -> memref<128xi32, #tpu.memory_space<vmem>>
        %dma_start3A_303 = arith.constant 0 : i32
        %dma_start3A_304 = arith.constant 0 : i32
        %dma_start3A_305 = tpu.memref_slice %arg3[%dma_start3A_303, %dma_start3A_304] : memref<10000x128xf32, #tpu.memory_space<hbm>> -> memref<10000x128xf32, #tpu.memory_space<hbm>>
        tpu.enqueue_indirect_dma source(%dma_start3A_305 : memref<10000x128xf32, #tpu.memory_space<hbm>>) target(%dma_start3A_299 : memref<128x128xf32, #tpu.memory_space<vmem>>) offsets(%dma_start3A_302 : memref<128xi32, #tpu.memory_space<vmem>>) semaphore(%arg10 : memref<!tpu.dma_semaphore, #tpu.memory_space<semaphore_mem>>)
      } else {
      }
      %mul3A_241 = arith.constant 2 : i32
      %mul3A_242 = arith.muli %while3A_205, %mul3A_241 : i32
      %add3A_243 = arith.constant 1 : i32
      %add3A_244 = arith.addi %mul3A_242, %add3A_243 : i32
      %dma_wait3A_245 = arith.constant 0 : i32
      %dma_wait3A_246 = arith.constant 1 : i32
      %dma_wait3A_247 = arith.constant 0 : i32
      %dma_wait3A_248 = arith.constant 0 : i32
      %dma_wait3A_249 = tpu.memref_slice %arg7[%dma_wait3A_246, %dma_wait3A_247, %dma_wait3A_248] : memref<2x128x128xf32, #tpu.memory_space<vmem>> -> memref<1x128x128xf32, #tpu.memory_space<vmem>>
      %dma_wait3A_250 = tpu.memref_squeeze %dma_wait3A_249 : memref<1x128x128xf32, #tpu.memory_space<vmem>> -> memref<128x128xf32, #tpu.memory_space<vmem>>
      %dma_wait3A_251 = arith.constant 0 : i32
      %dma_wait3A_252 = tpu.memref_slice %arg6[%add3A_244, %dma_wait3A_245, %dma_wait3A_251] : memref<62x2x128xi32, #tpu.memory_space<vmem>> -> memref<1x1x128xi32, #tpu.memory_space<vmem>>
      %dma_wait3A_253 = tpu.memref_squeeze %dma_wait3A_252 : memref<1x1x128xi32, #tpu.memory_space<vmem>> -> memref<128xi32, #tpu.memory_space<vmem>>
      %dma_wait3A_254 = arith.constant 0 : i32
      %dma_wait3A_255 = arith.constant 0 : i32
      %dma_wait3A_256 = tpu.memref_slice %arg3[%dma_wait3A_254, %dma_wait3A_255] : memref<10000x128xf32, #tpu.memory_space<hbm>> -> memref<10000x128xf32, #tpu.memory_space<hbm>>
      tpu.wait_indirect_dma semaphore(%arg10 : memref<!tpu.dma_semaphore, #tpu.memory_space<semaphore_mem>>) src(%dma_wait3A_256 : memref<10000x128xf32, #tpu.memory_space<hbm>>) dst(%dma_wait3A_250 : memref<128x128xf32, #tpu.memory_space<vmem>>)
      %dma_start3A_257 = arith.constant 1 : i32
      %dma_start3A_258 = arith.constant 1 : i32
      %dma_start3A_259 = arith.constant 0 : i32
      %dma_start3A_260 = arith.constant 0 : i32
      %dma_start3A_261 = tpu.memref_slice %arg7[%dma_start3A_257, %dma_start3A_259, %dma_start3A_260] : memref<2x128x128xf32, #tpu.memory_space<vmem>> -> memref<1x128x128xf32, #tpu.memory_space<vmem>>
      %dma_start3A_262 = tpu.memref_squeeze %dma_start3A_261 : memref<1x128x128xf32, #tpu.memory_space<vmem>> -> memref<128x128xf32, #tpu.memory_space<vmem>>
      %dma_start3A_263 = arith.constant 0 : i32
      %dma_start3A_264 = tpu.memref_slice %arg6[%add3A_244, %dma_start3A_258, %dma_start3A_263] : memref<62x2x128xi32, #tpu.memory_space<vmem>> -> memref<1x1x128xi32, #tpu.memory_space<vmem>>
      %dma_start3A_265 = tpu.memref_squeeze %dma_start3A_264 : memref<1x1x128xi32, #tpu.memory_space<vmem>> -> memref<128xi32, #tpu.memory_space<vmem>>
      %dma_start3A_266 = arith.constant 0 : i32
      %dma_start3A_267 = arith.constant 0 : i32
      %dma_start3A_268 = tpu.memref_slice %arg8[%dma_start3A_266, %dma_start3A_267] : memref<10240x128xf32, #tpu.memory_space<vmem_shared>> -> memref<10240x128xf32, #tpu.memory_space<vmem_shared>>
      tpu.enqueue_indirect_dma source(%dma_start3A_262 : memref<128x128xf32, #tpu.memory_space<vmem>>) target(%dma_start3A_268 : memref<10240x128xf32, #tpu.memory_space<vmem_shared>>) offsets(%dma_start3A_265 : memref<128xi32, #tpu.memory_space<vmem>>) semaphore(%arg12 : memref<!tpu.dma_semaphore, #tpu.memory_space<semaphore_mem>>) {add = true}
      %add3A_269 = arith.constant 2 : i32
      %add3A_270 = arith.addi %add3A_244, %add3A_269 : i32
      %sub3A_271 = arith.constant 1 : i32
      %sub3A_272 = arith.subi %add3A_270, %sub3A_271 : i32
      %ge3A_273 = arith.constant 1 : i32
      %ge3A_274 = arith.cmpi sge, %add3A_244, %ge3A_273 : i32
      %lt3A_275 = arith.cmpi slt, %sub3A_272, %select_n3A_20 : i32
      %and3A_276 = arith.andi %ge3A_274, %lt3A_275 : i1
      %convert_element_type3A_277 = arith.extui %and3A_276 : i1 to i32
      %cond3A_278 = arith.constant 0 : i32
      %cond3A_279 = arith.cmpi ne, %convert_element_type3A_277, %cond3A_278 : i32
      scf.if %cond3A_279 {
        %sub3A_280 = arith.constant 1 : i32
        %sub3A_281 = arith.subi %add3A_244, %sub3A_280 : i32
        %dma_wait3A_282 = arith.constant 0 : i32
        %dma_wait3A_283 = arith.constant 1 : i32
        %dma_wait3A_284 = arith.constant 0 : i32
        %dma_wait3A_285 = arith.constant 0 : i32
        %dma_wait3A_286 = tpu.memref_slice %arg7[%dma_wait3A_282, %dma_wait3A_284, %dma_wait3A_285] : memref<2x128x128xf32, #tpu.memory_space<vmem>> -> memref<1x128x128xf32, #tpu.memory_space<vmem>>
        %dma_wait3A_287 = tpu.memref_squeeze %dma_wait3A_286 : memref<1x128x128xf32, #tpu.memory_space<vmem>> -> memref<128x128xf32, #tpu.memory_space<vmem>>
        %dma_wait3A_288 = arith.constant 0 : i32
        %dma_wait3A_289 = tpu.memref_slice %arg6[%sub3A_281, %dma_wait3A_283, %dma_wait3A_288] : memref<62x2x128xi32, #tpu.memory_space<vmem>> -> memref<1x1x128xi32, #tpu.memory_space<vmem>>
        %dma_wait3A_290 = tpu.memref_squeeze %dma_wait3A_289 : memref<1x1x128xi32, #tpu.memory_space<vmem>> -> memref<128xi32, #tpu.memory_space<vmem>>
        %dma_wait3A_291 = arith.constant 0 : i32
        %dma_wait3A_292 = arith.constant 0 : i32
        %dma_wait3A_293 = tpu.memref_slice %arg8[%dma_wait3A_291, %dma_wait3A_292] : memref<10240x128xf32, #tpu.memory_space<vmem_shared>> -> memref<10240x128xf32, #tpu.memory_space<vmem_shared>>
        tpu.wait_indirect_dma semaphore(%arg11 : memref<!tpu.dma_semaphore, #tpu.memory_space<semaphore_mem>>) src(%dma_wait3A_287 : memref<128x128xf32, #tpu.memory_space<vmem>>) dst(%dma_wait3A_293 : memref<10240x128xf32, #tpu.memory_space<vmem_shared>>)
        %dma_start3A_294 = arith.constant 0 : i32
        %dma_start3A_295 = arith.constant 0 : i32
        %dma_start3A_296 = arith.constant 0 : i32
        %dma_start3A_297 = arith.constant 0 : i32
        %dma_start3A_298 = tpu.memref_slice %arg7[%dma_start3A_295, %dma_start3A_296, %dma_start3A_297] : memref<2x128x128xf32, #tpu.memory_space<vmem>> -> memref<1x128x128xf32, #tpu.memory_space<vmem>>
        %dma_start3A_299 = tpu.memref_squeeze %dma_start3A_298 : memref<1x128x128xf32, #tpu.memory_space<vmem>> -> memref<128x128xf32, #tpu.memory_space<vmem>>
        %dma_start3A_300 = arith.constant 0 : i32
        %dma_start3A_301 = tpu.memref_slice %arg6[%sub3A_272, %dma_start3A_294, %dma_start3A_300] : memref<62x2x128xi32, #tpu.memory_space<vmem>> -> memref<1x1x128xi32, #tpu.memory_space<vmem>>
        %dma_start3A_302 = tpu.memref_squeeze %dma_start3A_301 : memref<1x1x128xi32, #tpu.memory_space<vmem>> -> memref<128xi32, #tpu.memory_space<vmem>>
        %dma_start3A_303 = arith.constant 0 : i32
        %dma_start3A_304 = arith.constant 0 : i32
        %dma_start3A_305 = tpu.memref_slice %arg3[%dma_start3A_303, %dma_start3A_304] : memref<10000x128xf32, #tpu.memory_space<hbm>> -> memref<10000x128xf32, #tpu.memory_space<hbm>>
        tpu.enqueue_indirect_dma source(%dma_start3A_305 : memref<10000x128xf32, #tpu.memory_space<hbm>>) target(%dma_start3A_299 : memref<128x128xf32, #tpu.memory_space<vmem>>) offsets(%dma_start3A_302 : memref<128xi32, #tpu.memory_space<vmem>>) semaphore(%arg9 : memref<!tpu.dma_semaphore, #tpu.memory_space<semaphore_mem>>)
      } else {
      }
    }
    %while3A_89 = arith.constant 1 : i32
    scf.for %while3A_205 = %while3A_87 to %while3A_83 step %while3A_89  : i32 {
      %mul3A_206 = arith.constant 2 : i32
      %mul3A_207 = arith.muli %while3A_205, %mul3A_206 : i32
      %add3A_208 = arith.constant 0 : i32
      %add3A_209 = arith.addi %mul3A_207, %add3A_208 : i32
      %dma_wait3A_210 = arith.constant 0 : i32
      %dma_wait3A_211 = arith.constant 0 : i32
      %dma_wait3A_212 = arith.constant 0 : i32
      %dma_wait3A_213 = arith.constant 0 : i32
      %dma_wait3A_214 = tpu.memref_slice %arg7[%dma_wait3A_211, %dma_wait3A_212, %dma_wait3A_213] : memref<2x128x128xf32, #tpu.memory_space<vmem>> -> memref<1x128x128xf32, #tpu.memory_space<vmem>>
      %dma_wait3A_215 = tpu.memref_squeeze %dma_wait3A_214 : memref<1x128x128xf32, #tpu.memory_space<vmem>> -> memref<128x128xf32, #tpu.memory_space<vmem>>
      %dma_wait3A_216 = arith.constant 0 : i32
      %dma_wait3A_217 = tpu.memref_slice %arg6[%add3A_209, %dma_wait3A_210, %dma_wait3A_216] : memref<62x2x128xi32, #tpu.memory_space<vmem>> -> memref<1x1x128xi32, #tpu.memory_space<vmem>>
      %dma_wait3A_218 = tpu.memref_squeeze %dma_wait3A_217 : memref<1x1x128xi32, #tpu.memory_space<vmem>> -> memref<128xi32, #tpu.memory_space<vmem>>
      %dma_wait3A_219 = arith.constant 0 : i32
      %dma_wait3A_220 = arith.constant 0 : i32
      %dma_wait3A_221 = tpu.memref_slice %arg3[%dma_wait3A_219, %dma_wait3A_220] : memref<10000x128xf32, #tpu.memory_space<hbm>> -> memref<10000x128xf32, #tpu.memory_space<hbm>>
      tpu.wait_indirect_dma semaphore(%arg9 : memref<!tpu.dma_semaphore, #tpu.memory_space<semaphore_mem>>) src(%dma_wait3A_221 : memref<10000x128xf32, #tpu.memory_space<hbm>>) dst(%dma_wait3A_215 : memref<128x128xf32, #tpu.memory_space<vmem>>)
      %dma_start3A_222 = arith.constant 0 : i32
      %dma_start3A_223 = arith.constant 1 : i32
      %dma_start3A_224 = arith.constant 0 : i32
      %dma_start3A_225 = arith.constant 0 : i32
      %dma_start3A_226 = tpu.memref_slice %arg7[%dma_start3A_222, %dma_start3A_224, %dma_start3A_225] : memref<2x128x128xf32, #tpu.memory_space<vmem>> -> memref<1x128x128xf32, #tpu.memory_space<vmem>>
      %dma_start3A_227 = tpu.memref_squeeze %dma_start3A_226 : memref<1x128x128xf32, #tpu.memory_space<vmem>> -> memref<128x128xf32, #tpu.memory_space<vmem>>
      %dma_start3A_228 = arith.constant 0 : i32
      %dma_start3A_229 = tpu.memref_slice %arg6[%add3A_209, %dma_start3A_223, %dma_start3A_228] : memref<62x2x128xi32, #tpu.memory_space<vmem>> -> memref<1x1x128xi32, #tpu.memory_space<vmem>>
      %dma_start3A_230 = tpu.memref_squeeze %dma_start3A_229 : memref<1x1x128xi32, #tpu.memory_space<vmem>> -> memref<128xi32, #tpu.memory_space<vmem>>
      %dma_start3A_231 = arith.constant 0 : i32
      %dma_start3A_232 = arith.constant 0 : i32
      %dma_start3A_233 = tpu.memref_slice %arg8[%dma_start3A_231, %dma_start3A_232] : memref<10240x128xf32, #tpu.memory_space<vmem_shared>> -> memref<10240x128xf32, #tpu.memory_space<vmem_shared>>
      tpu.enqueue_indirect_dma source(%dma_start3A_227 : memref<128x128xf32, #tpu.memory_space<vmem>>) target(%dma_start3A_233 : memref<10240x128xf32, #tpu.memory_space<vmem_shared>>) offsets(%dma_start3A_230 : memref<128xi32, #tpu.memory_space<vmem>>) semaphore(%arg11 : memref<!tpu.dma_semaphore, #tpu.memory_space<semaphore_mem>>) {add = true}
      %add3A_234 = arith.constant 2 : i32
      %add3A_235 = arith.addi %add3A_209, %add3A_234 : i32
      %sub3A_236 = arith.constant 1 : i32
      %sub3A_237 = arith.subi %add3A_235, %sub3A_236 : i32
      %ge3A = arith.constant 1 : i32
      %ge3A_238 = arith.cmpi sge, %add3A_209, %ge3A : i32
      %lt3A = arith.cmpi slt, %sub3A_237, %select_n3A_20 : i32
      %and3A_239 = arith.andi %ge3A_238, %lt3A : i1
      %convert_element_type3A = arith.extui %and3A_239 : i1 to i32
      %cond3A = arith.constant 0 : i32
      %cond3A_240 = arith.cmpi ne, %convert_element_type3A, %cond3A : i32
      scf.if %cond3A_240 {
        %sub3A_280 = arith.constant 1 : i32
        %sub3A_281 = arith.subi %add3A_209, %sub3A_280 : i32
        %dma_wait3A_282 = arith.constant 1 : i32
        %dma_wait3A_283 = arith.constant 1 : i32
        %dma_wait3A_284 = arith.constant 0 : i32
        %dma_wait3A_285 = arith.constant 0 : i32
        %dma_wait3A_286 = tpu.memref_slice %arg7[%dma_wait3A_282, %dma_wait3A_284, %dma_wait3A_285] : memref<2x128x128xf32, #tpu.memory_space<vmem>> -> memref<1x128x128xf32, #tpu.memory_space<vmem>>
        %dma_wait3A_287 = tpu.memref_squeeze %dma_wait3A_286 : memref<1x128x128xf32, #tpu.memory_space<vmem>> -> memref<128x128xf32, #tpu.memory_space<vmem>>
        %dma_wait3A_288 = arith.constant 0 : i32
        %dma_wait3A_289 = tpu.memref_slice %arg6[%sub3A_281, %dma_wait3A_283, %dma_wait3A_288] : memref<62x2x128xi32, #tpu.memory_space<vmem>> -> memref<1x1x128xi32, #tpu.memory_space<vmem>>
        %dma_wait3A_290 = tpu.memref_squeeze %dma_wait3A_289 : memref<1x1x128xi32, #tpu.memory_space<vmem>> -> memref<128xi32, #tpu.memory_space<vmem>>
        %dma_wait3A_291 = arith.constant 0 : i32
        %dma_wait3A_292 = arith.constant 0 : i32
        %dma_wait3A_293 = tpu.memref_slice %arg8[%dma_wait3A_291, %dma_wait3A_292] : memref<10240x128xf32, #tpu.memory_space<vmem_shared>> -> memref<10240x128xf32, #tpu.memory_space<vmem_shared>>
        tpu.wait_indirect_dma semaphore(%arg12 : memref<!tpu.dma_semaphore, #tpu.memory_space<semaphore_mem>>) src(%dma_wait3A_287 : memref<128x128xf32, #tpu.memory_space<vmem>>) dst(%dma_wait3A_293 : memref<10240x128xf32, #tpu.memory_space<vmem_shared>>)
        %dma_start3A_294 = arith.constant 0 : i32
        %dma_start3A_295 = arith.constant 1 : i32
        %dma_start3A_296 = arith.constant 0 : i32
        %dma_start3A_297 = arith.constant 0 : i32
        %dma_start3A_298 = tpu.memref_slice %arg7[%dma_start3A_295, %dma_start3A_296, %dma_start3A_297] : memref<2x128x128xf32, #tpu.memory_space<vmem>> -> memref<1x128x128xf32, #tpu.memory_space<vmem>>
        %dma_start3A_299 = tpu.memref_squeeze %dma_start3A_298 : memref<1x128x128xf32, #tpu.memory_space<vmem>> -> memref<128x128xf32, #tpu.memory_space<vmem>>
        %dma_start3A_300 = arith.constant 0 : i32
        %dma_start3A_301 = tpu.memref_slice %arg6[%sub3A_237, %dma_start3A_294, %dma_start3A_300] : memref<62x2x128xi32, #tpu.memory_space<vmem>> -> memref<1x1x128xi32, #tpu.memory_space<vmem>>
        %dma_start3A_302 = tpu.memref_squeeze %dma_start3A_301 : memref<1x1x128xi32, #tpu.memory_space<vmem>> -> memref<128xi32, #tpu.memory_space<vmem>>
        %dma_start3A_303 = arith.constant 0 : i32
        %dma_start3A_304 = arith.constant 0 : i32
        %dma_start3A_305 = tpu.memref_slice %arg3[%dma_start3A_303, %dma_start3A_304] : memref<10000x128xf32, #tpu.memory_space<hbm>> -> memref<10000x128xf32, #tpu.memory_space<hbm>>
        tpu.enqueue_indirect_dma source(%dma_start3A_305 : memref<10000x128xf32, #tpu.memory_space<hbm>>) target(%dma_start3A_299 : memref<128x128xf32, #tpu.memory_space<vmem>>) offsets(%dma_start3A_302 : memref<128xi32, #tpu.memory_space<vmem>>) semaphore(%arg10 : memref<!tpu.dma_semaphore, #tpu.memory_space<semaphore_mem>>)
      } else {
      }
      %mul3A_241 = arith.constant 2 : i32
      %mul3A_242 = arith.muli %while3A_205, %mul3A_241 : i32
      %add3A_243 = arith.constant 1 : i32
      %add3A_244 = arith.addi %mul3A_242, %add3A_243 : i32
      %dma_wait3A_245 = arith.constant 0 : i32
      %dma_wait3A_246 = arith.constant 1 : i32
      %dma_wait3A_247 = arith.constant 0 : i32
      %dma_wait3A_248 = arith.constant 0 : i32
      %dma_wait3A_249 = tpu.memref_slice %arg7[%dma_wait3A_246, %dma_wait3A_247, %dma_wait3A_248] : memref<2x128x128xf32, #tpu.memory_space<vmem>> -> memref<1x128x128xf32, #tpu.memory_space<vmem>>
      %dma_wait3A_250 = tpu.memref_squeeze %dma_wait3A_249 : memref<1x128x128xf32, #tpu.memory_space<vmem>> -> memref<128x128xf32, #tpu.memory_space<vmem>>
      %dma_wait3A_251 = arith.constant 0 : i32
      %dma_wait3A_252 = tpu.memref_slice %arg6[%add3A_244, %dma_wait3A_245, %dma_wait3A_251] : memref<62x2x128xi32, #tpu.memory_space<vmem>> -> memref<1x1x128xi32, #tpu.memory_space<vmem>>
      %dma_wait3A_253 = tpu.memref_squeeze %dma_wait3A_252 : memref<1x1x128xi32, #tpu.memory_space<vmem>> -> memref<128xi32, #tpu.memory_space<vmem>>
      %dma_wait3A_254 = arith.constant 0 : i32
      %dma_wait3A_255 = arith.constant 0 : i32
      %dma_wait3A_256 = tpu.memref_slice %arg3[%dma_wait3A_254, %dma_wait3A_255] : memref<10000x128xf32, #tpu.memory_space<hbm>> -> memref<10000x128xf32, #tpu.memory_space<hbm>>
      tpu.wait_indirect_dma semaphore(%arg10 : memref<!tpu.dma_semaphore, #tpu.memory_space<semaphore_mem>>) src(%dma_wait3A_256 : memref<10000x128xf32, #tpu.memory_space<hbm>>) dst(%dma_wait3A_250 : memref<128x128xf32, #tpu.memory_space<vmem>>)
      %dma_start3A_257 = arith.constant 1 : i32
      %dma_start3A_258 = arith.constant 1 : i32
      %dma_start3A_259 = arith.constant 0 : i32
      %dma_start3A_260 = arith.constant 0 : i32
      %dma_start3A_261 = tpu.memref_slice %arg7[%dma_start3A_257, %dma_start3A_259, %dma_start3A_260] : memref<2x128x128xf32, #tpu.memory_space<vmem>> -> memref<1x128x128xf32, #tpu.memory_space<vmem>>
      %dma_start3A_262 = tpu.memref_squeeze %dma_start3A_261 : memref<1x128x128xf32, #tpu.memory_space<vmem>> -> memref<128x128xf32, #tpu.memory_space<vmem>>
      %dma_start3A_263 = arith.constant 0 : i32
      %dma_start3A_264 = tpu.memref_slice %arg6[%add3A_244, %dma_start3A_258, %dma_start3A_263] : memref<62x2x128xi32, #tpu.memory_space<vmem>> -> memref<1x1x128xi32, #tpu.memory_space<vmem>>
      %dma_start3A_265 = tpu.memref_squeeze %dma_start3A_264 : memref<1x1x128xi32, #tpu.memory_space<vmem>> -> memref<128xi32, #tpu.memory_space<vmem>>
      %dma_start3A_266 = arith.constant 0 : i32
      %dma_start3A_267 = arith.constant 0 : i32
      %dma_start3A_268 = tpu.memref_slice %arg8[%dma_start3A_266, %dma_start3A_267] : memref<10240x128xf32, #tpu.memory_space<vmem_shared>> -> memref<10240x128xf32, #tpu.memory_space<vmem_shared>>
      tpu.enqueue_indirect_dma source(%dma_start3A_262 : memref<128x128xf32, #tpu.memory_space<vmem>>) target(%dma_start3A_268 : memref<10240x128xf32, #tpu.memory_space<vmem_shared>>) offsets(%dma_start3A_265 : memref<128xi32, #tpu.memory_space<vmem>>) semaphore(%arg12 : memref<!tpu.dma_semaphore, #tpu.memory_space<semaphore_mem>>) {add = true}
      %add3A_269 = arith.constant 2 : i32
      %add3A_270 = arith.addi %add3A_244, %add3A_269 : i32
      %sub3A_271 = arith.constant 1 : i32
      %sub3A_272 = arith.subi %add3A_270, %sub3A_271 : i32
      %ge3A_273 = arith.constant 1 : i32
      %ge3A_274 = arith.cmpi sge, %add3A_244, %ge3A_273 : i32
      %lt3A_275 = arith.cmpi slt, %sub3A_272, %select_n3A_20 : i32
      %and3A_276 = arith.andi %ge3A_274, %lt3A_275 : i1
      %convert_element_type3A_277 = arith.extui %and3A_276 : i1 to i32
      %cond3A_278 = arith.constant 0 : i32
      %cond3A_279 = arith.cmpi ne, %convert_element_type3A_277, %cond3A_278 : i32
      scf.if %cond3A_279 {
        %sub3A_280 = arith.constant 1 : i32
        %sub3A_281 = arith.subi %add3A_244, %sub3A_280 : i32
        %dma_wait3A_282 = arith.constant 0 : i32
        %dma_wait3A_283 = arith.constant 1 : i32
        %dma_wait3A_284 = arith.constant 0 : i32
        %dma_wait3A_285 = arith.constant 0 : i32
        %dma_wait3A_286 = tpu.memref_slice %arg7[%dma_wait3A_282, %dma_wait3A_284, %dma_wait3A_285] : memref<2x128x128xf32, #tpu.memory_space<vmem>> -> memref<1x128x128xf32, #tpu.memory_space<vmem>>
        %dma_wait3A_287 = tpu.memref_squeeze %dma_wait3A_286 : memref<1x128x128xf32, #tpu.memory_space<vmem>> -> memref<128x128xf32, #tpu.memory_space<vmem>>
        %dma_wait3A_288 = arith.constant 0 : i32
        %dma_wait3A_289 = tpu.memref_slice %arg6[%sub3A_281, %dma_wait3A_283, %dma_wait3A_288] : memref<62x2x128xi32, #tpu.memory_space<vmem>> -> memref<1x1x128xi32, #tpu.memory_space<vmem>>
        %dma_wait3A_290 = tpu.memref_squeeze %dma_wait3A_289 : memref<1x1x128xi32, #tpu.memory_space<vmem>> -> memref<128xi32, #tpu.memory_space<vmem>>
        %dma_wait3A_291 = arith.constant 0 : i32
        %dma_wait3A_292 = arith.constant 0 : i32
        %dma_wait3A_293 = tpu.memref_slice %arg8[%dma_wait3A_291, %dma_wait3A_292] : memref<10240x128xf32, #tpu.memory_space<vmem_shared>> -> memref<10240x128xf32, #tpu.memory_space<vmem_shared>>
        tpu.wait_indirect_dma semaphore(%arg11 : memref<!tpu.dma_semaphore, #tpu.memory_space<semaphore_mem>>) src(%dma_wait3A_287 : memref<128x128xf32, #tpu.memory_space<vmem>>) dst(%dma_wait3A_293 : memref<10240x128xf32, #tpu.memory_space<vmem_shared>>)
        %dma_start3A_294 = arith.constant 0 : i32
        %dma_start3A_295 = arith.constant 0 : i32
        %dma_start3A_296 = arith.constant 0 : i32
        %dma_start3A_297 = arith.constant 0 : i32
        %dma_start3A_298 = tpu.memref_slice %arg7[%dma_start3A_295, %dma_start3A_296, %dma_start3A_297] : memref<2x128x128xf32, #tpu.memory_space<vmem>> -> memref<1x128x128xf32, #tpu.memory_space<vmem>>
        %dma_start3A_299 = tpu.memref_squeeze %dma_start3A_298 : memref<1x128x128xf32, #tpu.memory_space<vmem>> -> memref<128x128xf32, #tpu.memory_space<vmem>>
        %dma_start3A_300 = arith.constant 0 : i32
        %dma_start3A_301 = tpu.memref_slice %arg6[%sub3A_272, %dma_start3A_294, %dma_start3A_300] : memref<62x2x128xi32, #tpu.memory_space<vmem>> -> memref<1x1x128xi32, #tpu.memory_space<vmem>>
        %dma_start3A_302 = tpu.memref_squeeze %dma_start3A_301 : memref<1x1x128xi32, #tpu.memory_space<vmem>> -> memref<128xi32, #tpu.memory_space<vmem>>
        %dma_start3A_303 = arith.constant 0 : i32
        %dma_start3A_304 = arith.constant 0 : i32
        %dma_start3A_305 = tpu.memref_slice %arg3[%dma_start3A_303, %dma_start3A_304] : memref<10000x128xf32, #tpu.memory_space<hbm>> -> memref<10000x128xf32, #tpu.memory_space<hbm>>
        tpu.enqueue_indirect_dma source(%dma_start3A_305 : memref<10000x128xf32, #tpu.memory_space<hbm>>) target(%dma_start3A_299 : memref<128x128xf32, #tpu.memory_space<vmem>>) offsets(%dma_start3A_302 : memref<128xi32, #tpu.memory_space<vmem>>) semaphore(%arg9 : memref<!tpu.dma_semaphore, #tpu.memory_space<semaphore_mem>>)
      } else {
      }
    }
    %dma_wait3A = arith.constant 0 : i32
    %dma_wait3A_90 = arith.constant 0 : i32
    %dma_wait3A_91 = arith.constant 1 : i32
    %dma_wait3A_92 = arith.constant 0 : i32
    %dma_wait3A_93 = arith.constant 0 : i32
    %dma_wait3A_94 = tpu.memref_slice %arg7[%dma_wait3A, %dma_wait3A_92, %dma_wait3A_93] : memref<2x128x128xf32, #tpu.memory_space<vmem>> -> memref<1x128x128xf32, #tpu.memory_space<vmem>>
    %dma_wait3A_95 = tpu.memref_squeeze %dma_wait3A_94 : memref<1x128x128xf32, #tpu.memory_space<vmem>> -> memref<128x128xf32, #tpu.memory_space<vmem>>
    %dma_wait3A_96 = arith.constant 0 : i32
    %dma_wait3A_97 = tpu.memref_slice %arg6[%dma_wait3A_90, %dma_wait3A_91, %dma_wait3A_96] : memref<62x2x128xi32, #tpu.memory_space<vmem>> -> memref<1x1x128xi32, #tpu.memory_space<vmem>>
    %dma_wait3A_98 = tpu.memref_squeeze %dma_wait3A_97 : memref<1x1x128xi32, #tpu.memory_space<vmem>> -> memref<128xi32, #tpu.memory_space<vmem>>
    %dma_wait3A_99 = arith.constant 0 : i32
    %dma_wait3A_100 = arith.constant 0 : i32
    %dma_wait3A_101 = tpu.memref_slice %arg8[%dma_wait3A_99, %dma_wait3A_100] : memref<10240x128xf32, #tpu.memory_space<vmem_shared>> -> memref<10240x128xf32, #tpu.memory_space<vmem_shared>>
    tpu.wait_indirect_dma semaphore(%arg11 : memref<!tpu.dma_semaphore, #tpu.memory_space<semaphore_mem>>) src(%dma_wait3A_95 : memref<128x128xf32, #tpu.memory_space<vmem>>) dst(%dma_wait3A_101 : memref<10240x128xf32, #tpu.memory_space<vmem_shared>>)
    %dma_wait3A_102 = arith.constant 1 : i32
    %dma_wait3A_103 = arith.constant 0 : i32
    %dma_wait3A_104 = arith.constant 1 : i32
    %dma_wait3A_105 = arith.constant 0 : i32
    %dma_wait3A_106 = arith.constant 0 : i32
    %dma_wait3A_107 = tpu.memref_slice %arg7[%dma_wait3A_102, %dma_wait3A_105, %dma_wait3A_106] : memref<2x128x128xf32, #tpu.memory_space<vmem>> -> memref<1x128x128xf32, #tpu.memory_space<vmem>>
    %dma_wait3A_108 = tpu.memref_squeeze %dma_wait3A_107 : memref<1x128x128xf32, #tpu.memory_space<vmem>> -> memref<128x128xf32, #tpu.memory_space<vmem>>
    %dma_wait3A_109 = arith.constant 0 : i32
    %dma_wait3A_110 = tpu.memref_slice %arg6[%dma_wait3A_103, %dma_wait3A_104, %dma_wait3A_109] : memref<62x2x128xi32, #tpu.memory_space<vmem>> -> memref<1x1x128xi32, #tpu.memory_space<vmem>>
    %dma_wait3A_111 = tpu.memref_squeeze %dma_wait3A_110 : memref<1x1x128xi32, #tpu.memory_space<vmem>> -> memref<128xi32, #tpu.memory_space<vmem>>
    %dma_wait3A_112 = arith.constant 0 : i32
    %dma_wait3A_113 = arith.constant 0 : i32
    %dma_wait3A_114 = tpu.memref_slice %arg8[%dma_wait3A_112, %dma_wait3A_113] : memref<10240x128xf32, #tpu.memory_space<vmem_shared>> -> memref<10240x128xf32, #tpu.memory_space<vmem_shared>>
    tpu.wait_indirect_dma semaphore(%arg12 : memref<!tpu.dma_semaphore, #tpu.memory_space<semaphore_mem>>) src(%dma_wait3A_108 : memref<128x128xf32, #tpu.memory_space<vmem>>) dst(%dma_wait3A_114 : memref<10240x128xf32, #tpu.memory_space<vmem_shared>>)
    %mul3A_115 = arith.constant 1 : i32
    %mul3A_116 = arith.muli %mul3A_115, %select_n3A_20 : i32
    %add3A_117 = arith.addi %select_n3A_28, %mul3A_116 : i32
    "tpu.region"() ({
      %run_scoped3A = tpu.sem_alloc : memref<!tpu.dma_semaphore, #tpu.memory_space<semaphore_mem>>
      %dma_start3A_205 = arith.constant 0 : i32
      %dma_start3A_206 = arith.constant 0 : i32
      %dma_start3A_207 = tpu.memref_slice %arg2[%add3A_117, %dma_start3A_205, %dma_start3A_206] : memref<2622x2x128xi32, #tpu.memory_space<hbm>> -> memref<62x2x128xi32, #tpu.memory_space<hbm>>
      %dma_start3A_208 = arith.constant 0 : i32
      %dma_start3A_209 = arith.constant 0 : i32
      %dma_start3A_210 = tpu.memref_slice %arg2[%add3A_117, %dma_start3A_208, %dma_start3A_209] : memref<2622x2x128xi32, #tpu.memory_space<hbm>> -> memref<62x2x128xi32, #tpu.memory_space<hbm>>
      tpu.enqueue_dma source(%dma_start3A_210 : memref<62x2x128xi32, #tpu.memory_space<hbm>>) target(%arg6 : memref<62x2x128xi32, #tpu.memory_space<vmem>>) target_semaphore(%run_scoped3A : memref<!tpu.dma_semaphore, #tpu.memory_space<semaphore_mem>>)
      %dma_wait3A_211 = arith.constant 0 : i32
      %dma_wait3A_212 = arith.constant 0 : i32
      %dma_wait3A_213 = tpu.memref_slice %arg2[%add3A_117, %dma_wait3A_211, %dma_wait3A_212] : memref<2622x2x128xi32, #tpu.memory_space<hbm>> -> memref<62x2x128xi32, #tpu.memory_space<hbm>>
      %dma_wait3A_214 = arith.constant 0 : i32
      %dma_wait3A_215 = arith.constant 0 : i32
      %dma_wait3A_216 = tpu.memref_slice %arg2[%add3A_117, %dma_wait3A_214, %dma_wait3A_215] : memref<2622x2x128xi32, #tpu.memory_space<hbm>> -> memref<62x2x128xi32, #tpu.memory_space<hbm>>
      tpu.wait_dma2 semaphore(%run_scoped3A : memref<!tpu.dma_semaphore, #tpu.memory_space<semaphore_mem>>) src(%dma_wait3A_216 : memref<62x2x128xi32, #tpu.memory_space<hbm>>) dst(%arg6 : memref<62x2x128xi32, #tpu.memory_space<vmem>>)
      tpu.yield
    }) : () -> ()
    %dma_start3A_118 = arith.constant 0 : i32
    %dma_start3A_119 = arith.constant 0 : i32
    %dma_start3A_120 = arith.constant 0 : i32
    %dma_start3A_121 = arith.constant 0 : i32
    %dma_start3A_122 = arith.constant 0 : i32
    %dma_start3A_123 = tpu.memref_slice %arg7[%dma_start3A_120, %dma_start3A_121, %dma_start3A_122] : memref<2x128x128xf32, #tpu.memory_space<vmem>> -> memref<1x128x128xf32, #tpu.memory_space<vmem>>
    %dma_start3A_124 = tpu.memref_squeeze %dma_start3A_123 : memref<1x128x128xf32, #tpu.memory_space<vmem>> -> memref<128x128xf32, #tpu.memory_space<vmem>>
    %dma_start3A_125 = arith.constant 0 : i32
    %dma_start3A_126 = tpu.memref_slice %arg6[%dma_start3A_118, %dma_start3A_119, %dma_start3A_125] : memref<62x2x128xi32, #tpu.memory_space<vmem>> -> memref<1x1x128xi32, #tpu.memory_space<vmem>>
    %dma_start3A_127 = tpu.memref_squeeze %dma_start3A_126 : memref<1x1x128xi32, #tpu.memory_space<vmem>> -> memref<128xi32, #tpu.memory_space<vmem>>
    %dma_start3A_128 = arith.constant 0 : i32
    %dma_start3A_129 = arith.constant 0 : i32
    %dma_start3A_130 = tpu.memref_slice %arg3[%dma_start3A_128, %dma_start3A_129] : memref<10000x128xf32, #tpu.memory_space<hbm>> -> memref<10000x128xf32, #tpu.memory_space<hbm>>
    tpu.enqueue_indirect_dma source(%dma_start3A_130 : memref<10000x128xf32, #tpu.memory_space<hbm>>) target(%dma_start3A_124 : memref<128x128xf32, #tpu.memory_space<vmem>>) offsets(%dma_start3A_127 : memref<128xi32, #tpu.memory_space<vmem>>) semaphore(%arg9 : memref<!tpu.dma_semaphore, #tpu.memory_space<semaphore_mem>>)
    %dma_start3A_131 = arith.constant 1 : i32
    %dma_start3A_132 = arith.constant 0 : i32
    %dma_start3A_133 = arith.constant 1 : i32
    %dma_start3A_134 = arith.constant 0 : i32
    %dma_start3A_135 = arith.constant 0 : i32
    %dma_start3A_136 = tpu.memref_slice %arg7[%dma_start3A_133, %dma_start3A_134, %dma_start3A_135] : memref<2x128x128xf32, #tpu.memory_space<vmem>> -> memref<1x128x128xf32, #tpu.memory_space<vmem>>
    %dma_start3A_137 = tpu.memref_squeeze %dma_start3A_136 : memref<1x128x128xf32, #tpu.memory_space<vmem>> -> memref<128x128xf32, #tpu.memory_space<vmem>>
    %dma_start3A_138 = arith.constant 0 : i32
    %dma_start3A_139 = tpu.memref_slice %arg6[%dma_start3A_131, %dma_start3A_132, %dma_start3A_138] : memref<62x2x128xi32, #tpu.memory_space<vmem>> -> memref<1x1x128xi32, #tpu.memory_space<vmem>>
    %dma_start3A_140 = tpu.memref_squeeze %dma_start3A_139 : memref<1x1x128xi32, #tpu.memory_space<vmem>> -> memref<128xi32, #tpu.memory_space<vmem>>
    %dma_start3A_141 = arith.constant 0 : i32
    %dma_start3A_142 = arith.constant 0 : i32
    %dma_start3A_143 = tpu.memref_slice %arg3[%dma_start3A_141, %dma_start3A_142] : memref<10000x128xf32, #tpu.memory_space<hbm>> -> memref<10000x128xf32, #tpu.memory_space<hbm>>
    tpu.enqueue_indirect_dma source(%dma_start3A_143 : memref<10000x128xf32, #tpu.memory_space<hbm>>) target(%dma_start3A_137 : memref<128x128xf32, #tpu.memory_space<vmem>>) offsets(%dma_start3A_140 : memref<128xi32, #tpu.memory_space<vmem>>) semaphore(%arg10 : memref<!tpu.dma_semaphore, #tpu.memory_space<semaphore_mem>>)
    %jit3A_144 = arith.constant 2 : i32
    %div3A_145 = arith.divsi %select_n3A_20, %jit3A_144 : i32
    %sign3A_146 = arith.constant 0 : i32
    %sign3A_147 = arith.cmpi sgt, %select_n3A_20, %sign3A_146 : i32
    %sign3A_148 = arith.extui %sign3A_147 : i1 to i32
    %sign3A_149 = arith.constant 0 : i32
    %sign3A_150 = arith.cmpi slt, %select_n3A_20, %sign3A_149 : i32
    %sign3A_151 = arith.extui %sign3A_150 : i1 to i32
    %sign3A_152 = arith.subi %sign3A_148, %sign3A_151 : i32
    %sign3A_153 = arith.constant 0 : i32
    %sign3A_154 = arith.cmpi sgt, %jit3A_144, %sign3A_153 : i32
    %sign3A_155 = arith.extui %sign3A_154 : i1 to i32
    %sign3A_156 = arith.constant 0 : i32
    %sign3A_157 = arith.cmpi slt, %jit3A_144, %sign3A_156 : i32
    %sign3A_158 = arith.extui %sign3A_157 : i1 to i32
    %sign3A_159 = arith.subi %sign3A_155, %sign3A_158 : i32
    %ne3A_160 = arith.cmpi ne, %sign3A_152, %sign3A_159 : i32
    %rem3A_161 = arith.remsi %select_n3A_20, %jit3A_144 : i32
    %ne3A_162 = arith.constant 0 : i32
    %ne3A_163 = arith.cmpi ne, %rem3A_161, %ne3A_162 : i32
    %and3A_164 = arith.andi %ne3A_160, %ne3A_163 : i1
    %sub3A_165 = arith.constant 1 : i32
    %sub3A_166 = arith.subi %div3A_145, %sub3A_165 : i32
    %select_n3A_167 = arith.select %and3A_164, %sub3A_166, %div3A_145 : i32
    %while3A_168 = arith.constant 0 : i32
    %while3A_169 = arith.constant 0 : i32
    %while3A_170 = arith.subi %select_n3A_167, %while3A_169 : i32
    %while3A_171 = arith.addi %while3A_169, %while3A_170 : i32
    %while3A_172 = arith.constant 1 : i32
    %while3A_173 = arith.divsi %while3A_170, %while3A_172 : i32
    %while3A_174 = arith.muli %while3A_173, %while3A_172 : i32
    %while3A_175 = arith.addi %while3A_169, %while3A_174 : i32
    %while3A_176 = arith.constant 1 : i32
    scf.for %while3A_205 = %while3A_169 to %while3A_175 step %while3A_176  : i32 {
      %mul3A_206 = arith.constant 2 : i32
      %mul3A_207 = arith.muli %while3A_205, %mul3A_206 : i32
      %add3A_208 = arith.constant 0 : i32
      %add3A_209 = arith.addi %mul3A_207, %add3A_208 : i32
      %dma_wait3A_210 = arith.constant 0 : i32
      %dma_wait3A_211 = arith.constant 0 : i32
      %dma_wait3A_212 = arith.constant 0 : i32
      %dma_wait3A_213 = arith.constant 0 : i32
      %dma_wait3A_214 = tpu.memref_slice %arg7[%dma_wait3A_211, %dma_wait3A_212, %dma_wait3A_213] : memref<2x128x128xf32, #tpu.memory_space<vmem>> -> memref<1x128x128xf32, #tpu.memory_space<vmem>>
      %dma_wait3A_215 = tpu.memref_squeeze %dma_wait3A_214 : memref<1x128x128xf32, #tpu.memory_space<vmem>> -> memref<128x128xf32, #tpu.memory_space<vmem>>
      %dma_wait3A_216 = arith.constant 0 : i32
      %dma_wait3A_217 = tpu.memref_slice %arg6[%add3A_209, %dma_wait3A_210, %dma_wait3A_216] : memref<62x2x128xi32, #tpu.memory_space<vmem>> -> memref<1x1x128xi32, #tpu.memory_space<vmem>>
      %dma_wait3A_218 = tpu.memref_squeeze %dma_wait3A_217 : memref<1x1x128xi32, #tpu.memory_space<vmem>> -> memref<128xi32, #tpu.memory_space<vmem>>
      %dma_wait3A_219 = arith.constant 0 : i32
      %dma_wait3A_220 = arith.constant 0 : i32
      %dma_wait3A_221 = tpu.memref_slice %arg3[%dma_wait3A_219, %dma_wait3A_220] : memref<10000x128xf32, #tpu.memory_space<hbm>> -> memref<10000x128xf32, #tpu.memory_space<hbm>>
      tpu.wait_indirect_dma semaphore(%arg9 : memref<!tpu.dma_semaphore, #tpu.memory_space<semaphore_mem>>) src(%dma_wait3A_221 : memref<10000x128xf32, #tpu.memory_space<hbm>>) dst(%dma_wait3A_215 : memref<128x128xf32, #tpu.memory_space<vmem>>)
      %dma_start3A_222 = arith.constant 0 : i32
      %dma_start3A_223 = arith.constant 1 : i32
      %dma_start3A_224 = arith.constant 0 : i32
      %dma_start3A_225 = arith.constant 0 : i32
      %dma_start3A_226 = tpu.memref_slice %arg7[%dma_start3A_222, %dma_start3A_224, %dma_start3A_225] : memref<2x128x128xf32, #tpu.memory_space<vmem>> -> memref<1x128x128xf32, #tpu.memory_space<vmem>>
      %dma_start3A_227 = tpu.memref_squeeze %dma_start3A_226 : memref<1x128x128xf32, #tpu.memory_space<vmem>> -> memref<128x128xf32, #tpu.memory_space<vmem>>
      %dma_start3A_228 = arith.constant 0 : i32
      %dma_start3A_229 = tpu.memref_slice %arg6[%add3A_209, %dma_start3A_223, %dma_start3A_228] : memref<62x2x128xi32, #tpu.memory_space<vmem>> -> memref<1x1x128xi32, #tpu.memory_space<vmem>>
      %dma_start3A_230 = tpu.memref_squeeze %dma_start3A_229 : memref<1x1x128xi32, #tpu.memory_space<vmem>> -> memref<128xi32, #tpu.memory_space<vmem>>
      %dma_start3A_231 = arith.constant 0 : i32
      %dma_start3A_232 = arith.constant 0 : i32
      %dma_start3A_233 = tpu.memref_slice %arg8[%dma_start3A_231, %dma_start3A_232] : memref<10240x128xf32, #tpu.memory_space<vmem_shared>> -> memref<10240x128xf32, #tpu.memory_space<vmem_shared>>
      tpu.enqueue_indirect_dma source(%dma_start3A_227 : memref<128x128xf32, #tpu.memory_space<vmem>>) target(%dma_start3A_233 : memref<10240x128xf32, #tpu.memory_space<vmem_shared>>) offsets(%dma_start3A_230 : memref<128xi32, #tpu.memory_space<vmem>>) semaphore(%arg11 : memref<!tpu.dma_semaphore, #tpu.memory_space<semaphore_mem>>) {add = true}
      %add3A_234 = arith.constant 2 : i32
      %add3A_235 = arith.addi %add3A_209, %add3A_234 : i32
      %sub3A_236 = arith.constant 1 : i32
      %sub3A_237 = arith.subi %add3A_235, %sub3A_236 : i32
      %ge3A = arith.constant 1 : i32
      %ge3A_238 = arith.cmpi sge, %add3A_209, %ge3A : i32
      %lt3A = arith.cmpi slt, %sub3A_237, %select_n3A_20 : i32
      %and3A_239 = arith.andi %ge3A_238, %lt3A : i1
      %convert_element_type3A = arith.extui %and3A_239 : i1 to i32
      %cond3A = arith.constant 0 : i32
      %cond3A_240 = arith.cmpi ne, %convert_element_type3A, %cond3A : i32
      scf.if %cond3A_240 {
        %sub3A_280 = arith.constant 1 : i32
        %sub3A_281 = arith.subi %add3A_209, %sub3A_280 : i32
        %dma_wait3A_282 = arith.constant 1 : i32
        %dma_wait3A_283 = arith.constant 1 : i32
        %dma_wait3A_284 = arith.constant 0 : i32
        %dma_wait3A_285 = arith.constant 0 : i32
        %dma_wait3A_286 = tpu.memref_slice %arg7[%dma_wait3A_282, %dma_wait3A_284, %dma_wait3A_285] : memref<2x128x128xf32, #tpu.memory_space<vmem>> -> memref<1x128x128xf32, #tpu.memory_space<vmem>>
        %dma_wait3A_287 = tpu.memref_squeeze %dma_wait3A_286 : memref<1x128x128xf32, #tpu.memory_space<vmem>> -> memref<128x128xf32, #tpu.memory_space<vmem>>
        %dma_wait3A_288 = arith.constant 0 : i32
        %dma_wait3A_289 = tpu.memref_slice %arg6[%sub3A_281, %dma_wait3A_283, %dma_wait3A_288] : memref<62x2x128xi32, #tpu.memory_space<vmem>> -> memref<1x1x128xi32, #tpu.memory_space<vmem>>
        %dma_wait3A_290 = tpu.memref_squeeze %dma_wait3A_289 : memref<1x1x128xi32, #tpu.memory_space<vmem>> -> memref<128xi32, #tpu.memory_space<vmem>>
        %dma_wait3A_291 = arith.constant 0 : i32
        %dma_wait3A_292 = arith.constant 0 : i32
        %dma_wait3A_293 = tpu.memref_slice %arg8[%dma_wait3A_291, %dma_wait3A_292] : memref<10240x128xf32, #tpu.memory_space<vmem_shared>> -> memref<10240x128xf32, #tpu.memory_space<vmem_shared>>
        tpu.wait_indirect_dma semaphore(%arg12 : memref<!tpu.dma_semaphore, #tpu.memory_space<semaphore_mem>>) src(%dma_wait3A_287 : memref<128x128xf32, #tpu.memory_space<vmem>>) dst(%dma_wait3A_293 : memref<10240x128xf32, #tpu.memory_space<vmem_shared>>)
        %dma_start3A_294 = arith.constant 0 : i32
        %dma_start3A_295 = arith.constant 1 : i32
        %dma_start3A_296 = arith.constant 0 : i32
        %dma_start3A_297 = arith.constant 0 : i32
        %dma_start3A_298 = tpu.memref_slice %arg7[%dma_start3A_295, %dma_start3A_296, %dma_start3A_297] : memref<2x128x128xf32, #tpu.memory_space<vmem>> -> memref<1x128x128xf32, #tpu.memory_space<vmem>>
        %dma_start3A_299 = tpu.memref_squeeze %dma_start3A_298 : memref<1x128x128xf32, #tpu.memory_space<vmem>> -> memref<128x128xf32, #tpu.memory_space<vmem>>
        %dma_start3A_300 = arith.constant 0 : i32
        %dma_start3A_301 = tpu.memref_slice %arg6[%sub3A_237, %dma_start3A_294, %dma_start3A_300] : memref<62x2x128xi32, #tpu.memory_space<vmem>> -> memref<1x1x128xi32, #tpu.memory_space<vmem>>
        %dma_start3A_302 = tpu.memref_squeeze %dma_start3A_301 : memref<1x1x128xi32, #tpu.memory_space<vmem>> -> memref<128xi32, #tpu.memory_space<vmem>>
        %dma_start3A_303 = arith.constant 0 : i32
        %dma_start3A_304 = arith.constant 0 : i32
        %dma_start3A_305 = tpu.memref_slice %arg3[%dma_start3A_303, %dma_start3A_304] : memref<10000x128xf32, #tpu.memory_space<hbm>> -> memref<10000x128xf32, #tpu.memory_space<hbm>>
        tpu.enqueue_indirect_dma source(%dma_start3A_305 : memref<10000x128xf32, #tpu.memory_space<hbm>>) target(%dma_start3A_299 : memref<128x128xf32, #tpu.memory_space<vmem>>) offsets(%dma_start3A_302 : memref<128xi32, #tpu.memory_space<vmem>>) semaphore(%arg10 : memref<!tpu.dma_semaphore, #tpu.memory_space<semaphore_mem>>)
      } else {
      }
      %mul3A_241 = arith.constant 2 : i32
      %mul3A_242 = arith.muli %while3A_205, %mul3A_241 : i32
      %add3A_243 = arith.constant 1 : i32
      %add3A_244 = arith.addi %mul3A_242, %add3A_243 : i32
      %dma_wait3A_245 = arith.constant 0 : i32
      %dma_wait3A_246 = arith.constant 1 : i32
      %dma_wait3A_247 = arith.constant 0 : i32
      %dma_wait3A_248 = arith.constant 0 : i32
      %dma_wait3A_249 = tpu.memref_slice %arg7[%dma_wait3A_246, %dma_wait3A_247, %dma_wait3A_248] : memref<2x128x128xf32, #tpu.memory_space<vmem>> -> memref<1x128x128xf32, #tpu.memory_space<vmem>>
      %dma_wait3A_250 = tpu.memref_squeeze %dma_wait3A_249 : memref<1x128x128xf32, #tpu.memory_space<vmem>> -> memref<128x128xf32, #tpu.memory_space<vmem>>
      %dma_wait3A_251 = arith.constant 0 : i32
      %dma_wait3A_252 = tpu.memref_slice %arg6[%add3A_244, %dma_wait3A_245, %dma_wait3A_251] : memref<62x2x128xi32, #tpu.memory_space<vmem>> -> memref<1x1x128xi32, #tpu.memory_space<vmem>>
      %dma_wait3A_253 = tpu.memref_squeeze %dma_wait3A_252 : memref<1x1x128xi32, #tpu.memory_space<vmem>> -> memref<128xi32, #tpu.memory_space<vmem>>
      %dma_wait3A_254 = arith.constant 0 : i32
      %dma_wait3A_255 = arith.constant 0 : i32
      %dma_wait3A_256 = tpu.memref_slice %arg3[%dma_wait3A_254, %dma_wait3A_255] : memref<10000x128xf32, #tpu.memory_space<hbm>> -> memref<10000x128xf32, #tpu.memory_space<hbm>>
      tpu.wait_indirect_dma semaphore(%arg10 : memref<!tpu.dma_semaphore, #tpu.memory_space<semaphore_mem>>) src(%dma_wait3A_256 : memref<10000x128xf32, #tpu.memory_space<hbm>>) dst(%dma_wait3A_250 : memref<128x128xf32, #tpu.memory_space<vmem>>)
      %dma_start3A_257 = arith.constant 1 : i32
      %dma_start3A_258 = arith.constant 1 : i32
      %dma_start3A_259 = arith.constant 0 : i32
      %dma_start3A_260 = arith.constant 0 : i32
      %dma_start3A_261 = tpu.memref_slice %arg7[%dma_start3A_257, %dma_start3A_259, %dma_start3A_260] : memref<2x128x128xf32, #tpu.memory_space<vmem>> -> memref<1x128x128xf32, #tpu.memory_space<vmem>>
      %dma_start3A_262 = tpu.memref_squeeze %dma_start3A_261 : memref<1x128x128xf32, #tpu.memory_space<vmem>> -> memref<128x128xf32, #tpu.memory_space<vmem>>
      %dma_start3A_263 = arith.constant 0 : i32
      %dma_start3A_264 = tpu.memref_slice %arg6[%add3A_244, %dma_start3A_258, %dma_start3A_263] : memref<62x2x128xi32, #tpu.memory_space<vmem>> -> memref<1x1x128xi32, #tpu.memory_space<vmem>>
      %dma_start3A_265 = tpu.memref_squeeze %dma_start3A_264 : memref<1x1x128xi32, #tpu.memory_space<vmem>> -> memref<128xi32, #tpu.memory_space<vmem>>
      %dma_start3A_266 = arith.constant 0 : i32
      %dma_start3A_267 = arith.constant 0 : i32
      %dma_start3A_268 = tpu.memref_slice %arg8[%dma_start3A_266, %dma_start3A_267] : memref<10240x128xf32, #tpu.memory_space<vmem_shared>> -> memref<10240x128xf32, #tpu.memory_space<vmem_shared>>
      tpu.enqueue_indirect_dma source(%dma_start3A_262 : memref<128x128xf32, #tpu.memory_space<vmem>>) target(%dma_start3A_268 : memref<10240x128xf32, #tpu.memory_space<vmem_shared>>) offsets(%dma_start3A_265 : memref<128xi32, #tpu.memory_space<vmem>>) semaphore(%arg12 : memref<!tpu.dma_semaphore, #tpu.memory_space<semaphore_mem>>) {add = true}
      %add3A_269 = arith.constant 2 : i32
      %add3A_270 = arith.addi %add3A_244, %add3A_269 : i32
      %sub3A_271 = arith.constant 1 : i32
      %sub3A_272 = arith.subi %add3A_270, %sub3A_271 : i32
      %ge3A_273 = arith.constant 1 : i32
      %ge3A_274 = arith.cmpi sge, %add3A_244, %ge3A_273 : i32
      %lt3A_275 = arith.cmpi slt, %sub3A_272, %select_n3A_20 : i32
      %and3A_276 = arith.andi %ge3A_274, %lt3A_275 : i1
      %convert_element_type3A_277 = arith.extui %and3A_276 : i1 to i32
      %cond3A_278 = arith.constant 0 : i32
      %cond3A_279 = arith.cmpi ne, %convert_element_type3A_277, %cond3A_278 : i32
      scf.if %cond3A_279 {
        %sub3A_280 = arith.constant 1 : i32
        %sub3A_281 = arith.subi %add3A_244, %sub3A_280 : i32
        %dma_wait3A_282 = arith.constant 0 : i32
        %dma_wait3A_283 = arith.constant 1 : i32
        %dma_wait3A_284 = arith.constant 0 : i32
        %dma_wait3A_285 = arith.constant 0 : i32
        %dma_wait3A_286 = tpu.memref_slice %arg7[%dma_wait3A_282, %dma_wait3A_284, %dma_wait3A_285] : memref<2x128x128xf32, #tpu.memory_space<vmem>> -> memref<1x128x128xf32, #tpu.memory_space<vmem>>
        %dma_wait3A_287 = tpu.memref_squeeze %dma_wait3A_286 : memref<1x128x128xf32, #tpu.memory_space<vmem>> -> memref<128x128xf32, #tpu.memory_space<vmem>>
        %dma_wait3A_288 = arith.constant 0 : i32
        %dma_wait3A_289 = tpu.memref_slice %arg6[%sub3A_281, %dma_wait3A_283, %dma_wait3A_288] : memref<62x2x128xi32, #tpu.memory_space<vmem>> -> memref<1x1x128xi32, #tpu.memory_space<vmem>>
        %dma_wait3A_290 = tpu.memref_squeeze %dma_wait3A_289 : memref<1x1x128xi32, #tpu.memory_space<vmem>> -> memref<128xi32, #tpu.memory_space<vmem>>
        %dma_wait3A_291 = arith.constant 0 : i32
        %dma_wait3A_292 = arith.constant 0 : i32
        %dma_wait3A_293 = tpu.memref_slice %arg8[%dma_wait3A_291, %dma_wait3A_292] : memref<10240x128xf32, #tpu.memory_space<vmem_shared>> -> memref<10240x128xf32, #tpu.memory_space<vmem_shared>>
        tpu.wait_indirect_dma semaphore(%arg11 : memref<!tpu.dma_semaphore, #tpu.memory_space<semaphore_mem>>) src(%dma_wait3A_287 : memref<128x128xf32, #tpu.memory_space<vmem>>) dst(%dma_wait3A_293 : memref<10240x128xf32, #tpu.memory_space<vmem_shared>>)
        %dma_start3A_294 = arith.constant 0 : i32
        %dma_start3A_295 = arith.constant 0 : i32
        %dma_start3A_296 = arith.constant 0 : i32
        %dma_start3A_297 = arith.constant 0 : i32
        %dma_start3A_298 = tpu.memref_slice %arg7[%dma_start3A_295, %dma_start3A_296, %dma_start3A_297] : memref<2x128x128xf32, #tpu.memory_space<vmem>> -> memref<1x128x128xf32, #tpu.memory_space<vmem>>
        %dma_start3A_299 = tpu.memref_squeeze %dma_start3A_298 : memref<1x128x128xf32, #tpu.memory_space<vmem>> -> memref<128x128xf32, #tpu.memory_space<vmem>>
        %dma_start3A_300 = arith.constant 0 : i32
        %dma_start3A_301 = tpu.memref_slice %arg6[%sub3A_272, %dma_start3A_294, %dma_start3A_300] : memref<62x2x128xi32, #tpu.memory_space<vmem>> -> memref<1x1x128xi32, #tpu.memory_space<vmem>>
        %dma_start3A_302 = tpu.memref_squeeze %dma_start3A_301 : memref<1x1x128xi32, #tpu.memory_space<vmem>> -> memref<128xi32, #tpu.memory_space<vmem>>
        %dma_start3A_303 = arith.constant 0 : i32
        %dma_start3A_304 = arith.constant 0 : i32
        %dma_start3A_305 = tpu.memref_slice %arg3[%dma_start3A_303, %dma_start3A_304] : memref<10000x128xf32, #tpu.memory_space<hbm>> -> memref<10000x128xf32, #tpu.memory_space<hbm>>
        tpu.enqueue_indirect_dma source(%dma_start3A_305 : memref<10000x128xf32, #tpu.memory_space<hbm>>) target(%dma_start3A_299 : memref<128x128xf32, #tpu.memory_space<vmem>>) offsets(%dma_start3A_302 : memref<128xi32, #tpu.memory_space<vmem>>) semaphore(%arg9 : memref<!tpu.dma_semaphore, #tpu.memory_space<semaphore_mem>>)
      } else {
      }
    }
    %while3A_177 = arith.constant 1 : i32
    scf.for %while3A_205 = %while3A_175 to %while3A_171 step %while3A_177  : i32 {
      %mul3A_206 = arith.constant 2 : i32
      %mul3A_207 = arith.muli %while3A_205, %mul3A_206 : i32
      %add3A_208 = arith.constant 0 : i32
      %add3A_209 = arith.addi %mul3A_207, %add3A_208 : i32
      %dma_wait3A_210 = arith.constant 0 : i32
      %dma_wait3A_211 = arith.constant 0 : i32
      %dma_wait3A_212 = arith.constant 0 : i32
      %dma_wait3A_213 = arith.constant 0 : i32
      %dma_wait3A_214 = tpu.memref_slice %arg7[%dma_wait3A_211, %dma_wait3A_212, %dma_wait3A_213] : memref<2x128x128xf32, #tpu.memory_space<vmem>> -> memref<1x128x128xf32, #tpu.memory_space<vmem>>
      %dma_wait3A_215 = tpu.memref_squeeze %dma_wait3A_214 : memref<1x128x128xf32, #tpu.memory_space<vmem>> -> memref<128x128xf32, #tpu.memory_space<vmem>>
      %dma_wait3A_216 = arith.constant 0 : i32
      %dma_wait3A_217 = tpu.memref_slice %arg6[%add3A_209, %dma_wait3A_210, %dma_wait3A_216] : memref<62x2x128xi32, #tpu.memory_space<vmem>> -> memref<1x1x128xi32, #tpu.memory_space<vmem>>
      %dma_wait3A_218 = tpu.memref_squeeze %dma_wait3A_217 : memref<1x1x128xi32, #tpu.memory_space<vmem>> -> memref<128xi32, #tpu.memory_space<vmem>>
      %dma_wait3A_219 = arith.constant 0 : i32
      %dma_wait3A_220 = arith.constant 0 : i32
      %dma_wait3A_221 = tpu.memref_slice %arg3[%dma_wait3A_219, %dma_wait3A_220] : memref<10000x128xf32, #tpu.memory_space<hbm>> -> memref<10000x128xf32, #tpu.memory_space<hbm>>
      tpu.wait_indirect_dma semaphore(%arg9 : memref<!tpu.dma_semaphore, #tpu.memory_space<semaphore_mem>>) src(%dma_wait3A_221 : memref<10000x128xf32, #tpu.memory_space<hbm>>) dst(%dma_wait3A_215 : memref<128x128xf32, #tpu.memory_space<vmem>>)
      %dma_start3A_222 = arith.constant 0 : i32
      %dma_start3A_223 = arith.constant 1 : i32
      %dma_start3A_224 = arith.constant 0 : i32
      %dma_start3A_225 = arith.constant 0 : i32
      %dma_start3A_226 = tpu.memref_slice %arg7[%dma_start3A_222, %dma_start3A_224, %dma_start3A_225] : memref<2x128x128xf32, #tpu.memory_space<vmem>> -> memref<1x128x128xf32, #tpu.memory_space<vmem>>
      %dma_start3A_227 = tpu.memref_squeeze %dma_start3A_226 : memref<1x128x128xf32, #tpu.memory_space<vmem>> -> memref<128x128xf32, #tpu.memory_space<vmem>>
      %dma_start3A_228 = arith.constant 0 : i32
      %dma_start3A_229 = tpu.memref_slice %arg6[%add3A_209, %dma_start3A_223, %dma_start3A_228] : memref<62x2x128xi32, #tpu.memory_space<vmem>> -> memref<1x1x128xi32, #tpu.memory_space<vmem>>
      %dma_start3A_230 = tpu.memref_squeeze %dma_start3A_229 : memref<1x1x128xi32, #tpu.memory_space<vmem>> -> memref<128xi32, #tpu.memory_space<vmem>>
      %dma_start3A_231 = arith.constant 0 : i32
      %dma_start3A_232 = arith.constant 0 : i32
      %dma_start3A_233 = tpu.memref_slice %arg8[%dma_start3A_231, %dma_start3A_232] : memref<10240x128xf32, #tpu.memory_space<vmem_shared>> -> memref<10240x128xf32, #tpu.memory_space<vmem_shared>>
      tpu.enqueue_indirect_dma source(%dma_start3A_227 : memref<128x128xf32, #tpu.memory_space<vmem>>) target(%dma_start3A_233 : memref<10240x128xf32, #tpu.memory_space<vmem_shared>>) offsets(%dma_start3A_230 : memref<128xi32, #tpu.memory_space<vmem>>) semaphore(%arg11 : memref<!tpu.dma_semaphore, #tpu.memory_space<semaphore_mem>>) {add = true}
      %add3A_234 = arith.constant 2 : i32
      %add3A_235 = arith.addi %add3A_209, %add3A_234 : i32
      %sub3A_236 = arith.constant 1 : i32
      %sub3A_237 = arith.subi %add3A_235, %sub3A_236 : i32
      %ge3A = arith.constant 1 : i32
      %ge3A_238 = arith.cmpi sge, %add3A_209, %ge3A : i32
      %lt3A = arith.cmpi slt, %sub3A_237, %select_n3A_20 : i32
      %and3A_239 = arith.andi %ge3A_238, %lt3A : i1
      %convert_element_type3A = arith.extui %and3A_239 : i1 to i32
      %cond3A = arith.constant 0 : i32
      %cond3A_240 = arith.cmpi ne, %convert_element_type3A, %cond3A : i32
      scf.if %cond3A_240 {
        %sub3A_280 = arith.constant 1 : i32
        %sub3A_281 = arith.subi %add3A_209, %sub3A_280 : i32
        %dma_wait3A_282 = arith.constant 1 : i32
        %dma_wait3A_283 = arith.constant 1 : i32
        %dma_wait3A_284 = arith.constant 0 : i32
        %dma_wait3A_285 = arith.constant 0 : i32
        %dma_wait3A_286 = tpu.memref_slice %arg7[%dma_wait3A_282, %dma_wait3A_284, %dma_wait3A_285] : memref<2x128x128xf32, #tpu.memory_space<vmem>> -> memref<1x128x128xf32, #tpu.memory_space<vmem>>
        %dma_wait3A_287 = tpu.memref_squeeze %dma_wait3A_286 : memref<1x128x128xf32, #tpu.memory_space<vmem>> -> memref<128x128xf32, #tpu.memory_space<vmem>>
        %dma_wait3A_288 = arith.constant 0 : i32
        %dma_wait3A_289 = tpu.memref_slice %arg6[%sub3A_281, %dma_wait3A_283, %dma_wait3A_288] : memref<62x2x128xi32, #tpu.memory_space<vmem>> -> memref<1x1x128xi32, #tpu.memory_space<vmem>>
        %dma_wait3A_290 = tpu.memref_squeeze %dma_wait3A_289 : memref<1x1x128xi32, #tpu.memory_space<vmem>> -> memref<128xi32, #tpu.memory_space<vmem>>
        %dma_wait3A_291 = arith.constant 0 : i32
        %dma_wait3A_292 = arith.constant 0 : i32
        %dma_wait3A_293 = tpu.memref_slice %arg8[%dma_wait3A_291, %dma_wait3A_292] : memref<10240x128xf32, #tpu.memory_space<vmem_shared>> -> memref<10240x128xf32, #tpu.memory_space<vmem_shared>>
        tpu.wait_indirect_dma semaphore(%arg12 : memref<!tpu.dma_semaphore, #tpu.memory_space<semaphore_mem>>) src(%dma_wait3A_287 : memref<128x128xf32, #tpu.memory_space<vmem>>) dst(%dma_wait3A_293 : memref<10240x128xf32, #tpu.memory_space<vmem_shared>>)
        %dma_start3A_294 = arith.constant 0 : i32
        %dma_start3A_295 = arith.constant 1 : i32
        %dma_start3A_296 = arith.constant 0 : i32
        %dma_start3A_297 = arith.constant 0 : i32
        %dma_start3A_298 = tpu.memref_slice %arg7[%dma_start3A_295, %dma_start3A_296, %dma_start3A_297] : memref<2x128x128xf32, #tpu.memory_space<vmem>> -> memref<1x128x128xf32, #tpu.memory_space<vmem>>
        %dma_start3A_299 = tpu.memref_squeeze %dma_start3A_298 : memref<1x128x128xf32, #tpu.memory_space<vmem>> -> memref<128x128xf32, #tpu.memory_space<vmem>>
        %dma_start3A_300 = arith.constant 0 : i32
        %dma_start3A_301 = tpu.memref_slice %arg6[%sub3A_237, %dma_start3A_294, %dma_start3A_300] : memref<62x2x128xi32, #tpu.memory_space<vmem>> -> memref<1x1x128xi32, #tpu.memory_space<vmem>>
        %dma_start3A_302 = tpu.memref_squeeze %dma_start3A_301 : memref<1x1x128xi32, #tpu.memory_space<vmem>> -> memref<128xi32, #tpu.memory_space<vmem>>
        %dma_start3A_303 = arith.constant 0 : i32
        %dma_start3A_304 = arith.constant 0 : i32
        %dma_start3A_305 = tpu.memref_slice %arg3[%dma_start3A_303, %dma_start3A_304] : memref<10000x128xf32, #tpu.memory_space<hbm>> -> memref<10000x128xf32, #tpu.memory_space<hbm>>
        tpu.enqueue_indirect_dma source(%dma_start3A_305 : memref<10000x128xf32, #tpu.memory_space<hbm>>) target(%dma_start3A_299 : memref<128x128xf32, #tpu.memory_space<vmem>>) offsets(%dma_start3A_302 : memref<128xi32, #tpu.memory_space<vmem>>) semaphore(%arg10 : memref<!tpu.dma_semaphore, #tpu.memory_space<semaphore_mem>>)
      } else {
      }
      %mul3A_241 = arith.constant 2 : i32
      %mul3A_242 = arith.muli %while3A_205, %mul3A_241 : i32
      %add3A_243 = arith.constant 1 : i32
      %add3A_244 = arith.addi %mul3A_242, %add3A_243 : i32
      %dma_wait3A_245 = arith.constant 0 : i32
      %dma_wait3A_246 = arith.constant 1 : i32
      %dma_wait3A_247 = arith.constant 0 : i32
      %dma_wait3A_248 = arith.constant 0 : i32
      %dma_wait3A_249 = tpu.memref_slice %arg7[%dma_wait3A_246, %dma_wait3A_247, %dma_wait3A_248] : memref<2x128x128xf32, #tpu.memory_space<vmem>> -> memref<1x128x128xf32, #tpu.memory_space<vmem>>
      %dma_wait3A_250 = tpu.memref_squeeze %dma_wait3A_249 : memref<1x128x128xf32, #tpu.memory_space<vmem>> -> memref<128x128xf32, #tpu.memory_space<vmem>>
      %dma_wait3A_251 = arith.constant 0 : i32
      %dma_wait3A_252 = tpu.memref_slice %arg6[%add3A_244, %dma_wait3A_245, %dma_wait3A_251] : memref<62x2x128xi32, #tpu.memory_space<vmem>> -> memref<1x1x128xi32, #tpu.memory_space<vmem>>
      %dma_wait3A_253 = tpu.memref_squeeze %dma_wait3A_252 : memref<1x1x128xi32, #tpu.memory_space<vmem>> -> memref<128xi32, #tpu.memory_space<vmem>>
      %dma_wait3A_254 = arith.constant 0 : i32
      %dma_wait3A_255 = arith.constant 0 : i32
      %dma_wait3A_256 = tpu.memref_slice %arg3[%dma_wait3A_254, %dma_wait3A_255] : memref<10000x128xf32, #tpu.memory_space<hbm>> -> memref<10000x128xf32, #tpu.memory_space<hbm>>
      tpu.wait_indirect_dma semaphore(%arg10 : memref<!tpu.dma_semaphore, #tpu.memory_space<semaphore_mem>>) src(%dma_wait3A_256 : memref<10000x128xf32, #tpu.memory_space<hbm>>) dst(%dma_wait3A_250 : memref<128x128xf32, #tpu.memory_space<vmem>>)
      %dma_start3A_257 = arith.constant 1 : i32
      %dma_start3A_258 = arith.constant 1 : i32
      %dma_start3A_259 = arith.constant 0 : i32
      %dma_start3A_260 = arith.constant 0 : i32
      %dma_start3A_261 = tpu.memref_slice %arg7[%dma_start3A_257, %dma_start3A_259, %dma_start3A_260] : memref<2x128x128xf32, #tpu.memory_space<vmem>> -> memref<1x128x128xf32, #tpu.memory_space<vmem>>
      %dma_start3A_262 = tpu.memref_squeeze %dma_start3A_261 : memref<1x128x128xf32, #tpu.memory_space<vmem>> -> memref<128x128xf32, #tpu.memory_space<vmem>>
      %dma_start3A_263 = arith.constant 0 : i32
      %dma_start3A_264 = tpu.memref_slice %arg6[%add3A_244, %dma_start3A_258, %dma_start3A_263] : memref<62x2x128xi32, #tpu.memory_space<vmem>> -> memref<1x1x128xi32, #tpu.memory_space<vmem>>
      %dma_start3A_265 = tpu.memref_squeeze %dma_start3A_264 : memref<1x1x128xi32, #tpu.memory_space<vmem>> -> memref<128xi32, #tpu.memory_space<vmem>>
      %dma_start3A_266 = arith.constant 0 : i32
      %dma_start3A_267 = arith.constant 0 : i32
      %dma_start3A_268 = tpu.memref_slice %arg8[%dma_start3A_266, %dma_start3A_267] : memref<10240x128xf32, #tpu.memory_space<vmem_shared>> -> memref<10240x128xf32, #tpu.memory_space<vmem_shared>>
      tpu.enqueue_indirect_dma source(%dma_start3A_262 : memref<128x128xf32, #tpu.memory_space<vmem>>) target(%dma_start3A_268 : memref<10240x128xf32, #tpu.memory_space<vmem_shared>>) offsets(%dma_start3A_265 : memref<128xi32, #tpu.memory_space<vmem>>) semaphore(%arg12 : memref<!tpu.dma_semaphore, #tpu.memory_space<semaphore_mem>>) {add = true}
      %add3A_269 = arith.constant 2 : i32
      %add3A_270 = arith.addi %add3A_244, %add3A_269 : i32
      %sub3A_271 = arith.constant 1 : i32
      %sub3A_272 = arith.subi %add3A_270, %sub3A_271 : i32
      %ge3A_273 = arith.constant 1 : i32
      %ge3A_274 = arith.cmpi sge, %add3A_244, %ge3A_273 : i32
      %lt3A_275 = arith.cmpi slt, %sub3A_272, %select_n3A_20 : i32
      %and3A_276 = arith.andi %ge3A_274, %lt3A_275 : i1
      %convert_element_type3A_277 = arith.extui %and3A_276 : i1 to i32
      %cond3A_278 = arith.constant 0 : i32
      %cond3A_279 = arith.cmpi ne, %convert_element_type3A_277, %cond3A_278 : i32
      scf.if %cond3A_279 {
        %sub3A_280 = arith.constant 1 : i32
        %sub3A_281 = arith.subi %add3A_244, %sub3A_280 : i32
        %dma_wait3A_282 = arith.constant 0 : i32
        %dma_wait3A_283 = arith.constant 1 : i32
        %dma_wait3A_284 = arith.constant 0 : i32
        %dma_wait3A_285 = arith.constant 0 : i32
        %dma_wait3A_286 = tpu.memref_slice %arg7[%dma_wait3A_282, %dma_wait3A_284, %dma_wait3A_285] : memref<2x128x128xf32, #tpu.memory_space<vmem>> -> memref<1x128x128xf32, #tpu.memory_space<vmem>>
        %dma_wait3A_287 = tpu.memref_squeeze %dma_wait3A_286 : memref<1x128x128xf32, #tpu.memory_space<vmem>> -> memref<128x128xf32, #tpu.memory_space<vmem>>
        %dma_wait3A_288 = arith.constant 0 : i32
        %dma_wait3A_289 = tpu.memref_slice %arg6[%sub3A_281, %dma_wait3A_283, %dma_wait3A_288] : memref<62x2x128xi32, #tpu.memory_space<vmem>> -> memref<1x1x128xi32, #tpu.memory_space<vmem>>
        %dma_wait3A_290 = tpu.memref_squeeze %dma_wait3A_289 : memref<1x1x128xi32, #tpu.memory_space<vmem>> -> memref<128xi32, #tpu.memory_space<vmem>>
        %dma_wait3A_291 = arith.constant 0 : i32
        %dma_wait3A_292 = arith.constant 0 : i32
        %dma_wait3A_293 = tpu.memref_slice %arg8[%dma_wait3A_291, %dma_wait3A_292] : memref<10240x128xf32, #tpu.memory_space<vmem_shared>> -> memref<10240x128xf32, #tpu.memory_space<vmem_shared>>
        tpu.wait_indirect_dma semaphore(%arg11 : memref<!tpu.dma_semaphore, #tpu.memory_space<semaphore_mem>>) src(%dma_wait3A_287 : memref<128x128xf32, #tpu.memory_space<vmem>>) dst(%dma_wait3A_293 : memref<10240x128xf32, #tpu.memory_space<vmem_shared>>)
        %dma_start3A_294 = arith.constant 0 : i32
        %dma_start3A_295 = arith.constant 0 : i32
        %dma_start3A_296 = arith.constant 0 : i32
        %dma_start3A_297 = arith.constant 0 : i32
        %dma_start3A_298 = tpu.memref_slice %arg7[%dma_start3A_295, %dma_start3A_296, %dma_start3A_297] : memref<2x128x128xf32, #tpu.memory_space<vmem>> -> memref<1x128x128xf32, #tpu.memory_space<vmem>>
        %dma_start3A_299 = tpu.memref_squeeze %dma_start3A_298 : memref<1x128x128xf32, #tpu.memory_space<vmem>> -> memref<128x128xf32, #tpu.memory_space<vmem>>
        %dma_start3A_300 = arith.constant 0 : i32
        %dma_start3A_301 = tpu.memref_slice %arg6[%sub3A_272, %dma_start3A_294, %dma_start3A_300] : memref<62x2x128xi32, #tpu.memory_space<vmem>> -> memref<1x1x128xi32, #tpu.memory_space<vmem>>
        %dma_start3A_302 = tpu.memref_squeeze %dma_start3A_301 : memref<1x1x128xi32, #tpu.memory_space<vmem>> -> memref<128xi32, #tpu.memory_space<vmem>>
        %dma_start3A_303 = arith.constant 0 : i32
        %dma_start3A_304 = arith.constant 0 : i32
        %dma_start3A_305 = tpu.memref_slice %arg3[%dma_start3A_303, %dma_start3A_304] : memref<10000x128xf32, #tpu.memory_space<hbm>> -> memref<10000x128xf32, #tpu.memory_space<hbm>>
        tpu.enqueue_indirect_dma source(%dma_start3A_305 : memref<10000x128xf32, #tpu.memory_space<hbm>>) target(%dma_start3A_299 : memref<128x128xf32, #tpu.memory_space<vmem>>) offsets(%dma_start3A_302 : memref<128xi32, #tpu.memory_space<vmem>>) semaphore(%arg9 : memref<!tpu.dma_semaphore, #tpu.memory_space<semaphore_mem>>)
      } else {
      }
    }
    %dma_wait3A_178 = arith.constant 0 : i32
    %dma_wait3A_179 = arith.constant 0 : i32
    %dma_wait3A_180 = arith.constant 1 : i32
    %dma_wait3A_181 = arith.constant 0 : i32
    %dma_wait3A_182 = arith.constant 0 : i32
    %dma_wait3A_183 = tpu.memref_slice %arg7[%dma_wait3A_178, %dma_wait3A_181, %dma_wait3A_182] : memref<2x128x128xf32, #tpu.memory_space<vmem>> -> memref<1x128x128xf32, #tpu.memory_space<vmem>>
    %dma_wait3A_184 = tpu.memref_squeeze %dma_wait3A_183 : memref<1x128x128xf32, #tpu.memory_space<vmem>> -> memref<128x128xf32, #tpu.memory_space<vmem>>
    %dma_wait3A_185 = arith.constant 0 : i32
    %dma_wait3A_186 = tpu.memref_slice %arg6[%dma_wait3A_179, %dma_wait3A_180, %dma_wait3A_185] : memref<62x2x128xi32, #tpu.memory_space<vmem>> -> memref<1x1x128xi32, #tpu.memory_space<vmem>>
    %dma_wait3A_187 = tpu.memref_squeeze %dma_wait3A_186 : memref<1x1x128xi32, #tpu.memory_space<vmem>> -> memref<128xi32, #tpu.memory_space<vmem>>
    %dma_wait3A_188 = arith.constant 0 : i32
    %dma_wait3A_189 = arith.constant 0 : i32
    %dma_wait3A_190 = tpu.memref_slice %arg8[%dma_wait3A_188, %dma_wait3A_189] : memref<10240x128xf32, #tpu.memory_space<vmem_shared>> -> memref<10240x128xf32, #tpu.memory_space<vmem_shared>>
    tpu.wait_indirect_dma semaphore(%arg11 : memref<!tpu.dma_semaphore, #tpu.memory_space<semaphore_mem>>) src(%dma_wait3A_184 : memref<128x128xf32, #tpu.memory_space<vmem>>) dst(%dma_wait3A_190 : memref<10240x128xf32, #tpu.memory_space<vmem_shared>>)
    %dma_wait3A_191 = arith.constant 1 : i32
    %dma_wait3A_192 = arith.constant 0 : i32
    %dma_wait3A_193 = arith.constant 1 : i32
    %dma_wait3A_194 = arith.constant 0 : i32
    %dma_wait3A_195 = arith.constant 0 : i32
    %dma_wait3A_196 = tpu.memref_slice %arg7[%dma_wait3A_191, %dma_wait3A_194, %dma_wait3A_195] : memref<2x128x128xf32, #tpu.memory_space<vmem>> -> memref<1x128x128xf32, #tpu.memory_space<vmem>>
    %dma_wait3A_197 = tpu.memref_squeeze %dma_wait3A_196 : memref<1x128x128xf32, #tpu.memory_space<vmem>> -> memref<128x128xf32, #tpu.memory_space<vmem>>
    %dma_wait3A_198 = arith.constant 0 : i32
    %dma_wait3A_199 = tpu.memref_slice %arg6[%dma_wait3A_192, %dma_wait3A_193, %dma_wait3A_198] : memref<62x2x128xi32, #tpu.memory_space<vmem>> -> memref<1x1x128xi32, #tpu.memory_space<vmem>>
    %dma_wait3A_200 = tpu.memref_squeeze %dma_wait3A_199 : memref<1x1x128xi32, #tpu.memory_space<vmem>> -> memref<128xi32, #tpu.memory_space<vmem>>
    %dma_wait3A_201 = arith.constant 0 : i32
    %dma_wait3A_202 = arith.constant 0 : i32
    %dma_wait3A_203 = tpu.memref_slice %arg8[%dma_wait3A_201, %dma_wait3A_202] : memref<10240x128xf32, #tpu.memory_space<vmem_shared>> -> memref<10240x128xf32, #tpu.memory_space<vmem_shared>>
    tpu.wait_indirect_dma semaphore(%arg12 : memref<!tpu.dma_semaphore, #tpu.memory_space<semaphore_mem>>) src(%dma_wait3A_197 : memref<128x128xf32, #tpu.memory_space<vmem>>) dst(%dma_wait3A_203 : memref<10240x128xf32, #tpu.memory_space<vmem_shared>>)
    %barrier3A_204 = arith.constant 0 : index
    tpu.barrier barrier_id(%barrier3A_204)
    "tpu.region"() ({
      %run_scoped3A = tpu.sem_alloc : memref<!tpu.dma_semaphore, #tpu.memory_space<semaphore_mem>>
      %dma_start3A_205 = arith.constant 0 : i32
      %dma_start3A_206 = tpu.memref_slice %arg5[%arg0, %multiple_of3A, %dma_start3A_205] : memref<2x10240x128xf32, #tpu.memory_space<hbm>> -> memref<1x640x128xf32, #tpu.memory_space<hbm>>
      %dma_start3A_207 = tpu.memref_squeeze %dma_start3A_206 : memref<1x640x128xf32, #tpu.memory_space<hbm>> -> memref<640x128xf32, #tpu.memory_space<hbm>>
      %dma_start3A_208 = arith.constant 0 : i32
      %dma_start3A_209 = tpu.memref_slice %arg8[%multiple_of3A, %dma_start3A_208] : memref<10240x128xf32, #tpu.memory_space<vmem_shared>> -> memref<640x128xf32, #tpu.memory_space<vmem_shared>>
      tpu.enqueue_dma source(%dma_start3A_209 : memref<640x128xf32, #tpu.memory_space<vmem_shared>>) target(%dma_start3A_207 : memref<640x128xf32, #tpu.memory_space<hbm>>) target_semaphore(%run_scoped3A : memref<!tpu.dma_semaphore, #tpu.memory_space<semaphore_mem>>)
      %dma_wait3A_210 = arith.constant 0 : i32
      %dma_wait3A_211 = tpu.memref_slice %arg5[%arg0, %multiple_of3A, %dma_wait3A_210] : memref<2x10240x128xf32, #tpu.memory_space<hbm>> -> memref<1x640x128xf32, #tpu.memory_space<hbm>>
      %dma_wait3A_212 = tpu.memref_squeeze %dma_wait3A_211 : memref<1x640x128xf32, #tpu.memory_space<hbm>> -> memref<640x128xf32, #tpu.memory_space<hbm>>
      %dma_wait3A_213 = arith.constant 0 : i32
      %dma_wait3A_214 = tpu.memref_slice %arg8[%multiple_of3A, %dma_wait3A_213] : memref<10240x128xf32, #tpu.memory_space<vmem_shared>> -> memref<640x128xf32, #tpu.memory_space<vmem_shared>>
      tpu.wait_dma2 semaphore(%run_scoped3A : memref<!tpu.dma_semaphore, #tpu.memory_space<semaphore_mem>>) src(%dma_wait3A_214 : memref<640x128xf32, #tpu.memory_space<vmem_shared>>) dst(%dma_wait3A_212 : memref<640x128xf32, #tpu.memory_space<hbm>>)
      tpu.yield
    }) : () -> ()
    return
  }
}

#map = affine_map<(d0, d1) -> (0, 0, 0)>
#map1 = affine_map<(d0, d1) -> (0, 0)>
module attributes {stable_mosaic.version = 14 : i64} {
  func.func @agg(%arg0: i32, %arg1: i32, %arg2: memref<2622x2x128xi32, #tpu.memory_space<hbm>>, %arg3: memref<10000x128xf32, #tpu.memory_space<hbm>>, %arg4: memref<10240x128xf32, #tpu.memory_space<hbm>>, %arg5: memref<2x10240x128xf32, #tpu.memory_space<hbm>>, %arg6: memref<62x2x128xi32, #tpu.memory_space<vmem>>, %arg7: memref<2x128x128xf32, #tpu.memory_space<vmem>>, %arg8: memref<10240x128xf32, #tpu.memory_space<vmem_shared>>, %arg9: memref<!tpu.dma_semaphore, #tpu.memory_space<semaphore_mem>>, %arg10: memref<!tpu.dma_semaphore, #tpu.memory_space<semaphore_mem>>, %arg11: memref<!tpu.dma_semaphore, #tpu.memory_space<semaphore_mem>>, %arg12: memref<!tpu.dma_semaphore, #tpu.memory_space<semaphore_mem>>) attributes {dimension_semantics = [#tpu.dimension_semantics<core_parallel>, #tpu.dimension_semantics<subcore_parallel>], iteration_bounds = array<i64: 2, 16>, scalar_prefetch = 0 : i64, scratch_operands = 7 : i64, tpu.core_type = #tpu.core_type<sc_vector_subcore>, window_params = [{transform_indices = #map}, {transform_indices = #map1}, {transform_indices = #map1}, {transform_indices = #map}]} {
    %mul3A = arith.constant 640 : i32
    %mul3A_0 = arith.muli %arg1, %mul3A : i32
    %multiple_of3A = tpu.assume_multiple %mul3A_0, 8 : i32
    "tpu.region"() ({
      %run_scoped3A = tpu.sem_alloc : memref<!tpu.dma_semaphore, #tpu.memory_space<semaphore_mem>>
      %dma_start3A_205 = arith.constant 0 : i32
      %dma_start3A_206 = tpu.memref_slice %arg8[%multiple_of3A, %dma_start3A_205] : memref<10240x128xf32, #tpu.memory_space<vmem_shared>> -> memref<640x128xf32, #tpu.memory_space<vmem_shared>>
      %dma_start3A_207 = arith.constant 0 : i32
      %dma_start3A_208 = tpu.memref_slice %arg4[%multiple_of3A, %dma_start3A_207] : memref<10240x128xf32, #tpu.memory_space<hbm>> -> memref<640x128xf32, #tpu.memory_space<hbm>>
      tpu.enqueue_dma source(%dma_start3A_208 : memref<640x128xf32, #tpu.memory_space<hbm>>) target(%dma_start3A_206 : memref<640x128xf32, #tpu.memory_space<vmem_shared>>) target_semaphore(%run_scoped3A : memref<!tpu.dma_semaphore, #tpu.memory_space<semaphore_mem>>)
      %dma_wait3A_209 = arith.constant 0 : i32
      %dma_wait3A_210 = tpu.memref_slice %arg8[%multiple_of3A, %dma_wait3A_209] : memref<10240x128xf32, #tpu.memory_space<vmem_shared>> -> memref<640x128xf32, #tpu.memory_space<vmem_shared>>
      %dma_wait3A_211 = arith.constant 0 : i32
      %dma_wait3A_212 = tpu.memref_slice %arg4[%multiple_of3A, %dma_wait3A_211] : memref<10240x128xf32, #tpu.memory_space<hbm>> -> memref<640x128xf32, #tpu.memory_space<hbm>>
      tpu.wait_dma2 semaphore(%run_scoped3A : memref<!tpu.dma_semaphore, #tpu.memory_space<semaphore_mem>>) src(%dma_wait3A_212 : memref<640x128xf32, #tpu.memory_space<hbm>>) dst(%dma_wait3A_210 : memref<640x128xf32, #tpu.memory_space<vmem_shared>>)
      tpu.yield
    }) : () -> ()
    %barrier3A = arith.constant 0 : index
    tpu.barrier barrier_id(%barrier3A)
    %eq3A = arith.constant 0 : i32
    %eq3A_1 = arith.cmpi eq, %arg0, %eq3A : i32
    %jit3A = arith.constant 124 : i32
    %jit3A_2 = arith.constant 36 : i32
    %select_n3A = arith.select %eq3A_1, %jit3A, %jit3A_2 : i32
    %jit3A_3 = arith.constant 2 : i32
    %div3A = arith.divsi %select_n3A, %jit3A_3 : i32
    %sign3A = arith.constant 0 : i32
    %sign3A_4 = arith.cmpi sgt, %select_n3A, %sign3A : i32
    %sign3A_5 = arith.extui %sign3A_4 : i1 to i32
    %sign3A_6 = arith.constant 0 : i32
    %sign3A_7 = arith.cmpi slt, %select_n3A, %sign3A_6 : i32
    %sign3A_8 = arith.extui %sign3A_7 : i1 to i32
    %sign3A_9 = arith.subi %sign3A_5, %sign3A_8 : i32
    %sign3A_10 = arith.constant 0 : i32
    %sign3A_11 = arith.cmpi sgt, %jit3A_3, %sign3A_10 : i32
    %sign3A_12 = arith.extui %sign3A_11 : i1 to i32
    %sign3A_13 = arith.constant 0 : i32
    %sign3A_14 = arith.cmpi slt, %jit3A_3, %sign3A_13 : i32
    %sign3A_15 = arith.extui %sign3A_14 : i1 to i32
    %sign3A_16 = arith.subi %sign3A_12, %sign3A_15 : i32
    %ne3A = arith.cmpi ne, %sign3A_9, %sign3A_16 : i32
    %rem3A = arith.remsi %select_n3A, %jit3A_3 : i32
    %ne3A_17 = arith.constant 0 : i32
    %ne3A_18 = arith.cmpi ne, %rem3A, %ne3A_17 : i32
    %and3A = arith.andi %ne3A, %ne3A_18 : i1
    %sub3A = arith.constant 1 : i32
    %sub3A_19 = arith.subi %div3A, %sub3A : i32
    %select_n3A_20 = arith.select %and3A, %sub3A_19, %div3A : i32
    %eq3A_21 = arith.constant 0 : i32
    %eq3A_22 = arith.cmpi eq, %arg0, %eq3A_21 : i32
    %mul3A_23 = arith.constant 124 : i32
    %mul3A_24 = arith.muli %arg1, %mul3A_23 : i32
    %mul3A_25 = arith.constant 36 : i32
    %mul3A_26 = arith.muli %arg1, %mul3A_25 : i32
    %add3A = arith.constant 1984 : i32
    %add3A_27 = arith.addi %add3A, %mul3A_26 : i32
    %select_n3A_28 = arith.select %eq3A_22, %mul3A_24, %add3A_27 : i32
    %mul3A_29 = arith.constant 0 : i32
    %mul3A_30 = arith.muli %mul3A_29, %select_n3A_20 : i32
    %add3A_31 = arith.addi %select_n3A_28, %mul3A_30 : i32
    "tpu.region"() ({
      %run_scoped3A = tpu.sem_alloc : memref<!tpu.dma_semaphore, #tpu.memory_space<semaphore_mem>>
      %dma_start3A_205 = arith.constant 0 : i32
      %dma_start3A_206 = arith.constant 0 : i32
      %dma_start3A_207 = tpu.memref_slice %arg2[%add3A_31, %dma_start3A_205, %dma_start3A_206] : memref<2622x2x128xi32, #tpu.memory_space<hbm>> -> memref<62x2x128xi32, #tpu.memory_space<hbm>>
      %dma_start3A_208 = arith.constant 0 : i32
      %dma_start3A_209 = arith.constant 0 : i32
      %dma_start3A_210 = tpu.memref_slice %arg2[%add3A_31, %dma_start3A_208, %dma_start3A_209] : memref<2622x2x128xi32, #tpu.memory_space<hbm>> -> memref<62x2x128xi32, #tpu.memory_space<hbm>>
      tpu.enqueue_dma source(%dma_start3A_210 : memref<62x2x128xi32, #tpu.memory_space<hbm>>) target(%arg6 : memref<62x2x128xi32, #tpu.memory_space<vmem>>) target_semaphore(%run_scoped3A : memref<!tpu.dma_semaphore, #tpu.memory_space<semaphore_mem>>)
      %dma_wait3A_211 = arith.constant 0 : i32
      %dma_wait3A_212 = arith.constant 0 : i32
      %dma_wait3A_213 = tpu.memref_slice %arg2[%add3A_31, %dma_wait3A_211, %dma_wait3A_212] : memref<2622x2x128xi32, #tpu.memory_space<hbm>> -> memref<62x2x128xi32, #tpu.memory_space<hbm>>
      %dma_wait3A_214 = arith.constant 0 : i32
      %dma_wait3A_215 = arith.constant 0 : i32
      %dma_wait3A_216 = tpu.memref_slice %arg2[%add3A_31, %dma_wait3A_214, %dma_wait3A_215] : memref<2622x2x128xi32, #tpu.memory_space<hbm>> -> memref<62x2x128xi32, #tpu.memory_space<hbm>>
      tpu.wait_dma2 semaphore(%run_scoped3A : memref<!tpu.dma_semaphore, #tpu.memory_space<semaphore_mem>>) src(%dma_wait3A_216 : memref<62x2x128xi32, #tpu.memory_space<hbm>>) dst(%arg6 : memref<62x2x128xi32, #tpu.memory_space<vmem>>)
      tpu.yield
    }) : () -> ()
    %dma_start3A = arith.constant 0 : i32
    %dma_start3A_32 = arith.constant 0 : i32
    %dma_start3A_33 = arith.constant 0 : i32
    %dma_start3A_34 = arith.constant 0 : i32
    %dma_start3A_35 = arith.constant 0 : i32
    %dma_start3A_36 = tpu.memref_slice %arg7[%dma_start3A_33, %dma_start3A_34, %dma_start3A_35] : memref<2x128x128xf32, #tpu.memory_space<vmem>> -> memref<1x128x128xf32, #tpu.memory_space<vmem>>
    %dma_start3A_37 = tpu.memref_squeeze %dma_start3A_36 : memref<1x128x128xf32, #tpu.memory_space<vmem>> -> memref<128x128xf32, #tpu.memory_space<vmem>>
    %dma_start3A_38 = arith.constant 0 : i32
    %dma_start3A_39 = tpu.memref_slice %arg6[%dma_start3A, %dma_start3A_32, %dma_start3A_38] : memref<62x2x128xi32, #tpu.memory_space<vmem>> -> memref<1x1x128xi32, #tpu.memory_space<vmem>>
    %dma_start3A_40 = tpu.memref_squeeze %dma_start3A_39 : memref<1x1x128xi32, #tpu.memory_space<vmem>> -> memref<128xi32, #tpu.memory_space<vmem>>
    %dma_start3A_41 = arith.constant 0 : i32
    %dma_start3A_42 = arith.constant 0 : i32
    %dma_start3A_43 = tpu.memref_slice %arg3[%dma_start3A_41, %dma_start3A_42] : memref<10000x128xf32, #tpu.memory_space<hbm>> -> memref<10000x128xf32, #tpu.memory_space<hbm>>
    tpu.enqueue_indirect_dma source(%dma_start3A_43 : memref<10000x128xf32, #tpu.memory_space<hbm>>) target(%dma_start3A_37 : memref<128x128xf32, #tpu.memory_space<vmem>>) offsets(%dma_start3A_40 : memref<128xi32, #tpu.memory_space<vmem>>) semaphore(%arg9 : memref<!tpu.dma_semaphore, #tpu.memory_space<semaphore_mem>>)
    %dma_start3A_44 = arith.constant 1 : i32
    %dma_start3A_45 = arith.constant 0 : i32
    %dma_start3A_46 = arith.constant 1 : i32
    %dma_start3A_47 = arith.constant 0 : i32
    %dma_start3A_48 = arith.constant 0 : i32
    %dma_start3A_49 = tpu.memref_slice %arg7[%dma_start3A_46, %dma_start3A_47, %dma_start3A_48] : memref<2x128x128xf32, #tpu.memory_space<vmem>> -> memref<1x128x128xf32, #tpu.memory_space<vmem>>
    %dma_start3A_50 = tpu.memref_squeeze %dma_start3A_49 : memref<1x128x128xf32, #tpu.memory_space<vmem>> -> memref<128x128xf32, #tpu.memory_space<vmem>>
    %dma_start3A_51 = arith.constant 0 : i32
    %dma_start3A_52 = tpu.memref_slice %arg6[%dma_start3A_44, %dma_start3A_45, %dma_start3A_51] : memref<62x2x128xi32, #tpu.memory_space<vmem>> -> memref<1x1x128xi32, #tpu.memory_space<vmem>>
    %dma_start3A_53 = tpu.memref_squeeze %dma_start3A_52 : memref<1x1x128xi32, #tpu.memory_space<vmem>> -> memref<128xi32, #tpu.memory_space<vmem>>
    %dma_start3A_54 = arith.constant 0 : i32
    %dma_start3A_55 = arith.constant 0 : i32
    %dma_start3A_56 = tpu.memref_slice %arg3[%dma_start3A_54, %dma_start3A_55] : memref<10000x128xf32, #tpu.memory_space<hbm>> -> memref<10000x128xf32, #tpu.memory_space<hbm>>
    tpu.enqueue_indirect_dma source(%dma_start3A_56 : memref<10000x128xf32, #tpu.memory_space<hbm>>) target(%dma_start3A_50 : memref<128x128xf32, #tpu.memory_space<vmem>>) offsets(%dma_start3A_53 : memref<128xi32, #tpu.memory_space<vmem>>) semaphore(%arg10 : memref<!tpu.dma_semaphore, #tpu.memory_space<semaphore_mem>>)
    %jit3A_57 = arith.constant 2 : i32
    %div3A_58 = arith.divsi %select_n3A_20, %jit3A_57 : i32
    %sign3A_59 = arith.constant 0 : i32
    %sign3A_60 = arith.cmpi sgt, %select_n3A_20, %sign3A_59 : i32
    %sign3A_61 = arith.extui %sign3A_60 : i1 to i32
    %sign3A_62 = arith.constant 0 : i32
    %sign3A_63 = arith.cmpi slt, %select_n3A_20, %sign3A_62 : i32
    %sign3A_64 = arith.extui %sign3A_63 : i1 to i32
    %sign3A_65 = arith.subi %sign3A_61, %sign3A_64 : i32
    %sign3A_66 = arith.constant 0 : i32
    %sign3A_67 = arith.cmpi sgt, %jit3A_57, %sign3A_66 : i32
    %sign3A_68 = arith.extui %sign3A_67 : i1 to i32
    %sign3A_69 = arith.constant 0 : i32
    %sign3A_70 = arith.cmpi slt, %jit3A_57, %sign3A_69 : i32
    %sign3A_71 = arith.extui %sign3A_70 : i1 to i32
    %sign3A_72 = arith.subi %sign3A_68, %sign3A_71 : i32
    %ne3A_73 = arith.cmpi ne, %sign3A_65, %sign3A_72 : i32
    %rem3A_74 = arith.remsi %select_n3A_20, %jit3A_57 : i32
    %ne3A_75 = arith.constant 0 : i32
    %ne3A_76 = arith.cmpi ne, %rem3A_74, %ne3A_75 : i32
    %and3A_77 = arith.andi %ne3A_73, %ne3A_76 : i1
    %sub3A_78 = arith.constant 1 : i32
    %sub3A_79 = arith.subi %div3A_58, %sub3A_78 : i32
    %select_n3A_80 = arith.select %and3A_77, %sub3A_79, %div3A_58 : i32
    %while3A = arith.constant 0 : i32
    %while3A_81 = arith.constant 0 : i32
    %while3A_82 = arith.subi %select_n3A_80, %while3A_81 : i32
    %while3A_83 = arith.addi %while3A_81, %while3A_82 : i32
    %while3A_84 = arith.constant 1 : i32
    %while3A_85 = arith.divsi %while3A_82, %while3A_84 : i32
    %while3A_86 = arith.muli %while3A_85, %while3A_84 : i32
    %while3A_87 = arith.addi %while3A_81, %while3A_86 : i32
    %while3A_88 = arith.constant 1 : i32
    scf.for %while3A_205 = %while3A_81 to %while3A_87 step %while3A_88  : i32 {
      %mul3A_206 = arith.constant 2 : i32
      %mul3A_207 = arith.muli %while3A_205, %mul3A_206 : i32
      %add3A_208 = arith.constant 0 : i32
      %add3A_209 = arith.addi %mul3A_207, %add3A_208 : i32
      %dma_wait3A_210 = arith.constant 0 : i32
      %dma_wait3A_211 = arith.constant 0 : i32
      %dma_wait3A_212 = arith.constant 0 : i32
      %dma_wait3A_213 = arith.constant 0 : i32
      %dma_wait3A_214 = tpu.memref_slice %arg7[%dma_wait3A_211, %dma_wait3A_212, %dma_wait3A_213] : memref<2x128x128xf32, #tpu.memory_space<vmem>> -> memref<1x128x128xf32, #tpu.memory_space<vmem>>
      %dma_wait3A_215 = tpu.memref_squeeze %dma_wait3A_214 : memref<1x128x128xf32, #tpu.memory_space<vmem>> -> memref<128x128xf32, #tpu.memory_space<vmem>>
      %dma_wait3A_216 = arith.constant 0 : i32
      %dma_wait3A_217 = tpu.memref_slice %arg6[%add3A_209, %dma_wait3A_210, %dma_wait3A_216] : memref<62x2x128xi32, #tpu.memory_space<vmem>> -> memref<1x1x128xi32, #tpu.memory_space<vmem>>
      %dma_wait3A_218 = tpu.memref_squeeze %dma_wait3A_217 : memref<1x1x128xi32, #tpu.memory_space<vmem>> -> memref<128xi32, #tpu.memory_space<vmem>>
      %dma_wait3A_219 = arith.constant 0 : i32
      %dma_wait3A_220 = arith.constant 0 : i32
      %dma_wait3A_221 = tpu.memref_slice %arg3[%dma_wait3A_219, %dma_wait3A_220] : memref<10000x128xf32, #tpu.memory_space<hbm>> -> memref<10000x128xf32, #tpu.memory_space<hbm>>
      tpu.wait_indirect_dma semaphore(%arg9 : memref<!tpu.dma_semaphore, #tpu.memory_space<semaphore_mem>>) src(%dma_wait3A_221 : memref<10000x128xf32, #tpu.memory_space<hbm>>) dst(%dma_wait3A_215 : memref<128x128xf32, #tpu.memory_space<vmem>>)
      %dma_start3A_222 = arith.constant 0 : i32
      %dma_start3A_223 = arith.constant 1 : i32
      %dma_start3A_224 = arith.constant 0 : i32
      %dma_start3A_225 = arith.constant 0 : i32
      %dma_start3A_226 = tpu.memref_slice %arg7[%dma_start3A_222, %dma_start3A_224, %dma_start3A_225] : memref<2x128x128xf32, #tpu.memory_space<vmem>> -> memref<1x128x128xf32, #tpu.memory_space<vmem>>
      %dma_start3A_227 = tpu.memref_squeeze %dma_start3A_226 : memref<1x128x128xf32, #tpu.memory_space<vmem>> -> memref<128x128xf32, #tpu.memory_space<vmem>>
      %dma_start3A_228 = arith.constant 0 : i32
      %dma_start3A_229 = tpu.memref_slice %arg6[%add3A_209, %dma_start3A_223, %dma_start3A_228] : memref<62x2x128xi32, #tpu.memory_space<vmem>> -> memref<1x1x128xi32, #tpu.memory_space<vmem>>
      %dma_start3A_230 = tpu.memref_squeeze %dma_start3A_229 : memref<1x1x128xi32, #tpu.memory_space<vmem>> -> memref<128xi32, #tpu.memory_space<vmem>>
      %dma_start3A_231 = arith.constant 0 : i32
      %dma_start3A_232 = arith.constant 0 : i32
      %dma_start3A_233 = tpu.memref_slice %arg8[%dma_start3A_231, %dma_start3A_232] : memref<10240x128xf32, #tpu.memory_space<vmem_shared>> -> memref<10240x128xf32, #tpu.memory_space<vmem_shared>>
      tpu.enqueue_indirect_dma source(%dma_start3A_227 : memref<128x128xf32, #tpu.memory_space<vmem>>) target(%dma_start3A_233 : memref<10240x128xf32, #tpu.memory_space<vmem_shared>>) offsets(%dma_start3A_230 : memref<128xi32, #tpu.memory_space<vmem>>) semaphore(%arg11 : memref<!tpu.dma_semaphore, #tpu.memory_space<semaphore_mem>>) {add = true}
      %add3A_234 = arith.constant 2 : i32
      %add3A_235 = arith.addi %add3A_209, %add3A_234 : i32
      %sub3A_236 = arith.constant 1 : i32
      %sub3A_237 = arith.subi %add3A_235, %sub3A_236 : i32
      %ge3A = arith.constant 1 : i32
      %ge3A_238 = arith.cmpi sge, %add3A_209, %ge3A : i32
      %lt3A = arith.cmpi slt, %sub3A_237, %select_n3A_20 : i32
      %and3A_239 = arith.andi %ge3A_238, %lt3A : i1
      %convert_element_type3A = arith.extui %and3A_239 : i1 to i32
      %cond3A = arith.constant 0 : i32
      %cond3A_240 = arith.cmpi ne, %convert_element_type3A, %cond3A : i32
      scf.if %cond3A_240 {
        %sub3A_280 = arith.constant 1 : i32
        %sub3A_281 = arith.subi %add3A_209, %sub3A_280 : i32
        %dma_wait3A_282 = arith.constant 1 : i32
        %dma_wait3A_283 = arith.constant 1 : i32
        %dma_wait3A_284 = arith.constant 0 : i32
        %dma_wait3A_285 = arith.constant 0 : i32
        %dma_wait3A_286 = tpu.memref_slice %arg7[%dma_wait3A_282, %dma_wait3A_284, %dma_wait3A_285] : memref<2x128x128xf32, #tpu.memory_space<vmem>> -> memref<1x128x128xf32, #tpu.memory_space<vmem>>
        %dma_wait3A_287 = tpu.memref_squeeze %dma_wait3A_286 : memref<1x128x128xf32, #tpu.memory_space<vmem>> -> memref<128x128xf32, #tpu.memory_space<vmem>>
        %dma_wait3A_288 = arith.constant 0 : i32
        %dma_wait3A_289 = tpu.memref_slice %arg6[%sub3A_281, %dma_wait3A_283, %dma_wait3A_288] : memref<62x2x128xi32, #tpu.memory_space<vmem>> -> memref<1x1x128xi32, #tpu.memory_space<vmem>>
        %dma_wait3A_290 = tpu.memref_squeeze %dma_wait3A_289 : memref<1x1x128xi32, #tpu.memory_space<vmem>> -> memref<128xi32, #tpu.memory_space<vmem>>
        %dma_wait3A_291 = arith.constant 0 : i32
        %dma_wait3A_292 = arith.constant 0 : i32
        %dma_wait3A_293 = tpu.memref_slice %arg8[%dma_wait3A_291, %dma_wait3A_292] : memref<10240x128xf32, #tpu.memory_space<vmem_shared>> -> memref<10240x128xf32, #tpu.memory_space<vmem_shared>>
        tpu.wait_indirect_dma semaphore(%arg12 : memref<!tpu.dma_semaphore, #tpu.memory_space<semaphore_mem>>) src(%dma_wait3A_287 : memref<128x128xf32, #tpu.memory_space<vmem>>) dst(%dma_wait3A_293 : memref<10240x128xf32, #tpu.memory_space<vmem_shared>>)
        %dma_start3A_294 = arith.constant 0 : i32
        %dma_start3A_295 = arith.constant 1 : i32
        %dma_start3A_296 = arith.constant 0 : i32
        %dma_start3A_297 = arith.constant 0 : i32
        %dma_start3A_298 = tpu.memref_slice %arg7[%dma_start3A_295, %dma_start3A_296, %dma_start3A_297] : memref<2x128x128xf32, #tpu.memory_space<vmem>> -> memref<1x128x128xf32, #tpu.memory_space<vmem>>
        %dma_start3A_299 = tpu.memref_squeeze %dma_start3A_298 : memref<1x128x128xf32, #tpu.memory_space<vmem>> -> memref<128x128xf32, #tpu.memory_space<vmem>>
        %dma_start3A_300 = arith.constant 0 : i32
        %dma_start3A_301 = tpu.memref_slice %arg6[%sub3A_237, %dma_start3A_294, %dma_start3A_300] : memref<62x2x128xi32, #tpu.memory_space<vmem>> -> memref<1x1x128xi32, #tpu.memory_space<vmem>>
        %dma_start3A_302 = tpu.memref_squeeze %dma_start3A_301 : memref<1x1x128xi32, #tpu.memory_space<vmem>> -> memref<128xi32, #tpu.memory_space<vmem>>
        %dma_start3A_303 = arith.constant 0 : i32
        %dma_start3A_304 = arith.constant 0 : i32
        %dma_start3A_305 = tpu.memref_slice %arg3[%dma_start3A_303, %dma_start3A_304] : memref<10000x128xf32, #tpu.memory_space<hbm>> -> memref<10000x128xf32, #tpu.memory_space<hbm>>
        tpu.enqueue_indirect_dma source(%dma_start3A_305 : memref<10000x128xf32, #tpu.memory_space<hbm>>) target(%dma_start3A_299 : memref<128x128xf32, #tpu.memory_space<vmem>>) offsets(%dma_start3A_302 : memref<128xi32, #tpu.memory_space<vmem>>) semaphore(%arg10 : memref<!tpu.dma_semaphore, #tpu.memory_space<semaphore_mem>>)
      } else {
      }
      %mul3A_241 = arith.constant 2 : i32
      %mul3A_242 = arith.muli %while3A_205, %mul3A_241 : i32
      %add3A_243 = arith.constant 1 : i32
      %add3A_244 = arith.addi %mul3A_242, %add3A_243 : i32
      %dma_wait3A_245 = arith.constant 0 : i32
      %dma_wait3A_246 = arith.constant 1 : i32
      %dma_wait3A_247 = arith.constant 0 : i32
      %dma_wait3A_248 = arith.constant 0 : i32
      %dma_wait3A_249 = tpu.memref_slice %arg7[%dma_wait3A_246, %dma_wait3A_247, %dma_wait3A_248] : memref<2x128x128xf32, #tpu.memory_space<vmem>> -> memref<1x128x128xf32, #tpu.memory_space<vmem>>
      %dma_wait3A_250 = tpu.memref_squeeze %dma_wait3A_249 : memref<1x128x128xf32, #tpu.memory_space<vmem>> -> memref<128x128xf32, #tpu.memory_space<vmem>>
      %dma_wait3A_251 = arith.constant 0 : i32
      %dma_wait3A_252 = tpu.memref_slice %arg6[%add3A_244, %dma_wait3A_245, %dma_wait3A_251] : memref<62x2x128xi32, #tpu.memory_space<vmem>> -> memref<1x1x128xi32, #tpu.memory_space<vmem>>
      %dma_wait3A_253 = tpu.memref_squeeze %dma_wait3A_252 : memref<1x1x128xi32, #tpu.memory_space<vmem>> -> memref<128xi32, #tpu.memory_space<vmem>>
      %dma_wait3A_254 = arith.constant 0 : i32
      %dma_wait3A_255 = arith.constant 0 : i32
      %dma_wait3A_256 = tpu.memref_slice %arg3[%dma_wait3A_254, %dma_wait3A_255] : memref<10000x128xf32, #tpu.memory_space<hbm>> -> memref<10000x128xf32, #tpu.memory_space<hbm>>
      tpu.wait_indirect_dma semaphore(%arg10 : memref<!tpu.dma_semaphore, #tpu.memory_space<semaphore_mem>>) src(%dma_wait3A_256 : memref<10000x128xf32, #tpu.memory_space<hbm>>) dst(%dma_wait3A_250 : memref<128x128xf32, #tpu.memory_space<vmem>>)
      %dma_start3A_257 = arith.constant 1 : i32
      %dma_start3A_258 = arith.constant 1 : i32
      %dma_start3A_259 = arith.constant 0 : i32
      %dma_start3A_260 = arith.constant 0 : i32
      %dma_start3A_261 = tpu.memref_slice %arg7[%dma_start3A_257, %dma_start3A_259, %dma_start3A_260] : memref<2x128x128xf32, #tpu.memory_space<vmem>> -> memref<1x128x128xf32, #tpu.memory_space<vmem>>
      %dma_start3A_262 = tpu.memref_squeeze %dma_start3A_261 : memref<1x128x128xf32, #tpu.memory_space<vmem>> -> memref<128x128xf32, #tpu.memory_space<vmem>>
      %dma_start3A_263 = arith.constant 0 : i32
      %dma_start3A_264 = tpu.memref_slice %arg6[%add3A_244, %dma_start3A_258, %dma_start3A_263] : memref<62x2x128xi32, #tpu.memory_space<vmem>> -> memref<1x1x128xi32, #tpu.memory_space<vmem>>
      %dma_start3A_265 = tpu.memref_squeeze %dma_start3A_264 : memref<1x1x128xi32, #tpu.memory_space<vmem>> -> memref<128xi32, #tpu.memory_space<vmem>>
      %dma_start3A_266 = arith.constant 0 : i32
      %dma_start3A_267 = arith.constant 0 : i32
      %dma_start3A_268 = tpu.memref_slice %arg8[%dma_start3A_266, %dma_start3A_267] : memref<10240x128xf32, #tpu.memory_space<vmem_shared>> -> memref<10240x128xf32, #tpu.memory_space<vmem_shared>>
      tpu.enqueue_indirect_dma source(%dma_start3A_262 : memref<128x128xf32, #tpu.memory_space<vmem>>) target(%dma_start3A_268 : memref<10240x128xf32, #tpu.memory_space<vmem_shared>>) offsets(%dma_start3A_265 : memref<128xi32, #tpu.memory_space<vmem>>) semaphore(%arg12 : memref<!tpu.dma_semaphore, #tpu.memory_space<semaphore_mem>>) {add = true}
      %add3A_269 = arith.constant 2 : i32
      %add3A_270 = arith.addi %add3A_244, %add3A_269 : i32
      %sub3A_271 = arith.constant 1 : i32
      %sub3A_272 = arith.subi %add3A_270, %sub3A_271 : i32
      %ge3A_273 = arith.constant 1 : i32
      %ge3A_274 = arith.cmpi sge, %add3A_244, %ge3A_273 : i32
      %lt3A_275 = arith.cmpi slt, %sub3A_272, %select_n3A_20 : i32
      %and3A_276 = arith.andi %ge3A_274, %lt3A_275 : i1
      %convert_element_type3A_277 = arith.extui %and3A_276 : i1 to i32
      %cond3A_278 = arith.constant 0 : i32
      %cond3A_279 = arith.cmpi ne, %convert_element_type3A_277, %cond3A_278 : i32
      scf.if %cond3A_279 {
        %sub3A_280 = arith.constant 1 : i32
        %sub3A_281 = arith.subi %add3A_244, %sub3A_280 : i32
        %dma_wait3A_282 = arith.constant 0 : i32
        %dma_wait3A_283 = arith.constant 1 : i32
        %dma_wait3A_284 = arith.constant 0 : i32
        %dma_wait3A_285 = arith.constant 0 : i32
        %dma_wait3A_286 = tpu.memref_slice %arg7[%dma_wait3A_282, %dma_wait3A_284, %dma_wait3A_285] : memref<2x128x128xf32, #tpu.memory_space<vmem>> -> memref<1x128x128xf32, #tpu.memory_space<vmem>>
        %dma_wait3A_287 = tpu.memref_squeeze %dma_wait3A_286 : memref<1x128x128xf32, #tpu.memory_space<vmem>> -> memref<128x128xf32, #tpu.memory_space<vmem>>
        %dma_wait3A_288 = arith.constant 0 : i32
        %dma_wait3A_289 = tpu.memref_slice %arg6[%sub3A_281, %dma_wait3A_283, %dma_wait3A_288] : memref<62x2x128xi32, #tpu.memory_space<vmem>> -> memref<1x1x128xi32, #tpu.memory_space<vmem>>
        %dma_wait3A_290 = tpu.memref_squeeze %dma_wait3A_289 : memref<1x1x128xi32, #tpu.memory_space<vmem>> -> memref<128xi32, #tpu.memory_space<vmem>>
        %dma_wait3A_291 = arith.constant 0 : i32
        %dma_wait3A_292 = arith.constant 0 : i32
        %dma_wait3A_293 = tpu.memref_slice %arg8[%dma_wait3A_291, %dma_wait3A_292] : memref<10240x128xf32, #tpu.memory_space<vmem_shared>> -> memref<10240x128xf32, #tpu.memory_space<vmem_shared>>
        tpu.wait_indirect_dma semaphore(%arg11 : memref<!tpu.dma_semaphore, #tpu.memory_space<semaphore_mem>>) src(%dma_wait3A_287 : memref<128x128xf32, #tpu.memory_space<vmem>>) dst(%dma_wait3A_293 : memref<10240x128xf32, #tpu.memory_space<vmem_shared>>)
        %dma_start3A_294 = arith.constant 0 : i32
        %dma_start3A_295 = arith.constant 0 : i32
        %dma_start3A_296 = arith.constant 0 : i32
        %dma_start3A_297 = arith.constant 0 : i32
        %dma_start3A_298 = tpu.memref_slice %arg7[%dma_start3A_295, %dma_start3A_296, %dma_start3A_297] : memref<2x128x128xf32, #tpu.memory_space<vmem>> -> memref<1x128x128xf32, #tpu.memory_space<vmem>>
        %dma_start3A_299 = tpu.memref_squeeze %dma_start3A_298 : memref<1x128x128xf32, #tpu.memory_space<vmem>> -> memref<128x128xf32, #tpu.memory_space<vmem>>
        %dma_start3A_300 = arith.constant 0 : i32
        %dma_start3A_301 = tpu.memref_slice %arg6[%sub3A_272, %dma_start3A_294, %dma_start3A_300] : memref<62x2x128xi32, #tpu.memory_space<vmem>> -> memref<1x1x128xi32, #tpu.memory_space<vmem>>
        %dma_start3A_302 = tpu.memref_squeeze %dma_start3A_301 : memref<1x1x128xi32, #tpu.memory_space<vmem>> -> memref<128xi32, #tpu.memory_space<vmem>>
        %dma_start3A_303 = arith.constant 0 : i32
        %dma_start3A_304 = arith.constant 0 : i32
        %dma_start3A_305 = tpu.memref_slice %arg3[%dma_start3A_303, %dma_start3A_304] : memref<10000x128xf32, #tpu.memory_space<hbm>> -> memref<10000x128xf32, #tpu.memory_space<hbm>>
        tpu.enqueue_indirect_dma source(%dma_start3A_305 : memref<10000x128xf32, #tpu.memory_space<hbm>>) target(%dma_start3A_299 : memref<128x128xf32, #tpu.memory_space<vmem>>) offsets(%dma_start3A_302 : memref<128xi32, #tpu.memory_space<vmem>>) semaphore(%arg9 : memref<!tpu.dma_semaphore, #tpu.memory_space<semaphore_mem>>)
      } else {
      }
    }
    %while3A_89 = arith.constant 1 : i32
    scf.for %while3A_205 = %while3A_87 to %while3A_83 step %while3A_89  : i32 {
      %mul3A_206 = arith.constant 2 : i32
      %mul3A_207 = arith.muli %while3A_205, %mul3A_206 : i32
      %add3A_208 = arith.constant 0 : i32
      %add3A_209 = arith.addi %mul3A_207, %add3A_208 : i32
      %dma_wait3A_210 = arith.constant 0 : i32
      %dma_wait3A_211 = arith.constant 0 : i32
      %dma_wait3A_212 = arith.constant 0 : i32
      %dma_wait3A_213 = arith.constant 0 : i32
      %dma_wait3A_214 = tpu.memref_slice %arg7[%dma_wait3A_211, %dma_wait3A_212, %dma_wait3A_213] : memref<2x128x128xf32, #tpu.memory_space<vmem>> -> memref<1x128x128xf32, #tpu.memory_space<vmem>>
      %dma_wait3A_215 = tpu.memref_squeeze %dma_wait3A_214 : memref<1x128x128xf32, #tpu.memory_space<vmem>> -> memref<128x128xf32, #tpu.memory_space<vmem>>
      %dma_wait3A_216 = arith.constant 0 : i32
      %dma_wait3A_217 = tpu.memref_slice %arg6[%add3A_209, %dma_wait3A_210, %dma_wait3A_216] : memref<62x2x128xi32, #tpu.memory_space<vmem>> -> memref<1x1x128xi32, #tpu.memory_space<vmem>>
      %dma_wait3A_218 = tpu.memref_squeeze %dma_wait3A_217 : memref<1x1x128xi32, #tpu.memory_space<vmem>> -> memref<128xi32, #tpu.memory_space<vmem>>
      %dma_wait3A_219 = arith.constant 0 : i32
      %dma_wait3A_220 = arith.constant 0 : i32
      %dma_wait3A_221 = tpu.memref_slice %arg3[%dma_wait3A_219, %dma_wait3A_220] : memref<10000x128xf32, #tpu.memory_space<hbm>> -> memref<10000x128xf32, #tpu.memory_space<hbm>>
      tpu.wait_indirect_dma semaphore(%arg9 : memref<!tpu.dma_semaphore, #tpu.memory_space<semaphore_mem>>) src(%dma_wait3A_221 : memref<10000x128xf32, #tpu.memory_space<hbm>>) dst(%dma_wait3A_215 : memref<128x128xf32, #tpu.memory_space<vmem>>)
      %dma_start3A_222 = arith.constant 0 : i32
      %dma_start3A_223 = arith.constant 1 : i32
      %dma_start3A_224 = arith.constant 0 : i32
      %dma_start3A_225 = arith.constant 0 : i32
      %dma_start3A_226 = tpu.memref_slice %arg7[%dma_start3A_222, %dma_start3A_224, %dma_start3A_225] : memref<2x128x128xf32, #tpu.memory_space<vmem>> -> memref<1x128x128xf32, #tpu.memory_space<vmem>>
      %dma_start3A_227 = tpu.memref_squeeze %dma_start3A_226 : memref<1x128x128xf32, #tpu.memory_space<vmem>> -> memref<128x128xf32, #tpu.memory_space<vmem>>
      %dma_start3A_228 = arith.constant 0 : i32
      %dma_start3A_229 = tpu.memref_slice %arg6[%add3A_209, %dma_start3A_223, %dma_start3A_228] : memref<62x2x128xi32, #tpu.memory_space<vmem>> -> memref<1x1x128xi32, #tpu.memory_space<vmem>>
      %dma_start3A_230 = tpu.memref_squeeze %dma_start3A_229 : memref<1x1x128xi32, #tpu.memory_space<vmem>> -> memref<128xi32, #tpu.memory_space<vmem>>
      %dma_start3A_231 = arith.constant 0 : i32
      %dma_start3A_232 = arith.constant 0 : i32
      %dma_start3A_233 = tpu.memref_slice %arg8[%dma_start3A_231, %dma_start3A_232] : memref<10240x128xf32, #tpu.memory_space<vmem_shared>> -> memref<10240x128xf32, #tpu.memory_space<vmem_shared>>
      tpu.enqueue_indirect_dma source(%dma_start3A_227 : memref<128x128xf32, #tpu.memory_space<vmem>>) target(%dma_start3A_233 : memref<10240x128xf32, #tpu.memory_space<vmem_shared>>) offsets(%dma_start3A_230 : memref<128xi32, #tpu.memory_space<vmem>>) semaphore(%arg11 : memref<!tpu.dma_semaphore, #tpu.memory_space<semaphore_mem>>) {add = true}
      %add3A_234 = arith.constant 2 : i32
      %add3A_235 = arith.addi %add3A_209, %add3A_234 : i32
      %sub3A_236 = arith.constant 1 : i32
      %sub3A_237 = arith.subi %add3A_235, %sub3A_236 : i32
      %ge3A = arith.constant 1 : i32
      %ge3A_238 = arith.cmpi sge, %add3A_209, %ge3A : i32
      %lt3A = arith.cmpi slt, %sub3A_237, %select_n3A_20 : i32
      %and3A_239 = arith.andi %ge3A_238, %lt3A : i1
      %convert_element_type3A = arith.extui %and3A_239 : i1 to i32
      %cond3A = arith.constant 0 : i32
      %cond3A_240 = arith.cmpi ne, %convert_element_type3A, %cond3A : i32
      scf.if %cond3A_240 {
        %sub3A_280 = arith.constant 1 : i32
        %sub3A_281 = arith.subi %add3A_209, %sub3A_280 : i32
        %dma_wait3A_282 = arith.constant 1 : i32
        %dma_wait3A_283 = arith.constant 1 : i32
        %dma_wait3A_284 = arith.constant 0 : i32
        %dma_wait3A_285 = arith.constant 0 : i32
        %dma_wait3A_286 = tpu.memref_slice %arg7[%dma_wait3A_282, %dma_wait3A_284, %dma_wait3A_285] : memref<2x128x128xf32, #tpu.memory_space<vmem>> -> memref<1x128x128xf32, #tpu.memory_space<vmem>>
        %dma_wait3A_287 = tpu.memref_squeeze %dma_wait3A_286 : memref<1x128x128xf32, #tpu.memory_space<vmem>> -> memref<128x128xf32, #tpu.memory_space<vmem>>
        %dma_wait3A_288 = arith.constant 0 : i32
        %dma_wait3A_289 = tpu.memref_slice %arg6[%sub3A_281, %dma_wait3A_283, %dma_wait3A_288] : memref<62x2x128xi32, #tpu.memory_space<vmem>> -> memref<1x1x128xi32, #tpu.memory_space<vmem>>
        %dma_wait3A_290 = tpu.memref_squeeze %dma_wait3A_289 : memref<1x1x128xi32, #tpu.memory_space<vmem>> -> memref<128xi32, #tpu.memory_space<vmem>>
        %dma_wait3A_291 = arith.constant 0 : i32
        %dma_wait3A_292 = arith.constant 0 : i32
        %dma_wait3A_293 = tpu.memref_slice %arg8[%dma_wait3A_291, %dma_wait3A_292] : memref<10240x128xf32, #tpu.memory_space<vmem_shared>> -> memref<10240x128xf32, #tpu.memory_space<vmem_shared>>
        tpu.wait_indirect_dma semaphore(%arg12 : memref<!tpu.dma_semaphore, #tpu.memory_space<semaphore_mem>>) src(%dma_wait3A_287 : memref<128x128xf32, #tpu.memory_space<vmem>>) dst(%dma_wait3A_293 : memref<10240x128xf32, #tpu.memory_space<vmem_shared>>)
        %dma_start3A_294 = arith.constant 0 : i32
        %dma_start3A_295 = arith.constant 1 : i32
        %dma_start3A_296 = arith.constant 0 : i32
        %dma_start3A_297 = arith.constant 0 : i32
        %dma_start3A_298 = tpu.memref_slice %arg7[%dma_start3A_295, %dma_start3A_296, %dma_start3A_297] : memref<2x128x128xf32, #tpu.memory_space<vmem>> -> memref<1x128x128xf32, #tpu.memory_space<vmem>>
        %dma_start3A_299 = tpu.memref_squeeze %dma_start3A_298 : memref<1x128x128xf32, #tpu.memory_space<vmem>> -> memref<128x128xf32, #tpu.memory_space<vmem>>
        %dma_start3A_300 = arith.constant 0 : i32
        %dma_start3A_301 = tpu.memref_slice %arg6[%sub3A_237, %dma_start3A_294, %dma_start3A_300] : memref<62x2x128xi32, #tpu.memory_space<vmem>> -> memref<1x1x128xi32, #tpu.memory_space<vmem>>
        %dma_start3A_302 = tpu.memref_squeeze %dma_start3A_301 : memref<1x1x128xi32, #tpu.memory_space<vmem>> -> memref<128xi32, #tpu.memory_space<vmem>>
        %dma_start3A_303 = arith.constant 0 : i32
        %dma_start3A_304 = arith.constant 0 : i32
        %dma_start3A_305 = tpu.memref_slice %arg3[%dma_start3A_303, %dma_start3A_304] : memref<10000x128xf32, #tpu.memory_space<hbm>> -> memref<10000x128xf32, #tpu.memory_space<hbm>>
        tpu.enqueue_indirect_dma source(%dma_start3A_305 : memref<10000x128xf32, #tpu.memory_space<hbm>>) target(%dma_start3A_299 : memref<128x128xf32, #tpu.memory_space<vmem>>) offsets(%dma_start3A_302 : memref<128xi32, #tpu.memory_space<vmem>>) semaphore(%arg10 : memref<!tpu.dma_semaphore, #tpu.memory_space<semaphore_mem>>)
      } else {
      }
      %mul3A_241 = arith.constant 2 : i32
      %mul3A_242 = arith.muli %while3A_205, %mul3A_241 : i32
      %add3A_243 = arith.constant 1 : i32
      %add3A_244 = arith.addi %mul3A_242, %add3A_243 : i32
      %dma_wait3A_245 = arith.constant 0 : i32
      %dma_wait3A_246 = arith.constant 1 : i32
      %dma_wait3A_247 = arith.constant 0 : i32
      %dma_wait3A_248 = arith.constant 0 : i32
      %dma_wait3A_249 = tpu.memref_slice %arg7[%dma_wait3A_246, %dma_wait3A_247, %dma_wait3A_248] : memref<2x128x128xf32, #tpu.memory_space<vmem>> -> memref<1x128x128xf32, #tpu.memory_space<vmem>>
      %dma_wait3A_250 = tpu.memref_squeeze %dma_wait3A_249 : memref<1x128x128xf32, #tpu.memory_space<vmem>> -> memref<128x128xf32, #tpu.memory_space<vmem>>
      %dma_wait3A_251 = arith.constant 0 : i32
      %dma_wait3A_252 = tpu.memref_slice %arg6[%add3A_244, %dma_wait3A_245, %dma_wait3A_251] : memref<62x2x128xi32, #tpu.memory_space<vmem>> -> memref<1x1x128xi32, #tpu.memory_space<vmem>>
      %dma_wait3A_253 = tpu.memref_squeeze %dma_wait3A_252 : memref<1x1x128xi32, #tpu.memory_space<vmem>> -> memref<128xi32, #tpu.memory_space<vmem>>
      %dma_wait3A_254 = arith.constant 0 : i32
      %dma_wait3A_255 = arith.constant 0 : i32
      %dma_wait3A_256 = tpu.memref_slice %arg3[%dma_wait3A_254, %dma_wait3A_255] : memref<10000x128xf32, #tpu.memory_space<hbm>> -> memref<10000x128xf32, #tpu.memory_space<hbm>>
      tpu.wait_indirect_dma semaphore(%arg10 : memref<!tpu.dma_semaphore, #tpu.memory_space<semaphore_mem>>) src(%dma_wait3A_256 : memref<10000x128xf32, #tpu.memory_space<hbm>>) dst(%dma_wait3A_250 : memref<128x128xf32, #tpu.memory_space<vmem>>)
      %dma_start3A_257 = arith.constant 1 : i32
      %dma_start3A_258 = arith.constant 1 : i32
      %dma_start3A_259 = arith.constant 0 : i32
      %dma_start3A_260 = arith.constant 0 : i32
      %dma_start3A_261 = tpu.memref_slice %arg7[%dma_start3A_257, %dma_start3A_259, %dma_start3A_260] : memref<2x128x128xf32, #tpu.memory_space<vmem>> -> memref<1x128x128xf32, #tpu.memory_space<vmem>>
      %dma_start3A_262 = tpu.memref_squeeze %dma_start3A_261 : memref<1x128x128xf32, #tpu.memory_space<vmem>> -> memref<128x128xf32, #tpu.memory_space<vmem>>
      %dma_start3A_263 = arith.constant 0 : i32
      %dma_start3A_264 = tpu.memref_slice %arg6[%add3A_244, %dma_start3A_258, %dma_start3A_263] : memref<62x2x128xi32, #tpu.memory_space<vmem>> -> memref<1x1x128xi32, #tpu.memory_space<vmem>>
      %dma_start3A_265 = tpu.memref_squeeze %dma_start3A_264 : memref<1x1x128xi32, #tpu.memory_space<vmem>> -> memref<128xi32, #tpu.memory_space<vmem>>
      %dma_start3A_266 = arith.constant 0 : i32
      %dma_start3A_267 = arith.constant 0 : i32
      %dma_start3A_268 = tpu.memref_slice %arg8[%dma_start3A_266, %dma_start3A_267] : memref<10240x128xf32, #tpu.memory_space<vmem_shared>> -> memref<10240x128xf32, #tpu.memory_space<vmem_shared>>
      tpu.enqueue_indirect_dma source(%dma_start3A_262 : memref<128x128xf32, #tpu.memory_space<vmem>>) target(%dma_start3A_268 : memref<10240x128xf32, #tpu.memory_space<vmem_shared>>) offsets(%dma_start3A_265 : memref<128xi32, #tpu.memory_space<vmem>>) semaphore(%arg12 : memref<!tpu.dma_semaphore, #tpu.memory_space<semaphore_mem>>) {add = true}
      %add3A_269 = arith.constant 2 : i32
      %add3A_270 = arith.addi %add3A_244, %add3A_269 : i32
      %sub3A_271 = arith.constant 1 : i32
      %sub3A_272 = arith.subi %add3A_270, %sub3A_271 : i32
      %ge3A_273 = arith.constant 1 : i32
      %ge3A_274 = arith.cmpi sge, %add3A_244, %ge3A_273 : i32
      %lt3A_275 = arith.cmpi slt, %sub3A_272, %select_n3A_20 : i32
      %and3A_276 = arith.andi %ge3A_274, %lt3A_275 : i1
      %convert_element_type3A_277 = arith.extui %and3A_276 : i1 to i32
      %cond3A_278 = arith.constant 0 : i32
      %cond3A_279 = arith.cmpi ne, %convert_element_type3A_277, %cond3A_278 : i32
      scf.if %cond3A_279 {
        %sub3A_280 = arith.constant 1 : i32
        %sub3A_281 = arith.subi %add3A_244, %sub3A_280 : i32
        %dma_wait3A_282 = arith.constant 0 : i32
        %dma_wait3A_283 = arith.constant 1 : i32
        %dma_wait3A_284 = arith.constant 0 : i32
        %dma_wait3A_285 = arith.constant 0 : i32
        %dma_wait3A_286 = tpu.memref_slice %arg7[%dma_wait3A_282, %dma_wait3A_284, %dma_wait3A_285] : memref<2x128x128xf32, #tpu.memory_space<vmem>> -> memref<1x128x128xf32, #tpu.memory_space<vmem>>
        %dma_wait3A_287 = tpu.memref_squeeze %dma_wait3A_286 : memref<1x128x128xf32, #tpu.memory_space<vmem>> -> memref<128x128xf32, #tpu.memory_space<vmem>>
        %dma_wait3A_288 = arith.constant 0 : i32
        %dma_wait3A_289 = tpu.memref_slice %arg6[%sub3A_281, %dma_wait3A_283, %dma_wait3A_288] : memref<62x2x128xi32, #tpu.memory_space<vmem>> -> memref<1x1x128xi32, #tpu.memory_space<vmem>>
        %dma_wait3A_290 = tpu.memref_squeeze %dma_wait3A_289 : memref<1x1x128xi32, #tpu.memory_space<vmem>> -> memref<128xi32, #tpu.memory_space<vmem>>
        %dma_wait3A_291 = arith.constant 0 : i32
        %dma_wait3A_292 = arith.constant 0 : i32
        %dma_wait3A_293 = tpu.memref_slice %arg8[%dma_wait3A_291, %dma_wait3A_292] : memref<10240x128xf32, #tpu.memory_space<vmem_shared>> -> memref<10240x128xf32, #tpu.memory_space<vmem_shared>>
        tpu.wait_indirect_dma semaphore(%arg11 : memref<!tpu.dma_semaphore, #tpu.memory_space<semaphore_mem>>) src(%dma_wait3A_287 : memref<128x128xf32, #tpu.memory_space<vmem>>) dst(%dma_wait3A_293 : memref<10240x128xf32, #tpu.memory_space<vmem_shared>>)
        %dma_start3A_294 = arith.constant 0 : i32
        %dma_start3A_295 = arith.constant 0 : i32
        %dma_start3A_296 = arith.constant 0 : i32
        %dma_start3A_297 = arith.constant 0 : i32
        %dma_start3A_298 = tpu.memref_slice %arg7[%dma_start3A_295, %dma_start3A_296, %dma_start3A_297] : memref<2x128x128xf32, #tpu.memory_space<vmem>> -> memref<1x128x128xf32, #tpu.memory_space<vmem>>
        %dma_start3A_299 = tpu.memref_squeeze %dma_start3A_298 : memref<1x128x128xf32, #tpu.memory_space<vmem>> -> memref<128x128xf32, #tpu.memory_space<vmem>>
        %dma_start3A_300 = arith.constant 0 : i32
        %dma_start3A_301 = tpu.memref_slice %arg6[%sub3A_272, %dma_start3A_294, %dma_start3A_300] : memref<62x2x128xi32, #tpu.memory_space<vmem>> -> memref<1x1x128xi32, #tpu.memory_space<vmem>>
        %dma_start3A_302 = tpu.memref_squeeze %dma_start3A_301 : memref<1x1x128xi32, #tpu.memory_space<vmem>> -> memref<128xi32, #tpu.memory_space<vmem>>
        %dma_start3A_303 = arith.constant 0 : i32
        %dma_start3A_304 = arith.constant 0 : i32
        %dma_start3A_305 = tpu.memref_slice %arg3[%dma_start3A_303, %dma_start3A_304] : memref<10000x128xf32, #tpu.memory_space<hbm>> -> memref<10000x128xf32, #tpu.memory_space<hbm>>
        tpu.enqueue_indirect_dma source(%dma_start3A_305 : memref<10000x128xf32, #tpu.memory_space<hbm>>) target(%dma_start3A_299 : memref<128x128xf32, #tpu.memory_space<vmem>>) offsets(%dma_start3A_302 : memref<128xi32, #tpu.memory_space<vmem>>) semaphore(%arg9 : memref<!tpu.dma_semaphore, #tpu.memory_space<semaphore_mem>>)
      } else {
      }
    }
    %dma_wait3A = arith.constant 0 : i32
    %dma_wait3A_90 = arith.constant 0 : i32
    %dma_wait3A_91 = arith.constant 1 : i32
    %dma_wait3A_92 = arith.constant 0 : i32
    %dma_wait3A_93 = arith.constant 0 : i32
    %dma_wait3A_94 = tpu.memref_slice %arg7[%dma_wait3A, %dma_wait3A_92, %dma_wait3A_93] : memref<2x128x128xf32, #tpu.memory_space<vmem>> -> memref<1x128x128xf32, #tpu.memory_space<vmem>>
    %dma_wait3A_95 = tpu.memref_squeeze %dma_wait3A_94 : memref<1x128x128xf32, #tpu.memory_space<vmem>> -> memref<128x128xf32, #tpu.memory_space<vmem>>
    %dma_wait3A_96 = arith.constant 0 : i32
    %dma_wait3A_97 = tpu.memref_slice %arg6[%dma_wait3A_90, %dma_wait3A_91, %dma_wait3A_96] : memref<62x2x128xi32, #tpu.memory_space<vmem>> -> memref<1x1x128xi32, #tpu.memory_space<vmem>>
    %dma_wait3A_98 = tpu.memref_squeeze %dma_wait3A_97 : memref<1x1x128xi32, #tpu.memory_space<vmem>> -> memref<128xi32, #tpu.memory_space<vmem>>
    %dma_wait3A_99 = arith.constant 0 : i32
    %dma_wait3A_100 = arith.constant 0 : i32
    %dma_wait3A_101 = tpu.memref_slice %arg8[%dma_wait3A_99, %dma_wait3A_100] : memref<10240x128xf32, #tpu.memory_space<vmem_shared>> -> memref<10240x128xf32, #tpu.memory_space<vmem_shared>>
    tpu.wait_indirect_dma semaphore(%arg11 : memref<!tpu.dma_semaphore, #tpu.memory_space<semaphore_mem>>) src(%dma_wait3A_95 : memref<128x128xf32, #tpu.memory_space<vmem>>) dst(%dma_wait3A_101 : memref<10240x128xf32, #tpu.memory_space<vmem_shared>>)
    %dma_wait3A_102 = arith.constant 1 : i32
    %dma_wait3A_103 = arith.constant 0 : i32
    %dma_wait3A_104 = arith.constant 1 : i32
    %dma_wait3A_105 = arith.constant 0 : i32
    %dma_wait3A_106 = arith.constant 0 : i32
    %dma_wait3A_107 = tpu.memref_slice %arg7[%dma_wait3A_102, %dma_wait3A_105, %dma_wait3A_106] : memref<2x128x128xf32, #tpu.memory_space<vmem>> -> memref<1x128x128xf32, #tpu.memory_space<vmem>>
    %dma_wait3A_108 = tpu.memref_squeeze %dma_wait3A_107 : memref<1x128x128xf32, #tpu.memory_space<vmem>> -> memref<128x128xf32, #tpu.memory_space<vmem>>
    %dma_wait3A_109 = arith.constant 0 : i32
    %dma_wait3A_110 = tpu.memref_slice %arg6[%dma_wait3A_103, %dma_wait3A_104, %dma_wait3A_109] : memref<62x2x128xi32, #tpu.memory_space<vmem>> -> memref<1x1x128xi32, #tpu.memory_space<vmem>>
    %dma_wait3A_111 = tpu.memref_squeeze %dma_wait3A_110 : memref<1x1x128xi32, #tpu.memory_space<vmem>> -> memref<128xi32, #tpu.memory_space<vmem>>
    %dma_wait3A_112 = arith.constant 0 : i32
    %dma_wait3A_113 = arith.constant 0 : i32
    %dma_wait3A_114 = tpu.memref_slice %arg8[%dma_wait3A_112, %dma_wait3A_113] : memref<10240x128xf32, #tpu.memory_space<vmem_shared>> -> memref<10240x128xf32, #tpu.memory_space<vmem_shared>>
    tpu.wait_indirect_dma semaphore(%arg12 : memref<!tpu.dma_semaphore, #tpu.memory_space<semaphore_mem>>) src(%dma_wait3A_108 : memref<128x128xf32, #tpu.memory_space<vmem>>) dst(%dma_wait3A_114 : memref<10240x128xf32, #tpu.memory_space<vmem_shared>>)
    %mul3A_115 = arith.constant 1 : i32
    %mul3A_116 = arith.muli %mul3A_115, %select_n3A_20 : i32
    %add3A_117 = arith.addi %select_n3A_28, %mul3A_116 : i32
    "tpu.region"() ({
      %run_scoped3A = tpu.sem_alloc : memref<!tpu.dma_semaphore, #tpu.memory_space<semaphore_mem>>
      %dma_start3A_205 = arith.constant 0 : i32
      %dma_start3A_206 = arith.constant 0 : i32
      %dma_start3A_207 = tpu.memref_slice %arg2[%add3A_117, %dma_start3A_205, %dma_start3A_206] : memref<2622x2x128xi32, #tpu.memory_space<hbm>> -> memref<62x2x128xi32, #tpu.memory_space<hbm>>
      %dma_start3A_208 = arith.constant 0 : i32
      %dma_start3A_209 = arith.constant 0 : i32
      %dma_start3A_210 = tpu.memref_slice %arg2[%add3A_117, %dma_start3A_208, %dma_start3A_209] : memref<2622x2x128xi32, #tpu.memory_space<hbm>> -> memref<62x2x128xi32, #tpu.memory_space<hbm>>
      tpu.enqueue_dma source(%dma_start3A_210 : memref<62x2x128xi32, #tpu.memory_space<hbm>>) target(%arg6 : memref<62x2x128xi32, #tpu.memory_space<vmem>>) target_semaphore(%run_scoped3A : memref<!tpu.dma_semaphore, #tpu.memory_space<semaphore_mem>>)
      %dma_wait3A_211 = arith.constant 0 : i32
      %dma_wait3A_212 = arith.constant 0 : i32
      %dma_wait3A_213 = tpu.memref_slice %arg2[%add3A_117, %dma_wait3A_211, %dma_wait3A_212] : memref<2622x2x128xi32, #tpu.memory_space<hbm>> -> memref<62x2x128xi32, #tpu.memory_space<hbm>>
      %dma_wait3A_214 = arith.constant 0 : i32
      %dma_wait3A_215 = arith.constant 0 : i32
      %dma_wait3A_216 = tpu.memref_slice %arg2[%add3A_117, %dma_wait3A_214, %dma_wait3A_215] : memref<2622x2x128xi32, #tpu.memory_space<hbm>> -> memref<62x2x128xi32, #tpu.memory_space<hbm>>
      tpu.wait_dma2 semaphore(%run_scoped3A : memref<!tpu.dma_semaphore, #tpu.memory_space<semaphore_mem>>) src(%dma_wait3A_216 : memref<62x2x128xi32, #tpu.memory_space<hbm>>) dst(%arg6 : memref<62x2x128xi32, #tpu.memory_space<vmem>>)
      tpu.yield
    }) : () -> ()
    %dma_start3A_118 = arith.constant 0 : i32
    %dma_start3A_119 = arith.constant 0 : i32
    %dma_start3A_120 = arith.constant 0 : i32
    %dma_start3A_121 = arith.constant 0 : i32
    %dma_start3A_122 = arith.constant 0 : i32
    %dma_start3A_123 = tpu.memref_slice %arg7[%dma_start3A_120, %dma_start3A_121, %dma_start3A_122] : memref<2x128x128xf32, #tpu.memory_space<vmem>> -> memref<1x128x128xf32, #tpu.memory_space<vmem>>
    %dma_start3A_124 = tpu.memref_squeeze %dma_start3A_123 : memref<1x128x128xf32, #tpu.memory_space<vmem>> -> memref<128x128xf32, #tpu.memory_space<vmem>>
    %dma_start3A_125 = arith.constant 0 : i32
    %dma_start3A_126 = tpu.memref_slice %arg6[%dma_start3A_118, %dma_start3A_119, %dma_start3A_125] : memref<62x2x128xi32, #tpu.memory_space<vmem>> -> memref<1x1x128xi32, #tpu.memory_space<vmem>>
    %dma_start3A_127 = tpu.memref_squeeze %dma_start3A_126 : memref<1x1x128xi32, #tpu.memory_space<vmem>> -> memref<128xi32, #tpu.memory_space<vmem>>
    %dma_start3A_128 = arith.constant 0 : i32
    %dma_start3A_129 = arith.constant 0 : i32
    %dma_start3A_130 = tpu.memref_slice %arg3[%dma_start3A_128, %dma_start3A_129] : memref<10000x128xf32, #tpu.memory_space<hbm>> -> memref<10000x128xf32, #tpu.memory_space<hbm>>
    tpu.enqueue_indirect_dma source(%dma_start3A_130 : memref<10000x128xf32, #tpu.memory_space<hbm>>) target(%dma_start3A_124 : memref<128x128xf32, #tpu.memory_space<vmem>>) offsets(%dma_start3A_127 : memref<128xi32, #tpu.memory_space<vmem>>) semaphore(%arg9 : memref<!tpu.dma_semaphore, #tpu.memory_space<semaphore_mem>>)
    %dma_start3A_131 = arith.constant 1 : i32
    %dma_start3A_132 = arith.constant 0 : i32
    %dma_start3A_133 = arith.constant 1 : i32
    %dma_start3A_134 = arith.constant 0 : i32
    %dma_start3A_135 = arith.constant 0 : i32
    %dma_start3A_136 = tpu.memref_slice %arg7[%dma_start3A_133, %dma_start3A_134, %dma_start3A_135] : memref<2x128x128xf32, #tpu.memory_space<vmem>> -> memref<1x128x128xf32, #tpu.memory_space<vmem>>
    %dma_start3A_137 = tpu.memref_squeeze %dma_start3A_136 : memref<1x128x128xf32, #tpu.memory_space<vmem>> -> memref<128x128xf32, #tpu.memory_space<vmem>>
    %dma_start3A_138 = arith.constant 0 : i32
    %dma_start3A_139 = tpu.memref_slice %arg6[%dma_start3A_131, %dma_start3A_132, %dma_start3A_138] : memref<62x2x128xi32, #tpu.memory_space<vmem>> -> memref<1x1x128xi32, #tpu.memory_space<vmem>>
    %dma_start3A_140 = tpu.memref_squeeze %dma_start3A_139 : memref<1x1x128xi32, #tpu.memory_space<vmem>> -> memref<128xi32, #tpu.memory_space<vmem>>
    %dma_start3A_141 = arith.constant 0 : i32
    %dma_start3A_142 = arith.constant 0 : i32
    %dma_start3A_143 = tpu.memref_slice %arg3[%dma_start3A_141, %dma_start3A_142] : memref<10000x128xf32, #tpu.memory_space<hbm>> -> memref<10000x128xf32, #tpu.memory_space<hbm>>
    tpu.enqueue_indirect_dma source(%dma_start3A_143 : memref<10000x128xf32, #tpu.memory_space<hbm>>) target(%dma_start3A_137 : memref<128x128xf32, #tpu.memory_space<vmem>>) offsets(%dma_start3A_140 : memref<128xi32, #tpu.memory_space<vmem>>) semaphore(%arg10 : memref<!tpu.dma_semaphore, #tpu.memory_space<semaphore_mem>>)
    %jit3A_144 = arith.constant 2 : i32
    %div3A_145 = arith.divsi %select_n3A_20, %jit3A_144 : i32
    %sign3A_146 = arith.constant 0 : i32
    %sign3A_147 = arith.cmpi sgt, %select_n3A_20, %sign3A_146 : i32
    %sign3A_148 = arith.extui %sign3A_147 : i1 to i32
    %sign3A_149 = arith.constant 0 : i32
    %sign3A_150 = arith.cmpi slt, %select_n3A_20, %sign3A_149 : i32
    %sign3A_151 = arith.extui %sign3A_150 : i1 to i32
    %sign3A_152 = arith.subi %sign3A_148, %sign3A_151 : i32
    %sign3A_153 = arith.constant 0 : i32
    %sign3A_154 = arith.cmpi sgt, %jit3A_144, %sign3A_153 : i32
    %sign3A_155 = arith.extui %sign3A_154 : i1 to i32
    %sign3A_156 = arith.constant 0 : i32
    %sign3A_157 = arith.cmpi slt, %jit3A_144, %sign3A_156 : i32
    %sign3A_158 = arith.extui %sign3A_157 : i1 to i32
    %sign3A_159 = arith.subi %sign3A_155, %sign3A_158 : i32
    %ne3A_160 = arith.cmpi ne, %sign3A_152, %sign3A_159 : i32
    %rem3A_161 = arith.remsi %select_n3A_20, %jit3A_144 : i32
    %ne3A_162 = arith.constant 0 : i32
    %ne3A_163 = arith.cmpi ne, %rem3A_161, %ne3A_162 : i32
    %and3A_164 = arith.andi %ne3A_160, %ne3A_163 : i1
    %sub3A_165 = arith.constant 1 : i32
    %sub3A_166 = arith.subi %div3A_145, %sub3A_165 : i32
    %select_n3A_167 = arith.select %and3A_164, %sub3A_166, %div3A_145 : i32
    %while3A_168 = arith.constant 0 : i32
    %while3A_169 = arith.constant 0 : i32
    %while3A_170 = arith.subi %select_n3A_167, %while3A_169 : i32
    %while3A_171 = arith.addi %while3A_169, %while3A_170 : i32
    %while3A_172 = arith.constant 1 : i32
    %while3A_173 = arith.divsi %while3A_170, %while3A_172 : i32
    %while3A_174 = arith.muli %while3A_173, %while3A_172 : i32
    %while3A_175 = arith.addi %while3A_169, %while3A_174 : i32
    %while3A_176 = arith.constant 1 : i32
    scf.for %while3A_205 = %while3A_169 to %while3A_175 step %while3A_176  : i32 {
      %mul3A_206 = arith.constant 2 : i32
      %mul3A_207 = arith.muli %while3A_205, %mul3A_206 : i32
      %add3A_208 = arith.constant 0 : i32
      %add3A_209 = arith.addi %mul3A_207, %add3A_208 : i32
      %dma_wait3A_210 = arith.constant 0 : i32
      %dma_wait3A_211 = arith.constant 0 : i32
      %dma_wait3A_212 = arith.constant 0 : i32
      %dma_wait3A_213 = arith.constant 0 : i32
      %dma_wait3A_214 = tpu.memref_slice %arg7[%dma_wait3A_211, %dma_wait3A_212, %dma_wait3A_213] : memref<2x128x128xf32, #tpu.memory_space<vmem>> -> memref<1x128x128xf32, #tpu.memory_space<vmem>>
      %dma_wait3A_215 = tpu.memref_squeeze %dma_wait3A_214 : memref<1x128x128xf32, #tpu.memory_space<vmem>> -> memref<128x128xf32, #tpu.memory_space<vmem>>
      %dma_wait3A_216 = arith.constant 0 : i32
      %dma_wait3A_217 = tpu.memref_slice %arg6[%add3A_209, %dma_wait3A_210, %dma_wait3A_216] : memref<62x2x128xi32, #tpu.memory_space<vmem>> -> memref<1x1x128xi32, #tpu.memory_space<vmem>>
      %dma_wait3A_218 = tpu.memref_squeeze %dma_wait3A_217 : memref<1x1x128xi32, #tpu.memory_space<vmem>> -> memref<128xi32, #tpu.memory_space<vmem>>
      %dma_wait3A_219 = arith.constant 0 : i32
      %dma_wait3A_220 = arith.constant 0 : i32
      %dma_wait3A_221 = tpu.memref_slice %arg3[%dma_wait3A_219, %dma_wait3A_220] : memref<10000x128xf32, #tpu.memory_space<hbm>> -> memref<10000x128xf32, #tpu.memory_space<hbm>>
      tpu.wait_indirect_dma semaphore(%arg9 : memref<!tpu.dma_semaphore, #tpu.memory_space<semaphore_mem>>) src(%dma_wait3A_221 : memref<10000x128xf32, #tpu.memory_space<hbm>>) dst(%dma_wait3A_215 : memref<128x128xf32, #tpu.memory_space<vmem>>)
      %dma_start3A_222 = arith.constant 0 : i32
      %dma_start3A_223 = arith.constant 1 : i32
      %dma_start3A_224 = arith.constant 0 : i32
      %dma_start3A_225 = arith.constant 0 : i32
      %dma_start3A_226 = tpu.memref_slice %arg7[%dma_start3A_222, %dma_start3A_224, %dma_start3A_225] : memref<2x128x128xf32, #tpu.memory_space<vmem>> -> memref<1x128x128xf32, #tpu.memory_space<vmem>>
      %dma_start3A_227 = tpu.memref_squeeze %dma_start3A_226 : memref<1x128x128xf32, #tpu.memory_space<vmem>> -> memref<128x128xf32, #tpu.memory_space<vmem>>
      %dma_start3A_228 = arith.constant 0 : i32
      %dma_start3A_229 = tpu.memref_slice %arg6[%add3A_209, %dma_start3A_223, %dma_start3A_228] : memref<62x2x128xi32, #tpu.memory_space<vmem>> -> memref<1x1x128xi32, #tpu.memory_space<vmem>>
      %dma_start3A_230 = tpu.memref_squeeze %dma_start3A_229 : memref<1x1x128xi32, #tpu.memory_space<vmem>> -> memref<128xi32, #tpu.memory_space<vmem>>
      %dma_start3A_231 = arith.constant 0 : i32
      %dma_start3A_232 = arith.constant 0 : i32
      %dma_start3A_233 = tpu.memref_slice %arg8[%dma_start3A_231, %dma_start3A_232] : memref<10240x128xf32, #tpu.memory_space<vmem_shared>> -> memref<10240x128xf32, #tpu.memory_space<vmem_shared>>
      tpu.enqueue_indirect_dma source(%dma_start3A_227 : memref<128x128xf32, #tpu.memory_space<vmem>>) target(%dma_start3A_233 : memref<10240x128xf32, #tpu.memory_space<vmem_shared>>) offsets(%dma_start3A_230 : memref<128xi32, #tpu.memory_space<vmem>>) semaphore(%arg11 : memref<!tpu.dma_semaphore, #tpu.memory_space<semaphore_mem>>) {add = true}
      %add3A_234 = arith.constant 2 : i32
      %add3A_235 = arith.addi %add3A_209, %add3A_234 : i32
      %sub3A_236 = arith.constant 1 : i32
      %sub3A_237 = arith.subi %add3A_235, %sub3A_236 : i32
      %ge3A = arith.constant 1 : i32
      %ge3A_238 = arith.cmpi sge, %add3A_209, %ge3A : i32
      %lt3A = arith.cmpi slt, %sub3A_237, %select_n3A_20 : i32
      %and3A_239 = arith.andi %ge3A_238, %lt3A : i1
      %convert_element_type3A = arith.extui %and3A_239 : i1 to i32
      %cond3A = arith.constant 0 : i32
      %cond3A_240 = arith.cmpi ne, %convert_element_type3A, %cond3A : i32
      scf.if %cond3A_240 {
        %sub3A_280 = arith.constant 1 : i32
        %sub3A_281 = arith.subi %add3A_209, %sub3A_280 : i32
        %dma_wait3A_282 = arith.constant 1 : i32
        %dma_wait3A_283 = arith.constant 1 : i32
        %dma_wait3A_284 = arith.constant 0 : i32
        %dma_wait3A_285 = arith.constant 0 : i32
        %dma_wait3A_286 = tpu.memref_slice %arg7[%dma_wait3A_282, %dma_wait3A_284, %dma_wait3A_285] : memref<2x128x128xf32, #tpu.memory_space<vmem>> -> memref<1x128x128xf32, #tpu.memory_space<vmem>>
        %dma_wait3A_287 = tpu.memref_squeeze %dma_wait3A_286 : memref<1x128x128xf32, #tpu.memory_space<vmem>> -> memref<128x128xf32, #tpu.memory_space<vmem>>
        %dma_wait3A_288 = arith.constant 0 : i32
        %dma_wait3A_289 = tpu.memref_slice %arg6[%sub3A_281, %dma_wait3A_283, %dma_wait3A_288] : memref<62x2x128xi32, #tpu.memory_space<vmem>> -> memref<1x1x128xi32, #tpu.memory_space<vmem>>
        %dma_wait3A_290 = tpu.memref_squeeze %dma_wait3A_289 : memref<1x1x128xi32, #tpu.memory_space<vmem>> -> memref<128xi32, #tpu.memory_space<vmem>>
        %dma_wait3A_291 = arith.constant 0 : i32
        %dma_wait3A_292 = arith.constant 0 : i32
        %dma_wait3A_293 = tpu.memref_slice %arg8[%dma_wait3A_291, %dma_wait3A_292] : memref<10240x128xf32, #tpu.memory_space<vmem_shared>> -> memref<10240x128xf32, #tpu.memory_space<vmem_shared>>
        tpu.wait_indirect_dma semaphore(%arg12 : memref<!tpu.dma_semaphore, #tpu.memory_space<semaphore_mem>>) src(%dma_wait3A_287 : memref<128x128xf32, #tpu.memory_space<vmem>>) dst(%dma_wait3A_293 : memref<10240x128xf32, #tpu.memory_space<vmem_shared>>)
        %dma_start3A_294 = arith.constant 0 : i32
        %dma_start3A_295 = arith.constant 1 : i32
        %dma_start3A_296 = arith.constant 0 : i32
        %dma_start3A_297 = arith.constant 0 : i32
        %dma_start3A_298 = tpu.memref_slice %arg7[%dma_start3A_295, %dma_start3A_296, %dma_start3A_297] : memref<2x128x128xf32, #tpu.memory_space<vmem>> -> memref<1x128x128xf32, #tpu.memory_space<vmem>>
        %dma_start3A_299 = tpu.memref_squeeze %dma_start3A_298 : memref<1x128x128xf32, #tpu.memory_space<vmem>> -> memref<128x128xf32, #tpu.memory_space<vmem>>
        %dma_start3A_300 = arith.constant 0 : i32
        %dma_start3A_301 = tpu.memref_slice %arg6[%sub3A_237, %dma_start3A_294, %dma_start3A_300] : memref<62x2x128xi32, #tpu.memory_space<vmem>> -> memref<1x1x128xi32, #tpu.memory_space<vmem>>
        %dma_start3A_302 = tpu.memref_squeeze %dma_start3A_301 : memref<1x1x128xi32, #tpu.memory_space<vmem>> -> memref<128xi32, #tpu.memory_space<vmem>>
        %dma_start3A_303 = arith.constant 0 : i32
        %dma_start3A_304 = arith.constant 0 : i32
        %dma_start3A_305 = tpu.memref_slice %arg3[%dma_start3A_303, %dma_start3A_304] : memref<10000x128xf32, #tpu.memory_space<hbm>> -> memref<10000x128xf32, #tpu.memory_space<hbm>>
        tpu.enqueue_indirect_dma source(%dma_start3A_305 : memref<10000x128xf32, #tpu.memory_space<hbm>>) target(%dma_start3A_299 : memref<128x128xf32, #tpu.memory_space<vmem>>) offsets(%dma_start3A_302 : memref<128xi32, #tpu.memory_space<vmem>>) semaphore(%arg10 : memref<!tpu.dma_semaphore, #tpu.memory_space<semaphore_mem>>)
      } else {
      }
      %mul3A_241 = arith.constant 2 : i32
      %mul3A_242 = arith.muli %while3A_205, %mul3A_241 : i32
      %add3A_243 = arith.constant 1 : i32
      %add3A_244 = arith.addi %mul3A_242, %add3A_243 : i32
      %dma_wait3A_245 = arith.constant 0 : i32
      %dma_wait3A_246 = arith.constant 1 : i32
      %dma_wait3A_247 = arith.constant 0 : i32
      %dma_wait3A_248 = arith.constant 0 : i32
      %dma_wait3A_249 = tpu.memref_slice %arg7[%dma_wait3A_246, %dma_wait3A_247, %dma_wait3A_248] : memref<2x128x128xf32, #tpu.memory_space<vmem>> -> memref<1x128x128xf32, #tpu.memory_space<vmem>>
      %dma_wait3A_250 = tpu.memref_squeeze %dma_wait3A_249 : memref<1x128x128xf32, #tpu.memory_space<vmem>> -> memref<128x128xf32, #tpu.memory_space<vmem>>
      %dma_wait3A_251 = arith.constant 0 : i32
      %dma_wait3A_252 = tpu.memref_slice %arg6[%add3A_244, %dma_wait3A_245, %dma_wait3A_251] : memref<62x2x128xi32, #tpu.memory_space<vmem>> -> memref<1x1x128xi32, #tpu.memory_space<vmem>>
      %dma_wait3A_253 = tpu.memref_squeeze %dma_wait3A_252 : memref<1x1x128xi32, #tpu.memory_space<vmem>> -> memref<128xi32, #tpu.memory_space<vmem>>
      %dma_wait3A_254 = arith.constant 0 : i32
      %dma_wait3A_255 = arith.constant 0 : i32
      %dma_wait3A_256 = tpu.memref_slice %arg3[%dma_wait3A_254, %dma_wait3A_255] : memref<10000x128xf32, #tpu.memory_space<hbm>> -> memref<10000x128xf32, #tpu.memory_space<hbm>>
      tpu.wait_indirect_dma semaphore(%arg10 : memref<!tpu.dma_semaphore, #tpu.memory_space<semaphore_mem>>) src(%dma_wait3A_256 : memref<10000x128xf32, #tpu.memory_space<hbm>>) dst(%dma_wait3A_250 : memref<128x128xf32, #tpu.memory_space<vmem>>)
      %dma_start3A_257 = arith.constant 1 : i32
      %dma_start3A_258 = arith.constant 1 : i32
      %dma_start3A_259 = arith.constant 0 : i32
      %dma_start3A_260 = arith.constant 0 : i32
      %dma_start3A_261 = tpu.memref_slice %arg7[%dma_start3A_257, %dma_start3A_259, %dma_start3A_260] : memref<2x128x128xf32, #tpu.memory_space<vmem>> -> memref<1x128x128xf32, #tpu.memory_space<vmem>>
      %dma_start3A_262 = tpu.memref_squeeze %dma_start3A_261 : memref<1x128x128xf32, #tpu.memory_space<vmem>> -> memref<128x128xf32, #tpu.memory_space<vmem>>
      %dma_start3A_263 = arith.constant 0 : i32
      %dma_start3A_264 = tpu.memref_slice %arg6[%add3A_244, %dma_start3A_258, %dma_start3A_263] : memref<62x2x128xi32, #tpu.memory_space<vmem>> -> memref<1x1x128xi32, #tpu.memory_space<vmem>>
      %dma_start3A_265 = tpu.memref_squeeze %dma_start3A_264 : memref<1x1x128xi32, #tpu.memory_space<vmem>> -> memref<128xi32, #tpu.memory_space<vmem>>
      %dma_start3A_266 = arith.constant 0 : i32
      %dma_start3A_267 = arith.constant 0 : i32
      %dma_start3A_268 = tpu.memref_slice %arg8[%dma_start3A_266, %dma_start3A_267] : memref<10240x128xf32, #tpu.memory_space<vmem_shared>> -> memref<10240x128xf32, #tpu.memory_space<vmem_shared>>
      tpu.enqueue_indirect_dma source(%dma_start3A_262 : memref<128x128xf32, #tpu.memory_space<vmem>>) target(%dma_start3A_268 : memref<10240x128xf32, #tpu.memory_space<vmem_shared>>) offsets(%dma_start3A_265 : memref<128xi32, #tpu.memory_space<vmem>>) semaphore(%arg12 : memref<!tpu.dma_semaphore, #tpu.memory_space<semaphore_mem>>) {add = true}
      %add3A_269 = arith.constant 2 : i32
      %add3A_270 = arith.addi %add3A_244, %add3A_269 : i32
      %sub3A_271 = arith.constant 1 : i32
      %sub3A_272 = arith.subi %add3A_270, %sub3A_271 : i32
      %ge3A_273 = arith.constant 1 : i32
      %ge3A_274 = arith.cmpi sge, %add3A_244, %ge3A_273 : i32
      %lt3A_275 = arith.cmpi slt, %sub3A_272, %select_n3A_20 : i32
      %and3A_276 = arith.andi %ge3A_274, %lt3A_275 : i1
      %convert_element_type3A_277 = arith.extui %and3A_276 : i1 to i32
      %cond3A_278 = arith.constant 0 : i32
      %cond3A_279 = arith.cmpi ne, %convert_element_type3A_277, %cond3A_278 : i32
      scf.if %cond3A_279 {
        %sub3A_280 = arith.constant 1 : i32
        %sub3A_281 = arith.subi %add3A_244, %sub3A_280 : i32
        %dma_wait3A_282 = arith.constant 0 : i32
        %dma_wait3A_283 = arith.constant 1 : i32
        %dma_wait3A_284 = arith.constant 0 : i32
        %dma_wait3A_285 = arith.constant 0 : i32
        %dma_wait3A_286 = tpu.memref_slice %arg7[%dma_wait3A_282, %dma_wait3A_284, %dma_wait3A_285] : memref<2x128x128xf32, #tpu.memory_space<vmem>> -> memref<1x128x128xf32, #tpu.memory_space<vmem>>
        %dma_wait3A_287 = tpu.memref_squeeze %dma_wait3A_286 : memref<1x128x128xf32, #tpu.memory_space<vmem>> -> memref<128x128xf32, #tpu.memory_space<vmem>>
        %dma_wait3A_288 = arith.constant 0 : i32
        %dma_wait3A_289 = tpu.memref_slice %arg6[%sub3A_281, %dma_wait3A_283, %dma_wait3A_288] : memref<62x2x128xi32, #tpu.memory_space<vmem>> -> memref<1x1x128xi32, #tpu.memory_space<vmem>>
        %dma_wait3A_290 = tpu.memref_squeeze %dma_wait3A_289 : memref<1x1x128xi32, #tpu.memory_space<vmem>> -> memref<128xi32, #tpu.memory_space<vmem>>
        %dma_wait3A_291 = arith.constant 0 : i32
        %dma_wait3A_292 = arith.constant 0 : i32
        %dma_wait3A_293 = tpu.memref_slice %arg8[%dma_wait3A_291, %dma_wait3A_292] : memref<10240x128xf32, #tpu.memory_space<vmem_shared>> -> memref<10240x128xf32, #tpu.memory_space<vmem_shared>>
        tpu.wait_indirect_dma semaphore(%arg11 : memref<!tpu.dma_semaphore, #tpu.memory_space<semaphore_mem>>) src(%dma_wait3A_287 : memref<128x128xf32, #tpu.memory_space<vmem>>) dst(%dma_wait3A_293 : memref<10240x128xf32, #tpu.memory_space<vmem_shared>>)
        %dma_start3A_294 = arith.constant 0 : i32
        %dma_start3A_295 = arith.constant 0 : i32
        %dma_start3A_296 = arith.constant 0 : i32
        %dma_start3A_297 = arith.constant 0 : i32
        %dma_start3A_298 = tpu.memref_slice %arg7[%dma_start3A_295, %dma_start3A_296, %dma_start3A_297] : memref<2x128x128xf32, #tpu.memory_space<vmem>> -> memref<1x128x128xf32, #tpu.memory_space<vmem>>
        %dma_start3A_299 = tpu.memref_squeeze %dma_start3A_298 : memref<1x128x128xf32, #tpu.memory_space<vmem>> -> memref<128x128xf32, #tpu.memory_space<vmem>>
        %dma_start3A_300 = arith.constant 0 : i32
        %dma_start3A_301 = tpu.memref_slice %arg6[%sub3A_272, %dma_start3A_294, %dma_start3A_300] : memref<62x2x128xi32, #tpu.memory_space<vmem>> -> memref<1x1x128xi32, #tpu.memory_space<vmem>>
        %dma_start3A_302 = tpu.memref_squeeze %dma_start3A_301 : memref<1x1x128xi32, #tpu.memory_space<vmem>> -> memref<128xi32, #tpu.memory_space<vmem>>
        %dma_start3A_303 = arith.constant 0 : i32
        %dma_start3A_304 = arith.constant 0 : i32
        %dma_start3A_305 = tpu.memref_slice %arg3[%dma_start3A_303, %dma_start3A_304] : memref<10000x128xf32, #tpu.memory_space<hbm>> -> memref<10000x128xf32, #tpu.memory_space<hbm>>
        tpu.enqueue_indirect_dma source(%dma_start3A_305 : memref<10000x128xf32, #tpu.memory_space<hbm>>) target(%dma_start3A_299 : memref<128x128xf32, #tpu.memory_space<vmem>>) offsets(%dma_start3A_302 : memref<128xi32, #tpu.memory_space<vmem>>) semaphore(%arg9 : memref<!tpu.dma_semaphore, #tpu.memory_space<semaphore_mem>>)
      } else {
      }
    }
    %while3A_177 = arith.constant 1 : i32
    scf.for %while3A_205 = %while3A_175 to %while3A_171 step %while3A_177  : i32 {
      %mul3A_206 = arith.constant 2 : i32
      %mul3A_207 = arith.muli %while3A_205, %mul3A_206 : i32
      %add3A_208 = arith.constant 0 : i32
      %add3A_209 = arith.addi %mul3A_207, %add3A_208 : i32
      %dma_wait3A_210 = arith.constant 0 : i32
      %dma_wait3A_211 = arith.constant 0 : i32
      %dma_wait3A_212 = arith.constant 0 : i32
      %dma_wait3A_213 = arith.constant 0 : i32
      %dma_wait3A_214 = tpu.memref_slice %arg7[%dma_wait3A_211, %dma_wait3A_212, %dma_wait3A_213] : memref<2x128x128xf32, #tpu.memory_space<vmem>> -> memref<1x128x128xf32, #tpu.memory_space<vmem>>
      %dma_wait3A_215 = tpu.memref_squeeze %dma_wait3A_214 : memref<1x128x128xf32, #tpu.memory_space<vmem>> -> memref<128x128xf32, #tpu.memory_space<vmem>>
      %dma_wait3A_216 = arith.constant 0 : i32
      %dma_wait3A_217 = tpu.memref_slice %arg6[%add3A_209, %dma_wait3A_210, %dma_wait3A_216] : memref<62x2x128xi32, #tpu.memory_space<vmem>> -> memref<1x1x128xi32, #tpu.memory_space<vmem>>
      %dma_wait3A_218 = tpu.memref_squeeze %dma_wait3A_217 : memref<1x1x128xi32, #tpu.memory_space<vmem>> -> memref<128xi32, #tpu.memory_space<vmem>>
      %dma_wait3A_219 = arith.constant 0 : i32
      %dma_wait3A_220 = arith.constant 0 : i32
      %dma_wait3A_221 = tpu.memref_slice %arg3[%dma_wait3A_219, %dma_wait3A_220] : memref<10000x128xf32, #tpu.memory_space<hbm>> -> memref<10000x128xf32, #tpu.memory_space<hbm>>
      tpu.wait_indirect_dma semaphore(%arg9 : memref<!tpu.dma_semaphore, #tpu.memory_space<semaphore_mem>>) src(%dma_wait3A_221 : memref<10000x128xf32, #tpu.memory_space<hbm>>) dst(%dma_wait3A_215 : memref<128x128xf32, #tpu.memory_space<vmem>>)
      %dma_start3A_222 = arith.constant 0 : i32
      %dma_start3A_223 = arith.constant 1 : i32
      %dma_start3A_224 = arith.constant 0 : i32
      %dma_start3A_225 = arith.constant 0 : i32
      %dma_start3A_226 = tpu.memref_slice %arg7[%dma_start3A_222, %dma_start3A_224, %dma_start3A_225] : memref<2x128x128xf32, #tpu.memory_space<vmem>> -> memref<1x128x128xf32, #tpu.memory_space<vmem>>
      %dma_start3A_227 = tpu.memref_squeeze %dma_start3A_226 : memref<1x128x128xf32, #tpu.memory_space<vmem>> -> memref<128x128xf32, #tpu.memory_space<vmem>>
      %dma_start3A_228 = arith.constant 0 : i32
      %dma_start3A_229 = tpu.memref_slice %arg6[%add3A_209, %dma_start3A_223, %dma_start3A_228] : memref<62x2x128xi32, #tpu.memory_space<vmem>> -> memref<1x1x128xi32, #tpu.memory_space<vmem>>
      %dma_start3A_230 = tpu.memref_squeeze %dma_start3A_229 : memref<1x1x128xi32, #tpu.memory_space<vmem>> -> memref<128xi32, #tpu.memory_space<vmem>>
      %dma_start3A_231 = arith.constant 0 : i32
      %dma_start3A_232 = arith.constant 0 : i32
      %dma_start3A_233 = tpu.memref_slice %arg8[%dma_start3A_231, %dma_start3A_232] : memref<10240x128xf32, #tpu.memory_space<vmem_shared>> -> memref<10240x128xf32, #tpu.memory_space<vmem_shared>>
      tpu.enqueue_indirect_dma source(%dma_start3A_227 : memref<128x128xf32, #tpu.memory_space<vmem>>) target(%dma_start3A_233 : memref<10240x128xf32, #tpu.memory_space<vmem_shared>>) offsets(%dma_start3A_230 : memref<128xi32, #tpu.memory_space<vmem>>) semaphore(%arg11 : memref<!tpu.dma_semaphore, #tpu.memory_space<semaphore_mem>>) {add = true}
      %add3A_234 = arith.constant 2 : i32
      %add3A_235 = arith.addi %add3A_209, %add3A_234 : i32
      %sub3A_236 = arith.constant 1 : i32
      %sub3A_237 = arith.subi %add3A_235, %sub3A_236 : i32
      %ge3A = arith.constant 1 : i32
      %ge3A_238 = arith.cmpi sge, %add3A_209, %ge3A : i32
      %lt3A = arith.cmpi slt, %sub3A_237, %select_n3A_20 : i32
      %and3A_239 = arith.andi %ge3A_238, %lt3A : i1
      %convert_element_type3A = arith.extui %and3A_239 : i1 to i32
      %cond3A = arith.constant 0 : i32
      %cond3A_240 = arith.cmpi ne, %convert_element_type3A, %cond3A : i32
      scf.if %cond3A_240 {
        %sub3A_280 = arith.constant 1 : i32
        %sub3A_281 = arith.subi %add3A_209, %sub3A_280 : i32
        %dma_wait3A_282 = arith.constant 1 : i32
        %dma_wait3A_283 = arith.constant 1 : i32
        %dma_wait3A_284 = arith.constant 0 : i32
        %dma_wait3A_285 = arith.constant 0 : i32
        %dma_wait3A_286 = tpu.memref_slice %arg7[%dma_wait3A_282, %dma_wait3A_284, %dma_wait3A_285] : memref<2x128x128xf32, #tpu.memory_space<vmem>> -> memref<1x128x128xf32, #tpu.memory_space<vmem>>
        %dma_wait3A_287 = tpu.memref_squeeze %dma_wait3A_286 : memref<1x128x128xf32, #tpu.memory_space<vmem>> -> memref<128x128xf32, #tpu.memory_space<vmem>>
        %dma_wait3A_288 = arith.constant 0 : i32
        %dma_wait3A_289 = tpu.memref_slice %arg6[%sub3A_281, %dma_wait3A_283, %dma_wait3A_288] : memref<62x2x128xi32, #tpu.memory_space<vmem>> -> memref<1x1x128xi32, #tpu.memory_space<vmem>>
        %dma_wait3A_290 = tpu.memref_squeeze %dma_wait3A_289 : memref<1x1x128xi32, #tpu.memory_space<vmem>> -> memref<128xi32, #tpu.memory_space<vmem>>
        %dma_wait3A_291 = arith.constant 0 : i32
        %dma_wait3A_292 = arith.constant 0 : i32
        %dma_wait3A_293 = tpu.memref_slice %arg8[%dma_wait3A_291, %dma_wait3A_292] : memref<10240x128xf32, #tpu.memory_space<vmem_shared>> -> memref<10240x128xf32, #tpu.memory_space<vmem_shared>>
        tpu.wait_indirect_dma semaphore(%arg12 : memref<!tpu.dma_semaphore, #tpu.memory_space<semaphore_mem>>) src(%dma_wait3A_287 : memref<128x128xf32, #tpu.memory_space<vmem>>) dst(%dma_wait3A_293 : memref<10240x128xf32, #tpu.memory_space<vmem_shared>>)
        %dma_start3A_294 = arith.constant 0 : i32
        %dma_start3A_295 = arith.constant 1 : i32
        %dma_start3A_296 = arith.constant 0 : i32
        %dma_start3A_297 = arith.constant 0 : i32
        %dma_start3A_298 = tpu.memref_slice %arg7[%dma_start3A_295, %dma_start3A_296, %dma_start3A_297] : memref<2x128x128xf32, #tpu.memory_space<vmem>> -> memref<1x128x128xf32, #tpu.memory_space<vmem>>
        %dma_start3A_299 = tpu.memref_squeeze %dma_start3A_298 : memref<1x128x128xf32, #tpu.memory_space<vmem>> -> memref<128x128xf32, #tpu.memory_space<vmem>>
        %dma_start3A_300 = arith.constant 0 : i32
        %dma_start3A_301 = tpu.memref_slice %arg6[%sub3A_237, %dma_start3A_294, %dma_start3A_300] : memref<62x2x128xi32, #tpu.memory_space<vmem>> -> memref<1x1x128xi32, #tpu.memory_space<vmem>>
        %dma_start3A_302 = tpu.memref_squeeze %dma_start3A_301 : memref<1x1x128xi32, #tpu.memory_space<vmem>> -> memref<128xi32, #tpu.memory_space<vmem>>
        %dma_start3A_303 = arith.constant 0 : i32
        %dma_start3A_304 = arith.constant 0 : i32
        %dma_start3A_305 = tpu.memref_slice %arg3[%dma_start3A_303, %dma_start3A_304] : memref<10000x128xf32, #tpu.memory_space<hbm>> -> memref<10000x128xf32, #tpu.memory_space<hbm>>
        tpu.enqueue_indirect_dma source(%dma_start3A_305 : memref<10000x128xf32, #tpu.memory_space<hbm>>) target(%dma_start3A_299 : memref<128x128xf32, #tpu.memory_space<vmem>>) offsets(%dma_start3A_302 : memref<128xi32, #tpu.memory_space<vmem>>) semaphore(%arg10 : memref<!tpu.dma_semaphore, #tpu.memory_space<semaphore_mem>>)
      } else {
      }
      %mul3A_241 = arith.constant 2 : i32
      %mul3A_242 = arith.muli %while3A_205, %mul3A_241 : i32
      %add3A_243 = arith.constant 1 : i32
      %add3A_244 = arith.addi %mul3A_242, %add3A_243 : i32
      %dma_wait3A_245 = arith.constant 0 : i32
      %dma_wait3A_246 = arith.constant 1 : i32
      %dma_wait3A_247 = arith.constant 0 : i32
      %dma_wait3A_248 = arith.constant 0 : i32
      %dma_wait3A_249 = tpu.memref_slice %arg7[%dma_wait3A_246, %dma_wait3A_247, %dma_wait3A_248] : memref<2x128x128xf32, #tpu.memory_space<vmem>> -> memref<1x128x128xf32, #tpu.memory_space<vmem>>
      %dma_wait3A_250 = tpu.memref_squeeze %dma_wait3A_249 : memref<1x128x128xf32, #tpu.memory_space<vmem>> -> memref<128x128xf32, #tpu.memory_space<vmem>>
      %dma_wait3A_251 = arith.constant 0 : i32
      %dma_wait3A_252 = tpu.memref_slice %arg6[%add3A_244, %dma_wait3A_245, %dma_wait3A_251] : memref<62x2x128xi32, #tpu.memory_space<vmem>> -> memref<1x1x128xi32, #tpu.memory_space<vmem>>
      %dma_wait3A_253 = tpu.memref_squeeze %dma_wait3A_252 : memref<1x1x128xi32, #tpu.memory_space<vmem>> -> memref<128xi32, #tpu.memory_space<vmem>>
      %dma_wait3A_254 = arith.constant 0 : i32
      %dma_wait3A_255 = arith.constant 0 : i32
      %dma_wait3A_256 = tpu.memref_slice %arg3[%dma_wait3A_254, %dma_wait3A_255] : memref<10000x128xf32, #tpu.memory_space<hbm>> -> memref<10000x128xf32, #tpu.memory_space<hbm>>
      tpu.wait_indirect_dma semaphore(%arg10 : memref<!tpu.dma_semaphore, #tpu.memory_space<semaphore_mem>>) src(%dma_wait3A_256 : memref<10000x128xf32, #tpu.memory_space<hbm>>) dst(%dma_wait3A_250 : memref<128x128xf32, #tpu.memory_space<vmem>>)
      %dma_start3A_257 = arith.constant 1 : i32
      %dma_start3A_258 = arith.constant 1 : i32
      %dma_start3A_259 = arith.constant 0 : i32
      %dma_start3A_260 = arith.constant 0 : i32
      %dma_start3A_261 = tpu.memref_slice %arg7[%dma_start3A_257, %dma_start3A_259, %dma_start3A_260] : memref<2x128x128xf32, #tpu.memory_space<vmem>> -> memref<1x128x128xf32, #tpu.memory_space<vmem>>
      %dma_start3A_262 = tpu.memref_squeeze %dma_start3A_261 : memref<1x128x128xf32, #tpu.memory_space<vmem>> -> memref<128x128xf32, #tpu.memory_space<vmem>>
      %dma_start3A_263 = arith.constant 0 : i32
      %dma_start3A_264 = tpu.memref_slice %arg6[%add3A_244, %dma_start3A_258, %dma_start3A_263] : memref<62x2x128xi32, #tpu.memory_space<vmem>> -> memref<1x1x128xi32, #tpu.memory_space<vmem>>
      %dma_start3A_265 = tpu.memref_squeeze %dma_start3A_264 : memref<1x1x128xi32, #tpu.memory_space<vmem>> -> memref<128xi32, #tpu.memory_space<vmem>>
      %dma_start3A_266 = arith.constant 0 : i32
      %dma_start3A_267 = arith.constant 0 : i32
      %dma_start3A_268 = tpu.memref_slice %arg8[%dma_start3A_266, %dma_start3A_267] : memref<10240x128xf32, #tpu.memory_space<vmem_shared>> -> memref<10240x128xf32, #tpu.memory_space<vmem_shared>>
      tpu.enqueue_indirect_dma source(%dma_start3A_262 : memref<128x128xf32, #tpu.memory_space<vmem>>) target(%dma_start3A_268 : memref<10240x128xf32, #tpu.memory_space<vmem_shared>>) offsets(%dma_start3A_265 : memref<128xi32, #tpu.memory_space<vmem>>) semaphore(%arg12 : memref<!tpu.dma_semaphore, #tpu.memory_space<semaphore_mem>>) {add = true}
      %add3A_269 = arith.constant 2 : i32
      %add3A_270 = arith.addi %add3A_244, %add3A_269 : i32
      %sub3A_271 = arith.constant 1 : i32
      %sub3A_272 = arith.subi %add3A_270, %sub3A_271 : i32
      %ge3A_273 = arith.constant 1 : i32
      %ge3A_274 = arith.cmpi sge, %add3A_244, %ge3A_273 : i32
      %lt3A_275 = arith.cmpi slt, %sub3A_272, %select_n3A_20 : i32
      %and3A_276 = arith.andi %ge3A_274, %lt3A_275 : i1
      %convert_element_type3A_277 = arith.extui %and3A_276 : i1 to i32
      %cond3A_278 = arith.constant 0 : i32
      %cond3A_279 = arith.cmpi ne, %convert_element_type3A_277, %cond3A_278 : i32
      scf.if %cond3A_279 {
        %sub3A_280 = arith.constant 1 : i32
        %sub3A_281 = arith.subi %add3A_244, %sub3A_280 : i32
        %dma_wait3A_282 = arith.constant 0 : i32
        %dma_wait3A_283 = arith.constant 1 : i32
        %dma_wait3A_284 = arith.constant 0 : i32
        %dma_wait3A_285 = arith.constant 0 : i32
        %dma_wait3A_286 = tpu.memref_slice %arg7[%dma_wait3A_282, %dma_wait3A_284, %dma_wait3A_285] : memref<2x128x128xf32, #tpu.memory_space<vmem>> -> memref<1x128x128xf32, #tpu.memory_space<vmem>>
        %dma_wait3A_287 = tpu.memref_squeeze %dma_wait3A_286 : memref<1x128x128xf32, #tpu.memory_space<vmem>> -> memref<128x128xf32, #tpu.memory_space<vmem>>
        %dma_wait3A_288 = arith.constant 0 : i32
        %dma_wait3A_289 = tpu.memref_slice %arg6[%sub3A_281, %dma_wait3A_283, %dma_wait3A_288] : memref<62x2x128xi32, #tpu.memory_space<vmem>> -> memref<1x1x128xi32, #tpu.memory_space<vmem>>
        %dma_wait3A_290 = tpu.memref_squeeze %dma_wait3A_289 : memref<1x1x128xi32, #tpu.memory_space<vmem>> -> memref<128xi32, #tpu.memory_space<vmem>>
        %dma_wait3A_291 = arith.constant 0 : i32
        %dma_wait3A_292 = arith.constant 0 : i32
        %dma_wait3A_293 = tpu.memref_slice %arg8[%dma_wait3A_291, %dma_wait3A_292] : memref<10240x128xf32, #tpu.memory_space<vmem_shared>> -> memref<10240x128xf32, #tpu.memory_space<vmem_shared>>
        tpu.wait_indirect_dma semaphore(%arg11 : memref<!tpu.dma_semaphore, #tpu.memory_space<semaphore_mem>>) src(%dma_wait3A_287 : memref<128x128xf32, #tpu.memory_space<vmem>>) dst(%dma_wait3A_293 : memref<10240x128xf32, #tpu.memory_space<vmem_shared>>)
        %dma_start3A_294 = arith.constant 0 : i32
        %dma_start3A_295 = arith.constant 0 : i32
        %dma_start3A_296 = arith.constant 0 : i32
        %dma_start3A_297 = arith.constant 0 : i32
        %dma_start3A_298 = tpu.memref_slice %arg7[%dma_start3A_295, %dma_start3A_296, %dma_start3A_297] : memref<2x128x128xf32, #tpu.memory_space<vmem>> -> memref<1x128x128xf32, #tpu.memory_space<vmem>>
        %dma_start3A_299 = tpu.memref_squeeze %dma_start3A_298 : memref<1x128x128xf32, #tpu.memory_space<vmem>> -> memref<128x128xf32, #tpu.memory_space<vmem>>
        %dma_start3A_300 = arith.constant 0 : i32
        %dma_start3A_301 = tpu.memref_slice %arg6[%sub3A_272, %dma_start3A_294, %dma_start3A_300] : memref<62x2x128xi32, #tpu.memory_space<vmem>> -> memref<1x1x128xi32, #tpu.memory_space<vmem>>
        %dma_start3A_302 = tpu.memref_squeeze %dma_start3A_301 : memref<1x1x128xi32, #tpu.memory_space<vmem>> -> memref<128xi32, #tpu.memory_space<vmem>>
        %dma_start3A_303 = arith.constant 0 : i32
        %dma_start3A_304 = arith.constant 0 : i32
        %dma_start3A_305 = tpu.memref_slice %arg3[%dma_start3A_303, %dma_start3A_304] : memref<10000x128xf32, #tpu.memory_space<hbm>> -> memref<10000x128xf32, #tpu.memory_space<hbm>>
        tpu.enqueue_indirect_dma source(%dma_start3A_305 : memref<10000x128xf32, #tpu.memory_space<hbm>>) target(%dma_start3A_299 : memref<128x128xf32, #tpu.memory_space<vmem>>) offsets(%dma_start3A_302 : memref<128xi32, #tpu.memory_space<vmem>>) semaphore(%arg9 : memref<!tpu.dma_semaphore, #tpu.memory_space<semaphore_mem>>)
      } else {
      }
    }
    %dma_wait3A_178 = arith.constant 0 : i32
    %dma_wait3A_179 = arith.constant 0 : i32
    %dma_wait3A_180 = arith.constant 1 : i32
    %dma_wait3A_181 = arith.constant 0 : i32
    %dma_wait3A_182 = arith.constant 0 : i32
    %dma_wait3A_183 = tpu.memref_slice %arg7[%dma_wait3A_178, %dma_wait3A_181, %dma_wait3A_182] : memref<2x128x128xf32, #tpu.memory_space<vmem>> -> memref<1x128x128xf32, #tpu.memory_space<vmem>>
    %dma_wait3A_184 = tpu.memref_squeeze %dma_wait3A_183 : memref<1x128x128xf32, #tpu.memory_space<vmem>> -> memref<128x128xf32, #tpu.memory_space<vmem>>
    %dma_wait3A_185 = arith.constant 0 : i32
    %dma_wait3A_186 = tpu.memref_slice %arg6[%dma_wait3A_179, %dma_wait3A_180, %dma_wait3A_185] : memref<62x2x128xi32, #tpu.memory_space<vmem>> -> memref<1x1x128xi32, #tpu.memory_space<vmem>>
    %dma_wait3A_187 = tpu.memref_squeeze %dma_wait3A_186 : memref<1x1x128xi32, #tpu.memory_space<vmem>> -> memref<128xi32, #tpu.memory_space<vmem>>
    %dma_wait3A_188 = arith.constant 0 : i32
    %dma_wait3A_189 = arith.constant 0 : i32
    %dma_wait3A_190 = tpu.memref_slice %arg8[%dma_wait3A_188, %dma_wait3A_189] : memref<10240x128xf32, #tpu.memory_space<vmem_shared>> -> memref<10240x128xf32, #tpu.memory_space<vmem_shared>>
    tpu.wait_indirect_dma semaphore(%arg11 : memref<!tpu.dma_semaphore, #tpu.memory_space<semaphore_mem>>) src(%dma_wait3A_184 : memref<128x128xf32, #tpu.memory_space<vmem>>) dst(%dma_wait3A_190 : memref<10240x128xf32, #tpu.memory_space<vmem_shared>>)
    %dma_wait3A_191 = arith.constant 1 : i32
    %dma_wait3A_192 = arith.constant 0 : i32
    %dma_wait3A_193 = arith.constant 1 : i32
    %dma_wait3A_194 = arith.constant 0 : i32
    %dma_wait3A_195 = arith.constant 0 : i32
    %dma_wait3A_196 = tpu.memref_slice %arg7[%dma_wait3A_191, %dma_wait3A_194, %dma_wait3A_195] : memref<2x128x128xf32, #tpu.memory_space<vmem>> -> memref<1x128x128xf32, #tpu.memory_space<vmem>>
    %dma_wait3A_197 = tpu.memref_squeeze %dma_wait3A_196 : memref<1x128x128xf32, #tpu.memory_space<vmem>> -> memref<128x128xf32, #tpu.memory_space<vmem>>
    %dma_wait3A_198 = arith.constant 0 : i32
    %dma_wait3A_199 = tpu.memref_slice %arg6[%dma_wait3A_192, %dma_wait3A_193, %dma_wait3A_198] : memref<62x2x128xi32, #tpu.memory_space<vmem>> -> memref<1x1x128xi32, #tpu.memory_space<vmem>>
    %dma_wait3A_200 = tpu.memref_squeeze %dma_wait3A_199 : memref<1x1x128xi32, #tpu.memory_space<vmem>> -> memref<128xi32, #tpu.memory_space<vmem>>
    %dma_wait3A_201 = arith.constant 0 : i32
    %dma_wait3A_202 = arith.constant 0 : i32
    %dma_wait3A_203 = tpu.memref_slice %arg8[%dma_wait3A_201, %dma_wait3A_202] : memref<10240x128xf32, #tpu.memory_space<vmem_shared>> -> memref<10240x128xf32, #tpu.memory_space<vmem_shared>>
    tpu.wait_indirect_dma semaphore(%arg12 : memref<!tpu.dma_semaphore, #tpu.memory_space<semaphore_mem>>) src(%dma_wait3A_197 : memref<128x128xf32, #tpu.memory_space<vmem>>) dst(%dma_wait3A_203 : memref<10240x128xf32, #tpu.memory_space<vmem_shared>>)
    %barrier3A_204 = arith.constant 0 : index
    tpu.barrier barrier_id(%barrier3A_204)
    "tpu.region"() ({
      %run_scoped3A = tpu.sem_alloc : memref<!tpu.dma_semaphore, #tpu.memory_space<semaphore_mem>>
      %dma_start3A_205 = arith.constant 0 : i32
      %dma_start3A_206 = tpu.memref_slice %arg5[%arg0, %multiple_of3A, %dma_start3A_205] : memref<2x10240x128xf32, #tpu.memory_space<hbm>> -> memref<1x640x128xf32, #tpu.memory_space<hbm>>
      %dma_start3A_207 = tpu.memref_squeeze %dma_start3A_206 : memref<1x640x128xf32, #tpu.memory_space<hbm>> -> memref<640x128xf32, #tpu.memory_space<hbm>>
      %dma_start3A_208 = arith.constant 0 : i32
      %dma_start3A_209 = tpu.memref_slice %arg8[%multiple_of3A, %dma_start3A_208] : memref<10240x128xf32, #tpu.memory_space<vmem_shared>> -> memref<640x128xf32, #tpu.memory_space<vmem_shared>>
      tpu.enqueue_dma source(%dma_start3A_209 : memref<640x128xf32, #tpu.memory_space<vmem_shared>>) target(%dma_start3A_207 : memref<640x128xf32, #tpu.memory_space<hbm>>) target_semaphore(%run_scoped3A : memref<!tpu.dma_semaphore, #tpu.memory_space<semaphore_mem>>)
      %dma_wait3A_210 = arith.constant 0 : i32
      %dma_wait3A_211 = tpu.memref_slice %arg5[%arg0, %multiple_of3A, %dma_wait3A_210] : memref<2x10240x128xf32, #tpu.memory_space<hbm>> -> memref<1x640x128xf32, #tpu.memory_space<hbm>>
      %dma_wait3A_212 = tpu.memref_squeeze %dma_wait3A_211 : memref<1x640x128xf32, #tpu.memory_space<hbm>> -> memref<640x128xf32, #tpu.memory_space<hbm>>
      %dma_wait3A_213 = arith.constant 0 : i32
      %dma_wait3A_214 = tpu.memref_slice %arg8[%multiple_of3A, %dma_wait3A_213] : memref<10240x128xf32, #tpu.memory_space<vmem_shared>> -> memref<640x128xf32, #tpu.memory_space<vmem_shared>>
      tpu.wait_dma2 semaphore(%run_scoped3A : memref<!tpu.dma_semaphore, #tpu.memory_space<semaphore_mem>>) src(%dma_wait3A_214 : memref<640x128xf32, #tpu.memory_space<vmem_shared>>) dst(%dma_wait3A_212 : memref<640x128xf32, #tpu.memory_space<hbm>>)
      tpu.yield
    }) : () -> ()
    return
  }
}

#map = affine_map<(d0, d1) -> (0, 0, 0)>
#map1 = affine_map<(d0, d1) -> (0, 0)>
module attributes {stable_mosaic.version = 14 : i64} {
  func.func @agg(%arg0: i32, %arg1: i32, %arg2: memref<2622x2x128xi32, #tpu.memory_space<hbm>>, %arg3: memref<10000x128xf32, #tpu.memory_space<hbm>>, %arg4: memref<10240x128xf32, #tpu.memory_space<hbm>>, %arg5: memref<2x10240x128xf32, #tpu.memory_space<hbm>>, %arg6: memref<62x2x128xi32, #tpu.memory_space<vmem>>, %arg7: memref<2x128x128xf32, #tpu.memory_space<vmem>>, %arg8: memref<10240x128xf32, #tpu.memory_space<vmem_shared>>, %arg9: memref<!tpu.dma_semaphore, #tpu.memory_space<semaphore_mem>>, %arg10: memref<!tpu.dma_semaphore, #tpu.memory_space<semaphore_mem>>, %arg11: memref<!tpu.dma_semaphore, #tpu.memory_space<semaphore_mem>>, %arg12: memref<!tpu.dma_semaphore, #tpu.memory_space<semaphore_mem>>) attributes {dimension_semantics = [#tpu.dimension_semantics<core_parallel>, #tpu.dimension_semantics<subcore_parallel>], iteration_bounds = array<i64: 2, 16>, scalar_prefetch = 0 : i64, scratch_operands = 7 : i64, tpu.core_type = #tpu.core_type<sc_vector_subcore>, window_params = [{transform_indices = #map}, {transform_indices = #map1}, {transform_indices = #map1}, {transform_indices = #map}]} {
    %mul3A = arith.constant 640 : i32
    %mul3A_0 = arith.muli %arg1, %mul3A : i32
    %multiple_of3A = tpu.assume_multiple %mul3A_0, 8 : i32
    "tpu.region"() ({
      %run_scoped3A = tpu.sem_alloc : memref<!tpu.dma_semaphore, #tpu.memory_space<semaphore_mem>>
      %dma_start3A_205 = arith.constant 0 : i32
      %dma_start3A_206 = tpu.memref_slice %arg8[%multiple_of3A, %dma_start3A_205] : memref<10240x128xf32, #tpu.memory_space<vmem_shared>> -> memref<640x128xf32, #tpu.memory_space<vmem_shared>>
      %dma_start3A_207 = arith.constant 0 : i32
      %dma_start3A_208 = tpu.memref_slice %arg4[%multiple_of3A, %dma_start3A_207] : memref<10240x128xf32, #tpu.memory_space<hbm>> -> memref<640x128xf32, #tpu.memory_space<hbm>>
      tpu.enqueue_dma source(%dma_start3A_208 : memref<640x128xf32, #tpu.memory_space<hbm>>) target(%dma_start3A_206 : memref<640x128xf32, #tpu.memory_space<vmem_shared>>) target_semaphore(%run_scoped3A : memref<!tpu.dma_semaphore, #tpu.memory_space<semaphore_mem>>)
      %dma_wait3A_209 = arith.constant 0 : i32
      %dma_wait3A_210 = tpu.memref_slice %arg8[%multiple_of3A, %dma_wait3A_209] : memref<10240x128xf32, #tpu.memory_space<vmem_shared>> -> memref<640x128xf32, #tpu.memory_space<vmem_shared>>
      %dma_wait3A_211 = arith.constant 0 : i32
      %dma_wait3A_212 = tpu.memref_slice %arg4[%multiple_of3A, %dma_wait3A_211] : memref<10240x128xf32, #tpu.memory_space<hbm>> -> memref<640x128xf32, #tpu.memory_space<hbm>>
      tpu.wait_dma2 semaphore(%run_scoped3A : memref<!tpu.dma_semaphore, #tpu.memory_space<semaphore_mem>>) src(%dma_wait3A_212 : memref<640x128xf32, #tpu.memory_space<hbm>>) dst(%dma_wait3A_210 : memref<640x128xf32, #tpu.memory_space<vmem_shared>>)
      tpu.yield
    }) : () -> ()
    %barrier3A = arith.constant 0 : index
    tpu.barrier barrier_id(%barrier3A)
    %eq3A = arith.constant 0 : i32
    %eq3A_1 = arith.cmpi eq, %arg0, %eq3A : i32
    %jit3A = arith.constant 124 : i32
    %jit3A_2 = arith.constant 36 : i32
    %select_n3A = arith.select %eq3A_1, %jit3A, %jit3A_2 : i32
    %jit3A_3 = arith.constant 2 : i32
    %div3A = arith.divsi %select_n3A, %jit3A_3 : i32
    %sign3A = arith.constant 0 : i32
    %sign3A_4 = arith.cmpi sgt, %select_n3A, %sign3A : i32
    %sign3A_5 = arith.extui %sign3A_4 : i1 to i32
    %sign3A_6 = arith.constant 0 : i32
    %sign3A_7 = arith.cmpi slt, %select_n3A, %sign3A_6 : i32
    %sign3A_8 = arith.extui %sign3A_7 : i1 to i32
    %sign3A_9 = arith.subi %sign3A_5, %sign3A_8 : i32
    %sign3A_10 = arith.constant 0 : i32
    %sign3A_11 = arith.cmpi sgt, %jit3A_3, %sign3A_10 : i32
    %sign3A_12 = arith.extui %sign3A_11 : i1 to i32
    %sign3A_13 = arith.constant 0 : i32
    %sign3A_14 = arith.cmpi slt, %jit3A_3, %sign3A_13 : i32
    %sign3A_15 = arith.extui %sign3A_14 : i1 to i32
    %sign3A_16 = arith.subi %sign3A_12, %sign3A_15 : i32
    %ne3A = arith.cmpi ne, %sign3A_9, %sign3A_16 : i32
    %rem3A = arith.remsi %select_n3A, %jit3A_3 : i32
    %ne3A_17 = arith.constant 0 : i32
    %ne3A_18 = arith.cmpi ne, %rem3A, %ne3A_17 : i32
    %and3A = arith.andi %ne3A, %ne3A_18 : i1
    %sub3A = arith.constant 1 : i32
    %sub3A_19 = arith.subi %div3A, %sub3A : i32
    %select_n3A_20 = arith.select %and3A, %sub3A_19, %div3A : i32
    %eq3A_21 = arith.constant 0 : i32
    %eq3A_22 = arith.cmpi eq, %arg0, %eq3A_21 : i32
    %mul3A_23 = arith.constant 124 : i32
    %mul3A_24 = arith.muli %arg1, %mul3A_23 : i32
    %mul3A_25 = arith.constant 36 : i32
    %mul3A_26 = arith.muli %arg1, %mul3A_25 : i32
    %add3A = arith.constant 1984 : i32
    %add3A_27 = arith.addi %add3A, %mul3A_26 : i32
    %select_n3A_28 = arith.select %eq3A_22, %mul3A_24, %add3A_27 : i32
    %mul3A_29 = arith.constant 0 : i32
    %mul3A_30 = arith.muli %mul3A_29, %select_n3A_20 : i32
    %add3A_31 = arith.addi %select_n3A_28, %mul3A_30 : i32
    "tpu.region"() ({
      %run_scoped3A = tpu.sem_alloc : memref<!tpu.dma_semaphore, #tpu.memory_space<semaphore_mem>>
      %dma_start3A_205 = arith.constant 0 : i32
      %dma_start3A_206 = arith.constant 0 : i32
      %dma_start3A_207 = tpu.memref_slice %arg2[%add3A_31, %dma_start3A_205, %dma_start3A_206] : memref<2622x2x128xi32, #tpu.memory_space<hbm>> -> memref<62x2x128xi32, #tpu.memory_space<hbm>>
      %dma_start3A_208 = arith.constant 0 : i32
      %dma_start3A_209 = arith.constant 0 : i32
      %dma_start3A_210 = tpu.memref_slice %arg2[%add3A_31, %dma_start3A_208, %dma_start3A_209] : memref<2622x2x128xi32, #tpu.memory_space<hbm>> -> memref<62x2x128xi32, #tpu.memory_space<hbm>>
      tpu.enqueue_dma source(%dma_start3A_210 : memref<62x2x128xi32, #tpu.memory_space<hbm>>) target(%arg6 : memref<62x2x128xi32, #tpu.memory_space<vmem>>) target_semaphore(%run_scoped3A : memref<!tpu.dma_semaphore, #tpu.memory_space<semaphore_mem>>)
      %dma_wait3A_211 = arith.constant 0 : i32
      %dma_wait3A_212 = arith.constant 0 : i32
      %dma_wait3A_213 = tpu.memref_slice %arg2[%add3A_31, %dma_wait3A_211, %dma_wait3A_212] : memref<2622x2x128xi32, #tpu.memory_space<hbm>> -> memref<62x2x128xi32, #tpu.memory_space<hbm>>
      %dma_wait3A_214 = arith.constant 0 : i32
      %dma_wait3A_215 = arith.constant 0 : i32
      %dma_wait3A_216 = tpu.memref_slice %arg2[%add3A_31, %dma_wait3A_214, %dma_wait3A_215] : memref<2622x2x128xi32, #tpu.memory_space<hbm>> -> memref<62x2x128xi32, #tpu.memory_space<hbm>>
      tpu.wait_dma2 semaphore(%run_scoped3A : memref<!tpu.dma_semaphore, #tpu.memory_space<semaphore_mem>>) src(%dma_wait3A_216 : memref<62x2x128xi32, #tpu.memory_space<hbm>>) dst(%arg6 : memref<62x2x128xi32, #tpu.memory_space<vmem>>)
      tpu.yield
    }) : () -> ()
    %dma_start3A = arith.constant 0 : i32
    %dma_start3A_32 = arith.constant 0 : i32
    %dma_start3A_33 = arith.constant 0 : i32
    %dma_start3A_34 = arith.constant 0 : i32
    %dma_start3A_35 = arith.constant 0 : i32
    %dma_start3A_36 = tpu.memref_slice %arg7[%dma_start3A_33, %dma_start3A_34, %dma_start3A_35] : memref<2x128x128xf32, #tpu.memory_space<vmem>> -> memref<1x128x128xf32, #tpu.memory_space<vmem>>
    %dma_start3A_37 = tpu.memref_squeeze %dma_start3A_36 : memref<1x128x128xf32, #tpu.memory_space<vmem>> -> memref<128x128xf32, #tpu.memory_space<vmem>>
    %dma_start3A_38 = arith.constant 0 : i32
    %dma_start3A_39 = tpu.memref_slice %arg6[%dma_start3A, %dma_start3A_32, %dma_start3A_38] : memref<62x2x128xi32, #tpu.memory_space<vmem>> -> memref<1x1x128xi32, #tpu.memory_space<vmem>>
    %dma_start3A_40 = tpu.memref_squeeze %dma_start3A_39 : memref<1x1x128xi32, #tpu.memory_space<vmem>> -> memref<128xi32, #tpu.memory_space<vmem>>
    %dma_start3A_41 = arith.constant 0 : i32
    %dma_start3A_42 = arith.constant 0 : i32
    %dma_start3A_43 = tpu.memref_slice %arg3[%dma_start3A_41, %dma_start3A_42] : memref<10000x128xf32, #tpu.memory_space<hbm>> -> memref<10000x128xf32, #tpu.memory_space<hbm>>
    tpu.enqueue_indirect_dma source(%dma_start3A_43 : memref<10000x128xf32, #tpu.memory_space<hbm>>) target(%dma_start3A_37 : memref<128x128xf32, #tpu.memory_space<vmem>>) offsets(%dma_start3A_40 : memref<128xi32, #tpu.memory_space<vmem>>) semaphore(%arg9 : memref<!tpu.dma_semaphore, #tpu.memory_space<semaphore_mem>>)
    %dma_start3A_44 = arith.constant 1 : i32
    %dma_start3A_45 = arith.constant 0 : i32
    %dma_start3A_46 = arith.constant 1 : i32
    %dma_start3A_47 = arith.constant 0 : i32
    %dma_start3A_48 = arith.constant 0 : i32
    %dma_start3A_49 = tpu.memref_slice %arg7[%dma_start3A_46, %dma_start3A_47, %dma_start3A_48] : memref<2x128x128xf32, #tpu.memory_space<vmem>> -> memref<1x128x128xf32, #tpu.memory_space<vmem>>
    %dma_start3A_50 = tpu.memref_squeeze %dma_start3A_49 : memref<1x128x128xf32, #tpu.memory_space<vmem>> -> memref<128x128xf32, #tpu.memory_space<vmem>>
    %dma_start3A_51 = arith.constant 0 : i32
    %dma_start3A_52 = tpu.memref_slice %arg6[%dma_start3A_44, %dma_start3A_45, %dma_start3A_51] : memref<62x2x128xi32, #tpu.memory_space<vmem>> -> memref<1x1x128xi32, #tpu.memory_space<vmem>>
    %dma_start3A_53 = tpu.memref_squeeze %dma_start3A_52 : memref<1x1x128xi32, #tpu.memory_space<vmem>> -> memref<128xi32, #tpu.memory_space<vmem>>
    %dma_start3A_54 = arith.constant 0 : i32
    %dma_start3A_55 = arith.constant 0 : i32
    %dma_start3A_56 = tpu.memref_slice %arg3[%dma_start3A_54, %dma_start3A_55] : memref<10000x128xf32, #tpu.memory_space<hbm>> -> memref<10000x128xf32, #tpu.memory_space<hbm>>
    tpu.enqueue_indirect_dma source(%dma_start3A_56 : memref<10000x128xf32, #tpu.memory_space<hbm>>) target(%dma_start3A_50 : memref<128x128xf32, #tpu.memory_space<vmem>>) offsets(%dma_start3A_53 : memref<128xi32, #tpu.memory_space<vmem>>) semaphore(%arg10 : memref<!tpu.dma_semaphore, #tpu.memory_space<semaphore_mem>>)
    %jit3A_57 = arith.constant 2 : i32
    %div3A_58 = arith.divsi %select_n3A_20, %jit3A_57 : i32
    %sign3A_59 = arith.constant 0 : i32
    %sign3A_60 = arith.cmpi sgt, %select_n3A_20, %sign3A_59 : i32
    %sign3A_61 = arith.extui %sign3A_60 : i1 to i32
    %sign3A_62 = arith.constant 0 : i32
    %sign3A_63 = arith.cmpi slt, %select_n3A_20, %sign3A_62 : i32
    %sign3A_64 = arith.extui %sign3A_63 : i1 to i32
    %sign3A_65 = arith.subi %sign3A_61, %sign3A_64 : i32
    %sign3A_66 = arith.constant 0 : i32
    %sign3A_67 = arith.cmpi sgt, %jit3A_57, %sign3A_66 : i32
    %sign3A_68 = arith.extui %sign3A_67 : i1 to i32
    %sign3A_69 = arith.constant 0 : i32
    %sign3A_70 = arith.cmpi slt, %jit3A_57, %sign3A_69 : i32
    %sign3A_71 = arith.extui %sign3A_70 : i1 to i32
    %sign3A_72 = arith.subi %sign3A_68, %sign3A_71 : i32
    %ne3A_73 = arith.cmpi ne, %sign3A_65, %sign3A_72 : i32
    %rem3A_74 = arith.remsi %select_n3A_20, %jit3A_57 : i32
    %ne3A_75 = arith.constant 0 : i32
    %ne3A_76 = arith.cmpi ne, %rem3A_74, %ne3A_75 : i32
    %and3A_77 = arith.andi %ne3A_73, %ne3A_76 : i1
    %sub3A_78 = arith.constant 1 : i32
    %sub3A_79 = arith.subi %div3A_58, %sub3A_78 : i32
    %select_n3A_80 = arith.select %and3A_77, %sub3A_79, %div3A_58 : i32
    %while3A = arith.constant 0 : i32
    %while3A_81 = arith.constant 0 : i32
    %while3A_82 = arith.subi %select_n3A_80, %while3A_81 : i32
    %while3A_83 = arith.addi %while3A_81, %while3A_82 : i32
    %while3A_84 = arith.constant 1 : i32
    %while3A_85 = arith.divsi %while3A_82, %while3A_84 : i32
    %while3A_86 = arith.muli %while3A_85, %while3A_84 : i32
    %while3A_87 = arith.addi %while3A_81, %while3A_86 : i32
    %while3A_88 = arith.constant 1 : i32
    scf.for %while3A_205 = %while3A_81 to %while3A_87 step %while3A_88  : i32 {
      %mul3A_206 = arith.constant 2 : i32
      %mul3A_207 = arith.muli %while3A_205, %mul3A_206 : i32
      %add3A_208 = arith.constant 0 : i32
      %add3A_209 = arith.addi %mul3A_207, %add3A_208 : i32
      %dma_wait3A_210 = arith.constant 0 : i32
      %dma_wait3A_211 = arith.constant 0 : i32
      %dma_wait3A_212 = arith.constant 0 : i32
      %dma_wait3A_213 = arith.constant 0 : i32
      %dma_wait3A_214 = tpu.memref_slice %arg7[%dma_wait3A_211, %dma_wait3A_212, %dma_wait3A_213] : memref<2x128x128xf32, #tpu.memory_space<vmem>> -> memref<1x128x128xf32, #tpu.memory_space<vmem>>
      %dma_wait3A_215 = tpu.memref_squeeze %dma_wait3A_214 : memref<1x128x128xf32, #tpu.memory_space<vmem>> -> memref<128x128xf32, #tpu.memory_space<vmem>>
      %dma_wait3A_216 = arith.constant 0 : i32
      %dma_wait3A_217 = tpu.memref_slice %arg6[%add3A_209, %dma_wait3A_210, %dma_wait3A_216] : memref<62x2x128xi32, #tpu.memory_space<vmem>> -> memref<1x1x128xi32, #tpu.memory_space<vmem>>
      %dma_wait3A_218 = tpu.memref_squeeze %dma_wait3A_217 : memref<1x1x128xi32, #tpu.memory_space<vmem>> -> memref<128xi32, #tpu.memory_space<vmem>>
      %dma_wait3A_219 = arith.constant 0 : i32
      %dma_wait3A_220 = arith.constant 0 : i32
      %dma_wait3A_221 = tpu.memref_slice %arg3[%dma_wait3A_219, %dma_wait3A_220] : memref<10000x128xf32, #tpu.memory_space<hbm>> -> memref<10000x128xf32, #tpu.memory_space<hbm>>
      tpu.wait_indirect_dma semaphore(%arg9 : memref<!tpu.dma_semaphore, #tpu.memory_space<semaphore_mem>>) src(%dma_wait3A_221 : memref<10000x128xf32, #tpu.memory_space<hbm>>) dst(%dma_wait3A_215 : memref<128x128xf32, #tpu.memory_space<vmem>>)
      %dma_start3A_222 = arith.constant 0 : i32
      %dma_start3A_223 = arith.constant 1 : i32
      %dma_start3A_224 = arith.constant 0 : i32
      %dma_start3A_225 = arith.constant 0 : i32
      %dma_start3A_226 = tpu.memref_slice %arg7[%dma_start3A_222, %dma_start3A_224, %dma_start3A_225] : memref<2x128x128xf32, #tpu.memory_space<vmem>> -> memref<1x128x128xf32, #tpu.memory_space<vmem>>
      %dma_start3A_227 = tpu.memref_squeeze %dma_start3A_226 : memref<1x128x128xf32, #tpu.memory_space<vmem>> -> memref<128x128xf32, #tpu.memory_space<vmem>>
      %dma_start3A_228 = arith.constant 0 : i32
      %dma_start3A_229 = tpu.memref_slice %arg6[%add3A_209, %dma_start3A_223, %dma_start3A_228] : memref<62x2x128xi32, #tpu.memory_space<vmem>> -> memref<1x1x128xi32, #tpu.memory_space<vmem>>
      %dma_start3A_230 = tpu.memref_squeeze %dma_start3A_229 : memref<1x1x128xi32, #tpu.memory_space<vmem>> -> memref<128xi32, #tpu.memory_space<vmem>>
      %dma_start3A_231 = arith.constant 0 : i32
      %dma_start3A_232 = arith.constant 0 : i32
      %dma_start3A_233 = tpu.memref_slice %arg8[%dma_start3A_231, %dma_start3A_232] : memref<10240x128xf32, #tpu.memory_space<vmem_shared>> -> memref<10240x128xf32, #tpu.memory_space<vmem_shared>>
      tpu.enqueue_indirect_dma source(%dma_start3A_227 : memref<128x128xf32, #tpu.memory_space<vmem>>) target(%dma_start3A_233 : memref<10240x128xf32, #tpu.memory_space<vmem_shared>>) offsets(%dma_start3A_230 : memref<128xi32, #tpu.memory_space<vmem>>) semaphore(%arg11 : memref<!tpu.dma_semaphore, #tpu.memory_space<semaphore_mem>>) {add = true}
      %add3A_234 = arith.constant 2 : i32
      %add3A_235 = arith.addi %add3A_209, %add3A_234 : i32
      %sub3A_236 = arith.constant 1 : i32
      %sub3A_237 = arith.subi %add3A_235, %sub3A_236 : i32
      %ge3A = arith.constant 1 : i32
      %ge3A_238 = arith.cmpi sge, %add3A_209, %ge3A : i32
      %lt3A = arith.cmpi slt, %sub3A_237, %select_n3A_20 : i32
      %and3A_239 = arith.andi %ge3A_238, %lt3A : i1
      %convert_element_type3A = arith.extui %and3A_239 : i1 to i32
      %cond3A = arith.constant 0 : i32
      %cond3A_240 = arith.cmpi ne, %convert_element_type3A, %cond3A : i32
      scf.if %cond3A_240 {
        %sub3A_280 = arith.constant 1 : i32
        %sub3A_281 = arith.subi %add3A_209, %sub3A_280 : i32
        %dma_wait3A_282 = arith.constant 1 : i32
        %dma_wait3A_283 = arith.constant 1 : i32
        %dma_wait3A_284 = arith.constant 0 : i32
        %dma_wait3A_285 = arith.constant 0 : i32
        %dma_wait3A_286 = tpu.memref_slice %arg7[%dma_wait3A_282, %dma_wait3A_284, %dma_wait3A_285] : memref<2x128x128xf32, #tpu.memory_space<vmem>> -> memref<1x128x128xf32, #tpu.memory_space<vmem>>
        %dma_wait3A_287 = tpu.memref_squeeze %dma_wait3A_286 : memref<1x128x128xf32, #tpu.memory_space<vmem>> -> memref<128x128xf32, #tpu.memory_space<vmem>>
        %dma_wait3A_288 = arith.constant 0 : i32
        %dma_wait3A_289 = tpu.memref_slice %arg6[%sub3A_281, %dma_wait3A_283, %dma_wait3A_288] : memref<62x2x128xi32, #tpu.memory_space<vmem>> -> memref<1x1x128xi32, #tpu.memory_space<vmem>>
        %dma_wait3A_290 = tpu.memref_squeeze %dma_wait3A_289 : memref<1x1x128xi32, #tpu.memory_space<vmem>> -> memref<128xi32, #tpu.memory_space<vmem>>
        %dma_wait3A_291 = arith.constant 0 : i32
        %dma_wait3A_292 = arith.constant 0 : i32
        %dma_wait3A_293 = tpu.memref_slice %arg8[%dma_wait3A_291, %dma_wait3A_292] : memref<10240x128xf32, #tpu.memory_space<vmem_shared>> -> memref<10240x128xf32, #tpu.memory_space<vmem_shared>>
        tpu.wait_indirect_dma semaphore(%arg12 : memref<!tpu.dma_semaphore, #tpu.memory_space<semaphore_mem>>) src(%dma_wait3A_287 : memref<128x128xf32, #tpu.memory_space<vmem>>) dst(%dma_wait3A_293 : memref<10240x128xf32, #tpu.memory_space<vmem_shared>>)
        %dma_start3A_294 = arith.constant 0 : i32
        %dma_start3A_295 = arith.constant 1 : i32
        %dma_start3A_296 = arith.constant 0 : i32
        %dma_start3A_297 = arith.constant 0 : i32
        %dma_start3A_298 = tpu.memref_slice %arg7[%dma_start3A_295, %dma_start3A_296, %dma_start3A_297] : memref<2x128x128xf32, #tpu.memory_space<vmem>> -> memref<1x128x128xf32, #tpu.memory_space<vmem>>
        %dma_start3A_299 = tpu.memref_squeeze %dma_start3A_298 : memref<1x128x128xf32, #tpu.memory_space<vmem>> -> memref<128x128xf32, #tpu.memory_space<vmem>>
        %dma_start3A_300 = arith.constant 0 : i32
        %dma_start3A_301 = tpu.memref_slice %arg6[%sub3A_237, %dma_start3A_294, %dma_start3A_300] : memref<62x2x128xi32, #tpu.memory_space<vmem>> -> memref<1x1x128xi32, #tpu.memory_space<vmem>>
        %dma_start3A_302 = tpu.memref_squeeze %dma_start3A_301 : memref<1x1x128xi32, #tpu.memory_space<vmem>> -> memref<128xi32, #tpu.memory_space<vmem>>
        %dma_start3A_303 = arith.constant 0 : i32
        %dma_start3A_304 = arith.constant 0 : i32
        %dma_start3A_305 = tpu.memref_slice %arg3[%dma_start3A_303, %dma_start3A_304] : memref<10000x128xf32, #tpu.memory_space<hbm>> -> memref<10000x128xf32, #tpu.memory_space<hbm>>
        tpu.enqueue_indirect_dma source(%dma_start3A_305 : memref<10000x128xf32, #tpu.memory_space<hbm>>) target(%dma_start3A_299 : memref<128x128xf32, #tpu.memory_space<vmem>>) offsets(%dma_start3A_302 : memref<128xi32, #tpu.memory_space<vmem>>) semaphore(%arg10 : memref<!tpu.dma_semaphore, #tpu.memory_space<semaphore_mem>>)
      } else {
      }
      %mul3A_241 = arith.constant 2 : i32
      %mul3A_242 = arith.muli %while3A_205, %mul3A_241 : i32
      %add3A_243 = arith.constant 1 : i32
      %add3A_244 = arith.addi %mul3A_242, %add3A_243 : i32
      %dma_wait3A_245 = arith.constant 0 : i32
      %dma_wait3A_246 = arith.constant 1 : i32
      %dma_wait3A_247 = arith.constant 0 : i32
      %dma_wait3A_248 = arith.constant 0 : i32
      %dma_wait3A_249 = tpu.memref_slice %arg7[%dma_wait3A_246, %dma_wait3A_247, %dma_wait3A_248] : memref<2x128x128xf32, #tpu.memory_space<vmem>> -> memref<1x128x128xf32, #tpu.memory_space<vmem>>
      %dma_wait3A_250 = tpu.memref_squeeze %dma_wait3A_249 : memref<1x128x128xf32, #tpu.memory_space<vmem>> -> memref<128x128xf32, #tpu.memory_space<vmem>>
      %dma_wait3A_251 = arith.constant 0 : i32
      %dma_wait3A_252 = tpu.memref_slice %arg6[%add3A_244, %dma_wait3A_245, %dma_wait3A_251] : memref<62x2x128xi32, #tpu.memory_space<vmem>> -> memref<1x1x128xi32, #tpu.memory_space<vmem>>
      %dma_wait3A_253 = tpu.memref_squeeze %dma_wait3A_252 : memref<1x1x128xi32, #tpu.memory_space<vmem>> -> memref<128xi32, #tpu.memory_space<vmem>>
      %dma_wait3A_254 = arith.constant 0 : i32
      %dma_wait3A_255 = arith.constant 0 : i32
      %dma_wait3A_256 = tpu.memref_slice %arg3[%dma_wait3A_254, %dma_wait3A_255] : memref<10000x128xf32, #tpu.memory_space<hbm>> -> memref<10000x128xf32, #tpu.memory_space<hbm>>
      tpu.wait_indirect_dma semaphore(%arg10 : memref<!tpu.dma_semaphore, #tpu.memory_space<semaphore_mem>>) src(%dma_wait3A_256 : memref<10000x128xf32, #tpu.memory_space<hbm>>) dst(%dma_wait3A_250 : memref<128x128xf32, #tpu.memory_space<vmem>>)
      %dma_start3A_257 = arith.constant 1 : i32
      %dma_start3A_258 = arith.constant 1 : i32
      %dma_start3A_259 = arith.constant 0 : i32
      %dma_start3A_260 = arith.constant 0 : i32
      %dma_start3A_261 = tpu.memref_slice %arg7[%dma_start3A_257, %dma_start3A_259, %dma_start3A_260] : memref<2x128x128xf32, #tpu.memory_space<vmem>> -> memref<1x128x128xf32, #tpu.memory_space<vmem>>
      %dma_start3A_262 = tpu.memref_squeeze %dma_start3A_261 : memref<1x128x128xf32, #tpu.memory_space<vmem>> -> memref<128x128xf32, #tpu.memory_space<vmem>>
      %dma_start3A_263 = arith.constant 0 : i32
      %dma_start3A_264 = tpu.memref_slice %arg6[%add3A_244, %dma_start3A_258, %dma_start3A_263] : memref<62x2x128xi32, #tpu.memory_space<vmem>> -> memref<1x1x128xi32, #tpu.memory_space<vmem>>
      %dma_start3A_265 = tpu.memref_squeeze %dma_start3A_264 : memref<1x1x128xi32, #tpu.memory_space<vmem>> -> memref<128xi32, #tpu.memory_space<vmem>>
      %dma_start3A_266 = arith.constant 0 : i32
      %dma_start3A_267 = arith.constant 0 : i32
      %dma_start3A_268 = tpu.memref_slice %arg8[%dma_start3A_266, %dma_start3A_267] : memref<10240x128xf32, #tpu.memory_space<vmem_shared>> -> memref<10240x128xf32, #tpu.memory_space<vmem_shared>>
      tpu.enqueue_indirect_dma source(%dma_start3A_262 : memref<128x128xf32, #tpu.memory_space<vmem>>) target(%dma_start3A_268 : memref<10240x128xf32, #tpu.memory_space<vmem_shared>>) offsets(%dma_start3A_265 : memref<128xi32, #tpu.memory_space<vmem>>) semaphore(%arg12 : memref<!tpu.dma_semaphore, #tpu.memory_space<semaphore_mem>>) {add = true}
      %add3A_269 = arith.constant 2 : i32
      %add3A_270 = arith.addi %add3A_244, %add3A_269 : i32
      %sub3A_271 = arith.constant 1 : i32
      %sub3A_272 = arith.subi %add3A_270, %sub3A_271 : i32
      %ge3A_273 = arith.constant 1 : i32
      %ge3A_274 = arith.cmpi sge, %add3A_244, %ge3A_273 : i32
      %lt3A_275 = arith.cmpi slt, %sub3A_272, %select_n3A_20 : i32
      %and3A_276 = arith.andi %ge3A_274, %lt3A_275 : i1
      %convert_element_type3A_277 = arith.extui %and3A_276 : i1 to i32
      %cond3A_278 = arith.constant 0 : i32
      %cond3A_279 = arith.cmpi ne, %convert_element_type3A_277, %cond3A_278 : i32
      scf.if %cond3A_279 {
        %sub3A_280 = arith.constant 1 : i32
        %sub3A_281 = arith.subi %add3A_244, %sub3A_280 : i32
        %dma_wait3A_282 = arith.constant 0 : i32
        %dma_wait3A_283 = arith.constant 1 : i32
        %dma_wait3A_284 = arith.constant 0 : i32
        %dma_wait3A_285 = arith.constant 0 : i32
        %dma_wait3A_286 = tpu.memref_slice %arg7[%dma_wait3A_282, %dma_wait3A_284, %dma_wait3A_285] : memref<2x128x128xf32, #tpu.memory_space<vmem>> -> memref<1x128x128xf32, #tpu.memory_space<vmem>>
        %dma_wait3A_287 = tpu.memref_squeeze %dma_wait3A_286 : memref<1x128x128xf32, #tpu.memory_space<vmem>> -> memref<128x128xf32, #tpu.memory_space<vmem>>
        %dma_wait3A_288 = arith.constant 0 : i32
        %dma_wait3A_289 = tpu.memref_slice %arg6[%sub3A_281, %dma_wait3A_283, %dma_wait3A_288] : memref<62x2x128xi32, #tpu.memory_space<vmem>> -> memref<1x1x128xi32, #tpu.memory_space<vmem>>
        %dma_wait3A_290 = tpu.memref_squeeze %dma_wait3A_289 : memref<1x1x128xi32, #tpu.memory_space<vmem>> -> memref<128xi32, #tpu.memory_space<vmem>>
        %dma_wait3A_291 = arith.constant 0 : i32
        %dma_wait3A_292 = arith.constant 0 : i32
        %dma_wait3A_293 = tpu.memref_slice %arg8[%dma_wait3A_291, %dma_wait3A_292] : memref<10240x128xf32, #tpu.memory_space<vmem_shared>> -> memref<10240x128xf32, #tpu.memory_space<vmem_shared>>
        tpu.wait_indirect_dma semaphore(%arg11 : memref<!tpu.dma_semaphore, #tpu.memory_space<semaphore_mem>>) src(%dma_wait3A_287 : memref<128x128xf32, #tpu.memory_space<vmem>>) dst(%dma_wait3A_293 : memref<10240x128xf32, #tpu.memory_space<vmem_shared>>)
        %dma_start3A_294 = arith.constant 0 : i32
        %dma_start3A_295 = arith.constant 0 : i32
        %dma_start3A_296 = arith.constant 0 : i32
        %dma_start3A_297 = arith.constant 0 : i32
        %dma_start3A_298 = tpu.memref_slice %arg7[%dma_start3A_295, %dma_start3A_296, %dma_start3A_297] : memref<2x128x128xf32, #tpu.memory_space<vmem>> -> memref<1x128x128xf32, #tpu.memory_space<vmem>>
        %dma_start3A_299 = tpu.memref_squeeze %dma_start3A_298 : memref<1x128x128xf32, #tpu.memory_space<vmem>> -> memref<128x128xf32, #tpu.memory_space<vmem>>
        %dma_start3A_300 = arith.constant 0 : i32
        %dma_start3A_301 = tpu.memref_slice %arg6[%sub3A_272, %dma_start3A_294, %dma_start3A_300] : memref<62x2x128xi32, #tpu.memory_space<vmem>> -> memref<1x1x128xi32, #tpu.memory_space<vmem>>
        %dma_start3A_302 = tpu.memref_squeeze %dma_start3A_301 : memref<1x1x128xi32, #tpu.memory_space<vmem>> -> memref<128xi32, #tpu.memory_space<vmem>>
        %dma_start3A_303 = arith.constant 0 : i32
        %dma_start3A_304 = arith.constant 0 : i32
        %dma_start3A_305 = tpu.memref_slice %arg3[%dma_start3A_303, %dma_start3A_304] : memref<10000x128xf32, #tpu.memory_space<hbm>> -> memref<10000x128xf32, #tpu.memory_space<hbm>>
        tpu.enqueue_indirect_dma source(%dma_start3A_305 : memref<10000x128xf32, #tpu.memory_space<hbm>>) target(%dma_start3A_299 : memref<128x128xf32, #tpu.memory_space<vmem>>) offsets(%dma_start3A_302 : memref<128xi32, #tpu.memory_space<vmem>>) semaphore(%arg9 : memref<!tpu.dma_semaphore, #tpu.memory_space<semaphore_mem>>)
      } else {
      }
    }
    %while3A_89 = arith.constant 1 : i32
    scf.for %while3A_205 = %while3A_87 to %while3A_83 step %while3A_89  : i32 {
      %mul3A_206 = arith.constant 2 : i32
      %mul3A_207 = arith.muli %while3A_205, %mul3A_206 : i32
      %add3A_208 = arith.constant 0 : i32
      %add3A_209 = arith.addi %mul3A_207, %add3A_208 : i32
      %dma_wait3A_210 = arith.constant 0 : i32
      %dma_wait3A_211 = arith.constant 0 : i32
      %dma_wait3A_212 = arith.constant 0 : i32
      %dma_wait3A_213 = arith.constant 0 : i32
      %dma_wait3A_214 = tpu.memref_slice %arg7[%dma_wait3A_211, %dma_wait3A_212, %dma_wait3A_213] : memref<2x128x128xf32, #tpu.memory_space<vmem>> -> memref<1x128x128xf32, #tpu.memory_space<vmem>>
      %dma_wait3A_215 = tpu.memref_squeeze %dma_wait3A_214 : memref<1x128x128xf32, #tpu.memory_space<vmem>> -> memref<128x128xf32, #tpu.memory_space<vmem>>
      %dma_wait3A_216 = arith.constant 0 : i32
      %dma_wait3A_217 = tpu.memref_slice %arg6[%add3A_209, %dma_wait3A_210, %dma_wait3A_216] : memref<62x2x128xi32, #tpu.memory_space<vmem>> -> memref<1x1x128xi32, #tpu.memory_space<vmem>>
      %dma_wait3A_218 = tpu.memref_squeeze %dma_wait3A_217 : memref<1x1x128xi32, #tpu.memory_space<vmem>> -> memref<128xi32, #tpu.memory_space<vmem>>
      %dma_wait3A_219 = arith.constant 0 : i32
      %dma_wait3A_220 = arith.constant 0 : i32
      %dma_wait3A_221 = tpu.memref_slice %arg3[%dma_wait3A_219, %dma_wait3A_220] : memref<10000x128xf32, #tpu.memory_space<hbm>> -> memref<10000x128xf32, #tpu.memory_space<hbm>>
      tpu.wait_indirect_dma semaphore(%arg9 : memref<!tpu.dma_semaphore, #tpu.memory_space<semaphore_mem>>) src(%dma_wait3A_221 : memref<10000x128xf32, #tpu.memory_space<hbm>>) dst(%dma_wait3A_215 : memref<128x128xf32, #tpu.memory_space<vmem>>)
      %dma_start3A_222 = arith.constant 0 : i32
      %dma_start3A_223 = arith.constant 1 : i32
      %dma_start3A_224 = arith.constant 0 : i32
      %dma_start3A_225 = arith.constant 0 : i32
      %dma_start3A_226 = tpu.memref_slice %arg7[%dma_start3A_222, %dma_start3A_224, %dma_start3A_225] : memref<2x128x128xf32, #tpu.memory_space<vmem>> -> memref<1x128x128xf32, #tpu.memory_space<vmem>>
      %dma_start3A_227 = tpu.memref_squeeze %dma_start3A_226 : memref<1x128x128xf32, #tpu.memory_space<vmem>> -> memref<128x128xf32, #tpu.memory_space<vmem>>
      %dma_start3A_228 = arith.constant 0 : i32
      %dma_start3A_229 = tpu.memref_slice %arg6[%add3A_209, %dma_start3A_223, %dma_start3A_228] : memref<62x2x128xi32, #tpu.memory_space<vmem>> -> memref<1x1x128xi32, #tpu.memory_space<vmem>>
      %dma_start3A_230 = tpu.memref_squeeze %dma_start3A_229 : memref<1x1x128xi32, #tpu.memory_space<vmem>> -> memref<128xi32, #tpu.memory_space<vmem>>
      %dma_start3A_231 = arith.constant 0 : i32
      %dma_start3A_232 = arith.constant 0 : i32
      %dma_start3A_233 = tpu.memref_slice %arg8[%dma_start3A_231, %dma_start3A_232] : memref<10240x128xf32, #tpu.memory_space<vmem_shared>> -> memref<10240x128xf32, #tpu.memory_space<vmem_shared>>
      tpu.enqueue_indirect_dma source(%dma_start3A_227 : memref<128x128xf32, #tpu.memory_space<vmem>>) target(%dma_start3A_233 : memref<10240x128xf32, #tpu.memory_space<vmem_shared>>) offsets(%dma_start3A_230 : memref<128xi32, #tpu.memory_space<vmem>>) semaphore(%arg11 : memref<!tpu.dma_semaphore, #tpu.memory_space<semaphore_mem>>) {add = true}
      %add3A_234 = arith.constant 2 : i32
      %add3A_235 = arith.addi %add3A_209, %add3A_234 : i32
      %sub3A_236 = arith.constant 1 : i32
      %sub3A_237 = arith.subi %add3A_235, %sub3A_236 : i32
      %ge3A = arith.constant 1 : i32
      %ge3A_238 = arith.cmpi sge, %add3A_209, %ge3A : i32
      %lt3A = arith.cmpi slt, %sub3A_237, %select_n3A_20 : i32
      %and3A_239 = arith.andi %ge3A_238, %lt3A : i1
      %convert_element_type3A = arith.extui %and3A_239 : i1 to i32
      %cond3A = arith.constant 0 : i32
      %cond3A_240 = arith.cmpi ne, %convert_element_type3A, %cond3A : i32
      scf.if %cond3A_240 {
        %sub3A_280 = arith.constant 1 : i32
        %sub3A_281 = arith.subi %add3A_209, %sub3A_280 : i32
        %dma_wait3A_282 = arith.constant 1 : i32
        %dma_wait3A_283 = arith.constant 1 : i32
        %dma_wait3A_284 = arith.constant 0 : i32
        %dma_wait3A_285 = arith.constant 0 : i32
        %dma_wait3A_286 = tpu.memref_slice %arg7[%dma_wait3A_282, %dma_wait3A_284, %dma_wait3A_285] : memref<2x128x128xf32, #tpu.memory_space<vmem>> -> memref<1x128x128xf32, #tpu.memory_space<vmem>>
        %dma_wait3A_287 = tpu.memref_squeeze %dma_wait3A_286 : memref<1x128x128xf32, #tpu.memory_space<vmem>> -> memref<128x128xf32, #tpu.memory_space<vmem>>
        %dma_wait3A_288 = arith.constant 0 : i32
        %dma_wait3A_289 = tpu.memref_slice %arg6[%sub3A_281, %dma_wait3A_283, %dma_wait3A_288] : memref<62x2x128xi32, #tpu.memory_space<vmem>> -> memref<1x1x128xi32, #tpu.memory_space<vmem>>
        %dma_wait3A_290 = tpu.memref_squeeze %dma_wait3A_289 : memref<1x1x128xi32, #tpu.memory_space<vmem>> -> memref<128xi32, #tpu.memory_space<vmem>>
        %dma_wait3A_291 = arith.constant 0 : i32
        %dma_wait3A_292 = arith.constant 0 : i32
        %dma_wait3A_293 = tpu.memref_slice %arg8[%dma_wait3A_291, %dma_wait3A_292] : memref<10240x128xf32, #tpu.memory_space<vmem_shared>> -> memref<10240x128xf32, #tpu.memory_space<vmem_shared>>
        tpu.wait_indirect_dma semaphore(%arg12 : memref<!tpu.dma_semaphore, #tpu.memory_space<semaphore_mem>>) src(%dma_wait3A_287 : memref<128x128xf32, #tpu.memory_space<vmem>>) dst(%dma_wait3A_293 : memref<10240x128xf32, #tpu.memory_space<vmem_shared>>)
        %dma_start3A_294 = arith.constant 0 : i32
        %dma_start3A_295 = arith.constant 1 : i32
        %dma_start3A_296 = arith.constant 0 : i32
        %dma_start3A_297 = arith.constant 0 : i32
        %dma_start3A_298 = tpu.memref_slice %arg7[%dma_start3A_295, %dma_start3A_296, %dma_start3A_297] : memref<2x128x128xf32, #tpu.memory_space<vmem>> -> memref<1x128x128xf32, #tpu.memory_space<vmem>>
        %dma_start3A_299 = tpu.memref_squeeze %dma_start3A_298 : memref<1x128x128xf32, #tpu.memory_space<vmem>> -> memref<128x128xf32, #tpu.memory_space<vmem>>
        %dma_start3A_300 = arith.constant 0 : i32
        %dma_start3A_301 = tpu.memref_slice %arg6[%sub3A_237, %dma_start3A_294, %dma_start3A_300] : memref<62x2x128xi32, #tpu.memory_space<vmem>> -> memref<1x1x128xi32, #tpu.memory_space<vmem>>
        %dma_start3A_302 = tpu.memref_squeeze %dma_start3A_301 : memref<1x1x128xi32, #tpu.memory_space<vmem>> -> memref<128xi32, #tpu.memory_space<vmem>>
        %dma_start3A_303 = arith.constant 0 : i32
        %dma_start3A_304 = arith.constant 0 : i32
        %dma_start3A_305 = tpu.memref_slice %arg3[%dma_start3A_303, %dma_start3A_304] : memref<10000x128xf32, #tpu.memory_space<hbm>> -> memref<10000x128xf32, #tpu.memory_space<hbm>>
        tpu.enqueue_indirect_dma source(%dma_start3A_305 : memref<10000x128xf32, #tpu.memory_space<hbm>>) target(%dma_start3A_299 : memref<128x128xf32, #tpu.memory_space<vmem>>) offsets(%dma_start3A_302 : memref<128xi32, #tpu.memory_space<vmem>>) semaphore(%arg10 : memref<!tpu.dma_semaphore, #tpu.memory_space<semaphore_mem>>)
      } else {
      }
      %mul3A_241 = arith.constant 2 : i32
      %mul3A_242 = arith.muli %while3A_205, %mul3A_241 : i32
      %add3A_243 = arith.constant 1 : i32
      %add3A_244 = arith.addi %mul3A_242, %add3A_243 : i32
      %dma_wait3A_245 = arith.constant 0 : i32
      %dma_wait3A_246 = arith.constant 1 : i32
      %dma_wait3A_247 = arith.constant 0 : i32
      %dma_wait3A_248 = arith.constant 0 : i32
      %dma_wait3A_249 = tpu.memref_slice %arg7[%dma_wait3A_246, %dma_wait3A_247, %dma_wait3A_248] : memref<2x128x128xf32, #tpu.memory_space<vmem>> -> memref<1x128x128xf32, #tpu.memory_space<vmem>>
      %dma_wait3A_250 = tpu.memref_squeeze %dma_wait3A_249 : memref<1x128x128xf32, #tpu.memory_space<vmem>> -> memref<128x128xf32, #tpu.memory_space<vmem>>
      %dma_wait3A_251 = arith.constant 0 : i32
      %dma_wait3A_252 = tpu.memref_slice %arg6[%add3A_244, %dma_wait3A_245, %dma_wait3A_251] : memref<62x2x128xi32, #tpu.memory_space<vmem>> -> memref<1x1x128xi32, #tpu.memory_space<vmem>>
      %dma_wait3A_253 = tpu.memref_squeeze %dma_wait3A_252 : memref<1x1x128xi32, #tpu.memory_space<vmem>> -> memref<128xi32, #tpu.memory_space<vmem>>
      %dma_wait3A_254 = arith.constant 0 : i32
      %dma_wait3A_255 = arith.constant 0 : i32
      %dma_wait3A_256 = tpu.memref_slice %arg3[%dma_wait3A_254, %dma_wait3A_255] : memref<10000x128xf32, #tpu.memory_space<hbm>> -> memref<10000x128xf32, #tpu.memory_space<hbm>>
      tpu.wait_indirect_dma semaphore(%arg10 : memref<!tpu.dma_semaphore, #tpu.memory_space<semaphore_mem>>) src(%dma_wait3A_256 : memref<10000x128xf32, #tpu.memory_space<hbm>>) dst(%dma_wait3A_250 : memref<128x128xf32, #tpu.memory_space<vmem>>)
      %dma_start3A_257 = arith.constant 1 : i32
      %dma_start3A_258 = arith.constant 1 : i32
      %dma_start3A_259 = arith.constant 0 : i32
      %dma_start3A_260 = arith.constant 0 : i32
      %dma_start3A_261 = tpu.memref_slice %arg7[%dma_start3A_257, %dma_start3A_259, %dma_start3A_260] : memref<2x128x128xf32, #tpu.memory_space<vmem>> -> memref<1x128x128xf32, #tpu.memory_space<vmem>>
      %dma_start3A_262 = tpu.memref_squeeze %dma_start3A_261 : memref<1x128x128xf32, #tpu.memory_space<vmem>> -> memref<128x128xf32, #tpu.memory_space<vmem>>
      %dma_start3A_263 = arith.constant 0 : i32
      %dma_start3A_264 = tpu.memref_slice %arg6[%add3A_244, %dma_start3A_258, %dma_start3A_263] : memref<62x2x128xi32, #tpu.memory_space<vmem>> -> memref<1x1x128xi32, #tpu.memory_space<vmem>>
      %dma_start3A_265 = tpu.memref_squeeze %dma_start3A_264 : memref<1x1x128xi32, #tpu.memory_space<vmem>> -> memref<128xi32, #tpu.memory_space<vmem>>
      %dma_start3A_266 = arith.constant 0 : i32
      %dma_start3A_267 = arith.constant 0 : i32
      %dma_start3A_268 = tpu.memref_slice %arg8[%dma_start3A_266, %dma_start3A_267] : memref<10240x128xf32, #tpu.memory_space<vmem_shared>> -> memref<10240x128xf32, #tpu.memory_space<vmem_shared>>
      tpu.enqueue_indirect_dma source(%dma_start3A_262 : memref<128x128xf32, #tpu.memory_space<vmem>>) target(%dma_start3A_268 : memref<10240x128xf32, #tpu.memory_space<vmem_shared>>) offsets(%dma_start3A_265 : memref<128xi32, #tpu.memory_space<vmem>>) semaphore(%arg12 : memref<!tpu.dma_semaphore, #tpu.memory_space<semaphore_mem>>) {add = true}
      %add3A_269 = arith.constant 2 : i32
      %add3A_270 = arith.addi %add3A_244, %add3A_269 : i32
      %sub3A_271 = arith.constant 1 : i32
      %sub3A_272 = arith.subi %add3A_270, %sub3A_271 : i32
      %ge3A_273 = arith.constant 1 : i32
      %ge3A_274 = arith.cmpi sge, %add3A_244, %ge3A_273 : i32
      %lt3A_275 = arith.cmpi slt, %sub3A_272, %select_n3A_20 : i32
      %and3A_276 = arith.andi %ge3A_274, %lt3A_275 : i1
      %convert_element_type3A_277 = arith.extui %and3A_276 : i1 to i32
      %cond3A_278 = arith.constant 0 : i32
      %cond3A_279 = arith.cmpi ne, %convert_element_type3A_277, %cond3A_278 : i32
      scf.if %cond3A_279 {
        %sub3A_280 = arith.constant 1 : i32
        %sub3A_281 = arith.subi %add3A_244, %sub3A_280 : i32
        %dma_wait3A_282 = arith.constant 0 : i32
        %dma_wait3A_283 = arith.constant 1 : i32
        %dma_wait3A_284 = arith.constant 0 : i32
        %dma_wait3A_285 = arith.constant 0 : i32
        %dma_wait3A_286 = tpu.memref_slice %arg7[%dma_wait3A_282, %dma_wait3A_284, %dma_wait3A_285] : memref<2x128x128xf32, #tpu.memory_space<vmem>> -> memref<1x128x128xf32, #tpu.memory_space<vmem>>
        %dma_wait3A_287 = tpu.memref_squeeze %dma_wait3A_286 : memref<1x128x128xf32, #tpu.memory_space<vmem>> -> memref<128x128xf32, #tpu.memory_space<vmem>>
        %dma_wait3A_288 = arith.constant 0 : i32
        %dma_wait3A_289 = tpu.memref_slice %arg6[%sub3A_281, %dma_wait3A_283, %dma_wait3A_288] : memref<62x2x128xi32, #tpu.memory_space<vmem>> -> memref<1x1x128xi32, #tpu.memory_space<vmem>>
        %dma_wait3A_290 = tpu.memref_squeeze %dma_wait3A_289 : memref<1x1x128xi32, #tpu.memory_space<vmem>> -> memref<128xi32, #tpu.memory_space<vmem>>
        %dma_wait3A_291 = arith.constant 0 : i32
        %dma_wait3A_292 = arith.constant 0 : i32
        %dma_wait3A_293 = tpu.memref_slice %arg8[%dma_wait3A_291, %dma_wait3A_292] : memref<10240x128xf32, #tpu.memory_space<vmem_shared>> -> memref<10240x128xf32, #tpu.memory_space<vmem_shared>>
        tpu.wait_indirect_dma semaphore(%arg11 : memref<!tpu.dma_semaphore, #tpu.memory_space<semaphore_mem>>) src(%dma_wait3A_287 : memref<128x128xf32, #tpu.memory_space<vmem>>) dst(%dma_wait3A_293 : memref<10240x128xf32, #tpu.memory_space<vmem_shared>>)
        %dma_start3A_294 = arith.constant 0 : i32
        %dma_start3A_295 = arith.constant 0 : i32
        %dma_start3A_296 = arith.constant 0 : i32
        %dma_start3A_297 = arith.constant 0 : i32
        %dma_start3A_298 = tpu.memref_slice %arg7[%dma_start3A_295, %dma_start3A_296, %dma_start3A_297] : memref<2x128x128xf32, #tpu.memory_space<vmem>> -> memref<1x128x128xf32, #tpu.memory_space<vmem>>
        %dma_start3A_299 = tpu.memref_squeeze %dma_start3A_298 : memref<1x128x128xf32, #tpu.memory_space<vmem>> -> memref<128x128xf32, #tpu.memory_space<vmem>>
        %dma_start3A_300 = arith.constant 0 : i32
        %dma_start3A_301 = tpu.memref_slice %arg6[%sub3A_272, %dma_start3A_294, %dma_start3A_300] : memref<62x2x128xi32, #tpu.memory_space<vmem>> -> memref<1x1x128xi32, #tpu.memory_space<vmem>>
        %dma_start3A_302 = tpu.memref_squeeze %dma_start3A_301 : memref<1x1x128xi32, #tpu.memory_space<vmem>> -> memref<128xi32, #tpu.memory_space<vmem>>
        %dma_start3A_303 = arith.constant 0 : i32
        %dma_start3A_304 = arith.constant 0 : i32
        %dma_start3A_305 = tpu.memref_slice %arg3[%dma_start3A_303, %dma_start3A_304] : memref<10000x128xf32, #tpu.memory_space<hbm>> -> memref<10000x128xf32, #tpu.memory_space<hbm>>
        tpu.enqueue_indirect_dma source(%dma_start3A_305 : memref<10000x128xf32, #tpu.memory_space<hbm>>) target(%dma_start3A_299 : memref<128x128xf32, #tpu.memory_space<vmem>>) offsets(%dma_start3A_302 : memref<128xi32, #tpu.memory_space<vmem>>) semaphore(%arg9 : memref<!tpu.dma_semaphore, #tpu.memory_space<semaphore_mem>>)
      } else {
      }
    }
    %dma_wait3A = arith.constant 0 : i32
    %dma_wait3A_90 = arith.constant 0 : i32
    %dma_wait3A_91 = arith.constant 1 : i32
    %dma_wait3A_92 = arith.constant 0 : i32
    %dma_wait3A_93 = arith.constant 0 : i32
    %dma_wait3A_94 = tpu.memref_slice %arg7[%dma_wait3A, %dma_wait3A_92, %dma_wait3A_93] : memref<2x128x128xf32, #tpu.memory_space<vmem>> -> memref<1x128x128xf32, #tpu.memory_space<vmem>>
    %dma_wait3A_95 = tpu.memref_squeeze %dma_wait3A_94 : memref<1x128x128xf32, #tpu.memory_space<vmem>> -> memref<128x128xf32, #tpu.memory_space<vmem>>
    %dma_wait3A_96 = arith.constant 0 : i32
    %dma_wait3A_97 = tpu.memref_slice %arg6[%dma_wait3A_90, %dma_wait3A_91, %dma_wait3A_96] : memref<62x2x128xi32, #tpu.memory_space<vmem>> -> memref<1x1x128xi32, #tpu.memory_space<vmem>>
    %dma_wait3A_98 = tpu.memref_squeeze %dma_wait3A_97 : memref<1x1x128xi32, #tpu.memory_space<vmem>> -> memref<128xi32, #tpu.memory_space<vmem>>
    %dma_wait3A_99 = arith.constant 0 : i32
    %dma_wait3A_100 = arith.constant 0 : i32
    %dma_wait3A_101 = tpu.memref_slice %arg8[%dma_wait3A_99, %dma_wait3A_100] : memref<10240x128xf32, #tpu.memory_space<vmem_shared>> -> memref<10240x128xf32, #tpu.memory_space<vmem_shared>>
    tpu.wait_indirect_dma semaphore(%arg11 : memref<!tpu.dma_semaphore, #tpu.memory_space<semaphore_mem>>) src(%dma_wait3A_95 : memref<128x128xf32, #tpu.memory_space<vmem>>) dst(%dma_wait3A_101 : memref<10240x128xf32, #tpu.memory_space<vmem_shared>>)
    %dma_wait3A_102 = arith.constant 1 : i32
    %dma_wait3A_103 = arith.constant 0 : i32
    %dma_wait3A_104 = arith.constant 1 : i32
    %dma_wait3A_105 = arith.constant 0 : i32
    %dma_wait3A_106 = arith.constant 0 : i32
    %dma_wait3A_107 = tpu.memref_slice %arg7[%dma_wait3A_102, %dma_wait3A_105, %dma_wait3A_106] : memref<2x128x128xf32, #tpu.memory_space<vmem>> -> memref<1x128x128xf32, #tpu.memory_space<vmem>>
    %dma_wait3A_108 = tpu.memref_squeeze %dma_wait3A_107 : memref<1x128x128xf32, #tpu.memory_space<vmem>> -> memref<128x128xf32, #tpu.memory_space<vmem>>
    %dma_wait3A_109 = arith.constant 0 : i32
    %dma_wait3A_110 = tpu.memref_slice %arg6[%dma_wait3A_103, %dma_wait3A_104, %dma_wait3A_109] : memref<62x2x128xi32, #tpu.memory_space<vmem>> -> memref<1x1x128xi32, #tpu.memory_space<vmem>>
    %dma_wait3A_111 = tpu.memref_squeeze %dma_wait3A_110 : memref<1x1x128xi32, #tpu.memory_space<vmem>> -> memref<128xi32, #tpu.memory_space<vmem>>
    %dma_wait3A_112 = arith.constant 0 : i32
    %dma_wait3A_113 = arith.constant 0 : i32
    %dma_wait3A_114 = tpu.memref_slice %arg8[%dma_wait3A_112, %dma_wait3A_113] : memref<10240x128xf32, #tpu.memory_space<vmem_shared>> -> memref<10240x128xf32, #tpu.memory_space<vmem_shared>>
    tpu.wait_indirect_dma semaphore(%arg12 : memref<!tpu.dma_semaphore, #tpu.memory_space<semaphore_mem>>) src(%dma_wait3A_108 : memref<128x128xf32, #tpu.memory_space<vmem>>) dst(%dma_wait3A_114 : memref<10240x128xf32, #tpu.memory_space<vmem_shared>>)
    %mul3A_115 = arith.constant 1 : i32
    %mul3A_116 = arith.muli %mul3A_115, %select_n3A_20 : i32
    %add3A_117 = arith.addi %select_n3A_28, %mul3A_116 : i32
    "tpu.region"() ({
      %run_scoped3A = tpu.sem_alloc : memref<!tpu.dma_semaphore, #tpu.memory_space<semaphore_mem>>
      %dma_start3A_205 = arith.constant 0 : i32
      %dma_start3A_206 = arith.constant 0 : i32
      %dma_start3A_207 = tpu.memref_slice %arg2[%add3A_117, %dma_start3A_205, %dma_start3A_206] : memref<2622x2x128xi32, #tpu.memory_space<hbm>> -> memref<62x2x128xi32, #tpu.memory_space<hbm>>
      %dma_start3A_208 = arith.constant 0 : i32
      %dma_start3A_209 = arith.constant 0 : i32
      %dma_start3A_210 = tpu.memref_slice %arg2[%add3A_117, %dma_start3A_208, %dma_start3A_209] : memref<2622x2x128xi32, #tpu.memory_space<hbm>> -> memref<62x2x128xi32, #tpu.memory_space<hbm>>
      tpu.enqueue_dma source(%dma_start3A_210 : memref<62x2x128xi32, #tpu.memory_space<hbm>>) target(%arg6 : memref<62x2x128xi32, #tpu.memory_space<vmem>>) target_semaphore(%run_scoped3A : memref<!tpu.dma_semaphore, #tpu.memory_space<semaphore_mem>>)
      %dma_wait3A_211 = arith.constant 0 : i32
      %dma_wait3A_212 = arith.constant 0 : i32
      %dma_wait3A_213 = tpu.memref_slice %arg2[%add3A_117, %dma_wait3A_211, %dma_wait3A_212] : memref<2622x2x128xi32, #tpu.memory_space<hbm>> -> memref<62x2x128xi32, #tpu.memory_space<hbm>>
      %dma_wait3A_214 = arith.constant 0 : i32
      %dma_wait3A_215 = arith.constant 0 : i32
      %dma_wait3A_216 = tpu.memref_slice %arg2[%add3A_117, %dma_wait3A_214, %dma_wait3A_215] : memref<2622x2x128xi32, #tpu.memory_space<hbm>> -> memref<62x2x128xi32, #tpu.memory_space<hbm>>
      tpu.wait_dma2 semaphore(%run_scoped3A : memref<!tpu.dma_semaphore, #tpu.memory_space<semaphore_mem>>) src(%dma_wait3A_216 : memref<62x2x128xi32, #tpu.memory_space<hbm>>) dst(%arg6 : memref<62x2x128xi32, #tpu.memory_space<vmem>>)
      tpu.yield
    }) : () -> ()
    %dma_start3A_118 = arith.constant 0 : i32
    %dma_start3A_119 = arith.constant 0 : i32
    %dma_start3A_120 = arith.constant 0 : i32
    %dma_start3A_121 = arith.constant 0 : i32
    %dma_start3A_122 = arith.constant 0 : i32
    %dma_start3A_123 = tpu.memref_slice %arg7[%dma_start3A_120, %dma_start3A_121, %dma_start3A_122] : memref<2x128x128xf32, #tpu.memory_space<vmem>> -> memref<1x128x128xf32, #tpu.memory_space<vmem>>
    %dma_start3A_124 = tpu.memref_squeeze %dma_start3A_123 : memref<1x128x128xf32, #tpu.memory_space<vmem>> -> memref<128x128xf32, #tpu.memory_space<vmem>>
    %dma_start3A_125 = arith.constant 0 : i32
    %dma_start3A_126 = tpu.memref_slice %arg6[%dma_start3A_118, %dma_start3A_119, %dma_start3A_125] : memref<62x2x128xi32, #tpu.memory_space<vmem>> -> memref<1x1x128xi32, #tpu.memory_space<vmem>>
    %dma_start3A_127 = tpu.memref_squeeze %dma_start3A_126 : memref<1x1x128xi32, #tpu.memory_space<vmem>> -> memref<128xi32, #tpu.memory_space<vmem>>
    %dma_start3A_128 = arith.constant 0 : i32
    %dma_start3A_129 = arith.constant 0 : i32
    %dma_start3A_130 = tpu.memref_slice %arg3[%dma_start3A_128, %dma_start3A_129] : memref<10000x128xf32, #tpu.memory_space<hbm>> -> memref<10000x128xf32, #tpu.memory_space<hbm>>
    tpu.enqueue_indirect_dma source(%dma_start3A_130 : memref<10000x128xf32, #tpu.memory_space<hbm>>) target(%dma_start3A_124 : memref<128x128xf32, #tpu.memory_space<vmem>>) offsets(%dma_start3A_127 : memref<128xi32, #tpu.memory_space<vmem>>) semaphore(%arg9 : memref<!tpu.dma_semaphore, #tpu.memory_space<semaphore_mem>>)
    %dma_start3A_131 = arith.constant 1 : i32
    %dma_start3A_132 = arith.constant 0 : i32
    %dma_start3A_133 = arith.constant 1 : i32
    %dma_start3A_134 = arith.constant 0 : i32
    %dma_start3A_135 = arith.constant 0 : i32
    %dma_start3A_136 = tpu.memref_slice %arg7[%dma_start3A_133, %dma_start3A_134, %dma_start3A_135] : memref<2x128x128xf32, #tpu.memory_space<vmem>> -> memref<1x128x128xf32, #tpu.memory_space<vmem>>
    %dma_start3A_137 = tpu.memref_squeeze %dma_start3A_136 : memref<1x128x128xf32, #tpu.memory_space<vmem>> -> memref<128x128xf32, #tpu.memory_space<vmem>>
    %dma_start3A_138 = arith.constant 0 : i32
    %dma_start3A_139 = tpu.memref_slice %arg6[%dma_start3A_131, %dma_start3A_132, %dma_start3A_138] : memref<62x2x128xi32, #tpu.memory_space<vmem>> -> memref<1x1x128xi32, #tpu.memory_space<vmem>>
    %dma_start3A_140 = tpu.memref_squeeze %dma_start3A_139 : memref<1x1x128xi32, #tpu.memory_space<vmem>> -> memref<128xi32, #tpu.memory_space<vmem>>
    %dma_start3A_141 = arith.constant 0 : i32
    %dma_start3A_142 = arith.constant 0 : i32
    %dma_start3A_143 = tpu.memref_slice %arg3[%dma_start3A_141, %dma_start3A_142] : memref<10000x128xf32, #tpu.memory_space<hbm>> -> memref<10000x128xf32, #tpu.memory_space<hbm>>
    tpu.enqueue_indirect_dma source(%dma_start3A_143 : memref<10000x128xf32, #tpu.memory_space<hbm>>) target(%dma_start3A_137 : memref<128x128xf32, #tpu.memory_space<vmem>>) offsets(%dma_start3A_140 : memref<128xi32, #tpu.memory_space<vmem>>) semaphore(%arg10 : memref<!tpu.dma_semaphore, #tpu.memory_space<semaphore_mem>>)
    %jit3A_144 = arith.constant 2 : i32
    %div3A_145 = arith.divsi %select_n3A_20, %jit3A_144 : i32
    %sign3A_146 = arith.constant 0 : i32
    %sign3A_147 = arith.cmpi sgt, %select_n3A_20, %sign3A_146 : i32
    %sign3A_148 = arith.extui %sign3A_147 : i1 to i32
    %sign3A_149 = arith.constant 0 : i32
    %sign3A_150 = arith.cmpi slt, %select_n3A_20, %sign3A_149 : i32
    %sign3A_151 = arith.extui %sign3A_150 : i1 to i32
    %sign3A_152 = arith.subi %sign3A_148, %sign3A_151 : i32
    %sign3A_153 = arith.constant 0 : i32
    %sign3A_154 = arith.cmpi sgt, %jit3A_144, %sign3A_153 : i32
    %sign3A_155 = arith.extui %sign3A_154 : i1 to i32
    %sign3A_156 = arith.constant 0 : i32
    %sign3A_157 = arith.cmpi slt, %jit3A_144, %sign3A_156 : i32
    %sign3A_158 = arith.extui %sign3A_157 : i1 to i32
    %sign3A_159 = arith.subi %sign3A_155, %sign3A_158 : i32
    %ne3A_160 = arith.cmpi ne, %sign3A_152, %sign3A_159 : i32
    %rem3A_161 = arith.remsi %select_n3A_20, %jit3A_144 : i32
    %ne3A_162 = arith.constant 0 : i32
    %ne3A_163 = arith.cmpi ne, %rem3A_161, %ne3A_162 : i32
    %and3A_164 = arith.andi %ne3A_160, %ne3A_163 : i1
    %sub3A_165 = arith.constant 1 : i32
    %sub3A_166 = arith.subi %div3A_145, %sub3A_165 : i32
    %select_n3A_167 = arith.select %and3A_164, %sub3A_166, %div3A_145 : i32
    %while3A_168 = arith.constant 0 : i32
    %while3A_169 = arith.constant 0 : i32
    %while3A_170 = arith.subi %select_n3A_167, %while3A_169 : i32
    %while3A_171 = arith.addi %while3A_169, %while3A_170 : i32
    %while3A_172 = arith.constant 1 : i32
    %while3A_173 = arith.divsi %while3A_170, %while3A_172 : i32
    %while3A_174 = arith.muli %while3A_173, %while3A_172 : i32
    %while3A_175 = arith.addi %while3A_169, %while3A_174 : i32
    %while3A_176 = arith.constant 1 : i32
    scf.for %while3A_205 = %while3A_169 to %while3A_175 step %while3A_176  : i32 {
      %mul3A_206 = arith.constant 2 : i32
      %mul3A_207 = arith.muli %while3A_205, %mul3A_206 : i32
      %add3A_208 = arith.constant 0 : i32
      %add3A_209 = arith.addi %mul3A_207, %add3A_208 : i32
      %dma_wait3A_210 = arith.constant 0 : i32
      %dma_wait3A_211 = arith.constant 0 : i32
      %dma_wait3A_212 = arith.constant 0 : i32
      %dma_wait3A_213 = arith.constant 0 : i32
      %dma_wait3A_214 = tpu.memref_slice %arg7[%dma_wait3A_211, %dma_wait3A_212, %dma_wait3A_213] : memref<2x128x128xf32, #tpu.memory_space<vmem>> -> memref<1x128x128xf32, #tpu.memory_space<vmem>>
      %dma_wait3A_215 = tpu.memref_squeeze %dma_wait3A_214 : memref<1x128x128xf32, #tpu.memory_space<vmem>> -> memref<128x128xf32, #tpu.memory_space<vmem>>
      %dma_wait3A_216 = arith.constant 0 : i32
      %dma_wait3A_217 = tpu.memref_slice %arg6[%add3A_209, %dma_wait3A_210, %dma_wait3A_216] : memref<62x2x128xi32, #tpu.memory_space<vmem>> -> memref<1x1x128xi32, #tpu.memory_space<vmem>>
      %dma_wait3A_218 = tpu.memref_squeeze %dma_wait3A_217 : memref<1x1x128xi32, #tpu.memory_space<vmem>> -> memref<128xi32, #tpu.memory_space<vmem>>
      %dma_wait3A_219 = arith.constant 0 : i32
      %dma_wait3A_220 = arith.constant 0 : i32
      %dma_wait3A_221 = tpu.memref_slice %arg3[%dma_wait3A_219, %dma_wait3A_220] : memref<10000x128xf32, #tpu.memory_space<hbm>> -> memref<10000x128xf32, #tpu.memory_space<hbm>>
      tpu.wait_indirect_dma semaphore(%arg9 : memref<!tpu.dma_semaphore, #tpu.memory_space<semaphore_mem>>) src(%dma_wait3A_221 : memref<10000x128xf32, #tpu.memory_space<hbm>>) dst(%dma_wait3A_215 : memref<128x128xf32, #tpu.memory_space<vmem>>)
      %dma_start3A_222 = arith.constant 0 : i32
      %dma_start3A_223 = arith.constant 1 : i32
      %dma_start3A_224 = arith.constant 0 : i32
      %dma_start3A_225 = arith.constant 0 : i32
      %dma_start3A_226 = tpu.memref_slice %arg7[%dma_start3A_222, %dma_start3A_224, %dma_start3A_225] : memref<2x128x128xf32, #tpu.memory_space<vmem>> -> memref<1x128x128xf32, #tpu.memory_space<vmem>>
      %dma_start3A_227 = tpu.memref_squeeze %dma_start3A_226 : memref<1x128x128xf32, #tpu.memory_space<vmem>> -> memref<128x128xf32, #tpu.memory_space<vmem>>
      %dma_start3A_228 = arith.constant 0 : i32
      %dma_start3A_229 = tpu.memref_slice %arg6[%add3A_209, %dma_start3A_223, %dma_start3A_228] : memref<62x2x128xi32, #tpu.memory_space<vmem>> -> memref<1x1x128xi32, #tpu.memory_space<vmem>>
      %dma_start3A_230 = tpu.memref_squeeze %dma_start3A_229 : memref<1x1x128xi32, #tpu.memory_space<vmem>> -> memref<128xi32, #tpu.memory_space<vmem>>
      %dma_start3A_231 = arith.constant 0 : i32
      %dma_start3A_232 = arith.constant 0 : i32
      %dma_start3A_233 = tpu.memref_slice %arg8[%dma_start3A_231, %dma_start3A_232] : memref<10240x128xf32, #tpu.memory_space<vmem_shared>> -> memref<10240x128xf32, #tpu.memory_space<vmem_shared>>
      tpu.enqueue_indirect_dma source(%dma_start3A_227 : memref<128x128xf32, #tpu.memory_space<vmem>>) target(%dma_start3A_233 : memref<10240x128xf32, #tpu.memory_space<vmem_shared>>) offsets(%dma_start3A_230 : memref<128xi32, #tpu.memory_space<vmem>>) semaphore(%arg11 : memref<!tpu.dma_semaphore, #tpu.memory_space<semaphore_mem>>) {add = true}
      %add3A_234 = arith.constant 2 : i32
      %add3A_235 = arith.addi %add3A_209, %add3A_234 : i32
      %sub3A_236 = arith.constant 1 : i32
      %sub3A_237 = arith.subi %add3A_235, %sub3A_236 : i32
      %ge3A = arith.constant 1 : i32
      %ge3A_238 = arith.cmpi sge, %add3A_209, %ge3A : i32
      %lt3A = arith.cmpi slt, %sub3A_237, %select_n3A_20 : i32
      %and3A_239 = arith.andi %ge3A_238, %lt3A : i1
      %convert_element_type3A = arith.extui %and3A_239 : i1 to i32
      %cond3A = arith.constant 0 : i32
      %cond3A_240 = arith.cmpi ne, %convert_element_type3A, %cond3A : i32
      scf.if %cond3A_240 {
        %sub3A_280 = arith.constant 1 : i32
        %sub3A_281 = arith.subi %add3A_209, %sub3A_280 : i32
        %dma_wait3A_282 = arith.constant 1 : i32
        %dma_wait3A_283 = arith.constant 1 : i32
        %dma_wait3A_284 = arith.constant 0 : i32
        %dma_wait3A_285 = arith.constant 0 : i32
        %dma_wait3A_286 = tpu.memref_slice %arg7[%dma_wait3A_282, %dma_wait3A_284, %dma_wait3A_285] : memref<2x128x128xf32, #tpu.memory_space<vmem>> -> memref<1x128x128xf32, #tpu.memory_space<vmem>>
        %dma_wait3A_287 = tpu.memref_squeeze %dma_wait3A_286 : memref<1x128x128xf32, #tpu.memory_space<vmem>> -> memref<128x128xf32, #tpu.memory_space<vmem>>
        %dma_wait3A_288 = arith.constant 0 : i32
        %dma_wait3A_289 = tpu.memref_slice %arg6[%sub3A_281, %dma_wait3A_283, %dma_wait3A_288] : memref<62x2x128xi32, #tpu.memory_space<vmem>> -> memref<1x1x128xi32, #tpu.memory_space<vmem>>
        %dma_wait3A_290 = tpu.memref_squeeze %dma_wait3A_289 : memref<1x1x128xi32, #tpu.memory_space<vmem>> -> memref<128xi32, #tpu.memory_space<vmem>>
        %dma_wait3A_291 = arith.constant 0 : i32
        %dma_wait3A_292 = arith.constant 0 : i32
        %dma_wait3A_293 = tpu.memref_slice %arg8[%dma_wait3A_291, %dma_wait3A_292] : memref<10240x128xf32, #tpu.memory_space<vmem_shared>> -> memref<10240x128xf32, #tpu.memory_space<vmem_shared>>
        tpu.wait_indirect_dma semaphore(%arg12 : memref<!tpu.dma_semaphore, #tpu.memory_space<semaphore_mem>>) src(%dma_wait3A_287 : memref<128x128xf32, #tpu.memory_space<vmem>>) dst(%dma_wait3A_293 : memref<10240x128xf32, #tpu.memory_space<vmem_shared>>)
        %dma_start3A_294 = arith.constant 0 : i32
        %dma_start3A_295 = arith.constant 1 : i32
        %dma_start3A_296 = arith.constant 0 : i32
        %dma_start3A_297 = arith.constant 0 : i32
        %dma_start3A_298 = tpu.memref_slice %arg7[%dma_start3A_295, %dma_start3A_296, %dma_start3A_297] : memref<2x128x128xf32, #tpu.memory_space<vmem>> -> memref<1x128x128xf32, #tpu.memory_space<vmem>>
        %dma_start3A_299 = tpu.memref_squeeze %dma_start3A_298 : memref<1x128x128xf32, #tpu.memory_space<vmem>> -> memref<128x128xf32, #tpu.memory_space<vmem>>
        %dma_start3A_300 = arith.constant 0 : i32
        %dma_start3A_301 = tpu.memref_slice %arg6[%sub3A_237, %dma_start3A_294, %dma_start3A_300] : memref<62x2x128xi32, #tpu.memory_space<vmem>> -> memref<1x1x128xi32, #tpu.memory_space<vmem>>
        %dma_start3A_302 = tpu.memref_squeeze %dma_start3A_301 : memref<1x1x128xi32, #tpu.memory_space<vmem>> -> memref<128xi32, #tpu.memory_space<vmem>>
        %dma_start3A_303 = arith.constant 0 : i32
        %dma_start3A_304 = arith.constant 0 : i32
        %dma_start3A_305 = tpu.memref_slice %arg3[%dma_start3A_303, %dma_start3A_304] : memref<10000x128xf32, #tpu.memory_space<hbm>> -> memref<10000x128xf32, #tpu.memory_space<hbm>>
        tpu.enqueue_indirect_dma source(%dma_start3A_305 : memref<10000x128xf32, #tpu.memory_space<hbm>>) target(%dma_start3A_299 : memref<128x128xf32, #tpu.memory_space<vmem>>) offsets(%dma_start3A_302 : memref<128xi32, #tpu.memory_space<vmem>>) semaphore(%arg10 : memref<!tpu.dma_semaphore, #tpu.memory_space<semaphore_mem>>)
      } else {
      }
      %mul3A_241 = arith.constant 2 : i32
      %mul3A_242 = arith.muli %while3A_205, %mul3A_241 : i32
      %add3A_243 = arith.constant 1 : i32
      %add3A_244 = arith.addi %mul3A_242, %add3A_243 : i32
      %dma_wait3A_245 = arith.constant 0 : i32
      %dma_wait3A_246 = arith.constant 1 : i32
      %dma_wait3A_247 = arith.constant 0 : i32
      %dma_wait3A_248 = arith.constant 0 : i32
      %dma_wait3A_249 = tpu.memref_slice %arg7[%dma_wait3A_246, %dma_wait3A_247, %dma_wait3A_248] : memref<2x128x128xf32, #tpu.memory_space<vmem>> -> memref<1x128x128xf32, #tpu.memory_space<vmem>>
      %dma_wait3A_250 = tpu.memref_squeeze %dma_wait3A_249 : memref<1x128x128xf32, #tpu.memory_space<vmem>> -> memref<128x128xf32, #tpu.memory_space<vmem>>
      %dma_wait3A_251 = arith.constant 0 : i32
      %dma_wait3A_252 = tpu.memref_slice %arg6[%add3A_244, %dma_wait3A_245, %dma_wait3A_251] : memref<62x2x128xi32, #tpu.memory_space<vmem>> -> memref<1x1x128xi32, #tpu.memory_space<vmem>>
      %dma_wait3A_253 = tpu.memref_squeeze %dma_wait3A_252 : memref<1x1x128xi32, #tpu.memory_space<vmem>> -> memref<128xi32, #tpu.memory_space<vmem>>
      %dma_wait3A_254 = arith.constant 0 : i32
      %dma_wait3A_255 = arith.constant 0 : i32
      %dma_wait3A_256 = tpu.memref_slice %arg3[%dma_wait3A_254, %dma_wait3A_255] : memref<10000x128xf32, #tpu.memory_space<hbm>> -> memref<10000x128xf32, #tpu.memory_space<hbm>>
      tpu.wait_indirect_dma semaphore(%arg10 : memref<!tpu.dma_semaphore, #tpu.memory_space<semaphore_mem>>) src(%dma_wait3A_256 : memref<10000x128xf32, #tpu.memory_space<hbm>>) dst(%dma_wait3A_250 : memref<128x128xf32, #tpu.memory_space<vmem>>)
      %dma_start3A_257 = arith.constant 1 : i32
      %dma_start3A_258 = arith.constant 1 : i32
      %dma_start3A_259 = arith.constant 0 : i32
      %dma_start3A_260 = arith.constant 0 : i32
      %dma_start3A_261 = tpu.memref_slice %arg7[%dma_start3A_257, %dma_start3A_259, %dma_start3A_260] : memref<2x128x128xf32, #tpu.memory_space<vmem>> -> memref<1x128x128xf32, #tpu.memory_space<vmem>>
      %dma_start3A_262 = tpu.memref_squeeze %dma_start3A_261 : memref<1x128x128xf32, #tpu.memory_space<vmem>> -> memref<128x128xf32, #tpu.memory_space<vmem>>
      %dma_start3A_263 = arith.constant 0 : i32
      %dma_start3A_264 = tpu.memref_slice %arg6[%add3A_244, %dma_start3A_258, %dma_start3A_263] : memref<62x2x128xi32, #tpu.memory_space<vmem>> -> memref<1x1x128xi32, #tpu.memory_space<vmem>>
      %dma_start3A_265 = tpu.memref_squeeze %dma_start3A_264 : memref<1x1x128xi32, #tpu.memory_space<vmem>> -> memref<128xi32, #tpu.memory_space<vmem>>
      %dma_start3A_266 = arith.constant 0 : i32
      %dma_start3A_267 = arith.constant 0 : i32
      %dma_start3A_268 = tpu.memref_slice %arg8[%dma_start3A_266, %dma_start3A_267] : memref<10240x128xf32, #tpu.memory_space<vmem_shared>> -> memref<10240x128xf32, #tpu.memory_space<vmem_shared>>
      tpu.enqueue_indirect_dma source(%dma_start3A_262 : memref<128x128xf32, #tpu.memory_space<vmem>>) target(%dma_start3A_268 : memref<10240x128xf32, #tpu.memory_space<vmem_shared>>) offsets(%dma_start3A_265 : memref<128xi32, #tpu.memory_space<vmem>>) semaphore(%arg12 : memref<!tpu.dma_semaphore, #tpu.memory_space<semaphore_mem>>) {add = true}
      %add3A_269 = arith.constant 2 : i32
      %add3A_270 = arith.addi %add3A_244, %add3A_269 : i32
      %sub3A_271 = arith.constant 1 : i32
      %sub3A_272 = arith.subi %add3A_270, %sub3A_271 : i32
      %ge3A_273 = arith.constant 1 : i32
      %ge3A_274 = arith.cmpi sge, %add3A_244, %ge3A_273 : i32
      %lt3A_275 = arith.cmpi slt, %sub3A_272, %select_n3A_20 : i32
      %and3A_276 = arith.andi %ge3A_274, %lt3A_275 : i1
      %convert_element_type3A_277 = arith.extui %and3A_276 : i1 to i32
      %cond3A_278 = arith.constant 0 : i32
      %cond3A_279 = arith.cmpi ne, %convert_element_type3A_277, %cond3A_278 : i32
      scf.if %cond3A_279 {
        %sub3A_280 = arith.constant 1 : i32
        %sub3A_281 = arith.subi %add3A_244, %sub3A_280 : i32
        %dma_wait3A_282 = arith.constant 0 : i32
        %dma_wait3A_283 = arith.constant 1 : i32
        %dma_wait3A_284 = arith.constant 0 : i32
        %dma_wait3A_285 = arith.constant 0 : i32
        %dma_wait3A_286 = tpu.memref_slice %arg7[%dma_wait3A_282, %dma_wait3A_284, %dma_wait3A_285] : memref<2x128x128xf32, #tpu.memory_space<vmem>> -> memref<1x128x128xf32, #tpu.memory_space<vmem>>
        %dma_wait3A_287 = tpu.memref_squeeze %dma_wait3A_286 : memref<1x128x128xf32, #tpu.memory_space<vmem>> -> memref<128x128xf32, #tpu.memory_space<vmem>>
        %dma_wait3A_288 = arith.constant 0 : i32
        %dma_wait3A_289 = tpu.memref_slice %arg6[%sub3A_281, %dma_wait3A_283, %dma_wait3A_288] : memref<62x2x128xi32, #tpu.memory_space<vmem>> -> memref<1x1x128xi32, #tpu.memory_space<vmem>>
        %dma_wait3A_290 = tpu.memref_squeeze %dma_wait3A_289 : memref<1x1x128xi32, #tpu.memory_space<vmem>> -> memref<128xi32, #tpu.memory_space<vmem>>
        %dma_wait3A_291 = arith.constant 0 : i32
        %dma_wait3A_292 = arith.constant 0 : i32
        %dma_wait3A_293 = tpu.memref_slice %arg8[%dma_wait3A_291, %dma_wait3A_292] : memref<10240x128xf32, #tpu.memory_space<vmem_shared>> -> memref<10240x128xf32, #tpu.memory_space<vmem_shared>>
        tpu.wait_indirect_dma semaphore(%arg11 : memref<!tpu.dma_semaphore, #tpu.memory_space<semaphore_mem>>) src(%dma_wait3A_287 : memref<128x128xf32, #tpu.memory_space<vmem>>) dst(%dma_wait3A_293 : memref<10240x128xf32, #tpu.memory_space<vmem_shared>>)
        %dma_start3A_294 = arith.constant 0 : i32
        %dma_start3A_295 = arith.constant 0 : i32
        %dma_start3A_296 = arith.constant 0 : i32
        %dma_start3A_297 = arith.constant 0 : i32
        %dma_start3A_298 = tpu.memref_slice %arg7[%dma_start3A_295, %dma_start3A_296, %dma_start3A_297] : memref<2x128x128xf32, #tpu.memory_space<vmem>> -> memref<1x128x128xf32, #tpu.memory_space<vmem>>
        %dma_start3A_299 = tpu.memref_squeeze %dma_start3A_298 : memref<1x128x128xf32, #tpu.memory_space<vmem>> -> memref<128x128xf32, #tpu.memory_space<vmem>>
        %dma_start3A_300 = arith.constant 0 : i32
        %dma_start3A_301 = tpu.memref_slice %arg6[%sub3A_272, %dma_start3A_294, %dma_start3A_300] : memref<62x2x128xi32, #tpu.memory_space<vmem>> -> memref<1x1x128xi32, #tpu.memory_space<vmem>>
        %dma_start3A_302 = tpu.memref_squeeze %dma_start3A_301 : memref<1x1x128xi32, #tpu.memory_space<vmem>> -> memref<128xi32, #tpu.memory_space<vmem>>
        %dma_start3A_303 = arith.constant 0 : i32
        %dma_start3A_304 = arith.constant 0 : i32
        %dma_start3A_305 = tpu.memref_slice %arg3[%dma_start3A_303, %dma_start3A_304] : memref<10000x128xf32, #tpu.memory_space<hbm>> -> memref<10000x128xf32, #tpu.memory_space<hbm>>
        tpu.enqueue_indirect_dma source(%dma_start3A_305 : memref<10000x128xf32, #tpu.memory_space<hbm>>) target(%dma_start3A_299 : memref<128x128xf32, #tpu.memory_space<vmem>>) offsets(%dma_start3A_302 : memref<128xi32, #tpu.memory_space<vmem>>) semaphore(%arg9 : memref<!tpu.dma_semaphore, #tpu.memory_space<semaphore_mem>>)
      } else {
      }
    }
    %while3A_177 = arith.constant 1 : i32
    scf.for %while3A_205 = %while3A_175 to %while3A_171 step %while3A_177  : i32 {
      %mul3A_206 = arith.constant 2 : i32
      %mul3A_207 = arith.muli %while3A_205, %mul3A_206 : i32
      %add3A_208 = arith.constant 0 : i32
      %add3A_209 = arith.addi %mul3A_207, %add3A_208 : i32
      %dma_wait3A_210 = arith.constant 0 : i32
      %dma_wait3A_211 = arith.constant 0 : i32
      %dma_wait3A_212 = arith.constant 0 : i32
      %dma_wait3A_213 = arith.constant 0 : i32
      %dma_wait3A_214 = tpu.memref_slice %arg7[%dma_wait3A_211, %dma_wait3A_212, %dma_wait3A_213] : memref<2x128x128xf32, #tpu.memory_space<vmem>> -> memref<1x128x128xf32, #tpu.memory_space<vmem>>
      %dma_wait3A_215 = tpu.memref_squeeze %dma_wait3A_214 : memref<1x128x128xf32, #tpu.memory_space<vmem>> -> memref<128x128xf32, #tpu.memory_space<vmem>>
      %dma_wait3A_216 = arith.constant 0 : i32
      %dma_wait3A_217 = tpu.memref_slice %arg6[%add3A_209, %dma_wait3A_210, %dma_wait3A_216] : memref<62x2x128xi32, #tpu.memory_space<vmem>> -> memref<1x1x128xi32, #tpu.memory_space<vmem>>
      %dma_wait3A_218 = tpu.memref_squeeze %dma_wait3A_217 : memref<1x1x128xi32, #tpu.memory_space<vmem>> -> memref<128xi32, #tpu.memory_space<vmem>>
      %dma_wait3A_219 = arith.constant 0 : i32
      %dma_wait3A_220 = arith.constant 0 : i32
      %dma_wait3A_221 = tpu.memref_slice %arg3[%dma_wait3A_219, %dma_wait3A_220] : memref<10000x128xf32, #tpu.memory_space<hbm>> -> memref<10000x128xf32, #tpu.memory_space<hbm>>
      tpu.wait_indirect_dma semaphore(%arg9 : memref<!tpu.dma_semaphore, #tpu.memory_space<semaphore_mem>>) src(%dma_wait3A_221 : memref<10000x128xf32, #tpu.memory_space<hbm>>) dst(%dma_wait3A_215 : memref<128x128xf32, #tpu.memory_space<vmem>>)
      %dma_start3A_222 = arith.constant 0 : i32
      %dma_start3A_223 = arith.constant 1 : i32
      %dma_start3A_224 = arith.constant 0 : i32
      %dma_start3A_225 = arith.constant 0 : i32
      %dma_start3A_226 = tpu.memref_slice %arg7[%dma_start3A_222, %dma_start3A_224, %dma_start3A_225] : memref<2x128x128xf32, #tpu.memory_space<vmem>> -> memref<1x128x128xf32, #tpu.memory_space<vmem>>
      %dma_start3A_227 = tpu.memref_squeeze %dma_start3A_226 : memref<1x128x128xf32, #tpu.memory_space<vmem>> -> memref<128x128xf32, #tpu.memory_space<vmem>>
      %dma_start3A_228 = arith.constant 0 : i32
      %dma_start3A_229 = tpu.memref_slice %arg6[%add3A_209, %dma_start3A_223, %dma_start3A_228] : memref<62x2x128xi32, #tpu.memory_space<vmem>> -> memref<1x1x128xi32, #tpu.memory_space<vmem>>
      %dma_start3A_230 = tpu.memref_squeeze %dma_start3A_229 : memref<1x1x128xi32, #tpu.memory_space<vmem>> -> memref<128xi32, #tpu.memory_space<vmem>>
      %dma_start3A_231 = arith.constant 0 : i32
      %dma_start3A_232 = arith.constant 0 : i32
      %dma_start3A_233 = tpu.memref_slice %arg8[%dma_start3A_231, %dma_start3A_232] : memref<10240x128xf32, #tpu.memory_space<vmem_shared>> -> memref<10240x128xf32, #tpu.memory_space<vmem_shared>>
      tpu.enqueue_indirect_dma source(%dma_start3A_227 : memref<128x128xf32, #tpu.memory_space<vmem>>) target(%dma_start3A_233 : memref<10240x128xf32, #tpu.memory_space<vmem_shared>>) offsets(%dma_start3A_230 : memref<128xi32, #tpu.memory_space<vmem>>) semaphore(%arg11 : memref<!tpu.dma_semaphore, #tpu.memory_space<semaphore_mem>>) {add = true}
      %add3A_234 = arith.constant 2 : i32
      %add3A_235 = arith.addi %add3A_209, %add3A_234 : i32
      %sub3A_236 = arith.constant 1 : i32
      %sub3A_237 = arith.subi %add3A_235, %sub3A_236 : i32
      %ge3A = arith.constant 1 : i32
      %ge3A_238 = arith.cmpi sge, %add3A_209, %ge3A : i32
      %lt3A = arith.cmpi slt, %sub3A_237, %select_n3A_20 : i32
      %and3A_239 = arith.andi %ge3A_238, %lt3A : i1
      %convert_element_type3A = arith.extui %and3A_239 : i1 to i32
      %cond3A = arith.constant 0 : i32
      %cond3A_240 = arith.cmpi ne, %convert_element_type3A, %cond3A : i32
      scf.if %cond3A_240 {
        %sub3A_280 = arith.constant 1 : i32
        %sub3A_281 = arith.subi %add3A_209, %sub3A_280 : i32
        %dma_wait3A_282 = arith.constant 1 : i32
        %dma_wait3A_283 = arith.constant 1 : i32
        %dma_wait3A_284 = arith.constant 0 : i32
        %dma_wait3A_285 = arith.constant 0 : i32
        %dma_wait3A_286 = tpu.memref_slice %arg7[%dma_wait3A_282, %dma_wait3A_284, %dma_wait3A_285] : memref<2x128x128xf32, #tpu.memory_space<vmem>> -> memref<1x128x128xf32, #tpu.memory_space<vmem>>
        %dma_wait3A_287 = tpu.memref_squeeze %dma_wait3A_286 : memref<1x128x128xf32, #tpu.memory_space<vmem>> -> memref<128x128xf32, #tpu.memory_space<vmem>>
        %dma_wait3A_288 = arith.constant 0 : i32
        %dma_wait3A_289 = tpu.memref_slice %arg6[%sub3A_281, %dma_wait3A_283, %dma_wait3A_288] : memref<62x2x128xi32, #tpu.memory_space<vmem>> -> memref<1x1x128xi32, #tpu.memory_space<vmem>>
        %dma_wait3A_290 = tpu.memref_squeeze %dma_wait3A_289 : memref<1x1x128xi32, #tpu.memory_space<vmem>> -> memref<128xi32, #tpu.memory_space<vmem>>
        %dma_wait3A_291 = arith.constant 0 : i32
        %dma_wait3A_292 = arith.constant 0 : i32
        %dma_wait3A_293 = tpu.memref_slice %arg8[%dma_wait3A_291, %dma_wait3A_292] : memref<10240x128xf32, #tpu.memory_space<vmem_shared>> -> memref<10240x128xf32, #tpu.memory_space<vmem_shared>>
        tpu.wait_indirect_dma semaphore(%arg12 : memref<!tpu.dma_semaphore, #tpu.memory_space<semaphore_mem>>) src(%dma_wait3A_287 : memref<128x128xf32, #tpu.memory_space<vmem>>) dst(%dma_wait3A_293 : memref<10240x128xf32, #tpu.memory_space<vmem_shared>>)
        %dma_start3A_294 = arith.constant 0 : i32
        %dma_start3A_295 = arith.constant 1 : i32
        %dma_start3A_296 = arith.constant 0 : i32
        %dma_start3A_297 = arith.constant 0 : i32
        %dma_start3A_298 = tpu.memref_slice %arg7[%dma_start3A_295, %dma_start3A_296, %dma_start3A_297] : memref<2x128x128xf32, #tpu.memory_space<vmem>> -> memref<1x128x128xf32, #tpu.memory_space<vmem>>
        %dma_start3A_299 = tpu.memref_squeeze %dma_start3A_298 : memref<1x128x128xf32, #tpu.memory_space<vmem>> -> memref<128x128xf32, #tpu.memory_space<vmem>>
        %dma_start3A_300 = arith.constant 0 : i32
        %dma_start3A_301 = tpu.memref_slice %arg6[%sub3A_237, %dma_start3A_294, %dma_start3A_300] : memref<62x2x128xi32, #tpu.memory_space<vmem>> -> memref<1x1x128xi32, #tpu.memory_space<vmem>>
        %dma_start3A_302 = tpu.memref_squeeze %dma_start3A_301 : memref<1x1x128xi32, #tpu.memory_space<vmem>> -> memref<128xi32, #tpu.memory_space<vmem>>
        %dma_start3A_303 = arith.constant 0 : i32
        %dma_start3A_304 = arith.constant 0 : i32
        %dma_start3A_305 = tpu.memref_slice %arg3[%dma_start3A_303, %dma_start3A_304] : memref<10000x128xf32, #tpu.memory_space<hbm>> -> memref<10000x128xf32, #tpu.memory_space<hbm>>
        tpu.enqueue_indirect_dma source(%dma_start3A_305 : memref<10000x128xf32, #tpu.memory_space<hbm>>) target(%dma_start3A_299 : memref<128x128xf32, #tpu.memory_space<vmem>>) offsets(%dma_start3A_302 : memref<128xi32, #tpu.memory_space<vmem>>) semaphore(%arg10 : memref<!tpu.dma_semaphore, #tpu.memory_space<semaphore_mem>>)
      } else {
      }
      %mul3A_241 = arith.constant 2 : i32
      %mul3A_242 = arith.muli %while3A_205, %mul3A_241 : i32
      %add3A_243 = arith.constant 1 : i32
      %add3A_244 = arith.addi %mul3A_242, %add3A_243 : i32
      %dma_wait3A_245 = arith.constant 0 : i32
      %dma_wait3A_246 = arith.constant 1 : i32
      %dma_wait3A_247 = arith.constant 0 : i32
      %dma_wait3A_248 = arith.constant 0 : i32
      %dma_wait3A_249 = tpu.memref_slice %arg7[%dma_wait3A_246, %dma_wait3A_247, %dma_wait3A_248] : memref<2x128x128xf32, #tpu.memory_space<vmem>> -> memref<1x128x128xf32, #tpu.memory_space<vmem>>
      %dma_wait3A_250 = tpu.memref_squeeze %dma_wait3A_249 : memref<1x128x128xf32, #tpu.memory_space<vmem>> -> memref<128x128xf32, #tpu.memory_space<vmem>>
      %dma_wait3A_251 = arith.constant 0 : i32
      %dma_wait3A_252 = tpu.memref_slice %arg6[%add3A_244, %dma_wait3A_245, %dma_wait3A_251] : memref<62x2x128xi32, #tpu.memory_space<vmem>> -> memref<1x1x128xi32, #tpu.memory_space<vmem>>
      %dma_wait3A_253 = tpu.memref_squeeze %dma_wait3A_252 : memref<1x1x128xi32, #tpu.memory_space<vmem>> -> memref<128xi32, #tpu.memory_space<vmem>>
      %dma_wait3A_254 = arith.constant 0 : i32
      %dma_wait3A_255 = arith.constant 0 : i32
      %dma_wait3A_256 = tpu.memref_slice %arg3[%dma_wait3A_254, %dma_wait3A_255] : memref<10000x128xf32, #tpu.memory_space<hbm>> -> memref<10000x128xf32, #tpu.memory_space<hbm>>
      tpu.wait_indirect_dma semaphore(%arg10 : memref<!tpu.dma_semaphore, #tpu.memory_space<semaphore_mem>>) src(%dma_wait3A_256 : memref<10000x128xf32, #tpu.memory_space<hbm>>) dst(%dma_wait3A_250 : memref<128x128xf32, #tpu.memory_space<vmem>>)
      %dma_start3A_257 = arith.constant 1 : i32
      %dma_start3A_258 = arith.constant 1 : i32
      %dma_start3A_259 = arith.constant 0 : i32
      %dma_start3A_260 = arith.constant 0 : i32
      %dma_start3A_261 = tpu.memref_slice %arg7[%dma_start3A_257, %dma_start3A_259, %dma_start3A_260] : memref<2x128x128xf32, #tpu.memory_space<vmem>> -> memref<1x128x128xf32, #tpu.memory_space<vmem>>
      %dma_start3A_262 = tpu.memref_squeeze %dma_start3A_261 : memref<1x128x128xf32, #tpu.memory_space<vmem>> -> memref<128x128xf32, #tpu.memory_space<vmem>>
      %dma_start3A_263 = arith.constant 0 : i32
      %dma_start3A_264 = tpu.memref_slice %arg6[%add3A_244, %dma_start3A_258, %dma_start3A_263] : memref<62x2x128xi32, #tpu.memory_space<vmem>> -> memref<1x1x128xi32, #tpu.memory_space<vmem>>
      %dma_start3A_265 = tpu.memref_squeeze %dma_start3A_264 : memref<1x1x128xi32, #tpu.memory_space<vmem>> -> memref<128xi32, #tpu.memory_space<vmem>>
      %dma_start3A_266 = arith.constant 0 : i32
      %dma_start3A_267 = arith.constant 0 : i32
      %dma_start3A_268 = tpu.memref_slice %arg8[%dma_start3A_266, %dma_start3A_267] : memref<10240x128xf32, #tpu.memory_space<vmem_shared>> -> memref<10240x128xf32, #tpu.memory_space<vmem_shared>>
      tpu.enqueue_indirect_dma source(%dma_start3A_262 : memref<128x128xf32, #tpu.memory_space<vmem>>) target(%dma_start3A_268 : memref<10240x128xf32, #tpu.memory_space<vmem_shared>>) offsets(%dma_start3A_265 : memref<128xi32, #tpu.memory_space<vmem>>) semaphore(%arg12 : memref<!tpu.dma_semaphore, #tpu.memory_space<semaphore_mem>>) {add = true}
      %add3A_269 = arith.constant 2 : i32
      %add3A_270 = arith.addi %add3A_244, %add3A_269 : i32
      %sub3A_271 = arith.constant 1 : i32
      %sub3A_272 = arith.subi %add3A_270, %sub3A_271 : i32
      %ge3A_273 = arith.constant 1 : i32
      %ge3A_274 = arith.cmpi sge, %add3A_244, %ge3A_273 : i32
      %lt3A_275 = arith.cmpi slt, %sub3A_272, %select_n3A_20 : i32
      %and3A_276 = arith.andi %ge3A_274, %lt3A_275 : i1
      %convert_element_type3A_277 = arith.extui %and3A_276 : i1 to i32
      %cond3A_278 = arith.constant 0 : i32
      %cond3A_279 = arith.cmpi ne, %convert_element_type3A_277, %cond3A_278 : i32
      scf.if %cond3A_279 {
        %sub3A_280 = arith.constant 1 : i32
        %sub3A_281 = arith.subi %add3A_244, %sub3A_280 : i32
        %dma_wait3A_282 = arith.constant 0 : i32
        %dma_wait3A_283 = arith.constant 1 : i32
        %dma_wait3A_284 = arith.constant 0 : i32
        %dma_wait3A_285 = arith.constant 0 : i32
        %dma_wait3A_286 = tpu.memref_slice %arg7[%dma_wait3A_282, %dma_wait3A_284, %dma_wait3A_285] : memref<2x128x128xf32, #tpu.memory_space<vmem>> -> memref<1x128x128xf32, #tpu.memory_space<vmem>>
        %dma_wait3A_287 = tpu.memref_squeeze %dma_wait3A_286 : memref<1x128x128xf32, #tpu.memory_space<vmem>> -> memref<128x128xf32, #tpu.memory_space<vmem>>
        %dma_wait3A_288 = arith.constant 0 : i32
        %dma_wait3A_289 = tpu.memref_slice %arg6[%sub3A_281, %dma_wait3A_283, %dma_wait3A_288] : memref<62x2x128xi32, #tpu.memory_space<vmem>> -> memref<1x1x128xi32, #tpu.memory_space<vmem>>
        %dma_wait3A_290 = tpu.memref_squeeze %dma_wait3A_289 : memref<1x1x128xi32, #tpu.memory_space<vmem>> -> memref<128xi32, #tpu.memory_space<vmem>>
        %dma_wait3A_291 = arith.constant 0 : i32
        %dma_wait3A_292 = arith.constant 0 : i32
        %dma_wait3A_293 = tpu.memref_slice %arg8[%dma_wait3A_291, %dma_wait3A_292] : memref<10240x128xf32, #tpu.memory_space<vmem_shared>> -> memref<10240x128xf32, #tpu.memory_space<vmem_shared>>
        tpu.wait_indirect_dma semaphore(%arg11 : memref<!tpu.dma_semaphore, #tpu.memory_space<semaphore_mem>>) src(%dma_wait3A_287 : memref<128x128xf32, #tpu.memory_space<vmem>>) dst(%dma_wait3A_293 : memref<10240x128xf32, #tpu.memory_space<vmem_shared>>)
        %dma_start3A_294 = arith.constant 0 : i32
        %dma_start3A_295 = arith.constant 0 : i32
        %dma_start3A_296 = arith.constant 0 : i32
        %dma_start3A_297 = arith.constant 0 : i32
        %dma_start3A_298 = tpu.memref_slice %arg7[%dma_start3A_295, %dma_start3A_296, %dma_start3A_297] : memref<2x128x128xf32, #tpu.memory_space<vmem>> -> memref<1x128x128xf32, #tpu.memory_space<vmem>>
        %dma_start3A_299 = tpu.memref_squeeze %dma_start3A_298 : memref<1x128x128xf32, #tpu.memory_space<vmem>> -> memref<128x128xf32, #tpu.memory_space<vmem>>
        %dma_start3A_300 = arith.constant 0 : i32
        %dma_start3A_301 = tpu.memref_slice %arg6[%sub3A_272, %dma_start3A_294, %dma_start3A_300] : memref<62x2x128xi32, #tpu.memory_space<vmem>> -> memref<1x1x128xi32, #tpu.memory_space<vmem>>
        %dma_start3A_302 = tpu.memref_squeeze %dma_start3A_301 : memref<1x1x128xi32, #tpu.memory_space<vmem>> -> memref<128xi32, #tpu.memory_space<vmem>>
        %dma_start3A_303 = arith.constant 0 : i32
        %dma_start3A_304 = arith.constant 0 : i32
        %dma_start3A_305 = tpu.memref_slice %arg3[%dma_start3A_303, %dma_start3A_304] : memref<10000x128xf32, #tpu.memory_space<hbm>> -> memref<10000x128xf32, #tpu.memory_space<hbm>>
        tpu.enqueue_indirect_dma source(%dma_start3A_305 : memref<10000x128xf32, #tpu.memory_space<hbm>>) target(%dma_start3A_299 : memref<128x128xf32, #tpu.memory_space<vmem>>) offsets(%dma_start3A_302 : memref<128xi32, #tpu.memory_space<vmem>>) semaphore(%arg9 : memref<!tpu.dma_semaphore, #tpu.memory_space<semaphore_mem>>)
      } else {
      }
    }
    %dma_wait3A_178 = arith.constant 0 : i32
    %dma_wait3A_179 = arith.constant 0 : i32
    %dma_wait3A_180 = arith.constant 1 : i32
    %dma_wait3A_181 = arith.constant 0 : i32
    %dma_wait3A_182 = arith.constant 0 : i32
    %dma_wait3A_183 = tpu.memref_slice %arg7[%dma_wait3A_178, %dma_wait3A_181, %dma_wait3A_182] : memref<2x128x128xf32, #tpu.memory_space<vmem>> -> memref<1x128x128xf32, #tpu.memory_space<vmem>>
    %dma_wait3A_184 = tpu.memref_squeeze %dma_wait3A_183 : memref<1x128x128xf32, #tpu.memory_space<vmem>> -> memref<128x128xf32, #tpu.memory_space<vmem>>
    %dma_wait3A_185 = arith.constant 0 : i32
    %dma_wait3A_186 = tpu.memref_slice %arg6[%dma_wait3A_179, %dma_wait3A_180, %dma_wait3A_185] : memref<62x2x128xi32, #tpu.memory_space<vmem>> -> memref<1x1x128xi32, #tpu.memory_space<vmem>>
    %dma_wait3A_187 = tpu.memref_squeeze %dma_wait3A_186 : memref<1x1x128xi32, #tpu.memory_space<vmem>> -> memref<128xi32, #tpu.memory_space<vmem>>
    %dma_wait3A_188 = arith.constant 0 : i32
    %dma_wait3A_189 = arith.constant 0 : i32
    %dma_wait3A_190 = tpu.memref_slice %arg8[%dma_wait3A_188, %dma_wait3A_189] : memref<10240x128xf32, #tpu.memory_space<vmem_shared>> -> memref<10240x128xf32, #tpu.memory_space<vmem_shared>>
    tpu.wait_indirect_dma semaphore(%arg11 : memref<!tpu.dma_semaphore, #tpu.memory_space<semaphore_mem>>) src(%dma_wait3A_184 : memref<128x128xf32, #tpu.memory_space<vmem>>) dst(%dma_wait3A_190 : memref<10240x128xf32, #tpu.memory_space<vmem_shared>>)
    %dma_wait3A_191 = arith.constant 1 : i32
    %dma_wait3A_192 = arith.constant 0 : i32
    %dma_wait3A_193 = arith.constant 1 : i32
    %dma_wait3A_194 = arith.constant 0 : i32
    %dma_wait3A_195 = arith.constant 0 : i32
    %dma_wait3A_196 = tpu.memref_slice %arg7[%dma_wait3A_191, %dma_wait3A_194, %dma_wait3A_195] : memref<2x128x128xf32, #tpu.memory_space<vmem>> -> memref<1x128x128xf32, #tpu.memory_space<vmem>>
    %dma_wait3A_197 = tpu.memref_squeeze %dma_wait3A_196 : memref<1x128x128xf32, #tpu.memory_space<vmem>> -> memref<128x128xf32, #tpu.memory_space<vmem>>
    %dma_wait3A_198 = arith.constant 0 : i32
    %dma_wait3A_199 = tpu.memref_slice %arg6[%dma_wait3A_192, %dma_wait3A_193, %dma_wait3A_198] : memref<62x2x128xi32, #tpu.memory_space<vmem>> -> memref<1x1x128xi32, #tpu.memory_space<vmem>>
    %dma_wait3A_200 = tpu.memref_squeeze %dma_wait3A_199 : memref<1x1x128xi32, #tpu.memory_space<vmem>> -> memref<128xi32, #tpu.memory_space<vmem>>
    %dma_wait3A_201 = arith.constant 0 : i32
    %dma_wait3A_202 = arith.constant 0 : i32
    %dma_wait3A_203 = tpu.memref_slice %arg8[%dma_wait3A_201, %dma_wait3A_202] : memref<10240x128xf32, #tpu.memory_space<vmem_shared>> -> memref<10240x128xf32, #tpu.memory_space<vmem_shared>>
    tpu.wait_indirect_dma semaphore(%arg12 : memref<!tpu.dma_semaphore, #tpu.memory_space<semaphore_mem>>) src(%dma_wait3A_197 : memref<128x128xf32, #tpu.memory_space<vmem>>) dst(%dma_wait3A_203 : memref<10240x128xf32, #tpu.memory_space<vmem_shared>>)
    %barrier3A_204 = arith.constant 0 : index
    tpu.barrier barrier_id(%barrier3A_204)
    "tpu.region"() ({
      %run_scoped3A = tpu.sem_alloc : memref<!tpu.dma_semaphore, #tpu.memory_space<semaphore_mem>>
      %dma_start3A_205 = arith.constant 0 : i32
      %dma_start3A_206 = tpu.memref_slice %arg5[%arg0, %multiple_of3A, %dma_start3A_205] : memref<2x10240x128xf32, #tpu.memory_space<hbm>> -> memref<1x640x128xf32, #tpu.memory_space<hbm>>
      %dma_start3A_207 = tpu.memref_squeeze %dma_start3A_206 : memref<1x640x128xf32, #tpu.memory_space<hbm>> -> memref<640x128xf32, #tpu.memory_space<hbm>>
      %dma_start3A_208 = arith.constant 0 : i32
      %dma_start3A_209 = tpu.memref_slice %arg8[%multiple_of3A, %dma_start3A_208] : memref<10240x128xf32, #tpu.memory_space<vmem_shared>> -> memref<640x128xf32, #tpu.memory_space<vmem_shared>>
      tpu.enqueue_dma source(%dma_start3A_209 : memref<640x128xf32, #tpu.memory_space<vmem_shared>>) target(%dma_start3A_207 : memref<640x128xf32, #tpu.memory_space<hbm>>) target_semaphore(%run_scoped3A : memref<!tpu.dma_semaphore, #tpu.memory_space<semaphore_mem>>)
      %dma_wait3A_210 = arith.constant 0 : i32
      %dma_wait3A_211 = tpu.memref_slice %arg5[%arg0, %multiple_of3A, %dma_wait3A_210] : memref<2x10240x128xf32, #tpu.memory_space<hbm>> -> memref<1x640x128xf32, #tpu.memory_space<hbm>>
      %dma_wait3A_212 = tpu.memref_squeeze %dma_wait3A_211 : memref<1x640x128xf32, #tpu.memory_space<hbm>> -> memref<640x128xf32, #tpu.memory_space<hbm>>
      %dma_wait3A_213 = arith.constant 0 : i32
      %dma_wait3A_214 = tpu.memref_slice %arg8[%multiple_of3A, %dma_wait3A_213] : memref<10240x128xf32, #tpu.memory_space<vmem_shared>> -> memref<640x128xf32, #tpu.memory_space<vmem_shared>>
      tpu.wait_dma2 semaphore(%run_scoped3A : memref<!tpu.dma_semaphore, #tpu.memory_space<semaphore_mem>>) src(%dma_wait3A_214 : memref<640x128xf32, #tpu.memory_space<vmem_shared>>) dst(%dma_wait3A_212 : memref<640x128xf32, #tpu.memory_space<hbm>>)
      tpu.yield
    }) : () -> ()
    return
  }
}

#map = affine_map<(d0, d1) -> (0)>
#map1 = affine_map<(d0, d1) -> (0, 0)>
#map2 = affine_map<(d0, d1) -> (0, 0, 0)>
module attributes {stable_mosaic.version = 14 : i64} {
  func.func @deg(%arg0: i32, %arg1: i32, %arg2: memref<327680xi32, #tpu.memory_space<hbm>>, %arg3: memref<128x128xf32, #tpu.memory_space<hbm>>, %arg4: memref<10240x128xf32, #tpu.memory_space<hbm>>, %arg5: memref<2x10240x128xf32, #tpu.memory_space<hbm>>, %arg6: memref<128xi32, #tpu.memory_space<vmem>>, %arg7: memref<128x128xf32, #tpu.memory_space<vmem>>, %arg8: memref<10240x128xf32, #tpu.memory_space<vmem_shared>>) attributes {dimension_semantics = [#tpu.dimension_semantics<core_parallel>, #tpu.dimension_semantics<subcore_parallel>], iteration_bounds = array<i64: 2, 16>, scalar_prefetch = 0 : i64, scratch_operands = 3 : i64, tpu.core_type = #tpu.core_type<sc_vector_subcore>, window_params = [{transform_indices = #map}, {transform_indices = #map1}, {transform_indices = #map1}, {transform_indices = #map2}]} {
    %mul3A = arith.constant 2 : i32
    %mul3A_0 = arith.muli %arg1, %mul3A : i32
    %add3A = arith.addi %mul3A_0, %arg0 : i32
    %mul3A_1 = arith.constant 640 : i32
    %mul3A_2 = arith.muli %arg1, %mul3A_1 : i32
    %multiple_of3A = tpu.assume_multiple %mul3A_2, 8 : i32
    "tpu.region"() ({
      %run_scoped3A = tpu.sem_alloc : memref<!tpu.dma_semaphore, #tpu.memory_space<semaphore_mem>>
      tpu.enqueue_dma source(%arg3 : memref<128x128xf32, #tpu.memory_space<hbm>>) target(%arg7 : memref<128x128xf32, #tpu.memory_space<vmem>>) target_semaphore(%run_scoped3A : memref<!tpu.dma_semaphore, #tpu.memory_space<semaphore_mem>>)
      tpu.wait_dma2 semaphore(%run_scoped3A : memref<!tpu.dma_semaphore, #tpu.memory_space<semaphore_mem>>) src(%arg3 : memref<128x128xf32, #tpu.memory_space<hbm>>) dst(%arg7 : memref<128x128xf32, #tpu.memory_space<vmem>>)
      tpu.yield
    }) : () -> ()
    "tpu.region"() ({
      %run_scoped3A = tpu.sem_alloc : memref<!tpu.dma_semaphore, #tpu.memory_space<semaphore_mem>>
      %dma_start3A = arith.constant 0 : i32
      %dma_start3A_11 = tpu.memref_slice %arg8[%multiple_of3A, %dma_start3A] : memref<10240x128xf32, #tpu.memory_space<vmem_shared>> -> memref<640x128xf32, #tpu.memory_space<vmem_shared>>
      %dma_start3A_12 = arith.constant 0 : i32
      %dma_start3A_13 = tpu.memref_slice %arg4[%multiple_of3A, %dma_start3A_12] : memref<10240x128xf32, #tpu.memory_space<hbm>> -> memref<640x128xf32, #tpu.memory_space<hbm>>
      tpu.enqueue_dma source(%dma_start3A_13 : memref<640x128xf32, #tpu.memory_space<hbm>>) target(%dma_start3A_11 : memref<640x128xf32, #tpu.memory_space<vmem_shared>>) target_semaphore(%run_scoped3A : memref<!tpu.dma_semaphore, #tpu.memory_space<semaphore_mem>>)
      %dma_wait3A = arith.constant 0 : i32
      %dma_wait3A_14 = tpu.memref_slice %arg8[%multiple_of3A, %dma_wait3A] : memref<10240x128xf32, #tpu.memory_space<vmem_shared>> -> memref<640x128xf32, #tpu.memory_space<vmem_shared>>
      %dma_wait3A_15 = arith.constant 0 : i32
      %dma_wait3A_16 = tpu.memref_slice %arg4[%multiple_of3A, %dma_wait3A_15] : memref<10240x128xf32, #tpu.memory_space<hbm>> -> memref<640x128xf32, #tpu.memory_space<hbm>>
      tpu.wait_dma2 semaphore(%run_scoped3A : memref<!tpu.dma_semaphore, #tpu.memory_space<semaphore_mem>>) src(%dma_wait3A_16 : memref<640x128xf32, #tpu.memory_space<hbm>>) dst(%dma_wait3A_14 : memref<640x128xf32, #tpu.memory_space<vmem_shared>>)
      tpu.yield
    }) : () -> ()
    %barrier3A = arith.constant 0 : index
    tpu.barrier barrier_id(%barrier3A)
    %mul3A_3 = arith.constant 10240 : i32
    %mul3A_4 = arith.muli %add3A, %mul3A_3 : i32
    %scan3A = arith.constant 0 : i32
    %scan3A_5 = arith.constant 0 : i32
    %scan3A_6 = arith.constant 80 : i32
    %scan3A_7 = arith.addi %scan3A_5, %scan3A_6 : i32
    %scan3A_8 = arith.constant 1 : i32
    scf.for %scan3A_11 = %scan3A_5 to %scan3A_7 step %scan3A_8  : i32 {
      %mul3A_12 = arith.constant 128 : i32
      %mul3A_13 = arith.muli %scan3A_11, %mul3A_12 : i32
      %add3A_14 = arith.addi %mul3A_4, %mul3A_13 : i32
      %multiple_of3A_15 = tpu.assume_multiple %add3A_14, 8 : i32
      "tpu.region"() ({
        %run_scoped3A = tpu.sem_alloc : memref<!tpu.dma_semaphore, #tpu.memory_space<semaphore_mem>>
        %dma_start3A = tpu.memref_slice %arg2[%multiple_of3A_15] : memref<327680xi32, #tpu.memory_space<hbm>> -> memref<128xi32, #tpu.memory_space<hbm>>
        %dma_start3A_16 = tpu.memref_slice %arg2[%multiple_of3A_15] : memref<327680xi32, #tpu.memory_space<hbm>> -> memref<128xi32, #tpu.memory_space<hbm>>
        tpu.enqueue_dma source(%dma_start3A_16 : memref<128xi32, #tpu.memory_space<hbm>>) target(%arg6 : memref<128xi32, #tpu.memory_space<vmem>>) target_semaphore(%run_scoped3A : memref<!tpu.dma_semaphore, #tpu.memory_space<semaphore_mem>>)
        %dma_wait3A = tpu.memref_slice %arg2[%multiple_of3A_15] : memref<327680xi32, #tpu.memory_space<hbm>> -> memref<128xi32, #tpu.memory_space<hbm>>
        %dma_wait3A_17 = tpu.memref_slice %arg2[%multiple_of3A_15] : memref<327680xi32, #tpu.memory_space<hbm>> -> memref<128xi32, #tpu.memory_space<hbm>>
        tpu.wait_dma2 semaphore(%run_scoped3A : memref<!tpu.dma_semaphore, #tpu.memory_space<semaphore_mem>>) src(%dma_wait3A_17 : memref<128xi32, #tpu.memory_space<hbm>>) dst(%arg6 : memref<128xi32, #tpu.memory_space<vmem>>)
        tpu.yield
      }) : () -> ()
      "tpu.region"() ({
        %run_scoped3A = tpu.sem_alloc : memref<!tpu.dma_semaphore, #tpu.memory_space<semaphore_mem>>
        %dma_start3A = arith.constant 0 : i32
        %dma_start3A_16 = arith.constant 0 : i32
        %dma_start3A_17 = tpu.memref_slice %arg8[%dma_start3A, %dma_start3A_16] : memref<10240x128xf32, #tpu.memory_space<vmem_shared>> -> memref<10240x128xf32, #tpu.memory_space<vmem_shared>>
        tpu.enqueue_indirect_dma source(%arg7 : memref<128x128xf32, #tpu.memory_space<vmem>>) target(%dma_start3A_17 : memref<10240x128xf32, #tpu.memory_space<vmem_shared>>) offsets(%arg6 : memref<128xi32, #tpu.memory_space<vmem>>) semaphore(%run_scoped3A : memref<!tpu.dma_semaphore, #tpu.memory_space<semaphore_mem>>) {add = true}
        %dma_wait3A = arith.constant 0 : i32
        %dma_wait3A_18 = arith.constant 0 : i32
        %dma_wait3A_19 = tpu.memref_slice %arg8[%dma_wait3A, %dma_wait3A_18] : memref<10240x128xf32, #tpu.memory_space<vmem_shared>> -> memref<10240x128xf32, #tpu.memory_space<vmem_shared>>
        tpu.wait_indirect_dma semaphore(%run_scoped3A : memref<!tpu.dma_semaphore, #tpu.memory_space<semaphore_mem>>) src(%arg7 : memref<128x128xf32, #tpu.memory_space<vmem>>) dst(%dma_wait3A_19 : memref<10240x128xf32, #tpu.memory_space<vmem_shared>>)
        tpu.yield
      }) : () -> ()
    }
    %scan3A_9 = arith.constant 80 : i32
    %barrier3A_10 = arith.constant 0 : index
    tpu.barrier barrier_id(%barrier3A_10)
    "tpu.region"() ({
      %run_scoped3A = tpu.sem_alloc : memref<!tpu.dma_semaphore, #tpu.memory_space<semaphore_mem>>
      %dma_start3A = arith.constant 0 : i32
      %dma_start3A_11 = tpu.memref_slice %arg5[%arg0, %multiple_of3A, %dma_start3A] : memref<2x10240x128xf32, #tpu.memory_space<hbm>> -> memref<1x640x128xf32, #tpu.memory_space<hbm>>
      %dma_start3A_12 = tpu.memref_squeeze %dma_start3A_11 : memref<1x640x128xf32, #tpu.memory_space<hbm>> -> memref<640x128xf32, #tpu.memory_space<hbm>>
      %dma_start3A_13 = arith.constant 0 : i32
      %dma_start3A_14 = tpu.memref_slice %arg8[%multiple_of3A, %dma_start3A_13] : memref<10240x128xf32, #tpu.memory_space<vmem_shared>> -> memref<640x128xf32, #tpu.memory_space<vmem_shared>>
      tpu.enqueue_dma source(%dma_start3A_14 : memref<640x128xf32, #tpu.memory_space<vmem_shared>>) target(%dma_start3A_12 : memref<640x128xf32, #tpu.memory_space<hbm>>) target_semaphore(%run_scoped3A : memref<!tpu.dma_semaphore, #tpu.memory_space<semaphore_mem>>)
      %dma_wait3A = arith.constant 0 : i32
      %dma_wait3A_15 = tpu.memref_slice %arg5[%arg0, %multiple_of3A, %dma_wait3A] : memref<2x10240x128xf32, #tpu.memory_space<hbm>> -> memref<1x640x128xf32, #tpu.memory_space<hbm>>
      %dma_wait3A_16 = tpu.memref_squeeze %dma_wait3A_15 : memref<1x640x128xf32, #tpu.memory_space<hbm>> -> memref<640x128xf32, #tpu.memory_space<hbm>>
      %dma_wait3A_17 = arith.constant 0 : i32
      %dma_wait3A_18 = tpu.memref_slice %arg8[%multiple_of3A, %dma_wait3A_17] : memref<10240x128xf32, #tpu.memory_space<vmem_shared>> -> memref<640x128xf32, #tpu.memory_space<vmem_shared>>
      tpu.wait_dma2 semaphore(%run_scoped3A : memref<!tpu.dma_semaphore, #tpu.memory_space<semaphore_mem>>) src(%dma_wait3A_18 : memref<640x128xf32, #tpu.memory_space<vmem_shared>>) dst(%dma_wait3A_16 : memref<640x128xf32, #tpu.memory_space<hbm>>)
      tpu.yield
    }) : () -> ()
    return
  }
}

module attributes {stable_mosaic.version = 14 : i64} {
  func.func @_pre_body(%arg0: i32, %arg1: memref<2x1000x128xf32, #tpu.memory_space<vmem>>, %arg2: memref<1000x128xf32, #tpu.memory_space<vmem>>, %arg3: memref<128x128xf32, #tpu.memory_space<vmem>>, %arg4: memref<1000x128xf32, #tpu.memory_space<vmem>>) attributes {dimension_semantics = [#tpu.dimension_semantics<arbitrary>], iteration_bounds = array<i64: 10>, scalar_prefetch = 0 : i64, scratch_operands = 0 : i64, tpu.core_type = #tpu.core_type<tc>, window_params = [{transform_indices = @transform_0, window_bounds = array<i64: 2, 1000, 128>}, {transform_indices = @transform_1, window_bounds = array<i64: 1000, 128>}, {pipeline_mode = #tpu.pipeline_mode<synchronous>, transform_indices = @transform_2, window_bounds = array<i64: 128, 128>}, {transform_indices = @transform_3, window_bounds = array<i64: 1000, 128>}]} {
    %get3A = arith.constant 0 : index
    %get3A_0 = arith.constant 0 : index
    %get3A_1 = arith.constant 0 : index
    %get3A_2 = vector.load %arg1[%get3A, %get3A_0, %get3A_1] : memref<2x1000x128xf32, #tpu.memory_space<vmem>>, vector<2x1000x128xf32>
    %slice3A = vector.extract_strided_slice %get3A_2 {offsets = [0, 0, 0], sizes = [1, 1000, 1], strides = [1, 1, 1]} : vector<2x1000x128xf32> to vector<1x1000x1xf32>
    %squeeze3A = vector.shape_cast %slice3A : vector<1x1000x1xf32> to vector<1000x1xf32>
    %slice3A_3 = vector.extract_strided_slice %get3A_2 {offsets = [1, 0, 0], sizes = [1, 1000, 1], strides = [1, 1, 1]} : vector<2x1000x128xf32> to vector<1x1000x1xf32>
    %squeeze3A_4 = vector.shape_cast %slice3A_3 : vector<1x1000x1xf32> to vector<1000x1xf32>
    %add3A = arith.addf %squeeze3A, %squeeze3A_4 : vector<1000x1xf32>
    %add3A_5 = arith.constant 1.000000e+00 : f32
    %add3A_6 = vector.broadcast %add3A_5 : f32 to vector<1000x1xf32>
    %add3A_7 = arith.addf %add3A, %add3A_6 : vector<1000x1xf32>
    %rsqrt3A = math.rsqrt %add3A_7 : vector<1000x1xf32>
    %get3A_8 = arith.constant 0 : index
    %get3A_9 = arith.constant 0 : index
    %get3A_10 = vector.load %arg2[%get3A_8, %get3A_9] : memref<1000x128xf32, #tpu.memory_space<vmem>>, vector<1000x128xf32>
    %get3A_11 = arith.constant 0 : index
    %get3A_12 = arith.constant 0 : index
    %get3A_13 = vector.load %arg3[%get3A_11, %get3A_12] : memref<128x128xf32, #tpu.memory_space<vmem>>, vector<128x128xf32>
    %dot_general3A = arith.constant dense<0.000000e+00> : vector<1000x128xf32>
    %dot_general3A_14 = tpu.matmul %get3A_10, %get3A_13, %dot_general3A {dimension_numbers = #tpu.dot_dimension_numbers<[1], [0], [0], [1], [0, 0, 1, 1], [], []>, transpose_lhs_hint = false} : vector<1000x128xf32>, vector<128x128xf32>, vector<1000x128xf32> -> vector<1000x128xf32>
    %mul3A = vector.broadcast %rsqrt3A : vector<1000x1xf32> to vector<1000x128xf32>
    %mul3A_15 = arith.mulf %mul3A, %dot_general3A_14 : vector<1000x128xf32>
    %swap3A = arith.constant 0 : index
    %swap3A_16 = arith.constant 0 : index
    %swap3A_17 = vector.load %arg4[%swap3A, %swap3A_16] : memref<1000x128xf32, #tpu.memory_space<vmem>>, vector<1000x128xf32>
    tpu.vector_store %arg4[%swap3A, %swap3A_16], %mul3A_15 {strides = array<i32>} : memref<1000x128xf32, #tpu.memory_space<vmem>>, vector<1000x128xf32>,
    return
  }
  func.func @transform_0(%arg0: i32) -> (i32, i32, i32) {
    %c0_i32 = arith.constant 0 : i32
    %c0_i32_0 = arith.constant 0 : i32
    %c0_i32_1 = arith.constant 0 : i32
    return %c0_i32, %arg0, %c0_i32_0 : i32, i32, i32
  }
  func.func @transform_1(%arg0: i32) -> (i32, i32) {
    %c0_i32 = arith.constant 0 : i32
    %c0_i32_0 = arith.constant 0 : i32
    return %arg0, %c0_i32 : i32, i32
  }
  func.func @transform_2(%arg0: i32) -> (i32, i32) {
    %c0_i32 = arith.constant 0 : i32
    %c0_i32_0 = arith.constant 0 : i32
    %c0_i32_1 = arith.constant 0 : i32
    return %c0_i32, %c0_i32_0 : i32, i32
  }
  func.func @transform_3(%arg0: i32) -> (i32, i32) {
    %c0_i32 = arith.constant 0 : i32
    %c0_i32_0 = arith.constant 0 : i32
    return %arg0, %c0_i32 : i32, i32
  }
}

module attributes {stable_mosaic.version = 14 : i64} {
  func.func @_mid_body(%arg0: i32, %arg1: memref<2x1000x128xf32, #tpu.memory_space<vmem>>, %arg2: memref<2x1000x128xf32, #tpu.memory_space<vmem>>, %arg3: memref<1000x128xf32, #tpu.memory_space<vmem>>, %arg4: memref<1x128xf32, #tpu.memory_space<vmem>>, %arg5: memref<128x128xf32, #tpu.memory_space<vmem>>, %arg6: memref<1000x128xf32, #tpu.memory_space<vmem>>) attributes {dimension_semantics = [#tpu.dimension_semantics<arbitrary>], iteration_bounds = array<i64: 10>, scalar_prefetch = 0 : i64, scratch_operands = 0 : i64, tpu.core_type = #tpu.core_type<tc>, window_params = [{transform_indices = @transform_0, window_bounds = array<i64: 2, 1000, 128>}, {transform_indices = @transform_1, window_bounds = array<i64: 2, 1000, 128>}, {transform_indices = @transform_2, window_bounds = array<i64: 1000, 128>}, {pipeline_mode = #tpu.pipeline_mode<synchronous>, transform_indices = @transform_3, window_bounds = array<i64: 1, 128>}, {pipeline_mode = #tpu.pipeline_mode<synchronous>, transform_indices = @transform_4, window_bounds = array<i64: 128, 128>}, {transform_indices = @transform_5, window_bounds = array<i64: 1000, 128>}]} {
    %get3A = arith.constant 0 : index
    %get3A_0 = arith.constant 0 : index
    %get3A_1 = arith.constant 0 : index
    %get3A_2 = vector.load %arg1[%get3A, %get3A_0, %get3A_1] : memref<2x1000x128xf32, #tpu.memory_space<vmem>>, vector<2x1000x128xf32>
    %slice3A = vector.extract_strided_slice %get3A_2 {offsets = [0, 0, 0], sizes = [1, 1000, 1], strides = [1, 1, 1]} : vector<2x1000x128xf32> to vector<1x1000x1xf32>
    %squeeze3A = vector.shape_cast %slice3A : vector<1x1000x1xf32> to vector<1000x1xf32>
    %slice3A_3 = vector.extract_strided_slice %get3A_2 {offsets = [1, 0, 0], sizes = [1, 1000, 1], strides = [1, 1, 1]} : vector<2x1000x128xf32> to vector<1x1000x1xf32>
    %squeeze3A_4 = vector.shape_cast %slice3A_3 : vector<1x1000x1xf32> to vector<1000x1xf32>
    %add3A = arith.addf %squeeze3A, %squeeze3A_4 : vector<1000x1xf32>
    %add3A_5 = arith.constant 1.000000e+00 : f32
    %add3A_6 = vector.broadcast %add3A_5 : f32 to vector<1000x1xf32>
    %add3A_7 = arith.addf %add3A, %add3A_6 : vector<1000x1xf32>
    %rsqrt3A = math.rsqrt %add3A_7 : vector<1000x1xf32>
    %get3A_8 = arith.constant 0 : index
    %get3A_9 = arith.constant 0 : index
    %get3A_10 = arith.constant 0 : index
    %get3A_11 = vector.load %arg2[%get3A_8, %get3A_9, %get3A_10] : memref<2x1000x128xf32, #tpu.memory_space<vmem>>, vector<2x1000x128xf32>
    %slice3A_12 = vector.extract_strided_slice %get3A_11 {offsets = [0, 0, 0], sizes = [1, 1000, 128], strides = [1, 1, 1]} : vector<2x1000x128xf32> to vector<1x1000x128xf32>
    %squeeze3A_13 = vector.shape_cast %slice3A_12 : vector<1x1000x128xf32> to vector<1000x128xf32>
    %slice3A_14 = vector.extract_strided_slice %get3A_11 {offsets = [1, 0, 0], sizes = [1, 1000, 128], strides = [1, 1, 1]} : vector<2x1000x128xf32> to vector<1x1000x128xf32>
    %squeeze3A_15 = vector.shape_cast %slice3A_14 : vector<1x1000x128xf32> to vector<1000x128xf32>
    %add3A_16 = arith.addf %squeeze3A_13, %squeeze3A_15 : vector<1000x128xf32>
    %get3A_17 = arith.constant 0 : index
    %get3A_18 = arith.constant 0 : index
    %get3A_19 = vector.load %arg3[%get3A_17, %get3A_18] : memref<1000x128xf32, #tpu.memory_space<vmem>>, vector<1000x128xf32>
    %add3A_20 = arith.addf %add3A_16, %get3A_19 : vector<1000x128xf32>
    %mul3A = vector.broadcast %rsqrt3A : vector<1000x1xf32> to vector<1000x128xf32>
    %mul3A_21 = arith.mulf %mul3A, %add3A_20 : vector<1000x128xf32>
    %get3A_22 = arith.constant 0 : index
    %get3A_23 = arith.constant 0 : index
    %get3A_24 = vector.load %arg4[%get3A_22, %get3A_23] : memref<1x128xf32, #tpu.memory_space<vmem>>, vector<1x128xf32>
    %add3A_25 = vector.broadcast %get3A_24 : vector<1x128xf32> to vector<1000x128xf32>
    %add3A_26 = arith.addf %mul3A_21, %add3A_25 : vector<1000x128xf32>
    %get3A_27 = arith.constant 0 : index
    %get3A_28 = arith.constant 0 : index
    %get3A_29 = vector.load %arg5[%get3A_27, %get3A_28] : memref<128x128xf32, #tpu.memory_space<vmem>>, vector<128x128xf32>
    %dot_general3A = arith.constant dense<0.000000e+00> : vector<1000x128xf32>
    %dot_general3A_30 = tpu.matmul %add3A_26, %get3A_29, %dot_general3A {dimension_numbers = #tpu.dot_dimension_numbers<[1], [0], [0], [1], [0, 0, 1, 1], [], []>, transpose_lhs_hint = false} : vector<1000x128xf32>, vector<128x128xf32>, vector<1000x128xf32> -> vector<1000x128xf32>
    %mul3A_31 = vector.broadcast %rsqrt3A : vector<1000x1xf32> to vector<1000x128xf32>
    %mul3A_32 = arith.mulf %mul3A_31, %dot_general3A_30 : vector<1000x128xf32>
    %swap3A = arith.constant 0 : index
    %swap3A_33 = arith.constant 0 : index
    %swap3A_34 = vector.load %arg6[%swap3A, %swap3A_33] : memref<1000x128xf32, #tpu.memory_space<vmem>>, vector<1000x128xf32>
    tpu.vector_store %arg6[%swap3A, %swap3A_33], %mul3A_32 {strides = array<i32>} : memref<1000x128xf32, #tpu.memory_space<vmem>>, vector<1000x128xf32>,
    return
  }
  func.func @transform_0(%arg0: i32) -> (i32, i32, i32) {
    %c0_i32 = arith.constant 0 : i32
    %c0_i32_0 = arith.constant 0 : i32
    %c0_i32_1 = arith.constant 0 : i32
    return %c0_i32, %arg0, %c0_i32_0 : i32, i32, i32
  }
  func.func @transform_1(%arg0: i32) -> (i32, i32, i32) {
    %c0_i32 = arith.constant 0 : i32
    %c0_i32_0 = arith.constant 0 : i32
    %c0_i32_1 = arith.constant 0 : i32
    return %c0_i32, %arg0, %c0_i32_0 : i32, i32, i32
  }
  func.func @transform_2(%arg0: i32) -> (i32, i32) {
    %c0_i32 = arith.constant 0 : i32
    %c0_i32_0 = arith.constant 0 : i32
    return %arg0, %c0_i32 : i32, i32
  }
  func.func @transform_3(%arg0: i32) -> (i32, i32) {
    %c0_i32 = arith.constant 0 : i32
    %c0_i32_0 = arith.constant 0 : i32
    %c0_i32_1 = arith.constant 0 : i32
    return %c0_i32, %c0_i32_0 : i32, i32
  }
  func.func @transform_4(%arg0: i32) -> (i32, i32) {
    %c0_i32 = arith.constant 0 : i32
    %c0_i32_0 = arith.constant 0 : i32
    %c0_i32_1 = arith.constant 0 : i32
    return %c0_i32, %c0_i32_0 : i32, i32
  }
  func.func @transform_5(%arg0: i32) -> (i32, i32) {
    %c0_i32 = arith.constant 0 : i32
    %c0_i32_0 = arith.constant 0 : i32
    return %arg0, %c0_i32 : i32, i32
  }
}

module attributes {stable_mosaic.version = 14 : i64} {
  func.func @_fin_body(%arg0: i32, %arg1: memref<2x1000x128xf32, #tpu.memory_space<vmem>>, %arg2: memref<2x1000x128xf32, #tpu.memory_space<vmem>>, %arg3: memref<1000x128xf32, #tpu.memory_space<vmem>>, %arg4: memref<1x128xf32, #tpu.memory_space<vmem>>, %arg5: memref<1000x128xf32, #tpu.memory_space<vmem>>) attributes {dimension_semantics = [#tpu.dimension_semantics<arbitrary>], iteration_bounds = array<i64: 10>, scalar_prefetch = 0 : i64, scratch_operands = 0 : i64, tpu.core_type = #tpu.core_type<tc>, window_params = [{transform_indices = @transform_0, window_bounds = array<i64: 2, 1000, 128>}, {transform_indices = @transform_1, window_bounds = array<i64: 2, 1000, 128>}, {transform_indices = @transform_2, window_bounds = array<i64: 1000, 128>}, {pipeline_mode = #tpu.pipeline_mode<synchronous>, transform_indices = @transform_3, window_bounds = array<i64: 1, 128>}, {transform_indices = @transform_4, window_bounds = array<i64: 1000, 128>}]} {
    %get3A = arith.constant 0 : index
    %get3A_0 = arith.constant 0 : index
    %get3A_1 = arith.constant 0 : index
    %get3A_2 = vector.load %arg1[%get3A, %get3A_0, %get3A_1] : memref<2x1000x128xf32, #tpu.memory_space<vmem>>, vector<2x1000x128xf32>
    %slice3A = vector.extract_strided_slice %get3A_2 {offsets = [0, 0, 0], sizes = [1, 1000, 1], strides = [1, 1, 1]} : vector<2x1000x128xf32> to vector<1x1000x1xf32>
    %squeeze3A = vector.shape_cast %slice3A : vector<1x1000x1xf32> to vector<1000x1xf32>
    %slice3A_3 = vector.extract_strided_slice %get3A_2 {offsets = [1, 0, 0], sizes = [1, 1000, 1], strides = [1, 1, 1]} : vector<2x1000x128xf32> to vector<1x1000x1xf32>
    %squeeze3A_4 = vector.shape_cast %slice3A_3 : vector<1x1000x1xf32> to vector<1000x1xf32>
    %add3A = arith.addf %squeeze3A, %squeeze3A_4 : vector<1000x1xf32>
    %add3A_5 = arith.constant 1.000000e+00 : f32
    %add3A_6 = vector.broadcast %add3A_5 : f32 to vector<1000x1xf32>
    %add3A_7 = arith.addf %add3A, %add3A_6 : vector<1000x1xf32>
    %rsqrt3A = math.rsqrt %add3A_7 : vector<1000x1xf32>
    %get3A_8 = arith.constant 0 : index
    %get3A_9 = arith.constant 0 : index
    %get3A_10 = arith.constant 0 : index
    %get3A_11 = vector.load %arg2[%get3A_8, %get3A_9, %get3A_10] : memref<2x1000x128xf32, #tpu.memory_space<vmem>>, vector<2x1000x128xf32>
    %slice3A_12 = vector.extract_strided_slice %get3A_11 {offsets = [0, 0, 0], sizes = [1, 1000, 128], strides = [1, 1, 1]} : vector<2x1000x128xf32> to vector<1x1000x128xf32>
    %squeeze3A_13 = vector.shape_cast %slice3A_12 : vector<1x1000x128xf32> to vector<1000x128xf32>
    %slice3A_14 = vector.extract_strided_slice %get3A_11 {offsets = [1, 0, 0], sizes = [1, 1000, 128], strides = [1, 1, 1]} : vector<2x1000x128xf32> to vector<1x1000x128xf32>
    %squeeze3A_15 = vector.shape_cast %slice3A_14 : vector<1x1000x128xf32> to vector<1000x128xf32>
    %add3A_16 = arith.addf %squeeze3A_13, %squeeze3A_15 : vector<1000x128xf32>
    %get3A_17 = arith.constant 0 : index
    %get3A_18 = arith.constant 0 : index
    %get3A_19 = vector.load %arg3[%get3A_17, %get3A_18] : memref<1000x128xf32, #tpu.memory_space<vmem>>, vector<1000x128xf32>
    %add3A_20 = arith.addf %add3A_16, %get3A_19 : vector<1000x128xf32>
    %mul3A = vector.broadcast %rsqrt3A : vector<1000x1xf32> to vector<1000x128xf32>
    %mul3A_21 = arith.mulf %mul3A, %add3A_20 : vector<1000x128xf32>
    %get3A_22 = arith.constant 0 : index
    %get3A_23 = arith.constant 0 : index
    %get3A_24 = vector.load %arg4[%get3A_22, %get3A_23] : memref<1x128xf32, #tpu.memory_space<vmem>>, vector<1x128xf32>
    %add3A_25 = vector.broadcast %get3A_24 : vector<1x128xf32> to vector<1000x128xf32>
    %add3A_26 = arith.addf %mul3A_21, %add3A_25 : vector<1000x128xf32>
    %swap3A = arith.constant 0 : index
    %swap3A_27 = arith.constant 0 : index
    %swap3A_28 = vector.load %arg5[%swap3A, %swap3A_27] : memref<1000x128xf32, #tpu.memory_space<vmem>>, vector<1000x128xf32>
    tpu.vector_store %arg5[%swap3A, %swap3A_27], %add3A_26 {strides = array<i32>} : memref<1000x128xf32, #tpu.memory_space<vmem>>, vector<1000x128xf32>,
    return
  }
  func.func @transform_0(%arg0: i32) -> (i32, i32, i32) {
    %c0_i32 = arith.constant 0 : i32
    %c0_i32_0 = arith.constant 0 : i32
    %c0_i32_1 = arith.constant 0 : i32
    return %c0_i32, %arg0, %c0_i32_0 : i32, i32, i32
  }
  func.func @transform_1(%arg0: i32) -> (i32, i32, i32) {
    %c0_i32 = arith.constant 0 : i32
    %c0_i32_0 = arith.constant 0 : i32
    %c0_i32_1 = arith.constant 0 : i32
    return %c0_i32, %arg0, %c0_i32_0 : i32, i32, i32
  }
  func.func @transform_2(%arg0: i32) -> (i32, i32) {
    %c0_i32 = arith.constant 0 : i32
    %c0_i32_0 = arith.constant 0 : i32
    return %arg0, %c0_i32 : i32, i32
  }
  func.func @transform_3(%arg0: i32) -> (i32, i32) {
    %c0_i32 = arith.constant 0 : i32
    %c0_i32_0 = arith.constant 0 : i32
    %c0_i32_1 = arith.constant 0 : i32
    return %c0_i32, %c0_i32_0 : i32, i32
  }
  func.func @transform_4(%arg0: i32) -> (i32, i32) {
    %c0_i32 = arith.constant 0 : i32
    %c0_i32_0 = arith.constant 0 : i32
    return %arg0, %c0_i32 : i32, i32
  }
}

</mosaic_0001>

<sc_bundles>
// kernel: kernel.10.cloned.1.call-start
scs
__scs_entry_jumppad:
0x0: {  	(pc) =	sbr.rel $0x88, $3  }
0x1: {  	(tag) =	ssettag $0x0;
	lr =	simm.s32 $0x1  }
0x2: {  	[smem:$0x3F99] =	sst lr;
	_ =	strace $0xD0000000  }
0x3: {  	_ = 	snop  }
0x4: {  	_ = 	snop  }
0x5: {  	_ = 	snop  }
0x6: {  	_ = 	snop  }
0x7: {  	_ = 	snop  }
__scs_overlays_trampoline_lowered:
0x8: {  	[smem:$0x3FA8] =	sst s0  }
0x9: {  	[smem:$0x3FA9] =	sst s1  }
0xa: {  	[smem:$0x3FAA] =	sst s2  }
0xb: {  	[smem:$0x3FAB] =	sst s3  }
0xc: {  	[smem:$0x3FAC] =	sst s4  }
0xd: {  	[smem:$0x3FAD] =	sst s5  }
0xe: {  	[smem:$0x3FAE] =	sst s6  }
0xf: {  	[smem:$0x3FAF] =	sst s7  }
0x10: {  	[smem:$0x3FB0] =	sst s8  }
0x11: {  	[smem:$0x3FB1] =	sst s9;
	s0 =	simm.s32 @!p0 $0x0  }
0x12: {  	s1 =	sld [smem:$0x3F97];
	s0 =	simm.s32 @p0 $0x1  }
0x13: {  	[smem:$0x3FB2] =	sst s0;
	s0 =	simm.s32 @!p1 $0x0  }
0x14: {  	s2 =	sld [smem:$0x3F96];
	s0 =	simm.s32 @p1 $0x1  }
0x15: {  	[smem:$0x3FB3] =	sst s0;
	s0 =	simm.s32 @!p2 $0x0  }
0x16: {  	s3 =	sld [smem:$0x3FDB];
	s0 =	simm.s32 @p2 $0x1  }
0x17: {  	s4 =	simm.s32 $0x1BF5;
	[smem:$0x3FB5] =	sst s0  }
0x18: {  	s0 =	sld [smem:$0x3F98];
	_ =	swait.ge [sflag:s4], $0x0  }
0x19: {  	s7 =	sld [smem:$0x3F99]  }
0x1a: {  	s8 =	sadd.s32 $0xFFFFE003, lr  }
0x1b: {  	s9 =	sadd.s32 $0xFFFFFEF7, lr;
	s5 =	simm.s32 $0xFFFFFFFF;
	p2 =	slt.u32 s8, $0xFFFFF086  }
0x1c: {  	p1 =	slt.u32 s9, $0xF7A;
	s5 =	simm.s32 @!p2 $0x0  }
0x1d: {  	s5 =	simm.s32 @p1 $0x1;
	p0 =	seq.s32 s7, s2  }
0x1e: {  	s7 =	smul.u32 @!p0 $0xF7A, s2;
	p2 =	seq.s32 @!p0 s5, $0x0  }
0x1f: {  	s9 =	smul.u32 $0xF7A, s1;
	s8 =	simm.s32 @!p0 $0x1BF5;
	p2 =	por !p2, p0  }
0x20: {  	[sflag:s8] =	ssyncset.s32 @!p0 $0xFFFFF086;
	s6 =	sadd.s32 @!p0 s3, s7;
	s7 =	simm.s32 @!p0 $0x108  }
0x21: {  	s3 =	sadd.s32 s3, s9;
	s6 =	sadd.s32 @!p0 $0x88, s6;
	s7 =	simm.s32 @p2 $0x1082  }
0x22: {  	[simem:s7], [sflag:s8] =	dma.local @!p0 [hbm:s6], $0xF7A  }
0x23: {  	s9 =	sor.u32 $0xD0000000, s2;
	s6 =	simm.s32 $0x108;
	_ =	swait.ge @!p0 [sflag:s8], $0x0  }
0x24: {  	s3 =	sadd.s32 $0x88, s3;
	s6 =	simm.s32 @!p1 $0x1082;
	[sflag:s4] =	ssyncset.s32 $0xFFFFF086  }
0x25: {  	[simem:s6], [sflag:s4] =	dma.local [hbm:s3], $0xF7A  }
0x26: {  	[smem:$0x3F99] =	sst s1;
	(tag) =	ssettag s2;
	_ =	strace s9  }
0x27: {  	s1 =	sld [smem:$0x3FA9]  }
0x28: {  	s2 =	sld [smem:$0x3FAA]  }
0x29: {  	s4 =	sld [smem:$0x3FAC]  }
0x2a: {  	p0 =	seq.s32 s5, $0x0;
	s5 =	sld [smem:$0x3FAD]  }
0x2b: {  	s6 =	sld [smem:$0x3FAE]  }
0x2c: {  	s7 =	sld [smem:$0x3FAF]  }
0x2d: {  	s3 =	simm.s32 $0x108;
	s8 =	sld [smem:$0x3FB0]  }
0x2e: {  	s3 =	simm.s32 @!p0 $0x1082;
	s9 =	sld [smem:$0x3FB1]  }
0x2f: {  	lr =	sadd.s32 s0, s3;
	s0 =	sld [smem:$0x3FA8]  }
0x30: {  	s3 =	sld [smem:$0x3FAB]  }
0x31: {  	[smem:$0x3FB4] =	sst s10  }
0x32: {  	s10 =	sld [smem:$0x3FB2];
	_ =	sdelay $0x3  }
0x33: {  	p0 =	seq.s32 s10, $0x1;
	s10 =	sld [smem:$0x3FB4];
	_ =	sdelay $0x3  }
0x34: {  	[smem:$0x3FB4] =	sst s10  }
0x35: {  	s10 =	sld [smem:$0x3FB3];
	_ =	sdelay $0x3  }
0x36: {  	p1 =	seq.s32 s10, $0x1;
	s10 =	sld [smem:$0x3FB4];
	_ =	sdelay $0x3  }
0x37: {  	[smem:$0x3FB4] =	sst s10  }
0x38: {  	s10 =	sld [smem:$0x3FB5]  }
0x39: {  	_ = 	snop;
	(pc) =	sbr.ind lr, $3  }
0x3a: {  	_ = 	snop  }
0x3b: {  	_ = 	snop  }
0x3c: {  	p2 =	seq.s32 s10, $0x1;
	s10 =	sld [smem:$0x3FB4]  }
0x3d: {  	_ =	shalt  }
0x3e: {  	_ =	shalt  }
0x3f: {  	_ =	shalt  }
0x40: {  	_ =	shalt  }
0x41: {  	_ =	shalt  }
0x42: {  	_ =	shalt  }
0x43: {  	_ =	shalt  }
0x44: {  	_ =	shalt  }
0x45: {  	_ =	shalt  }
0x46: {  	_ =	shalt  }
0x47: {  	_ =	shalt  }
0x48: {  	_ =	shalt  }
0x49: {  	_ =	shalt  }
0x4a: {  	_ =	shalt  }
0x4b: {  	_ =	shalt  }
0x4c: {  	_ =	shalt  }
0x4d: {  	_ =	shalt  }
0x4e: {  	_ =	shalt  }
0x4f: {  	_ =	shalt  }
0x50: {  	_ =	shalt  }
0x51: {  	_ =	shalt  }
0x52: {  	_ =	shalt  }
0x53: {  	_ =	shalt  }
0x54: {  	_ =	shalt  }
0x55: {  	_ =	shalt  }
0x56: {  	_ =	shalt  }
0x57: {  	_ =	shalt  }
0x58: {  	_ =	shalt  }
0x59: {  	_ =	shalt  }
0x5a: {  	_ =	shalt  }
0x5b: {  	_ =	shalt  }
0x5c: {  	_ =	shalt  }
0x5d: {  	_ =	shalt  }
0x5e: {  	_ =	shalt  }
0x5f: {  	_ =	shalt  }
0x60: {  	_ =	shalt  }
0x61: {  	_ =	shalt  }
0x62: {  	_ =	shalt  }
0x63: {  	_ =	shalt  }
0x64: {  	_ =	shalt  }
0x65: {  	_ =	shalt  }
0x66: {  	_ =	shalt  }
0x67: {  	_ =	shalt  }
0x68: {  	_ =	shalt  }
0x69: {  	_ =	shalt  }
0x6a: {  	_ =	shalt  }
0x6b: {  	_ =	shalt  }
0x6c: {  	_ =	shalt  }
0x6d: {  	_ =	shalt  }
0x6e: {  	_ =	shalt  }
0x6f: {  	_ =	shalt  }
0x70: {  	_ =	shalt  }
0x71: {  	_ =	shalt  }
0x72: {  	_ =	shalt  }
0x73: {  	_ =	shalt  }
0x74: {  	_ =	shalt  }
0x75: {  	_ =	shalt  }
0x76: {  	_ =	shalt  }
0x77: {  	_ =	shalt  }
0x78: {  	_ =	shalt  }
0x79: {  	_ =	shalt  }
0x7a: {  	_ =	shalt  }
0x7b: {  	_ =	shalt  }
0x7c: {  	_ =	shalt  }
0x7d: {  	_ =	shalt  }
0x7e: {  	_ =	shalt  }
0x7f: {  	_ =	shalt  }
0x80: {  	_ =	shalt  }
0x81: {  	_ =	shalt  }
0x82: {  	_ =	shalt  }
0x83: {  	_ =	shalt  }
0x84: {  	_ =	shalt  }
0x85: {  	_ =	shalt  }
0x86: {  	_ =	shalt  }
0x87: {  	_ =	shalt  }
.Lfunc_end0:
.L_simem_size_0:
called_computation_lowered:
.L_overlay_start_0:
0x88: {  	s2 =	sld [smem:$0x3FD9]  }
0x89: {  	s3 =	sld [smem:$0x3FFE];
	_ =	sdelay $0x1  }
0x8a: {  	s1 =	srdreg.scid  }
0x8b: {  	s0 =	sand.u32 $0x1, s1  }
0x8c: {  	s17 =	sshll.u32 s0, $0xA;
	s2 =	sadd.s32 s3, s2  }
0x8d: {  	s2 =	sadd.s32 s2, s17  }
0x8e: {  	[smem:$0x3FC0] =	sst s2  }
0x8f: {  	_ = 	snop  }
0x90: {  	s2 =	sld [smem:$0x3FD0];
	(tm) =	ssettm $0x1  }
0x91: {  	s18 =	sld [smem:$0x3FFB];
	_ =	sdelay $0x3  }
0x92: {  	_ =	strace s18  }
0x93: {  	s3 =	sld [smem:$0x3FFC];
	_ =	sdelay $0x3  }
0x94: {  	_ =	strace s3  }
0x95: {  	s3 =	sld [smem:$0x3FFD];
	_ =	sdelay $0x3  }
0x96: {  	_ =	strace s3  }
0x97: {  	_ =	strace $0x8FFFFFFF  }
0x98: {  	s19 =	sld [smem:$0x3FDB];
	_ =	sdelay $0x1  }
0x99: {  	s4 =	simm.s32 $_scs_section_size  }
0x9a: {  	s5 =	simm.s32 $_size__tile_overlayer_lowered;
	s6 =	simm.s32 $_tile_overlayer_lowered  }
0x9b: {  	s22 =	simm.s32 $0x1BFF;
	s21 =	sshll.u32 s6, $0x1;
	s3 =	sadd.s32 s4, s19  }
0x9c: {  	s7 =	simm.s32 $0x0;
	s20 =	sshll.u32 s5, $0x1;
	s5 =	sadd.s32 s21, s3  }
0x9d: {  	[timem:s7], [sflag:s22] =	dma.local [hbm:s5], s20  }
0x9e: {  	_ =	swait.ge [sflag:s22], s20  }
0x9f: {  	s4 =	ssub.s32 $0x0, s20;
	[sflag:s22] =	ssyncset.done $0x0  }
0xa0: {  	[sflag:s22] =	ssyncadd.s32 s4;
	_ =	sdelay $0x1  }
0xa1: {  	s23 =	simm.s32 $0x1B8B  }
0xa2: {  	_ =	swait.ge [sflag:s23], $0x1  }
0xa3: {  	[sflag:s23] =	ssyncset.done $0x0  }
0xa4: {  	s25 =	simm.s32 $0x1B8E;
	s24 =	sld [smem:$0x3FFE];
	[sflag:s23] =	ssyncadd.s32 $0xFFFFFFFF  }
0xa5: {  	s26 =	simm.s32 $execute0_lowered;
	[smem:$0x3FD2] =	sst s25  }
0xa6: {  	s5 =	sshll.u32 s26, $0x1;
	_ =	strace $0x80000046;
	[dreg:$0x1] =	wrdreg $0xFFFFFFFF  }
0xa7: {  	s28 =	simm.s32 $_size_execute0_lowered;
	s3 =	sadd.s32 s3, s5;
	[dreg:$0x0] =	wrdreg $0x0  }
0xa8: {  	s5 =	sshll.u32 s28, $0x1;
	[dreg:$0x2] =	wrdreg s3  }
0xa9: {  	[dreg:$0x3] =	wrdreg s5  }
0xaa: {  	[dreg:$0x4] =	wrdreg $0xC0  }
0xab: {  	_ =	task [dreg:s7], $0x5FFFF  }
0xac: {  	[dreg:$0x1] =	wrdreg $0xFFFFFFFF  }
0xad: {  	[dreg:$0x0] =	wrdreg $0x60  }
0xae: {  	[dreg:$0x2] =	wrdreg s2  }
0xaf: {  	[dreg:$0x3] =	wrdreg s24  }
0xb0: {  	[dreg:$0x4] =	wrdreg $0x40800  }
0xb1: {  	[dreg:$0x5] =	wrdreg $0x9  }
0xb2: {  	_ =	task.clear_ibuf [dreg:s7], $0x6FFFF;
	_ =	strace $0x90000046  }
0xb3: {  	s29 =	simm.s32 $0x9;
	_ =	strace $0x80000048  }
0xb4: {  	_ =	swait.ge [sflag:s29], $0x1  }
0xb5: {  	[sflag:s29] =	ssyncadd.s32 $0xFFFFFFFF  }
0xb6: {  	_ =	strace $0x90000048  }
0xb7: {  	_ =	sfence  }
0xb8: {  	s30 =	sld [smem:$0x0];
	_ =	sdelay $0x2  }
0xb9: {  	s31 =	sshll.u32 s1, $0xD;
	s1 =	sshrl.u32 s1, $0x2  }
0xba: {  	s3 =	sand.u32 $0x4000, s31;
	s1 =	sadd.s32 s1, s30  }
0xbb: {  	s0 =	sor.u32 s3, s0;
	s1 =	sshll.u32 s1, $0x11  }
0xbc: {  	s0 =	sor.u32 s1, s0  }
0xbd: {  	s0 =	sadd.s32 $0x8F2B, s0  }
0xbe: {  	[sflag:s0] =	ssyncadd.remote.s32 $0x1  }
0xbf: {  	_ =	sfence.sel $0xFFFF  }
0xc0: {  	[dreg:$0x0] =	wrdreg $0xFFFFFFFF;
	(pc) =	sbr.abs _section_cstart, $3  }
0xc1: {  	[dreg:$0x1] =	wrdreg $0xFFFFFFFF  }
0xc2: {  	_ =	task.clear_ibuf [dreg:s7], $0x2FFFF;
	_ =	strace $0x9FFFFFFF  }
0xc3: {  	(tm) =	ssettm $0x7FFFFFFF  }
tec
execute0_lowered:
.L_overlay_start_1:
0x0: {  	(tag) =	ssettag $0x1  }
0x1: {  	s6 =	rddreg [dreg:$0x0]  }
0x2: {  	s5 =	rddreg [dreg:$0x1]  }
0x3: {  	s2 =	rddreg [dreg:$0x2]  }
0x4: {  	s0 =	rddreg [dreg:$0x3];
	s1 =	stileid.u32  }
0x5: {  	s4 =	srdreg.scid;
	s7 =	smul.u32 $0x14000, s1  }
0x6: {  	s3 =	simm.s32 $0x0;
	s8 =	sand.u32 $0x1, s4;
	s11 =	smul.u32 $0x50000, s1  }
0x7: {  	[smem:$0x7FF] =	sst s3;
	s4 =	sadd.s32 $0x2A00, s5;
	s12 =	smul.u32 $0xA00, s1  }
0x8: {  	s31 =	sshll.u32 s1, $0x6;
	s9 =	smul.u32 $0x140000, s8;
	_ =	strace $0x80000047  }
0x9: {  	s26 =	ssub.s32 $0x2, s8;
	s8 =	smul.u32 $0x500, s8;
	s10 =	sshrl.u32 s7, $0x3  }
0xa: {  	s28 =	sshrl.u32 s26, $0x1;
	s29 =	sshrl.u32 s11, $0x2;
	s30 =	sadd.s32 s12, s6  }
0xb: {  	s11 =	sor.u32 $0x1C01, s31;
	s10 =	sadd.s32 s10, s5;
	s7 =	sadd.s32 s7, s9  }
0xc: {  	s9 =	ssub.s32 s26, s28;
	s13 =	sadd.s32 s29, s2;
	s8 =	sadd.s32 s8, s30  }
0xd: {  	s7 =	sshrl.u32 s7, $0x3;
	s12 =	sshrl.u32 s13, $0x3;
	s13 =	simm.s32 $0x0  }
0xe: {  	s7 =	sadd.s32 s7, s5;
	s5 =	sadd.s32 $0x3200, s10;
	s10 =	simm.s32 $0x1  }
0xf: {  	s6 =	sadd.s32 $0x2B200, s7;
	s7 =	smax.u32 s9, $0x1;
	s9 =	simm.s32 $0x80  }
.LBB2_1:
0x10: {  	[tilespmem:s9], [sflag:$0x1] =	stream.linear.gather [hbm4b:s4+s3], $0x4000, $0x38;
	[tilespmem:$0x18080] =	vst v63  }
0x11: {  	_ =	swait.ge [sflag:s10], $0x4000  }
0x12: {  	[sflag:s10] =	ssyncset.done $0x0  }
0x13: {  	[sflag:s10] =	ssyncadd.s32 $0xFFFFC000  }
0x14: {  	[spmem:s12], [sflag:s11] =	dma.local [hbm:s5], $0x2800  }
0x15: {  	_ =	swait.ge [sflag:s10], $0x2800  }
0x16: {  	[sflag:s10] =	ssyncset.done $0x0  }
0x17: {  	[sflag:s10] =	ssyncadd.s32 $0xFFFFD800  }
0x18: {  	s14 =	sadd.s32 $0x0, s8;
	[bflag:$0x0] =	sbarrier.arrive $0xFFFF  }
0x19: {  	[tilespmem:s3], [sflag:$0x1] =	stream.linear.gather [hbm4b:s14+s3], $0x80, $0x38;
	[tilespmem:$0x18080] =	vst v63  }
0x1a: {  	_ =	swait.ge [sflag:s10], $0x80  }
0x1b: {  	[sflag:s10] =	ssyncset.done $0x0  }
0x1c: {  	[sflag:s10] =	ssyncadd.s32 $0xFFFFFF80  }
0x1d: {  	[spmem:s2] =	stream.indirect.scatter.add.f32 [tilespmem:s9], [sflag:$0x1], $0x80, s3, s9, $0xb8;
	[tilespmem:$0x18080] =	vst v63  }
0x1e: {  	_ =	swait.ge [sflag:s10], $0x4000  }
0x1f: {  	s15 =	simm.s32 $0x20;
	s14 =	simm.s32 $0x10;
	[sflag:s10] =	ssyncset.done $0x0  }
.LBB2_2:
0x20: {  	s16 =	sadd.s32 s14, s8  }
0x21: {  	[sflag:s10] =	ssyncadd.s32 $0xFFFFC000;
	s14 =	smov.u32 s15;
	s17 =	sadd.s32 $0x10, s15  }
0x22: {  	[tilespmem:s3], [sflag:$0x1] =	stream.linear.gather [hbm4b:s16+s3], $0x80, $0x38;
	[tilespmem:$0x18080] =	vst v63  }
0x23: {  	p0 =	sne.s32 s15, $0x4F0;
	_ =	swait.ge [sflag:s10], $0x80  }
.Ltmp0:
0x24: {  	[sflag:s10] =	ssyncset.done $0x0;
	(pc) =	sbr.rel @p0 .LBB2_2-.Ltmp0, $4  }
0x25: {  	[sflag:s10] =	ssyncadd.s32 $0xFFFFFF80  }
0x26: {  	[spmem:s2] =	stream.indirect.scatter.add.f32 [tilespmem:s9], [sflag:$0x1], $0x80, s3, s9, $0xb8;
	[tilespmem:$0x18080] =	vst v63  }
0x27: {  	_ =	swait.ge [sflag:s10], $0x4000  }
0x28: {  	s15 =	smov.u32 s17;
	[sflag:s10] =	ssyncset.done $0x0  }
0x29: {  	s14 =	sadd.s32 s14, s8;
	[sflag:s10] =	ssyncadd.s32 $0xFFFFC000  }
0x2a: {  	[tilespmem:s3], [sflag:$0x1] =	stream.linear.gather [hbm4b:s14+s3], $0x80, $0x38;
	[tilespmem:$0x18080] =	vst v63  }
0x2b: {  	_ =	swait.ge [sflag:s10], $0x80  }
0x2c: {  	[sflag:s10] =	ssyncset.done $0x0  }
0x2d: {  	[sflag:s10] =	ssyncadd.s32 $0xFFFFFF80  }
0x2e: {  	[spmem:s2] =	stream.indirect.scatter.add.f32 [tilespmem:s9], [sflag:$0x1], $0x80, s3, s9, $0xb8;
	[tilespmem:$0x18080] =	vst v63  }
0x2f: {  	_ =	swait.ge [sflag:s10], $0x4000  }
0x30: {  	s13 =	sadd.s32 $0x1, s13;
	[sflag:s10] =	ssyncset.done $0x0  }
0x31: {  	p0 =	sne.s32 s13, s7;
	[sflag:s10] =	ssyncadd.s32 $0xFFFFC000  }
.Ltmp1:
0x32: {  	[bflag:$0x0] =	sbarrier.arrive $0xFFFF;
	(pc) =	sbr.rel @p0 .LBB2_1-.Ltmp1, $4  }
0x33: {  	[hbm:s6], [sflag:s11] =	dma.local [spmem:s12], $0x2800  }
0x34: {  	_ =	swait.ge [sflag:s10], $0x2800  }
0x35: {  	[sflag:s10] =	ssyncset.done $0x0  }
0x36: {  	[sflag:s10] =	ssyncadd.s32 $0xFFFFD800  }
0x37: {  	_ =	sfence.sel $0x180000  }
0x38: {  	[bflag:$0x0] =	sbarrier.arrive $0xFFFF  }
0x39: {  	p0 =	sne.s32 s1, $0x0;
	_ =	strace $0x90000047  }
0x3a: {  	s0 =	sadd.s32 @!p0 $0x100000, s0;
	[bflag:$0x2] =	sbarrier.arrive $0xFFFF  }
0x3b: {  	[sflag:s0] =	ssyncadd.tile.s32 @!p0 $0x1;
	_ =	shalt  }
.Lfunc_end2:
_tile_overlayer_lowered:
.L_overlay_start_2:
0x3c: {  	(tag) =	ssettag $0x2  }
0x3d: {  	s0 =	rddreg [dreg:$0x0];
	s2 =	stileid.u32  }
0x3e: {  	s1 =	rddreg [dreg:$0x1];
	p0 =	sne.s32 s2, $0x0  }
0x3f: {  	s3 =	rddreg [dreg:$0x2];
	[bflag:$0x3] =	sbarrier.arrive $0xFFFF;
	s2 =	simm.s32 @!p0 $0x1C01  }
0x40: {  	[timem:s3], [sflag:s2] =	dma.local @!p0 [hbm:s0], s1  }
0x41: {  	s0 =	simm.s32 @!p0 $0x1  }
0x42: {  	_ =	swait.ge @!p0 [sflag:s0], s1  }
0x43: {  	s1 =	ssub.s32 @!p0 $0x0, s1;
	[sflag:s0] =	ssyncset.done @!p0 $0x0  }
0x44: {  	[sflag:s0] =	ssyncadd.s32 @!p0 s1  }
0x45: {  	[bflag:$0x3] =	sbarrier.arrive $0xFFFF  }
0x46: {  	_ =	shalt  }

// kernel: kernel.13.cloned.1.call-start
scs
__scs_entry_jumppad:
0x0: {  	(pc) =	sbr.rel $0x88, $3  }
0x1: {  	(tag) =	ssettag $0x0;
	lr =	simm.s32 $0x1  }
0x2: {  	[smem:$0x3F99] =	sst lr;
	_ =	strace $0xD0000000  }
0x3: {  	_ = 	snop  }
0x4: {  	_ = 	snop  }
0x5: {  	_ = 	snop  }
0x6: {  	_ = 	snop  }
0x7: {  	_ = 	snop  }
__scs_overlays_trampoline_lowered:
0x8: {  	[smem:$0x3FA8] =	sst s0  }
0x9: {  	[smem:$0x3FA9] =	sst s1  }
0xa: {  	[smem:$0x3FAA] =	sst s2  }
0xb: {  	[smem:$0x3FAB] =	sst s3  }
0xc: {  	[smem:$0x3FAC] =	sst s4  }
0xd: {  	[smem:$0x3FAD] =	sst s5  }
0xe: {  	[smem:$0x3FAE] =	sst s6  }
0xf: {  	[smem:$0x3FAF] =	sst s7  }
0x10: {  	[smem:$0x3FB0] =	sst s8  }
0x11: {  	[smem:$0x3FB1] =	sst s9;
	s0 =	simm.s32 @!p0 $0x0  }
0x12: {  	s1 =	sld [smem:$0x3F97];
	s0 =	simm.s32 @p0 $0x1  }
0x13: {  	[smem:$0x3FB2] =	sst s0;
	s0 =	simm.s32 @!p1 $0x0  }
0x14: {  	s2 =	sld [smem:$0x3F96];
	s0 =	simm.s32 @p1 $0x1  }
0x15: {  	[smem:$0x3FB3] =	sst s0;
	s0 =	simm.s32 @!p2 $0x0  }
0x16: {  	s3 =	sld [smem:$0x3FDB];
	s0 =	simm.s32 @p2 $0x1  }
0x17: {  	s4 =	simm.s32 $0x1BF5;
	[smem:$0x3FB5] =	sst s0  }
0x18: {  	s0 =	sld [smem:$0x3F98];
	_ =	swait.ge [sflag:s4], $0x0  }
0x19: {  	s7 =	sld [smem:$0x3F99]  }
0x1a: {  	s8 =	sadd.s32 $0xFFFFE003, lr  }
0x1b: {  	s9 =	sadd.s32 $0xFFFFFEF7, lr;
	s5 =	simm.s32 $0xFFFFFFFF;
	p2 =	slt.u32 s8, $0xFFFFF086  }
0x1c: {  	p1 =	slt.u32 s9, $0xF7A;
	s5 =	simm.s32 @!p2 $0x0  }
0x1d: {  	s5 =	simm.s32 @p1 $0x1;
	p0 =	seq.s32 s7, s2  }
0x1e: {  	s7 =	smul.u32 @!p0 $0xF7A, s2;
	p2 =	seq.s32 @!p0 s5, $0x0  }
0x1f: {  	s9 =	smul.u32 $0xF7A, s1;
	s8 =	simm.s32 @!p0 $0x1BF5;
	p2 =	por !p2, p0  }
0x20: {  	[sflag:s8] =	ssyncset.s32 @!p0 $0xFFFFF086;
	s6 =	sadd.s32 @!p0 s3, s7;
	s7 =	simm.s32 @!p0 $0x108  }
0x21: {  	s3 =	sadd.s32 s3, s9;
	s6 =	sadd.s32 @!p0 $0x88, s6;
	s7 =	simm.s32 @p2 $0x1082  }
0x22: {  	[simem:s7], [sflag:s8] =	dma.local @!p0 [hbm:s6], $0xF7A  }
0x23: {  	s9 =	sor.u32 $0xD0000000, s2;
	s6 =	simm.s32 $0x108;
	_ =	swait.ge @!p0 [sflag:s8], $0x0  }
0x24: {  	s3 =	sadd.s32 $0x88, s3;
	s6 =	simm.s32 @!p1 $0x1082;
	[sflag:s4] =	ssyncset.s32 $0xFFFFF086  }
0x25: {  	[simem:s6], [sflag:s4] =	dma.local [hbm:s3], $0xF7A  }
0x26: {  	[smem:$0x3F99] =	sst s1;
	(tag) =	ssettag s2;
	_ =	strace s9  }
0x27: {  	s1 =	sld [smem:$0x3FA9]  }
0x28: {  	s2 =	sld [smem:$0x3FAA]  }
0x29: {  	s4 =	sld [smem:$0x3FAC]  }
0x2a: {  	p0 =	seq.s32 s5, $0x0;
	s5 =	sld [smem:$0x3FAD]  }
0x2b: {  	s6 =	sld [smem:$0x3FAE]  }
0x2c: {  	s7 =	sld [smem:$0x3FAF]  }
0x2d: {  	s3 =	simm.s32 $0x108;
	s8 =	sld [smem:$0x3FB0]  }
0x2e: {  	s3 =	simm.s32 @!p0 $0x1082;
	s9 =	sld [smem:$0x3FB1]  }
0x2f: {  	lr =	sadd.s32 s0, s3;
	s0 =	sld [smem:$0x3FA8]  }
0x30: {  	s3 =	sld [smem:$0x3FAB]  }
0x31: {  	[smem:$0x3FB4] =	sst s10  }
0x32: {  	s10 =	sld [smem:$0x3FB2];
	_ =	sdelay $0x3  }
0x33: {  	p0 =	seq.s32 s10, $0x1;
	s10 =	sld [smem:$0x3FB4];
	_ =	sdelay $0x3  }
0x34: {  	[smem:$0x3FB4] =	sst s10  }
0x35: {  	s10 =	sld [smem:$0x3FB3];
	_ =	sdelay $0x3  }
0x36: {  	p1 =	seq.s32 s10, $0x1;
	s10 =	sld [smem:$0x3FB4];
	_ =	sdelay $0x3  }
0x37: {  	[smem:$0x3FB4] =	sst s10  }
0x38: {  	s10 =	sld [smem:$0x3FB5]  }
0x39: {  	_ = 	snop;
	(pc) =	sbr.ind lr, $3  }
0x3a: {  	_ = 	snop  }
0x3b: {  	_ = 	snop  }
0x3c: {  	p2 =	seq.s32 s10, $0x1;
	s10 =	sld [smem:$0x3FB4]  }
0x3d: {  	_ =	shalt  }
0x3e: {  	_ =	shalt  }
0x3f: {  	_ =	shalt  }
0x40: {  	_ =	shalt  }
0x41: {  	_ =	shalt  }
0x42: {  	_ =	shalt  }
0x43: {  	_ =	shalt  }
0x44: {  	_ =	shalt  }
0x45: {  	_ =	shalt  }
0x46: {  	_ =	shalt  }
0x47: {  	_ =	shalt  }
0x48: {  	_ =	shalt  }
0x49: {  	_ =	shalt  }
0x4a: {  	_ =	shalt  }
0x4b: {  	_ =	shalt  }
0x4c: {  	_ =	shalt  }
0x4d: {  	_ =	shalt  }
0x4e: {  	_ =	shalt  }
0x4f: {  	_ =	shalt  }
0x50: {  	_ =	shalt  }
0x51: {  	_ =	shalt  }
0x52: {  	_ =	shalt  }
0x53: {  	_ =	shalt  }
0x54: {  	_ =	shalt  }
0x55: {  	_ =	shalt  }
0x56: {  	_ =	shalt  }
0x57: {  	_ =	shalt  }
0x58: {  	_ =	shalt  }
0x59: {  	_ =	shalt  }
0x5a: {  	_ =	shalt  }
0x5b: {  	_ =	shalt  }
0x5c: {  	_ =	shalt  }
0x5d: {  	_ =	shalt  }
0x5e: {  	_ =	shalt  }
0x5f: {  	_ =	shalt  }
0x60: {  	_ =	shalt  }
0x61: {  	_ =	shalt  }
0x62: {  	_ =	shalt  }
0x63: {  	_ =	shalt  }
0x64: {  	_ =	shalt  }
0x65: {  	_ =	shalt  }
0x66: {  	_ =	shalt  }
0x67: {  	_ =	shalt  }
0x68: {  	_ =	shalt  }
0x69: {  	_ =	shalt  }
0x6a: {  	_ =	shalt  }
0x6b: {  	_ =	shalt  }
0x6c: {  	_ =	shalt  }
0x6d: {  	_ =	shalt  }
0x6e: {  	_ =	shalt  }
0x6f: {  	_ =	shalt  }
0x70: {  	_ =	shalt  }
0x71: {  	_ =	shalt  }
0x72: {  	_ =	shalt  }
0x73: {  	_ =	shalt  }
0x74: {  	_ =	shalt  }
0x75: {  	_ =	shalt  }
0x76: {  	_ =	shalt  }
0x77: {  	_ =	shalt  }
0x78: {  	_ =	shalt  }
0x79: {  	_ =	shalt  }
0x7a: {  	_ =	shalt  }
0x7b: {  	_ =	shalt  }
0x7c: {  	_ =	shalt  }
0x7d: {  	_ =	shalt  }
0x7e: {  	_ =	shalt  }
0x7f: {  	_ =	shalt  }
0x80: {  	_ =	shalt  }
0x81: {  	_ =	shalt  }
0x82: {  	_ =	shalt  }
0x83: {  	_ =	shalt  }
0x84: {  	_ =	shalt  }
0x85: {  	_ =	shalt  }
0x86: {  	_ =	shalt  }
0x87: {  	_ =	shalt  }
.Lfunc_end0:
.L_simem_size_0:
called_computation.1_lowered:
.L_overlay_start_0:
0x88: {  	s2 =	sld [smem:$0x3FD9]  }
0x89: {  	s3 =	sld [smem:$0x3FFE];
	_ =	sdelay $0x1  }
0x8a: {  	s1 =	srdreg.scid  }
0x8b: {  	s0 =	sand.u32 $0x1, s1  }
0x8c: {  	s17 =	sshll.u32 s0, $0xA;
	s2 =	sadd.s32 s3, s2  }
0x8d: {  	s2 =	sadd.s32 s2, s17  }
0x8e: {  	[smem:$0x3FC0] =	sst s2  }
0x8f: {  	_ = 	snop  }
0x90: {  	s2 =	sld [smem:$0x3FD0];
	(tm) =	ssettm $0x1  }
0x91: {  	s18 =	sld [smem:$0x3FFB];
	_ =	sdelay $0x3  }
0x92: {  	_ =	strace s18  }
0x93: {  	s3 =	sld [smem:$0x3FFC];
	_ =	sdelay $0x3  }
0x94: {  	_ =	strace s3  }
0x95: {  	s3 =	sld [smem:$0x3FFD];
	_ =	sdelay $0x3  }
0x96: {  	_ =	strace s3  }
0x97: {  	_ =	strace $0x8FFFFFFF  }
0x98: {  	s19 =	sld [smem:$0x3FDB];
	_ =	sdelay $0x1  }
0x99: {  	s4 =	simm.s32 $_scs_section_size  }
0x9a: {  	s5 =	simm.s32 $_size__tile_overlayer_lowered;
	s6 =	simm.s32 $_tile_overlayer_lowered  }
0x9b: {  	s22 =	simm.s32 $0x1BFF;
	s21 =	sshll.u32 s6, $0x1;
	s3 =	sadd.s32 s4, s19  }
0x9c: {  	s7 =	simm.s32 $0x0;
	s20 =	sshll.u32 s5, $0x1;
	s5 =	sadd.s32 s21, s3  }
0x9d: {  	[timem:s7], [sflag:s22] =	dma.local [hbm:s5], s20  }
0x9e: {  	_ =	swait.ge [sflag:s22], s20  }
0x9f: {  	s4 =	ssub.s32 $0x0, s20;
	[sflag:s22] =	ssyncset.done $0x0  }
0xa0: {  	[sflag:s22] =	ssyncadd.s32 s4;
	_ =	sdelay $0x1  }
0xa1: {  	s23 =	simm.s32 $0x1B8B  }
0xa2: {  	_ =	swait.ge [sflag:s23], $0x1  }
0xa3: {  	[sflag:s23] =	ssyncset.done $0x0  }
0xa4: {  	s25 =	simm.s32 $0x1B8E;
	s24 =	sld [smem:$0x3FFE];
	[sflag:s23] =	ssyncadd.s32 $0xFFFFFFFF  }
0xa5: {  	s26 =	simm.s32 $execute0_lowered;
	[smem:$0x3FD2] =	sst s25  }
0xa6: {  	s5 =	sshll.u32 s26, $0x1;
	_ =	strace $0x80000049;
	[dreg:$0x1] =	wrdreg $0xFFFFFFFF  }
0xa7: {  	s28 =	simm.s32 $_size_execute0_lowered;
	s3 =	sadd.s32 s3, s5;
	[dreg:$0x0] =	wrdreg $0x0  }
0xa8: {  	s5 =	sshll.u32 s28, $0x1;
	[dreg:$0x2] =	wrdreg s3  }
0xa9: {  	[dreg:$0x3] =	wrdreg s5  }
0xaa: {  	[dreg:$0x4] =	wrdreg $0xC0  }
0xab: {  	_ =	task [dreg:s7], $0x5FFFF  }
0xac: {  	[dreg:$0x1] =	wrdreg $0xFFFFFFFF  }
0xad: {  	[dreg:$0x0] =	wrdreg $0x60  }
0xae: {  	[dreg:$0x2] =	wrdreg s24  }
0xaf: {  	[dreg:$0x3] =	wrdreg s2  }
0xb0: {  	[dreg:$0x4] =	wrdreg $0xBE000  }
0xb1: {  	[dreg:$0x5] =	wrdreg $0x9  }
0xb2: {  	_ =	task.clear_ibuf [dreg:s7], $0x6FFFF;
	_ =	strace $0x90000049  }
0xb3: {  	s29 =	simm.s32 $0x9;
	_ =	strace $0x8000004B  }
0xb4: {  	_ =	swait.ge [sflag:s29], $0x1  }
0xb5: {  	[sflag:s29] =	ssyncadd.s32 $0xFFFFFFFF  }
0xb6: {  	_ =	strace $0x9000004B  }
0xb7: {  	_ =	sfence  }
0xb8: {  	s30 =	sld [smem:$0x0];
	_ =	sdelay $0x2  }
0xb9: {  	s31 =	sshll.u32 s1, $0xD;
	s1 =	sshrl.u32 s1, $0x2  }
0xba: {  	s3 =	sand.u32 $0x4000, s31;
	s1 =	sadd.s32 s1, s30  }
0xbb: {  	s0 =	sor.u32 s3, s0;
	s1 =	sshll.u32 s1, $0x11  }
0xbc: {  	s0 =	sor.u32 s1, s0  }
0xbd: {  	s0 =	sadd.s32 $0x8F2B, s0  }
0xbe: {  	[sflag:s0] =	ssyncadd.remote.s32 $0x1  }
0xbf: {  	_ =	sfence.sel $0xFFFF  }
0xc0: {  	[dreg:$0x0] =	wrdreg $0xFFFFFFFF;
	(pc) =	sbr.abs _section_cstart, $3  }
0xc1: {  	[dreg:$0x1] =	wrdreg $0xFFFFFFFF  }
0xc2: {  	_ =	task.clear_ibuf [dreg:s7], $0x2FFFF;
	_ =	strace $0x9FFFFFFF  }
0xc3: {  	(tm) =	ssettm $0x7FFFFFFF  }
tec
execute0_lowered:
.L_overlay_start_1:
0x0: {  	(tag) =	ssettag $0x1  }
0x1: {  	s0 =	rddreg [dreg:$0x0]  }
0x2: {  	s2 =	rddreg [dreg:$0x1]  }
0x3: {  	s3 =	rddreg [dreg:$0x2]  }
0x4: {  	s1 =	stileid.u32;
	s5 =	srdreg.scid;
	s4 =	simm.s32 $0x0  }
0x5: {  	s14 =	simm.s32 $0x5;
	s15 =	simm.s32 $0x80;
	s16 =	simm.s32 $0x3E00  }
0x6: {  	s17 =	simm.s32 $0x100;
	s18 =	simm.s32 $0x7E00;
	s19 =	simm.s32 $0x1  }
0x7: {  	s20 =	simm.s32 $0x2;
	s21 =	simm.s32 $0x180;
	s22 =	simm.s32 $0x3  }
0x8: {  	s23 =	simm.s32 $0x200;
	s24 =	simm.s32 $0x4;
	s6 =	smul.u32 $0x14000, s1  }
0x9: {  	s25 =	simm.s32 $0x0;
	s7 =	sand.u32 $0x1, s5;
	s26 =	smul.u32 $0x50000, s1  }
0xa: {  	[smem:$0x7FF] =	sst s4;
	s9 =	sadd.s32 $0x7B200, s0;
	s29 =	smul.u32 $0x24, s1  }
0xb: {  	s30 =	sshll.u32 s1, $0x6;
	s5 =	smul.u32 $0x140000, s7;
	_ =	strace $0x8000004A  }
0xc: {  	s10 =	ssub.s32 $0x2, s7;
	p0 =	seq.s32 s7, $0x0;
	s7 =	simm.s32 $0x3E  }
0xd: {  	s8 =	sshrl.u32 s6, $0x3;
	s28 =	sshrl.u32 s10, $0x1;
	s12 =	sadd.s32 $0x7C0, s29  }
0xe: {  	s7 =	simm.s32 @!p0 $0x12;
	s5 =	sadd.s32 s6, s5;
	s8 =	sadd.s32 s8, s0  }
0xf: {  	s6 =	sshrl.u32 s26, $0x2;
	s11 =	ssub.s32 s10, s28;
	s5 =	sshrl.u32 s5, $0x3  }
0x10: {  	s0 =	sadd.s32 s5, s0;
	s5 =	sadd.s32 $0x3200, s8;
	s8 =	smul.u32 $0x7C, s1  }
0x11: {  	s10 =	sadd.s32 $0x7D2, s29;
	s31 =	sshll.u32 s7, $0xA;
	s13 =	sadd.s32 s6, s3  }
0x12: {  	s6 =	sor.u32 $0x1C05, s30;
	s12 =	smov.u32 @p0 s8;
	s8 =	sadd.s32 $0x3E, s8  }
0x13: {  	s11 =	smax.u32 s11, $0x1;
	s12 =	sshll.u32 s12, $0x5;
	s10 =	smov.u32 @p0 s8  }
0x14: {  	s13 =	sshrl.u32 s13, $0x3;
	s8 =	sadd.s32 s9, s12;
	s10 =	sshll.u32 s10, $0x5  }
0x15: {  	s12 =	sadd.s32 $0xFFFFF000, s31;
	s9 =	sadd.s32 s9, s10;
	s10 =	sadd.s32 $0x2B200, s0  }
.LBB2_1:
0x16: {  	[spmem:s13], [sflag:s6] =	dma.local [hbm:s5], $0x2800  }
0x17: {  	_ =	swait.ge [sflag:s14], $0x2800  }
0x18: {  	[sflag:s14] =	ssyncset.done $0x0  }
0x19: {  	[sflag:s14] =	ssyncadd.s32 $0xFFFFD800  }
0x1a: {  	s0 =	simm.s32 $0x0;
	[bflag:$0x0] =	sbarrier.arrive $0xFFFF  }
0x1b: {  	[tilespmem:s0], [sflag:$0x5] =	stream.linear.gather [hbm4b:s8+s0], $0x3E00, $0x38;
	[tilespmem:$0x1FE00] =	vst v63  }
0x1c: {  	_ =	swait.ge [sflag:s14], $0x3E00  }
0x1d: {  	[sflag:s14] =	ssyncset.done $0x0  }
0x1e: {  	[sflag:s14] =	ssyncadd.s32 $0xFFFFC200  }
0x1f: {  	[tilespmem:s16], [sflag:$0x1] =	stream.indirect.gather [hbm4b:s2+s15], $0x80, s0, s15, $0xb8;
	[tilespmem:$0x1FE00] =	vst v63  }
0x20: {  	_ = 	snop  }
0x21: {  	[tilespmem:s18], [sflag:$0x2] =	stream.indirect.gather [hbm4b:s2+s15], $0x80, s17, s15, $0xb8;
	[tilespmem:$0x1FE00] =	vst v63  }
0x22: {  	_ =	swait.ge [sflag:s19], $0x4000  }
0x23: {  	[sflag:s19] =	ssyncset.done $0x0  }
0x24: {  	[sflag:s19] =	ssyncadd.s32 $0xFFFFC000  }
0x25: {  	[spmem:s3] =	stream.indirect.scatter.add.f32 [tilespmem:s16], [sflag:$0x3], $0x80, s15, s15, $0xb8;
	[tilespmem:$0x1FE00] =	vst v63  }
0x26: {  	_ =	swait.ge [sflag:s20], $0x4000  }
0x27: {  	[sflag:s20] =	ssyncset.done $0x0  }
0x28: {  	[sflag:s20] =	ssyncadd.s32 $0xFFFFC000  }
0x29: {  	[spmem:s3] =	stream.indirect.scatter.add.f32 [tilespmem:s18], [sflag:$0x4], $0x80, s21, s15, $0xb8;
	[tilespmem:$0x1FE00] =	vst v63  }
0x2a: {  	_ =	swait.ge [sflag:s22], $0x4000  }
0x2b: {  	[sflag:s22] =	ssyncset.done $0x0  }
0x2c: {  	[sflag:s22] =	ssyncadd.s32 $0xFFFFC000  }
0x2d: {  	[tilespmem:s16], [sflag:$0x1] =	stream.indirect.gather [hbm4b:s2+s15], $0x80, s23, s15, $0xb8;
	[tilespmem:$0x1FE00] =	vst v63  }
0x2e: {  	_ =	swait.ge [sflag:s19], $0x4000  }
0x2f: {  	p0 =	sle.u32 s7, $0x3;
	[sflag:s19] =	ssyncset.done $0x0  }
0x30: {  	s4 =	simm.s32 $0x280;
	s26 =	simm.s32 @!p0 $0x4;
	[sflag:s19] =	ssyncadd.s32 $0xFFFFC000  }
0x31: {  	[spmem:s3] =	stream.indirect.scatter.add.f32 [tilespmem:s16], [sflag:$0x3], $0x80, s4, s15, $0xb8;
	[tilespmem:$0x1FE00] =	vst v63  }
0x32: {  	_ =	swait.ge @!p0 [sflag:s26], $0x4000  }
0x33: {  	s28 =	simm.s32 @!p0 $0x80;
	[sflag:s26] =	ssyncset.done @!p0 $0x0  }
0x34: {  	s29 =	simm.s32 @!p0 $0x7E00;
	s0 =	simm.s32 @!p0 $0x300;
	[sflag:s26] =	ssyncadd.s32 @!p0 $0xFFFFC000  }
0x35: {  	[tilespmem:s29], [sflag:$0x2] =	stream.indirect.gather @!p0 [hbm4b:s2+s28], $0x80, s0, s28, $0xb8;
	[tilespmem:$0x1FE00] =	vst v63  }
0x36: {  	p1 =	sne.s32 s12, $0x800;
	s26 =	simm.s32 $0x380;
	_ =	swait.ge [sflag:s20], $0x4000  }
.Ltmp0:
0x37: {  	p0 =	sle.u32 s7, $0x4;
	[sflag:s20] =	ssyncset.done $0x0;
	(pc) =	sbr.rel @!p1 .LBB2_3-.Ltmp0, $4  }
0x38: {  	s28 =	simm.s32 $0x4;
	s29 =	simm.s32 @!p0 $0x3;
	[sflag:s20] =	ssyncadd.s32 $0xFFFFC000  }
0x39: {  	[spmem:s3] =	stream.indirect.scatter.add.f32 [tilespmem:s18], [sflag:$0x4], $0x80, s26, s15, $0xb8;
	[tilespmem:$0x1FE00] =	vst v63  }
0x3a: {  	s30 =	simm.s32 @!p0 $0x400;
	s31 =	simm.s32 @!p0 $0x80;
	_ =	swait.ge @!p0 [sflag:s29], $0x4000  }
0x3b: {  	s0 =	simm.s32 @!p0 $0x3E00;
	s26 =	simm.s32 $0x800;
	[sflag:s29] =	ssyncset.done @!p0 $0x0  }
.LBB2_2:
0x3c: {  	[sflag:s29] =	ssyncadd.s32 @!p0 $0xFFFFC000  }
0x3d: {  	s28 =	sadd.s32 $0x2, s28;
	s1 =	smov.u32 s26;
	s26 =	sadd.s32 $0x800, s26  }
0x3e: {  	[tilespmem:s0], [sflag:$0x1] =	stream.indirect.gather @!p0 [hbm4b:s2+s31], $0x80, s30, s31, $0xb8;
	[tilespmem:$0x1FE00] =	vst v63  }
0x3f: {  	s0 =	sshra.s32 s1, $0x2;
	s29 =	sadd.s32 $0xFFFFFFFF, s28;
	_ =	swait.ge [sflag:s19], $0x4000  }
0x40: {  	s30 =	sadd.s32 $0x280, s0;
	p0 =	sge.u32 s29, s7;
	[sflag:s19] =	ssyncset.done $0x0  }
0x41: {  	s29 =	simm.s32 @!p0 $0x4;
	s31 =	sshra.s32 @!p0 s1, $0x2;
	[sflag:s19] =	ssyncadd.s32 $0xFFFFC000  }
0x42: {  	[spmem:s3] =	stream.indirect.scatter.add.f32 [tilespmem:s16], [sflag:$0x3], $0x80, s30, s15, $0xb8;
	[tilespmem:$0x1FE00] =	vst v63  }
0x43: {  	p1 =	sne.s32 s12, s26;
	s30 =	sadd.s32 @!p0 $0x300, s31;
	_ =	swait.ge @!p0 [sflag:s29], $0x4000  }
0x44: {  	s4 =	simm.s32 @!p0 $0x7E00;
	s31 =	simm.s32 @!p0 $0x80;
	[sflag:s29] =	ssyncset.done @!p0 $0x0  }
0x45: {  	[sflag:s29] =	ssyncadd.s32 @!p0 $0xFFFFC000  }
0x46: {  	[tilespmem:s4], [sflag:$0x2] =	stream.indirect.gather @!p0 [hbm4b:s2+s31], $0x80, s30, s31, $0xb8;
	[tilespmem:$0x1FE00] =	vst v63  }
0x47: {  	p0 =	sge.u32 s28, s7;
	_ =	swait.ge [sflag:s20], $0x4000  }
.Ltmp1:
0x48: {  	s0 =	sadd.s32 $0x380, s0;
	[sflag:s20] =	ssyncset.done $0x0;
	(pc) =	sbr.rel @p1 .LBB2_2-.Ltmp1, $4  }
0x49: {  	s29 =	simm.s32 @!p0 $0x3;
	s1 =	sshra.s32 @!p0 s1, $0x2;
	[sflag:s20] =	ssyncadd.s32 $0xFFFFC000  }
0x4a: {  	[spmem:s3] =	stream.indirect.scatter.add.f32 [tilespmem:s18], [sflag:$0x4], $0x80, s0, s15, $0xb8;
	[tilespmem:$0x1FE00] =	vst v63  }
0x4b: {  	s30 =	sadd.s32 @!p0 $0x400, s1;
	_ =	swait.ge @!p0 [sflag:s29], $0x4000  }
0x4c: {  	s31 =	simm.s32 @!p0 $0x80;
	s0 =	simm.s32 @!p0 $0x3E00;
	[sflag:s29] =	ssyncset.done @!p0 $0x0  }
.LBB2_3:
0x4d: {  	[sflag:s29] =	ssyncadd.s32 @!p0 $0xFFFFC000  }
0x4e: {  	[tilespmem:s0], [sflag:$0x1] =	stream.indirect.gather @!p0 [hbm4b:s2+s31], $0x80, s30, s31, $0xb8;
	[tilespmem:$0x1FE00] =	vst v63  }
0x4f: {  	s4 =	sshra.s32 s26, $0x2;
	s1 =	sadd.s32 $0x2, s28;
	_ =	swait.ge [sflag:s19], $0x4000  }
0x50: {  	s0 =	sadd.s32 $0x280, s4;
	s4 =	sadd.s32 $0xFFFFFFFF, s1;
	[sflag:s19] =	ssyncset.done $0x0  }
0x51: {  	p0 =	slt.u32 s4, s7;
	[sflag:s19] =	ssyncadd.s32 $0xFFFFC000  }
0x52: {  	[spmem:s3] =	stream.indirect.scatter.add.f32 [tilespmem:s16], [sflag:$0x3], $0x80, s0, s15, $0xb8;
	[tilespmem:$0x1FE00] =	vst v63  }
0x53: {  	s0 =	simm.s32 @p0 $0x4  }
0x54: {  	_ =	swait.ge @p0 [sflag:s0], $0x4000  }
0x55: {  	[sflag:s0] =	ssyncset.done @p0 $0x0  }
0x56: {  	[sflag:s0] =	ssyncadd.s32 @p0 $0xFFFFC000;
	s0 =	sshra.s32 @p0 s26, $0x2  }
0x57: {  	s4 =	simm.s32 @p0 $0x80;
	s28 =	simm.s32 @p0 $0x7E00;
	s0 =	sadd.s32 @p0 $0x300, s0  }
0x58: {  	[tilespmem:s28], [sflag:$0x2] =	stream.indirect.gather @p0 [hbm4b:s2+s4], $0x80, s0, s4, $0xb8;
	[tilespmem:$0x1FE00] =	vst v63  }
0x59: {  	s0 =	sadd.s32 @p0 $0xC00, s26;
	s4 =	sadd.s32 @!p0 $0xC00, s26  }
0x5a: {  	s4 =	smov.u32 @p0 s0;
	_ =	swait.ge [sflag:s20], $0x4000  }
0x5b: {  	[sflag:s20] =	ssyncset.done $0x0;
	s0 =	sshra.s32 s4, $0x2  }
0x5c: {  	p0 =	sge.u32 s1, s7;
	[sflag:s20] =	ssyncadd.s32 $0xFFFFC000;
	s0 =	sadd.s32 $0x80, s0  }
0x5d: {  	[spmem:s3] =	stream.indirect.scatter.add.f32 [tilespmem:s18], [sflag:$0x4], $0x80, s0, s15, $0xb8;
	[tilespmem:$0x1FE00] =	vst v63  }
0x5e: {  	s0 =	simm.s32 @!p0 $0x3  }
0x5f: {  	_ =	swait.ge @!p0 [sflag:s0], $0x4000  }
0x60: {  	[sflag:s0] =	ssyncset.done @!p0 $0x0  }
0x61: {  	[sflag:s0] =	ssyncadd.s32 @!p0 $0xFFFFC000;
	s0 =	sshra.s32 @!p0 s26, $0x2  }
0x62: {  	s1 =	simm.s32 @!p0 $0x80;
	s4 =	simm.s32 @!p0 $0x3E00;
	s0 =	sadd.s32 @!p0 $0x400, s0  }
0x63: {  	[tilespmem:s4], [sflag:$0x1] =	stream.indirect.gather @!p0 [hbm4b:s2+s1], $0x80, s0, s1, $0xb8;
	[tilespmem:$0x1FE00] =	vst v63  }
0x64: {  	_ =	swait.ge [sflag:s22], $0x4000  }
0x65: {  	[sflag:s22] =	ssyncset.done $0x0  }
0x66: {  	s26 =	simm.s32 $0x4;
	[sflag:s22] =	ssyncadd.s32 $0xFFFFC000  }
0x67: {  	_ =	swait.ge [sflag:s26], $0x4000  }
0x68: {  	[sflag:s26] =	ssyncset.done $0x0  }
0x69: {  	s1 =	simm.s32 $0x0;
	[sflag:s26] =	ssyncadd.s32 $0xFFFFC000  }
0x6a: {  	[tilespmem:s1], [sflag:$0x5] =	stream.linear.gather [hbm4b:s9+s1], $0x3E00, $0x38;
	[tilespmem:$0x1FE00] =	vst v63  }
0x6b: {  	_ =	swait.ge [sflag:s14], $0x3E00  }
0x6c: {  	[sflag:s14] =	ssyncset.done $0x0  }
0x6d: {  	[sflag:s14] =	ssyncadd.s32 $0xFFFFC200  }
0x6e: {  	[tilespmem:s16], [sflag:$0x1] =	stream.indirect.gather [hbm4b:s2+s15], $0x80, s1, s15, $0xb8;
	[tilespmem:$0x1FE00] =	vst v63  }
0x6f: {  	_ = 	snop  }
0x70: {  	[tilespmem:s18], [sflag:$0x2] =	stream.indirect.gather [hbm4b:s2+s15], $0x80, s17, s15, $0xb8;
	[tilespmem:$0x1FE00] =	vst v63  }
0x71: {  	_ =	swait.ge [sflag:s19], $0x4000  }
0x72: {  	[sflag:s19] =	ssyncset.done $0x0  }
0x73: {  	[sflag:s19] =	ssyncadd.s32 $0xFFFFC000  }
0x74: {  	[spmem:s3] =	stream.indirect.scatter.add.f32 [tilespmem:s16], [sflag:$0x3], $0x80, s15, s15, $0xb8;
	[tilespmem:$0x1FE00] =	vst v63  }
0x75: {  	_ =	swait.ge [sflag:s20], $0x4000  }
0x76: {  	[sflag:s20] =	ssyncset.done $0x0  }
0x77: {  	[sflag:s20] =	ssyncadd.s32 $0xFFFFC000  }
0x78: {  	[spmem:s3] =	stream.indirect.scatter.add.f32 [tilespmem:s18], [sflag:$0x4], $0x80, s21, s15, $0xb8;
	[tilespmem:$0x1FE00] =	vst v63  }
0x79: {  	_ =	swait.ge [sflag:s22], $0x4000  }
0x7a: {  	[sflag:s22] =	ssyncset.done $0x0  }
0x7b: {  	[sflag:s22] =	ssyncadd.s32 $0xFFFFC000  }
0x7c: {  	[tilespmem:s16], [sflag:$0x1] =	stream.indirect.gather [hbm4b:s2+s15], $0x80, s23, s15, $0xb8;
	[tilespmem:$0x1FE00] =	vst v63  }
0x7d: {  	_ =	swait.ge [sflag:s19], $0x4000  }
0x7e: {  	p0 =	sle.u32 s7, $0x3;
	[sflag:s19] =	ssyncset.done $0x0  }
0x7f: {  	s4 =	simm.s32 $0x280;
	s1 =	simm.s32 @!p0 $0x4;
	[sflag:s19] =	ssyncadd.s32 $0xFFFFC000  }
0x80: {  	[spmem:s3] =	stream.indirect.scatter.add.f32 [tilespmem:s16], [sflag:$0x3], $0x80, s4, s15, $0xb8;
	[tilespmem:$0x1FE00] =	vst v63  }
0x81: {  	_ =	swait.ge @!p0 [sflag:s1], $0x4000  }
0x82: {  	s0 =	simm.s32 @!p0 $0x300;
	[sflag:s1] =	ssyncset.done @!p0 $0x0  }
0x83: {  	s28 =	simm.s32 @!p0 $0x7E00;
	s4 =	simm.s32 @!p0 $0x80;
	[sflag:s1] =	ssyncadd.s32 @!p0 $0xFFFFC000  }
0x84: {  	[tilespmem:s28], [sflag:$0x2] =	stream.indirect.gather @!p0 [hbm4b:s2+s4], $0x80, s0, s4, $0xb8;
	[tilespmem:$0x1FE00] =	vst v63  }
0x85: {  	p1 =	sne.s32 s12, $0x800;
	_ =	swait.ge [sflag:s20], $0x4000  }
.Ltmp2:
0x86: {  	p0 =	sle.u32 s7, $0x4;
	[sflag:s20] =	ssyncset.done $0x0;
	(pc) =	sbr.rel @!p1 .LBB2_5-.Ltmp2, $4  }
0x87: {  	s4 =	simm.s32 $0x380;
	s29 =	simm.s32 @!p0 $0x3;
	[sflag:s20] =	ssyncadd.s32 $0xFFFFC000  }
0x88: {  	[spmem:s3] =	stream.indirect.scatter.add.f32 [tilespmem:s18], [sflag:$0x4], $0x80, s4, s15, $0xb8;
	[tilespmem:$0x1FE00] =	vst v63  }
0x89: {  	s28 =	simm.s32 $0x800;
	s30 =	simm.s32 @!p0 $0x400;
	_ =	swait.ge @!p0 [sflag:s29], $0x4000  }
0x8a: {  	s31 =	simm.s32 @!p0 $0x80;
	s0 =	simm.s32 @!p0 $0x3E00;
	[sflag:s29] =	ssyncset.done @!p0 $0x0  }
.LBB2_4:
0x8b: {  	[sflag:s29] =	ssyncadd.s32 @!p0 $0xFFFFC000  }
0x8c: {  	s26 =	sadd.s32 $0x2, s26;
	s1 =	smov.u32 s28;
	s28 =	sadd.s32 $0x800, s28  }
0x8d: {  	[tilespmem:s0], [sflag:$0x1] =	stream.indirect.gather @!p0 [hbm4b:s2+s31], $0x80, s30, s31, $0xb8;
	[tilespmem:$0x1FE00] =	vst v63  }
0x8e: {  	s0 =	sshra.s32 s1, $0x2;
	s4 =	sadd.s32 $0xFFFFFFFF, s26;
	_ =	swait.ge [sflag:s19], $0x4000  }
0x8f: {  	s29 =	sadd.s32 $0x280, s0;
	p0 =	sge.u32 s4, s7;
	[sflag:s19] =	ssyncset.done $0x0  }
0x90: {  	s4 =	simm.s32 @!p0 $0x4;
	s30 =	sshra.s32 @!p0 s1, $0x2;
	[sflag:s19] =	ssyncadd.s32 $0xFFFFC000  }
0x91: {  	[spmem:s3] =	stream.indirect.scatter.add.f32 [tilespmem:s16], [sflag:$0x3], $0x80, s29, s15, $0xb8;
	[tilespmem:$0x1FE00] =	vst v63  }
0x92: {  	p1 =	sne.s32 s12, s28;
	s29 =	sadd.s32 @!p0 $0x300, s30;
	_ =	swait.ge @!p0 [sflag:s4], $0x4000  }
0x93: {  	s31 =	simm.s32 @!p0 $0x7E00;
	s30 =	simm.s32 @!p0 $0x80;
	[sflag:s4] =	ssyncset.done @!p0 $0x0  }
0x94: {  	[sflag:s4] =	ssyncadd.s32 @!p0 $0xFFFFC000  }
0x95: {  	[tilespmem:s31], [sflag:$0x2] =	stream.indirect.gather @!p0 [hbm4b:s2+s30], $0x80, s29, s30, $0xb8;
	[tilespmem:$0x1FE00] =	vst v63  }
0x96: {  	p0 =	sge.u32 s26, s7;
	_ =	swait.ge [sflag:s20], $0x4000  }
.Ltmp3:
0x97: {  	s0 =	sadd.s32 $0x380, s0;
	[sflag:s20] =	ssyncset.done $0x0;
	(pc) =	sbr.rel @p1 .LBB2_4-.Ltmp3, $4  }
0x98: {  	s29 =	simm.s32 @!p0 $0x3;
	s1 =	sshra.s32 @!p0 s1, $0x2;
	[sflag:s20] =	ssyncadd.s32 $0xFFFFC000  }
0x99: {  	[spmem:s3] =	stream.indirect.scatter.add.f32 [tilespmem:s18], [sflag:$0x4], $0x80, s0, s15, $0xb8;
	[tilespmem:$0x1FE00] =	vst v63  }
0x9a: {  	s30 =	sadd.s32 @!p0 $0x400, s1;
	_ =	swait.ge @!p0 [sflag:s29], $0x4000  }
0x9b: {  	s31 =	simm.s32 @!p0 $0x80;
	s0 =	simm.s32 @!p0 $0x3E00;
	[sflag:s29] =	ssyncset.done @!p0 $0x0  }
.LBB2_5:
0x9c: {  	[sflag:s29] =	ssyncadd.s32 @!p0 $0xFFFFC000  }
0x9d: {  	[tilespmem:s0], [sflag:$0x1] =	stream.indirect.gather @!p0 [hbm4b:s2+s31], $0x80, s30, s31, $0xb8;
	[tilespmem:$0x1FE00] =	vst v63  }
0x9e: {  	s1 =	sadd.s32 $0x2, s26;
	_ =	swait.ge [sflag:s19], $0x4000  }
0x9f: {  	s30 =	sshra.s32 s28, $0x2;
	s31 =	sadd.s32 $0xFFFFFFFF, s1;
	[sflag:s19] =	ssyncset.done $0x0  }
0xa0: {  	s0 =	sadd.s32 $0x280, s30;
	p0 =	slt.u32 s31, s7;
	[sflag:s19] =	ssyncadd.s32 $0xFFFFC000  }
0xa1: {  	[spmem:s3] =	stream.indirect.scatter.add.f32 [tilespmem:s16], [sflag:$0x3], $0x80, s0, s15, $0xb8;
	[tilespmem:$0x1FE00] =	vst v63  }
0xa2: {  	s0 =	simm.s32 @p0 $0x4  }
0xa3: {  	_ =	swait.ge @p0 [sflag:s0], $0x4000  }
0xa4: {  	[sflag:s0] =	ssyncset.done @p0 $0x0  }
0xa5: {  	[sflag:s0] =	ssyncadd.s32 @p0 $0xFFFFC000;
	s0 =	sshra.s32 @p0 s28, $0x2  }
0xa6: {  	s4 =	simm.s32 @p0 $0x80;
	s26 =	simm.s32 @p0 $0x7E00;
	s0 =	sadd.s32 @p0 $0x300, s0  }
0xa7: {  	[tilespmem:s26], [sflag:$0x2] =	stream.indirect.gather @p0 [hbm4b:s2+s4], $0x80, s0, s4, $0xb8;
	[tilespmem:$0x1FE00] =	vst v63  }
0xa8: {  	s0 =	sadd.s32 @p0 $0xC00, s28;
	s4 =	sadd.s32 @!p0 $0xC00, s28  }
0xa9: {  	s4 =	smov.u32 @p0 s0;
	_ =	swait.ge [sflag:s20], $0x4000  }
0xaa: {  	[sflag:s20] =	ssyncset.done $0x0;
	s0 =	sshra.s32 s4, $0x2  }
0xab: {  	p0 =	sge.u32 s1, s7;
	[sflag:s20] =	ssyncadd.s32 $0xFFFFC000;
	s0 =	sadd.s32 $0x80, s0  }
0xac: {  	[spmem:s3] =	stream.indirect.scatter.add.f32 [tilespmem:s18], [sflag:$0x4], $0x80, s0, s15, $0xb8;
	[tilespmem:$0x1FE00] =	vst v63  }
0xad: {  	s0 =	simm.s32 @!p0 $0x3  }
0xae: {  	_ =	swait.ge @!p0 [sflag:s0], $0x4000  }
0xaf: {  	[sflag:s0] =	ssyncset.done @!p0 $0x0  }
0xb0: {  	[sflag:s0] =	ssyncadd.s32 @!p0 $0xFFFFC000;
	s0 =	sshra.s32 @!p0 s28, $0x2  }
0xb1: {  	s1 =	simm.s32 @!p0 $0x80;
	s4 =	simm.s32 @!p0 $0x3E00;
	s0 =	sadd.s32 @!p0 $0x400, s0  }
0xb2: {  	[tilespmem:s4], [sflag:$0x1] =	stream.indirect.gather @!p0 [hbm4b:s2+s1], $0x80, s0, s1, $0xb8;
	[tilespmem:$0x1FE00] =	vst v63  }
0xb3: {  	_ =	swait.ge [sflag:s22], $0x4000  }
0xb4: {  	[sflag:s22] =	ssyncset.done $0x0  }
0xb5: {  	[sflag:s22] =	ssyncadd.s32 $0xFFFFC000  }
0xb6: {  	_ =	swait.ge [sflag:s24], $0x4000  }
0xb7: {  	s25 =	sadd.s32 $0x1, s25;
	[sflag:s24] =	ssyncset.done $0x0  }
0xb8: {  	p0 =	sne.s32 s25, s11;
	[sflag:s24] =	ssyncadd.s32 $0xFFFFC000  }
.Ltmp4:
0xb9: {  	[bflag:$0x0] =	sbarrier.arrive $0xFFFF;
	(pc) =	sbr.rel @p0 .LBB2_1-.Ltmp4, $4  }
0xba: {  	[hbm:s10], [sflag:s6] =	dma.local [spmem:s13], $0x2800  }
0xbb: {  	_ =	swait.ge [sflag:s14], $0x2800  }
0xbc: {  	[sflag:s14] =	ssyncset.done $0x0  }
0xbd: {  	[sflag:s14] =	ssyncadd.s32 $0xFFFFD800  }
0xbe: {  	_ =	sfence.sel $0x180000  }
0xbf: {  	[bflag:$0x0] =	sbarrier.arrive $0xFFFF  }
0xc0: {  	_ =	strace $0x9000004A  }
0xc1: {  	s0 =	stileid.u32;
	[bflag:$0x2] =	sbarrier.arrive $0xFFFF  }
0xc2: {  	p0 =	sne.s32 s0, $0x0;
	s0 =	rddreg [dreg:$0x3]  }
0xc3: {  	s0 =	sadd.s32 @!p0 $0x100000, s0  }
0xc4: {  	[sflag:s0] =	ssyncadd.tile.s32 @!p0 $0x1;
	_ =	shalt  }
.Lfunc_end2:
_tile_overlayer_lowered:
.L_overlay_start_2:
0xc5: {  	(tag) =	ssettag $0x2  }
0xc6: {  	s0 =	rddreg [dreg:$0x0];
	s2 =	stileid.u32  }
0xc7: {  	s1 =	rddreg [dreg:$0x1];
	p0 =	sne.s32 s2, $0x0  }
0xc8: {  	s3 =	rddreg [dreg:$0x2];
	[bflag:$0x3] =	sbarrier.arrive $0xFFFF;
	s2 =	simm.s32 @!p0 $0x1C05  }
0xc9: {  	[timem:s3], [sflag:s2] =	dma.local @!p0 [hbm:s0], s1  }
0xca: {  	s0 =	simm.s32 @!p0 $0x5  }
0xcb: {  	_ =	swait.ge @!p0 [sflag:s0], s1  }
0xcc: {  	s1 =	ssub.s32 @!p0 $0x0, s1;
	[sflag:s0] =	ssyncset.done @!p0 $0x0  }
0xcd: {  	[sflag:s0] =	ssyncadd.s32 @!p0 s1  }
0xce: {  	[bflag:$0x3] =	sbarrier.arrive $0xFFFF  }
0xcf: {  	_ =	shalt  }

// kernel: kernel.16.cloned.1.call-start
scs
__scs_entry_jumppad:
0x0: {  	(pc) =	sbr.rel $0x88, $3  }
0x1: {  	(tag) =	ssettag $0x0;
	lr =	simm.s32 $0x1  }
0x2: {  	[smem:$0x3F99] =	sst lr;
	_ =	strace $0xD0000000  }
0x3: {  	_ = 	snop  }
0x4: {  	_ = 	snop  }
0x5: {  	_ = 	snop  }
0x6: {  	_ = 	snop  }
0x7: {  	_ = 	snop  }
__scs_overlays_trampoline_lowered:
0x8: {  	[smem:$0x3FA8] =	sst s0  }
0x9: {  	[smem:$0x3FA9] =	sst s1  }
0xa: {  	[smem:$0x3FAA] =	sst s2  }
0xb: {  	[smem:$0x3FAB] =	sst s3  }
0xc: {  	[smem:$0x3FAC] =	sst s4  }
0xd: {  	[smem:$0x3FAD] =	sst s5  }
0xe: {  	[smem:$0x3FAE] =	sst s6  }
0xf: {  	[smem:$0x3FAF] =	sst s7  }
0x10: {  	[smem:$0x3FB0] =	sst s8  }
0x11: {  	[smem:$0x3FB1] =	sst s9;
	s0 =	simm.s32 @!p0 $0x0  }
0x12: {  	s1 =	sld [smem:$0x3F97];
	s0 =	simm.s32 @p0 $0x1  }
0x13: {  	[smem:$0x3FB2] =	sst s0;
	s0 =	simm.s32 @!p1 $0x0  }
0x14: {  	s2 =	sld [smem:$0x3F96];
	s0 =	simm.s32 @p1 $0x1  }
0x15: {  	[smem:$0x3FB3] =	sst s0;
	s0 =	simm.s32 @!p2 $0x0  }
0x16: {  	s3 =	sld [smem:$0x3FDB];
	s0 =	simm.s32 @p2 $0x1  }
0x17: {  	s4 =	simm.s32 $0x1BF5;
	[smem:$0x3FB5] =	sst s0  }
0x18: {  	s0 =	sld [smem:$0x3F98];
	_ =	swait.ge [sflag:s4], $0x0  }
0x19: {  	s7 =	sld [smem:$0x3F99]  }
0x1a: {  	s8 =	sadd.s32 $0xFFFFE003, lr  }
0x1b: {  	s9 =	sadd.s32 $0xFFFFFEF7, lr;
	s5 =	simm.s32 $0xFFFFFFFF;
	p2 =	slt.u32 s8, $0xFFFFF086  }
0x1c: {  	p1 =	slt.u32 s9, $0xF7A;
	s5 =	simm.s32 @!p2 $0x0  }
0x1d: {  	s5 =	simm.s32 @p1 $0x1;
	p0 =	seq.s32 s7, s2  }
0x1e: {  	s7 =	smul.u32 @!p0 $0xF7A, s2;
	p2 =	seq.s32 @!p0 s5, $0x0  }
0x1f: {  	s9 =	smul.u32 $0xF7A, s1;
	s8 =	simm.s32 @!p0 $0x1BF5;
	p2 =	por !p2, p0  }
0x20: {  	[sflag:s8] =	ssyncset.s32 @!p0 $0xFFFFF086;
	s6 =	sadd.s32 @!p0 s3, s7;
	s7 =	simm.s32 @!p0 $0x108  }
0x21: {  	s3 =	sadd.s32 s3, s9;
	s6 =	sadd.s32 @!p0 $0x88, s6;
	s7 =	simm.s32 @p2 $0x1082  }
0x22: {  	[simem:s7], [sflag:s8] =	dma.local @!p0 [hbm:s6], $0xF7A  }
0x23: {  	s9 =	sor.u32 $0xD0000000, s2;
	s6 =	simm.s32 $0x108;
	_ =	swait.ge @!p0 [sflag:s8], $0x0  }
0x24: {  	s3 =	sadd.s32 $0x88, s3;
	s6 =	simm.s32 @!p1 $0x1082;
	[sflag:s4] =	ssyncset.s32 $0xFFFFF086  }
0x25: {  	[simem:s6], [sflag:s4] =	dma.local [hbm:s3], $0xF7A  }
0x26: {  	[smem:$0x3F99] =	sst s1;
	(tag) =	ssettag s2;
	_ =	strace s9  }
0x27: {  	s1 =	sld [smem:$0x3FA9]  }
0x28: {  	s2 =	sld [smem:$0x3FAA]  }
0x29: {  	s4 =	sld [smem:$0x3FAC]  }
0x2a: {  	p0 =	seq.s32 s5, $0x0;
	s5 =	sld [smem:$0x3FAD]  }
0x2b: {  	s6 =	sld [smem:$0x3FAE]  }
0x2c: {  	s7 =	sld [smem:$0x3FAF]  }
0x2d: {  	s3 =	simm.s32 $0x108;
	s8 =	sld [smem:$0x3FB0]  }
0x2e: {  	s3 =	simm.s32 @!p0 $0x1082;
	s9 =	sld [smem:$0x3FB1]  }
0x2f: {  	lr =	sadd.s32 s0, s3;
	s0 =	sld [smem:$0x3FA8]  }
0x30: {  	s3 =	sld [smem:$0x3FAB]  }
0x31: {  	[smem:$0x3FB4] =	sst s10  }
0x32: {  	s10 =	sld [smem:$0x3FB2];
	_ =	sdelay $0x3  }
0x33: {  	p0 =	seq.s32 s10, $0x1;
	s10 =	sld [smem:$0x3FB4];
	_ =	sdelay $0x3  }
0x34: {  	[smem:$0x3FB4] =	sst s10  }
0x35: {  	s10 =	sld [smem:$0x3FB3];
	_ =	sdelay $0x3  }
0x36: {  	p1 =	seq.s32 s10, $0x1;
	s10 =	sld [smem:$0x3FB4];
	_ =	sdelay $0x3  }
0x37: {  	[smem:$0x3FB4] =	sst s10  }
0x38: {  	s10 =	sld [smem:$0x3FB5]  }
0x39: {  	_ = 	snop;
	(pc) =	sbr.ind lr, $3  }
0x3a: {  	_ = 	snop  }
0x3b: {  	_ = 	snop  }
0x3c: {  	p2 =	seq.s32 s10, $0x1;
	s10 =	sld [smem:$0x3FB4]  }
0x3d: {  	_ =	shalt  }
0x3e: {  	_ =	shalt  }
0x3f: {  	_ =	shalt  }
0x40: {  	_ =	shalt  }
0x41: {  	_ =	shalt  }
0x42: {  	_ =	shalt  }
0x43: {  	_ =	shalt  }
0x44: {  	_ =	shalt  }
0x45: {  	_ =	shalt  }
0x46: {  	_ =	shalt  }
0x47: {  	_ =	shalt  }
0x48: {  	_ =	shalt  }
0x49: {  	_ =	shalt  }
0x4a: {  	_ =	shalt  }
0x4b: {  	_ =	shalt  }
0x4c: {  	_ =	shalt  }
0x4d: {  	_ =	shalt  }
0x4e: {  	_ =	shalt  }
0x4f: {  	_ =	shalt  }
0x50: {  	_ =	shalt  }
0x51: {  	_ =	shalt  }
0x52: {  	_ =	shalt  }
0x53: {  	_ =	shalt  }
0x54: {  	_ =	shalt  }
0x55: {  	_ =	shalt  }
0x56: {  	_ =	shalt  }
0x57: {  	_ =	shalt  }
0x58: {  	_ =	shalt  }
0x59: {  	_ =	shalt  }
0x5a: {  	_ =	shalt  }
0x5b: {  	_ =	shalt  }
0x5c: {  	_ =	shalt  }
0x5d: {  	_ =	shalt  }
0x5e: {  	_ =	shalt  }
0x5f: {  	_ =	shalt  }
0x60: {  	_ =	shalt  }
0x61: {  	_ =	shalt  }
0x62: {  	_ =	shalt  }
0x63: {  	_ =	shalt  }
0x64: {  	_ =	shalt  }
0x65: {  	_ =	shalt  }
0x66: {  	_ =	shalt  }
0x67: {  	_ =	shalt  }
0x68: {  	_ =	shalt  }
0x69: {  	_ =	shalt  }
0x6a: {  	_ =	shalt  }
0x6b: {  	_ =	shalt  }
0x6c: {  	_ =	shalt  }
0x6d: {  	_ =	shalt  }
0x6e: {  	_ =	shalt  }
0x6f: {  	_ =	shalt  }
0x70: {  	_ =	shalt  }
0x71: {  	_ =	shalt  }
0x72: {  	_ =	shalt  }
0x73: {  	_ =	shalt  }
0x74: {  	_ =	shalt  }
0x75: {  	_ =	shalt  }
0x76: {  	_ =	shalt  }
0x77: {  	_ =	shalt  }
0x78: {  	_ =	shalt  }
0x79: {  	_ =	shalt  }
0x7a: {  	_ =	shalt  }
0x7b: {  	_ =	shalt  }
0x7c: {  	_ =	shalt  }
0x7d: {  	_ =	shalt  }
0x7e: {  	_ =	shalt  }
0x7f: {  	_ =	shalt  }
0x80: {  	_ =	shalt  }
0x81: {  	_ =	shalt  }
0x82: {  	_ =	shalt  }
0x83: {  	_ =	shalt  }
0x84: {  	_ =	shalt  }
0x85: {  	_ =	shalt  }
0x86: {  	_ =	shalt  }
0x87: {  	_ =	shalt  }
.Lfunc_end0:
.L_simem_size_0:
called_computation.2_lowered:
.L_overlay_start_0:
0x88: {  	s2 =	sld [smem:$0x3FD9]  }
0x89: {  	s3 =	sld [smem:$0x3FFE];
	_ =	sdelay $0x1  }
0x8a: {  	s1 =	srdreg.scid  }
0x8b: {  	s0 =	sand.u32 $0x1, s1  }
0x8c: {  	s17 =	sshll.u32 s0, $0xA;
	s2 =	sadd.s32 s3, s2  }
0x8d: {  	s2 =	sadd.s32 s2, s17  }
0x8e: {  	[smem:$0x3FC0] =	sst s2  }
0x8f: {  	_ = 	snop  }
0x90: {  	s2 =	sld [smem:$0x3FD0];
	(tm) =	ssettm $0x1  }
0x91: {  	s18 =	sld [smem:$0x3FFB];
	_ =	sdelay $0x3  }
0x92: {  	_ =	strace s18  }
0x93: {  	s3 =	sld [smem:$0x3FFC];
	_ =	sdelay $0x3  }
0x94: {  	_ =	strace s3  }
0x95: {  	s3 =	sld [smem:$0x3FFD];
	_ =	sdelay $0x3  }
0x96: {  	_ =	strace s3  }
0x97: {  	_ =	strace $0x8FFFFFFF  }
0x98: {  	s19 =	sld [smem:$0x3FDB];
	_ =	sdelay $0x1  }
0x99: {  	s4 =	simm.s32 $_scs_section_size  }
0x9a: {  	s5 =	simm.s32 $_size__tile_overlayer_lowered;
	s6 =	simm.s32 $_tile_overlayer_lowered  }
0x9b: {  	s22 =	simm.s32 $0x1BFF;
	s21 =	sshll.u32 s6, $0x1;
	s3 =	sadd.s32 s4, s19  }
0x9c: {  	s7 =	simm.s32 $0x0;
	s20 =	sshll.u32 s5, $0x1;
	s5 =	sadd.s32 s21, s3  }
0x9d: {  	[timem:s7], [sflag:s22] =	dma.local [hbm:s5], s20  }
0x9e: {  	_ =	swait.ge [sflag:s22], s20  }
0x9f: {  	s4 =	ssub.s32 $0x0, s20;
	[sflag:s22] =	ssyncset.done $0x0  }
0xa0: {  	[sflag:s22] =	ssyncadd.s32 s4;
	_ =	sdelay $0x1  }
0xa1: {  	s23 =	simm.s32 $0x1B8B  }
0xa2: {  	_ =	swait.ge [sflag:s23], $0x1  }
0xa3: {  	[sflag:s23] =	ssyncset.done $0x0  }
0xa4: {  	s25 =	simm.s32 $0x1B8E;
	s24 =	sld [smem:$0x3FFE];
	[sflag:s23] =	ssyncadd.s32 $0xFFFFFFFF  }
0xa5: {  	s26 =	simm.s32 $execute0_lowered;
	[smem:$0x3FD2] =	sst s25  }
0xa6: {  	s5 =	sshll.u32 s26, $0x1;
	_ =	strace $0x8000004C;
	[dreg:$0x1] =	wrdreg $0xFFFFFFFF  }
0xa7: {  	s28 =	simm.s32 $_size_execute0_lowered;
	s3 =	sadd.s32 s3, s5;
	[dreg:$0x0] =	wrdreg $0x0  }
0xa8: {  	s5 =	sshll.u32 s28, $0x1;
	[dreg:$0x2] =	wrdreg s3  }
0xa9: {  	[dreg:$0x3] =	wrdreg s5  }
0xaa: {  	[dreg:$0x4] =	wrdreg $0xC0  }
0xab: {  	_ =	task [dreg:s7], $0x5FFFF  }
0xac: {  	[dreg:$0x1] =	wrdreg $0xFFFFFFFF  }
0xad: {  	[dreg:$0x0] =	wrdreg $0x60  }
0xae: {  	[dreg:$0x2] =	wrdreg s24  }
0xaf: {  	[dreg:$0x3] =	wrdreg s2  }
0xb0: {  	[dreg:$0x4] =	wrdreg $0xBE000  }
0xb1: {  	[dreg:$0x5] =	wrdreg $0x9  }
0xb2: {  	_ =	task.clear_ibuf [dreg:s7], $0x6FFFF;
	_ =	strace $0x9000004C  }
0xb3: {  	s29 =	simm.s32 $0x9;
	_ =	strace $0x8000004E  }
0xb4: {  	_ =	swait.ge [sflag:s29], $0x1  }
0xb5: {  	[sflag:s29] =	ssyncadd.s32 $0xFFFFFFFF  }
0xb6: {  	_ =	strace $0x9000004E  }
0xb7: {  	_ =	sfence  }
0xb8: {  	s30 =	sld [smem:$0x0];
	_ =	sdelay $0x2  }
0xb9: {  	s31 =	sshll.u32 s1, $0xD;
	s1 =	sshrl.u32 s1, $0x2  }
0xba: {  	s3 =	sand.u32 $0x4000, s31;
	s1 =	sadd.s32 s1, s30  }
0xbb: {  	s0 =	sor.u32 s3, s0;
	s1 =	sshll.u32 s1, $0x11  }
0xbc: {  	s0 =	sor.u32 s1, s0  }
0xbd: {  	s0 =	sadd.s32 $0x8F2B, s0  }
0xbe: {  	[sflag:s0] =	ssyncadd.remote.s32 $0x1  }
0xbf: {  	_ =	sfence.sel $0xFFFF  }
0xc0: {  	[dreg:$0x0] =	wrdreg $0xFFFFFFFF;
	(pc) =	sbr.abs _section_cstart, $3  }
0xc1: {  	[dreg:$0x1] =	wrdreg $0xFFFFFFFF  }
0xc2: {  	_ =	task.clear_ibuf [dreg:s7], $0x2FFFF;
	_ =	strace $0x9FFFFFFF  }
0xc3: {  	(tm) =	ssettm $0x7FFFFFFF  }
tec
execute0_lowered:
.L_overlay_start_1:
0x0: {  	(tag) =	ssettag $0x1  }
0x1: {  	s0 =	rddreg [dreg:$0x0]  }
0x2: {  	s2 =	rddreg [dreg:$0x1]  }
0x3: {  	s3 =	rddreg [dreg:$0x2]  }
0x4: {  	s1 =	stileid.u32;
	s5 =	srdreg.scid;
	s4 =	simm.s32 $0x0  }
0x5: {  	s14 =	simm.s32 $0x5;
	s15 =	simm.s32 $0x80;
	s16 =	simm.s32 $0x3E00  }
0x6: {  	s17 =	simm.s32 $0x100;
	s18 =	simm.s32 $0x7E00;
	s19 =	simm.s32 $0x1  }
0x7: {  	s20 =	simm.s32 $0x2;
	s21 =	simm.s32 $0x180;
	s22 =	simm.s32 $0x3  }
0x8: {  	s23 =	simm.s32 $0x200;
	s24 =	simm.s32 $0x4;
	s6 =	smul.u32 $0x14000, s1  }
0x9: {  	s25 =	simm.s32 $0x0;
	s7 =	sand.u32 $0x1, s5;
	s26 =	smul.u32 $0x50000, s1  }
0xa: {  	[smem:$0x7FF] =	sst s4;
	s9 =	sadd.s32 $0x7B200, s0;
	s29 =	smul.u32 $0x24, s1  }
0xb: {  	s30 =	sshll.u32 s1, $0x6;
	s5 =	smul.u32 $0x140000, s7;
	_ =	strace $0x8000004D  }
0xc: {  	s10 =	ssub.s32 $0x2, s7;
	p0 =	seq.s32 s7, $0x0;
	s7 =	simm.s32 $0x3E  }
0xd: {  	s8 =	sshrl.u32 s6, $0x3;
	s28 =	sshrl.u32 s10, $0x1;
	s12 =	sadd.s32 $0x7C0, s29  }
0xe: {  	s7 =	simm.s32 @!p0 $0x12;
	s5 =	sadd.s32 s6, s5;
	s8 =	sadd.s32 s8, s0  }
0xf: {  	s6 =	sshrl.u32 s26, $0x2;
	s11 =	ssub.s32 s10, s28;
	s5 =	sshrl.u32 s5, $0x3  }
0x10: {  	s0 =	sadd.s32 s5, s0;
	s5 =	sadd.s32 $0x3200, s8;
	s8 =	smul.u32 $0x7C, s1  }
0x11: {  	s10 =	sadd.s32 $0x7D2, s29;
	s31 =	sshll.u32 s7, $0xA;
	s13 =	sadd.s32 s6, s3  }
0x12: {  	s6 =	sor.u32 $0x1C05, s30;
	s12 =	smov.u32 @p0 s8;
	s8 =	sadd.s32 $0x3E, s8  }
0x13: {  	s11 =	smax.u32 s11, $0x1;
	s12 =	sshll.u32 s12, $0x5;
	s10 =	smov.u32 @p0 s8  }
0x14: {  	s13 =	sshrl.u32 s13, $0x3;
	s8 =	sadd.s32 s9, s12;
	s10 =	sshll.u32 s10, $0x5  }
0x15: {  	s12 =	sadd.s32 $0xFFFFF000, s31;
	s9 =	sadd.s32 s9, s10;
	s10 =	sadd.s32 $0x2B200, s0  }
.LBB2_1:
0x16: {  	[spmem:s13], [sflag:s6] =	dma.local [hbm:s5], $0x2800  }
0x17: {  	_ =	swait.ge [sflag:s14], $0x2800  }
0x18: {  	[sflag:s14] =	ssyncset.done $0x0  }
0x19: {  	[sflag:s14] =	ssyncadd.s32 $0xFFFFD800  }
0x1a: {  	s0 =	simm.s32 $0x0;
	[bflag:$0x0] =	sbarrier.arrive $0xFFFF  }
0x1b: {  	[tilespmem:s0], [sflag:$0x5] =	stream.linear.gather [hbm4b:s8+s0], $0x3E00, $0x38;
	[tilespmem:$0x1FE00] =	vst v63  }
0x1c: {  	_ =	swait.ge [sflag:s14], $0x3E00  }
0x1d: {  	[sflag:s14] =	ssyncset.done $0x0  }
0x1e: {  	[sflag:s14] =	ssyncadd.s32 $0xFFFFC200  }
0x1f: {  	[tilespmem:s16], [sflag:$0x1] =	stream.indirect.gather [hbm4b:s2+s15], $0x80, s0, s15, $0xb8;
	[tilespmem:$0x1FE00] =	vst v63  }
0x20: {  	_ = 	snop  }
0x21: {  	[tilespmem:s18], [sflag:$0x2] =	stream.indirect.gather [hbm4b:s2+s15], $0x80, s17, s15, $0xb8;
	[tilespmem:$0x1FE00] =	vst v63  }
0x22: {  	_ =	swait.ge [sflag:s19], $0x4000  }
0x23: {  	[sflag:s19] =	ssyncset.done $0x0  }
0x24: {  	[sflag:s19] =	ssyncadd.s32 $0xFFFFC000  }
0x25: {  	[spmem:s3] =	stream.indirect.scatter.add.f32 [tilespmem:s16], [sflag:$0x3], $0x80, s15, s15, $0xb8;
	[tilespmem:$0x1FE00] =	vst v63  }
0x26: {  	_ =	swait.ge [sflag:s20], $0x4000  }
0x27: {  	[sflag:s20] =	ssyncset.done $0x0  }
0x28: {  	[sflag:s20] =	ssyncadd.s32 $0xFFFFC000  }
0x29: {  	[spmem:s3] =	stream.indirect.scatter.add.f32 [tilespmem:s18], [sflag:$0x4], $0x80, s21, s15, $0xb8;
	[tilespmem:$0x1FE00] =	vst v63  }
0x2a: {  	_ =	swait.ge [sflag:s22], $0x4000  }
0x2b: {  	[sflag:s22] =	ssyncset.done $0x0  }
0x2c: {  	[sflag:s22] =	ssyncadd.s32 $0xFFFFC000  }
0x2d: {  	[tilespmem:s16], [sflag:$0x1] =	stream.indirect.gather [hbm4b:s2+s15], $0x80, s23, s15, $0xb8;
	[tilespmem:$0x1FE00] =	vst v63  }
0x2e: {  	_ =	swait.ge [sflag:s19], $0x4000  }
0x2f: {  	p0 =	sle.u32 s7, $0x3;
	[sflag:s19] =	ssyncset.done $0x0  }
0x30: {  	s4 =	simm.s32 $0x280;
	s26 =	simm.s32 @!p0 $0x4;
	[sflag:s19] =	ssyncadd.s32 $0xFFFFC000  }
0x31: {  	[spmem:s3] =	stream.indirect.scatter.add.f32 [tilespmem:s16], [sflag:$0x3], $0x80, s4, s15, $0xb8;
	[tilespmem:$0x1FE00] =	vst v63  }
0x32: {  	_ =	swait.ge @!p0 [sflag:s26], $0x4000  }
0x33: {  	s28 =	simm.s32 @!p0 $0x80;
	[sflag:s26] =	ssyncset.done @!p0 $0x0  }
0x34: {  	s29 =	simm.s32 @!p0 $0x7E00;
	s0 =	simm.s32 @!p0 $0x300;
	[sflag:s26] =	ssyncadd.s32 @!p0 $0xFFFFC000  }
0x35: {  	[tilespmem:s29], [sflag:$0x2] =	stream.indirect.gather @!p0 [hbm4b:s2+s28], $0x80, s0, s28, $0xb8;
	[tilespmem:$0x1FE00] =	vst v63  }
0x36: {  	p1 =	sne.s32 s12, $0x800;
	s26 =	simm.s32 $0x380;
	_ =	swait.ge [sflag:s20], $0x4000  }
.Ltmp0:
0x37: {  	p0 =	sle.u32 s7, $0x4;
	[sflag:s20] =	ssyncset.done $0x0;
	(pc) =	sbr.rel @!p1 .LBB2_3-.Ltmp0, $4  }
0x38: {  	s28 =	simm.s32 $0x4;
	s29 =	simm.s32 @!p0 $0x3;
	[sflag:s20] =	ssyncadd.s32 $0xFFFFC000  }
0x39: {  	[spmem:s3] =	stream.indirect.scatter.add.f32 [tilespmem:s18], [sflag:$0x4], $0x80, s26, s15, $0xb8;
	[tilespmem:$0x1FE00] =	vst v63  }
0x3a: {  	s30 =	simm.s32 @!p0 $0x400;
	s31 =	simm.s32 @!p0 $0x80;
	_ =	swait.ge @!p0 [sflag:s29], $0x4000  }
0x3b: {  	s0 =	simm.s32 @!p0 $0x3E00;
	s26 =	simm.s32 $0x800;
	[sflag:s29] =	ssyncset.done @!p0 $0x0  }
.LBB2_2:
0x3c: {  	[sflag:s29] =	ssyncadd.s32 @!p0 $0xFFFFC000  }
0x3d: {  	s28 =	sadd.s32 $0x2, s28;
	s1 =	smov.u32 s26;
	s26 =	sadd.s32 $0x800, s26  }
0x3e: {  	[tilespmem:s0], [sflag:$0x1] =	stream.indirect.gather @!p0 [hbm4b:s2+s31], $0x80, s30, s31, $0xb8;
	[tilespmem:$0x1FE00] =	vst v63  }
0x3f: {  	s0 =	sshra.s32 s1, $0x2;
	s29 =	sadd.s32 $0xFFFFFFFF, s28;
	_ =	swait.ge [sflag:s19], $0x4000  }
0x40: {  	s30 =	sadd.s32 $0x280, s0;
	p0 =	sge.u32 s29, s7;
	[sflag:s19] =	ssyncset.done $0x0  }
0x41: {  	s29 =	simm.s32 @!p0 $0x4;
	s31 =	sshra.s32 @!p0 s1, $0x2;
	[sflag:s19] =	ssyncadd.s32 $0xFFFFC000  }
0x42: {  	[spmem:s3] =	stream.indirect.scatter.add.f32 [tilespmem:s16], [sflag:$0x3], $0x80, s30, s15, $0xb8;
	[tilespmem:$0x1FE00] =	vst v63  }
0x43: {  	p1 =	sne.s32 s12, s26;
	s30 =	sadd.s32 @!p0 $0x300, s31;
	_ =	swait.ge @!p0 [sflag:s29], $0x4000  }
0x44: {  	s4 =	simm.s32 @!p0 $0x7E00;
	s31 =	simm.s32 @!p0 $0x80;
	[sflag:s29] =	ssyncset.done @!p0 $0x0  }
0x45: {  	[sflag:s29] =	ssyncadd.s32 @!p0 $0xFFFFC000  }
0x46: {  	[tilespmem:s4], [sflag:$0x2] =	stream.indirect.gather @!p0 [hbm4b:s2+s31], $0x80, s30, s31, $0xb8;
	[tilespmem:$0x1FE00] =	vst v63  }
0x47: {  	p0 =	sge.u32 s28, s7;
	_ =	swait.ge [sflag:s20], $0x4000  }
.Ltmp1:
0x48: {  	s0 =	sadd.s32 $0x380, s0;
	[sflag:s20] =	ssyncset.done $0x0;
	(pc) =	sbr.rel @p1 .LBB2_2-.Ltmp1, $4  }
0x49: {  	s29 =	simm.s32 @!p0 $0x3;
	s1 =	sshra.s32 @!p0 s1, $0x2;
	[sflag:s20] =	ssyncadd.s32 $0xFFFFC000  }
0x4a: {  	[spmem:s3] =	stream.indirect.scatter.add.f32 [tilespmem:s18], [sflag:$0x4], $0x80, s0, s15, $0xb8;
	[tilespmem:$0x1FE00] =	vst v63  }
0x4b: {  	s30 =	sadd.s32 @!p0 $0x400, s1;
	_ =	swait.ge @!p0 [sflag:s29], $0x4000  }
0x4c: {  	s31 =	simm.s32 @!p0 $0x80;
	s0 =	simm.s32 @!p0 $0x3E00;
	[sflag:s29] =	ssyncset.done @!p0 $0x0  }
.LBB2_3:
0x4d: {  	[sflag:s29] =	ssyncadd.s32 @!p0 $0xFFFFC000  }
0x4e: {  	[tilespmem:s0], [sflag:$0x1] =	stream.indirect.gather @!p0 [hbm4b:s2+s31], $0x80, s30, s31, $0xb8;
	[tilespmem:$0x1FE00] =	vst v63  }
0x4f: {  	s4 =	sshra.s32 s26, $0x2;
	s1 =	sadd.s32 $0x2, s28;
	_ =	swait.ge [sflag:s19], $0x4000  }
0x50: {  	s0 =	sadd.s32 $0x280, s4;
	s4 =	sadd.s32 $0xFFFFFFFF, s1;
	[sflag:s19] =	ssyncset.done $0x0  }
0x51: {  	p0 =	slt.u32 s4, s7;
	[sflag:s19] =	ssyncadd.s32 $0xFFFFC000  }
0x52: {  	[spmem:s3] =	stream.indirect.scatter.add.f32 [tilespmem:s16], [sflag:$0x3], $0x80, s0, s15, $0xb8;
	[tilespmem:$0x1FE00] =	vst v63  }
0x53: {  	s0 =	simm.s32 @p0 $0x4  }
0x54: {  	_ =	swait.ge @p0 [sflag:s0], $0x4000  }
0x55: {  	[sflag:s0] =	ssyncset.done @p0 $0x0  }
0x56: {  	[sflag:s0] =	ssyncadd.s32 @p0 $0xFFFFC000;
	s0 =	sshra.s32 @p0 s26, $0x2  }
0x57: {  	s4 =	simm.s32 @p0 $0x80;
	s28 =	simm.s32 @p0 $0x7E00;
	s0 =	sadd.s32 @p0 $0x300, s0  }
0x58: {  	[tilespmem:s28], [sflag:$0x2] =	stream.indirect.gather @p0 [hbm4b:s2+s4], $0x80, s0, s4, $0xb8;
	[tilespmem:$0x1FE00] =	vst v63  }
0x59: {  	s0 =	sadd.s32 @p0 $0xC00, s26;
	s4 =	sadd.s32 @!p0 $0xC00, s26  }
0x5a: {  	s4 =	smov.u32 @p0 s0;
	_ =	swait.ge [sflag:s20], $0x4000  }
0x5b: {  	[sflag:s20] =	ssyncset.done $0x0;
	s0 =	sshra.s32 s4, $0x2  }
0x5c: {  	p0 =	sge.u32 s1, s7;
	[sflag:s20] =	ssyncadd.s32 $0xFFFFC000;
	s0 =	sadd.s32 $0x80, s0  }
0x5d: {  	[spmem:s3] =	stream.indirect.scatter.add.f32 [tilespmem:s18], [sflag:$0x4], $0x80, s0, s15, $0xb8;
	[tilespmem:$0x1FE00] =	vst v63  }
0x5e: {  	s0 =	simm.s32 @!p0 $0x3  }
0x5f: {  	_ =	swait.ge @!p0 [sflag:s0], $0x4000  }
0x60: {  	[sflag:s0] =	ssyncset.done @!p0 $0x0  }
0x61: {  	[sflag:s0] =	ssyncadd.s32 @!p0 $0xFFFFC000;
	s0 =	sshra.s32 @!p0 s26, $0x2  }
0x62: {  	s1 =	simm.s32 @!p0 $0x80;
	s4 =	simm.s32 @!p0 $0x3E00;
	s0 =	sadd.s32 @!p0 $0x400, s0  }
0x63: {  	[tilespmem:s4], [sflag:$0x1] =	stream.indirect.gather @!p0 [hbm4b:s2+s1], $0x80, s0, s1, $0xb8;
	[tilespmem:$0x1FE00] =	vst v63  }
0x64: {  	_ =	swait.ge [sflag:s22], $0x4000  }
0x65: {  	[sflag:s22] =	ssyncset.done $0x0  }
0x66: {  	s26 =	simm.s32 $0x4;
	[sflag:s22] =	ssyncadd.s32 $0xFFFFC000  }
0x67: {  	_ =	swait.ge [sflag:s26], $0x4000  }
0x68: {  	[sflag:s26] =	ssyncset.done $0x0  }
0x69: {  	s1 =	simm.s32 $0x0;
	[sflag:s26] =	ssyncadd.s32 $0xFFFFC000  }
0x6a: {  	[tilespmem:s1], [sflag:$0x5] =	stream.linear.gather [hbm4b:s9+s1], $0x3E00, $0x38;
	[tilespmem:$0x1FE00] =	vst v63  }
0x6b: {  	_ =	swait.ge [sflag:s14], $0x3E00  }
0x6c: {  	[sflag:s14] =	ssyncset.done $0x0  }
0x6d: {  	[sflag:s14] =	ssyncadd.s32 $0xFFFFC200  }
0x6e: {  	[tilespmem:s16], [sflag:$0x1] =	stream.indirect.gather [hbm4b:s2+s15], $0x80, s1, s15, $0xb8;
	[tilespmem:$0x1FE00] =	vst v63  }
0x6f: {  	_ = 	snop  }
0x70: {  	[tilespmem:s18], [sflag:$0x2] =	stream.indirect.gather [hbm4b:s2+s15], $0x80, s17, s15, $0xb8;
	[tilespmem:$0x1FE00] =	vst v63  }
0x71: {  	_ =	swait.ge [sflag:s19], $0x4000  }
0x72: {  	[sflag:s19] =	ssyncset.done $0x0  }
0x73: {  	[sflag:s19] =	ssyncadd.s32 $0xFFFFC000  }
0x74: {  	[spmem:s3] =	stream.indirect.scatter.add.f32 [tilespmem:s16], [sflag:$0x3], $0x80, s15, s15, $0xb8;
	[tilespmem:$0x1FE00] =	vst v63  }
0x75: {  	_ =	swait.ge [sflag:s20], $0x4000  }
0x76: {  	[sflag:s20] =	ssyncset.done $0x0  }
0x77: {  	[sflag:s20] =	ssyncadd.s32 $0xFFFFC000  }
0x78: {  	[spmem:s3] =	stream.indirect.scatter.add.f32 [tilespmem:s18], [sflag:$0x4], $0x80, s21, s15, $0xb8;
	[tilespmem:$0x1FE00] =	vst v63  }
0x79: {  	_ =	swait.ge [sflag:s22], $0x4000  }
0x7a: {  	[sflag:s22] =	ssyncset.done $0x0  }
0x7b: {  	[sflag:s22] =	ssyncadd.s32 $0xFFFFC000  }
0x7c: {  	[tilespmem:s16], [sflag:$0x1] =	stream.indirect.gather [hbm4b:s2+s15], $0x80, s23, s15, $0xb8;
	[tilespmem:$0x1FE00] =	vst v63  }
0x7d: {  	_ =	swait.ge [sflag:s19], $0x4000  }
0x7e: {  	p0 =	sle.u32 s7, $0x3;
	[sflag:s19] =	ssyncset.done $0x0  }
0x7f: {  	s4 =	simm.s32 $0x280;
	s1 =	simm.s32 @!p0 $0x4;
	[sflag:s19] =	ssyncadd.s32 $0xFFFFC000  }
0x80: {  	[spmem:s3] =	stream.indirect.scatter.add.f32 [tilespmem:s16], [sflag:$0x3], $0x80, s4, s15, $0xb8;
	[tilespmem:$0x1FE00] =	vst v63  }
0x81: {  	_ =	swait.ge @!p0 [sflag:s1], $0x4000  }
0x82: {  	s0 =	simm.s32 @!p0 $0x300;
	[sflag:s1] =	ssyncset.done @!p0 $0x0  }
0x83: {  	s28 =	simm.s32 @!p0 $0x7E00;
	s4 =	simm.s32 @!p0 $0x80;
	[sflag:s1] =	ssyncadd.s32 @!p0 $0xFFFFC000  }
0x84: {  	[tilespmem:s28], [sflag:$0x2] =	stream.indirect.gather @!p0 [hbm4b:s2+s4], $0x80, s0, s4, $0xb8;
	[tilespmem:$0x1FE00] =	vst v63  }
0x85: {  	p1 =	sne.s32 s12, $0x800;
	_ =	swait.ge [sflag:s20], $0x4000  }
.Ltmp2:
0x86: {  	p0 =	sle.u32 s7, $0x4;
	[sflag:s20] =	ssyncset.done $0x0;
	(pc) =	sbr.rel @!p1 .LBB2_5-.Ltmp2, $4  }
0x87: {  	s4 =	simm.s32 $0x380;
	s29 =	simm.s32 @!p0 $0x3;
	[sflag:s20] =	ssyncadd.s32 $0xFFFFC000  }
0x88: {  	[spmem:s3] =	stream.indirect.scatter.add.f32 [tilespmem:s18], [sflag:$0x4], $0x80, s4, s15, $0xb8;
	[tilespmem:$0x1FE00] =	vst v63  }
0x89: {  	s28 =	simm.s32 $0x800;
	s30 =	simm.s32 @!p0 $0x400;
	_ =	swait.ge @!p0 [sflag:s29], $0x4000  }
0x8a: {  	s31 =	simm.s32 @!p0 $0x80;
	s0 =	simm.s32 @!p0 $0x3E00;
	[sflag:s29] =	ssyncset.done @!p0 $0x0  }
.LBB2_4:
0x8b: {  	[sflag:s29] =	ssyncadd.s32 @!p0 $0xFFFFC000  }
0x8c: {  	s26 =	sadd.s32 $0x2, s26;
	s1 =	smov.u32 s28;
	s28 =	sadd.s32 $0x800, s28  }
0x8d: {  	[tilespmem:s0], [sflag:$0x1] =	stream.indirect.gather @!p0 [hbm4b:s2+s31], $0x80, s30, s31, $0xb8;
	[tilespmem:$0x1FE00] =	vst v63  }
0x8e: {  	s0 =	sshra.s32 s1, $0x2;
	s4 =	sadd.s32 $0xFFFFFFFF, s26;
	_ =	swait.ge [sflag:s19], $0x4000  }
0x8f: {  	s29 =	sadd.s32 $0x280, s0;
	p0 =	sge.u32 s4, s7;
	[sflag:s19] =	ssyncset.done $0x0  }
0x90: {  	s4 =	simm.s32 @!p0 $0x4;
	s30 =	sshra.s32 @!p0 s1, $0x2;
	[sflag:s19] =	ssyncadd.s32 $0xFFFFC000  }
0x91: {  	[spmem:s3] =	stream.indirect.scatter.add.f32 [tilespmem:s16], [sflag:$0x3], $0x80, s29, s15, $0xb8;
	[tilespmem:$0x1FE00] =	vst v63  }
0x92: {  	p1 =	sne.s32 s12, s28;
	s29 =	sadd.s32 @!p0 $0x300, s30;
	_ =	swait.ge @!p0 [sflag:s4], $0x4000  }
0x93: {  	s31 =	simm.s32 @!p0 $0x7E00;
	s30 =	simm.s32 @!p0 $0x80;
	[sflag:s4] =	ssyncset.done @!p0 $0x0  }
0x94: {  	[sflag:s4] =	ssyncadd.s32 @!p0 $0xFFFFC000  }
0x95: {  	[tilespmem:s31], [sflag:$0x2] =	stream.indirect.gather @!p0 [hbm4b:s2+s30], $0x80, s29, s30, $0xb8;
	[tilespmem:$0x1FE00] =	vst v63  }
0x96: {  	p0 =	sge.u32 s26, s7;
	_ =	swait.ge [sflag:s20], $0x4000  }
.Ltmp3:
0x97: {  	s0 =	sadd.s32 $0x380, s0;
	[sflag:s20] =	ssyncset.done $0x0;
	(pc) =	sbr.rel @p1 .LBB2_4-.Ltmp3, $4  }
0x98: {  	s29 =	simm.s32 @!p0 $0x3;
	s1 =	sshra.s32 @!p0 s1, $0x2;
	[sflag:s20] =	ssyncadd.s32 $0xFFFFC000  }
0x99: {  	[spmem:s3] =	stream.indirect.scatter.add.f32 [tilespmem:s18], [sflag:$0x4], $0x80, s0, s15, $0xb8;
	[tilespmem:$0x1FE00] =	vst v63  }
0x9a: {  	s30 =	sadd.s32 @!p0 $0x400, s1;
	_ =	swait.ge @!p0 [sflag:s29], $0x4000  }
0x9b: {  	s31 =	simm.s32 @!p0 $0x80;
	s0 =	simm.s32 @!p0 $0x3E00;
	[sflag:s29] =	ssyncset.done @!p0 $0x0  }
.LBB2_5:
0x9c: {  	[sflag:s29] =	ssyncadd.s32 @!p0 $0xFFFFC000  }
0x9d: {  	[tilespmem:s0], [sflag:$0x1] =	stream.indirect.gather @!p0 [hbm4b:s2+s31], $0x80, s30, s31, $0xb8;
	[tilespmem:$0x1FE00] =	vst v63  }
0x9e: {  	s1 =	sadd.s32 $0x2, s26;
	_ =	swait.ge [sflag:s19], $0x4000  }
0x9f: {  	s30 =	sshra.s32 s28, $0x2;
	s31 =	sadd.s32 $0xFFFFFFFF, s1;
	[sflag:s19] =	ssyncset.done $0x0  }
0xa0: {  	s0 =	sadd.s32 $0x280, s30;
	p0 =	slt.u32 s31, s7;
	[sflag:s19] =	ssyncadd.s32 $0xFFFFC000  }
0xa1: {  	[spmem:s3] =	stream.indirect.scatter.add.f32 [tilespmem:s16], [sflag:$0x3], $0x80, s0, s15, $0xb8;
	[tilespmem:$0x1FE00] =	vst v63  }
0xa2: {  	s0 =	simm.s32 @p0 $0x4  }
0xa3: {  	_ =	swait.ge @p0 [sflag:s0], $0x4000  }
0xa4: {  	[sflag:s0] =	ssyncset.done @p0 $0x0  }
0xa5: {  	[sflag:s0] =	ssyncadd.s32 @p0 $0xFFFFC000;
	s0 =	sshra.s32 @p0 s28, $0x2  }
0xa6: {  	s4 =	simm.s32 @p0 $0x80;
	s26 =	simm.s32 @p0 $0x7E00;
	s0 =	sadd.s32 @p0 $0x300, s0  }
0xa7: {  	[tilespmem:s26], [sflag:$0x2] =	stream.indirect.gather @p0 [hbm4b:s2+s4], $0x80, s0, s4, $0xb8;
	[tilespmem:$0x1FE00] =	vst v63  }
0xa8: {  	s0 =	sadd.s32 @p0 $0xC00, s28;
	s4 =	sadd.s32 @!p0 $0xC00, s28  }
0xa9: {  	s4 =	smov.u32 @p0 s0;
	_ =	swait.ge [sflag:s20], $0x4000  }
0xaa: {  	[sflag:s20] =	ssyncset.done $0x0;
	s0 =	sshra.s32 s4, $0x2  }
0xab: {  	p0 =	sge.u32 s1, s7;
	[sflag:s20] =	ssyncadd.s32 $0xFFFFC000;
	s0 =	sadd.s32 $0x80, s0  }
0xac: {  	[spmem:s3] =	stream.indirect.scatter.add.f32 [tilespmem:s18], [sflag:$0x4], $0x80, s0, s15, $0xb8;
	[tilespmem:$0x1FE00] =	vst v63  }
0xad: {  	s0 =	simm.s32 @!p0 $0x3  }
0xae: {  	_ =	swait.ge @!p0 [sflag:s0], $0x4000  }
0xaf: {  	[sflag:s0] =	ssyncset.done @!p0 $0x0  }
0xb0: {  	[sflag:s0] =	ssyncadd.s32 @!p0 $0xFFFFC000;
	s0 =	sshra.s32 @!p0 s28, $0x2  }
0xb1: {  	s1 =	simm.s32 @!p0 $0x80;
	s4 =	simm.s32 @!p0 $0x3E00;
	s0 =	sadd.s32 @!p0 $0x400, s0  }
0xb2: {  	[tilespmem:s4], [sflag:$0x1] =	stream.indirect.gather @!p0 [hbm4b:s2+s1], $0x80, s0, s1, $0xb8;
	[tilespmem:$0x1FE00] =	vst v63  }
0xb3: {  	_ =	swait.ge [sflag:s22], $0x4000  }
0xb4: {  	[sflag:s22] =	ssyncset.done $0x0  }
0xb5: {  	[sflag:s22] =	ssyncadd.s32 $0xFFFFC000  }
0xb6: {  	_ =	swait.ge [sflag:s24], $0x4000  }
0xb7: {  	s25 =	sadd.s32 $0x1, s25;
	[sflag:s24] =	ssyncset.done $0x0  }
0xb8: {  	p0 =	sne.s32 s25, s11;
	[sflag:s24] =	ssyncadd.s32 $0xFFFFC000  }
.Ltmp4:
0xb9: {  	[bflag:$0x0] =	sbarrier.arrive $0xFFFF;
	(pc) =	sbr.rel @p0 .LBB2_1-.Ltmp4, $4  }
0xba: {  	[hbm:s10], [sflag:s6] =	dma.local [spmem:s13], $0x2800  }
0xbb: {  	_ =	swait.ge [sflag:s14], $0x2800  }
0xbc: {  	[sflag:s14] =	ssyncset.done $0x0  }
0xbd: {  	[sflag:s14] =	ssyncadd.s32 $0xFFFFD800  }
0xbe: {  	_ =	sfence.sel $0x180000  }
0xbf: {  	[bflag:$0x0] =	sbarrier.arrive $0xFFFF  }
0xc0: {  	_ =	strace $0x9000004D  }
0xc1: {  	s0 =	stileid.u32;
	[bflag:$0x2] =	sbarrier.arrive $0xFFFF  }
0xc2: {  	p0 =	sne.s32 s0, $0x0;
	s0 =	rddreg [dreg:$0x3]  }
0xc3: {  	s0 =	sadd.s32 @!p0 $0x100000, s0  }
0xc4: {  	[sflag:s0] =	ssyncadd.tile.s32 @!p0 $0x1;
	_ =	shalt  }
.Lfunc_end2:
_tile_overlayer_lowered:
.L_overlay_start_2:
0xc5: {  	(tag) =	ssettag $0x2  }
0xc6: {  	s0 =	rddreg [dreg:$0x0];
	s2 =	stileid.u32  }
0xc7: {  	s1 =	rddreg [dreg:$0x1];
	p0 =	sne.s32 s2, $0x0  }
0xc8: {  	s3 =	rddreg [dreg:$0x2];
	[bflag:$0x3] =	sbarrier.arrive $0xFFFF;
	s2 =	simm.s32 @!p0 $0x1C05  }
0xc9: {  	[timem:s3], [sflag:s2] =	dma.local @!p0 [hbm:s0], s1  }
0xca: {  	s0 =	simm.s32 @!p0 $0x5  }
0xcb: {  	_ =	swait.ge @!p0 [sflag:s0], s1  }
0xcc: {  	s1 =	ssub.s32 @!p0 $0x0, s1;
	[sflag:s0] =	ssyncset.done @!p0 $0x0  }
0xcd: {  	[sflag:s0] =	ssyncadd.s32 @!p0 s1  }
0xce: {  	[bflag:$0x3] =	sbarrier.arrive $0xFFFF  }
0xcf: {  	_ =	shalt  }

// kernel: kernel.19.cloned.1.call-start
scs
__scs_entry_jumppad:
0x0: {  	(pc) =	sbr.rel $0x88, $3  }
0x1: {  	(tag) =	ssettag $0x0;
	lr =	simm.s32 $0x1  }
0x2: {  	[smem:$0x3F99] =	sst lr;
	_ =	strace $0xD0000000  }
0x3: {  	_ = 	snop  }
0x4: {  	_ = 	snop  }
0x5: {  	_ = 	snop  }
0x6: {  	_ = 	snop  }
0x7: {  	_ = 	snop  }
__scs_overlays_trampoline_lowered:
0x8: {  	[smem:$0x3FA8] =	sst s0  }
0x9: {  	[smem:$0x3FA9] =	sst s1  }
0xa: {  	[smem:$0x3FAA] =	sst s2  }
0xb: {  	[smem:$0x3FAB] =	sst s3  }
0xc: {  	[smem:$0x3FAC] =	sst s4  }
0xd: {  	[smem:$0x3FAD] =	sst s5  }
0xe: {  	[smem:$0x3FAE] =	sst s6  }
0xf: {  	[smem:$0x3FAF] =	sst s7  }
0x10: {  	[smem:$0x3FB0] =	sst s8  }
0x11: {  	[smem:$0x3FB1] =	sst s9;
	s0 =	simm.s32 @!p0 $0x0  }
0x12: {  	s1 =	sld [smem:$0x3F97];
	s0 =	simm.s32 @p0 $0x1  }
0x13: {  	[smem:$0x3FB2] =	sst s0;
	s0 =	simm.s32 @!p1 $0x0  }
0x14: {  	s2 =	sld [smem:$0x3F96];
	s0 =	simm.s32 @p1 $0x1  }
0x15: {  	[smem:$0x3FB3] =	sst s0;
	s0 =	simm.s32 @!p2 $0x0  }
0x16: {  	s3 =	sld [smem:$0x3FDB];
	s0 =	simm.s32 @p2 $0x1  }
0x17: {  	s4 =	simm.s32 $0x1BF5;
	[smem:$0x3FB5] =	sst s0  }
0x18: {  	s0 =	sld [smem:$0x3F98];
	_ =	swait.ge [sflag:s4], $0x0  }
0x19: {  	s7 =	sld [smem:$0x3F99]  }
0x1a: {  	s8 =	sadd.s32 $0xFFFFE003, lr  }
0x1b: {  	s9 =	sadd.s32 $0xFFFFFEF7, lr;
	s5 =	simm.s32 $0xFFFFFFFF;
	p2 =	slt.u32 s8, $0xFFFFF086  }
0x1c: {  	p1 =	slt.u32 s9, $0xF7A;
	s5 =	simm.s32 @!p2 $0x0  }
0x1d: {  	s5 =	simm.s32 @p1 $0x1;
	p0 =	seq.s32 s7, s2  }
0x1e: {  	s7 =	smul.u32 @!p0 $0xF7A, s2;
	p2 =	seq.s32 @!p0 s5, $0x0  }
0x1f: {  	s9 =	smul.u32 $0xF7A, s1;
	s8 =	simm.s32 @!p0 $0x1BF5;
	p2 =	por !p2, p0  }
0x20: {  	[sflag:s8] =	ssyncset.s32 @!p0 $0xFFFFF086;
	s6 =	sadd.s32 @!p0 s3, s7;
	s7 =	simm.s32 @!p0 $0x108  }
0x21: {  	s3 =	sadd.s32 s3, s9;
	s6 =	sadd.s32 @!p0 $0x88, s6;
	s7 =	simm.s32 @p2 $0x1082  }
0x22: {  	[simem:s7], [sflag:s8] =	dma.local @!p0 [hbm:s6], $0xF7A  }
0x23: {  	s9 =	sor.u32 $0xD0000000, s2;
	s6 =	simm.s32 $0x108;
	_ =	swait.ge @!p0 [sflag:s8], $0x0  }
0x24: {  	s3 =	sadd.s32 $0x88, s3;
	s6 =	simm.s32 @!p1 $0x1082;
	[sflag:s4] =	ssyncset.s32 $0xFFFFF086  }
0x25: {  	[simem:s6], [sflag:s4] =	dma.local [hbm:s3], $0xF7A  }
0x26: {  	[smem:$0x3F99] =	sst s1;
	(tag) =	ssettag s2;
	_ =	strace s9  }
0x27: {  	s1 =	sld [smem:$0x3FA9]  }
0x28: {  	s2 =	sld [smem:$0x3FAA]  }
0x29: {  	s4 =	sld [smem:$0x3FAC]  }
0x2a: {  	p0 =	seq.s32 s5, $0x0;
	s5 =	sld [smem:$0x3FAD]  }
0x2b: {  	s6 =	sld [smem:$0x3FAE]  }
0x2c: {  	s7 =	sld [smem:$0x3FAF]  }
0x2d: {  	s3 =	simm.s32 $0x108;
	s8 =	sld [smem:$0x3FB0]  }
0x2e: {  	s3 =	simm.s32 @!p0 $0x1082;
	s9 =	sld [smem:$0x3FB1]  }
0x2f: {  	lr =	sadd.s32 s0, s3;
	s0 =	sld [smem:$0x3FA8]  }
0x30: {  	s3 =	sld [smem:$0x3FAB]  }
0x31: {  	[smem:$0x3FB4] =	sst s10  }
0x32: {  	s10 =	sld [smem:$0x3FB2];
	_ =	sdelay $0x3  }
0x33: {  	p0 =	seq.s32 s10, $0x1;
	s10 =	sld [smem:$0x3FB4];
	_ =	sdelay $0x3  }
0x34: {  	[smem:$0x3FB4] =	sst s10  }
0x35: {  	s10 =	sld [smem:$0x3FB3];
	_ =	sdelay $0x3  }
0x36: {  	p1 =	seq.s32 s10, $0x1;
	s10 =	sld [smem:$0x3FB4];
	_ =	sdelay $0x3  }
0x37: {  	[smem:$0x3FB4] =	sst s10  }
0x38: {  	s10 =	sld [smem:$0x3FB5]  }
0x39: {  	_ = 	snop;
	(pc) =	sbr.ind lr, $3  }
0x3a: {  	_ = 	snop  }
0x3b: {  	_ = 	snop  }
0x3c: {  	p2 =	seq.s32 s10, $0x1;
	s10 =	sld [smem:$0x3FB4]  }
0x3d: {  	_ =	shalt  }
0x3e: {  	_ =	shalt  }
0x3f: {  	_ =	shalt  }
0x40: {  	_ =	shalt  }
0x41: {  	_ =	shalt  }
0x42: {  	_ =	shalt  }
0x43: {  	_ =	shalt  }
0x44: {  	_ =	shalt  }
0x45: {  	_ =	shalt  }
0x46: {  	_ =	shalt  }
0x47: {  	_ =	shalt  }
0x48: {  	_ =	shalt  }
0x49: {  	_ =	shalt  }
0x4a: {  	_ =	shalt  }
0x4b: {  	_ =	shalt  }
0x4c: {  	_ =	shalt  }
0x4d: {  	_ =	shalt  }
0x4e: {  	_ =	shalt  }
0x4f: {  	_ =	shalt  }
0x50: {  	_ =	shalt  }
0x51: {  	_ =	shalt  }
0x52: {  	_ =	shalt  }
0x53: {  	_ =	shalt  }
0x54: {  	_ =	shalt  }
0x55: {  	_ =	shalt  }
0x56: {  	_ =	shalt  }
0x57: {  	_ =	shalt  }
0x58: {  	_ =	shalt  }
0x59: {  	_ =	shalt  }
0x5a: {  	_ =	shalt  }
0x5b: {  	_ =	shalt  }
0x5c: {  	_ =	shalt  }
0x5d: {  	_ =	shalt  }
0x5e: {  	_ =	shalt  }
0x5f: {  	_ =	shalt  }
0x60: {  	_ =	shalt  }
0x61: {  	_ =	shalt  }
0x62: {  	_ =	shalt  }
0x63: {  	_ =	shalt  }
0x64: {  	_ =	shalt  }
0x65: {  	_ =	shalt  }
0x66: {  	_ =	shalt  }
0x67: {  	_ =	shalt  }
0x68: {  	_ =	shalt  }
0x69: {  	_ =	shalt  }
0x6a: {  	_ =	shalt  }
0x6b: {  	_ =	shalt  }
0x6c: {  	_ =	shalt  }
0x6d: {  	_ =	shalt  }
0x6e: {  	_ =	shalt  }
0x6f: {  	_ =	shalt  }
0x70: {  	_ =	shalt  }
0x71: {  	_ =	shalt  }
0x72: {  	_ =	shalt  }
0x73: {  	_ =	shalt  }
0x74: {  	_ =	shalt  }
0x75: {  	_ =	shalt  }
0x76: {  	_ =	shalt  }
0x77: {  	_ =	shalt  }
0x78: {  	_ =	shalt  }
0x79: {  	_ =	shalt  }
0x7a: {  	_ =	shalt  }
0x7b: {  	_ =	shalt  }
0x7c: {  	_ =	shalt  }
0x7d: {  	_ =	shalt  }
0x7e: {  	_ =	shalt  }
0x7f: {  	_ =	shalt  }
0x80: {  	_ =	shalt  }
0x81: {  	_ =	shalt  }
0x82: {  	_ =	shalt  }
0x83: {  	_ =	shalt  }
0x84: {  	_ =	shalt  }
0x85: {  	_ =	shalt  }
0x86: {  	_ =	shalt  }
0x87: {  	_ =	shalt  }
.Lfunc_end0:
.L_simem_size_0:
called_computation.3_lowered:
.L_overlay_start_0:
0x88: {  	s2 =	sld [smem:$0x3FD9]  }
0x89: {  	s3 =	sld [smem:$0x3FFE];
	_ =	sdelay $0x1  }
0x8a: {  	s1 =	srdreg.scid  }
0x8b: {  	s0 =	sand.u32 $0x1, s1  }
0x8c: {  	s17 =	sshll.u32 s0, $0xA;
	s2 =	sadd.s32 s3, s2  }
0x8d: {  	s2 =	sadd.s32 s2, s17  }
0x8e: {  	[smem:$0x3FC0] =	sst s2  }
0x8f: {  	_ = 	snop  }
0x90: {  	s2 =	sld [smem:$0x3FD0];
	(tm) =	ssettm $0x1  }
0x91: {  	s18 =	sld [smem:$0x3FFB];
	_ =	sdelay $0x3  }
0x92: {  	_ =	strace s18  }
0x93: {  	s3 =	sld [smem:$0x3FFC];
	_ =	sdelay $0x3  }
0x94: {  	_ =	strace s3  }
0x95: {  	s3 =	sld [smem:$0x3FFD];
	_ =	sdelay $0x3  }
0x96: {  	_ =	strace s3  }
0x97: {  	_ =	strace $0x8FFFFFFF  }
0x98: {  	s19 =	sld [smem:$0x3FDB];
	_ =	sdelay $0x1  }
0x99: {  	s4 =	simm.s32 $_scs_section_size  }
0x9a: {  	s5 =	simm.s32 $_size__tile_overlayer_lowered;
	s6 =	simm.s32 $_tile_overlayer_lowered  }
0x9b: {  	s22 =	simm.s32 $0x1BFF;
	s21 =	sshll.u32 s6, $0x1;
	s3 =	sadd.s32 s4, s19  }
0x9c: {  	s7 =	simm.s32 $0x0;
	s20 =	sshll.u32 s5, $0x1;
	s5 =	sadd.s32 s21, s3  }
0x9d: {  	[timem:s7], [sflag:s22] =	dma.local [hbm:s5], s20  }
0x9e: {  	_ =	swait.ge [sflag:s22], s20  }
0x9f: {  	s4 =	ssub.s32 $0x0, s20;
	[sflag:s22] =	ssyncset.done $0x0  }
0xa0: {  	[sflag:s22] =	ssyncadd.s32 s4;
	_ =	sdelay $0x1  }
0xa1: {  	s23 =	simm.s32 $0x1B8B  }
0xa2: {  	_ =	swait.ge [sflag:s23], $0x1  }
0xa3: {  	[sflag:s23] =	ssyncset.done $0x0  }
0xa4: {  	s25 =	simm.s32 $0x1B8E;
	s24 =	sld [smem:$0x3FFE];
	[sflag:s23] =	ssyncadd.s32 $0xFFFFFFFF  }
0xa5: {  	s26 =	simm.s32 $execute0_lowered;
	[smem:$0x3FD2] =	sst s25  }
0xa6: {  	s5 =	sshll.u32 s26, $0x1;
	_ =	strace $0x8000004F;
	[dreg:$0x1] =	wrdreg $0xFFFFFFFF  }
0xa7: {  	s28 =	simm.s32 $_size_execute0_lowered;
	s3 =	sadd.s32 s3, s5;
	[dreg:$0x0] =	wrdreg $0x0  }
0xa8: {  	s5 =	sshll.u32 s28, $0x1;
	[dreg:$0x2] =	wrdreg s3  }
0xa9: {  	[dreg:$0x3] =	wrdreg s5  }
0xaa: {  	[dreg:$0x4] =	wrdreg $0xC0  }
0xab: {  	_ =	task [dreg:s7], $0x5FFFF  }
0xac: {  	[dreg:$0x1] =	wrdreg $0xFFFFFFFF  }
0xad: {  	[dreg:$0x0] =	wrdreg $0x60  }
0xae: {  	[dreg:$0x2] =	wrdreg s24  }
0xaf: {  	[dreg:$0x3] =	wrdreg s2  }
0xb0: {  	[dreg:$0x4] =	wrdreg $0xBE000  }
0xb1: {  	[dreg:$0x5] =	wrdreg $0x9  }
0xb2: {  	_ =	task.clear_ibuf [dreg:s7], $0x6FFFF;
	_ =	strace $0x9000004F  }
0xb3: {  	s29 =	simm.s32 $0x9;
	_ =	strace $0x80000051  }
0xb4: {  	_ =	swait.ge [sflag:s29], $0x1  }
0xb5: {  	[sflag:s29] =	ssyncadd.s32 $0xFFFFFFFF  }
0xb6: {  	_ =	strace $0x90000051  }
0xb7: {  	_ =	sfence  }
0xb8: {  	s30 =	sld [smem:$0x0];
	_ =	sdelay $0x2  }
0xb9: {  	s31 =	sshll.u32 s1, $0xD;
	s1 =	sshrl.u32 s1, $0x2  }
0xba: {  	s3 =	sand.u32 $0x4000, s31;
	s1 =	sadd.s32 s1, s30  }
0xbb: {  	s0 =	sor.u32 s3, s0;
	s1 =	sshll.u32 s1, $0x11  }
0xbc: {  	s0 =	sor.u32 s1, s0  }
0xbd: {  	s0 =	sadd.s32 $0x8F2B, s0  }
0xbe: {  	[sflag:s0] =	ssyncadd.remote.s32 $0x1  }
0xbf: {  	_ =	sfence.sel $0xFFFF  }
0xc0: {  	[dreg:$0x0] =	wrdreg $0xFFFFFFFF;
	(pc) =	sbr.abs _section_cstart, $3  }
0xc1: {  	[dreg:$0x1] =	wrdreg $0xFFFFFFFF  }
0xc2: {  	_ =	task.clear_ibuf [dreg:s7], $0x2FFFF;
	_ =	strace $0x9FFFFFFF  }
0xc3: {  	(tm) =	ssettm $0x7FFFFFFF  }
tec
execute0_lowered:
.L_overlay_start_1:
0x0: {  	(tag) =	ssettag $0x1  }
0x1: {  	s0 =	rddreg [dreg:$0x0]  }
0x2: {  	s2 =	rddreg [dreg:$0x1]  }
0x3: {  	s3 =	rddreg [dreg:$0x2]  }
0x4: {  	s1 =	stileid.u32;
	s5 =	srdreg.scid;
	s4 =	simm.s32 $0x0  }
0x5: {  	s14 =	simm.s32 $0x5;
	s15 =	simm.s32 $0x80;
	s16 =	simm.s32 $0x3E00  }
0x6: {  	s17 =	simm.s32 $0x100;
	s18 =	simm.s32 $0x7E00;
	s19 =	simm.s32 $0x1  }
0x7: {  	s20 =	simm.s32 $0x2;
	s21 =	simm.s32 $0x180;
	s22 =	simm.s32 $0x3  }
0x8: {  	s23 =	simm.s32 $0x200;
	s24 =	simm.s32 $0x4;
	s6 =	smul.u32 $0x14000, s1  }
0x9: {  	s25 =	simm.s32 $0x0;
	s7 =	sand.u32 $0x1, s5;
	s26 =	smul.u32 $0x50000, s1  }
0xa: {  	[smem:$0x7FF] =	sst s4;
	s9 =	sadd.s32 $0x7B200, s0;
	s29 =	smul.u32 $0x24, s1  }
0xb: {  	s30 =	sshll.u32 s1, $0x6;
	s5 =	smul.u32 $0x140000, s7;
	_ =	strace $0x80000050  }
0xc: {  	s10 =	ssub.s32 $0x2, s7;
	p0 =	seq.s32 s7, $0x0;
	s7 =	simm.s32 $0x3E  }
0xd: {  	s8 =	sshrl.u32 s6, $0x3;
	s28 =	sshrl.u32 s10, $0x1;
	s12 =	sadd.s32 $0x7C0, s29  }
0xe: {  	s7 =	simm.s32 @!p0 $0x12;
	s5 =	sadd.s32 s6, s5;
	s8 =	sadd.s32 s8, s0  }
0xf: {  	s6 =	sshrl.u32 s26, $0x2;
	s11 =	ssub.s32 s10, s28;
	s5 =	sshrl.u32 s5, $0x3  }
0x10: {  	s0 =	sadd.s32 s5, s0;
	s5 =	sadd.s32 $0x3200, s8;
	s8 =	smul.u32 $0x7C, s1  }
0x11: {  	s10 =	sadd.s32 $0x7D2, s29;
	s31 =	sshll.u32 s7, $0xA;
	s13 =	sadd.s32 s6, s3  }
0x12: {  	s6 =	sor.u32 $0x1C05, s30;
	s12 =	smov.u32 @p0 s8;
	s8 =	sadd.s32 $0x3E, s8  }
0x13: {  	s11 =	smax.u32 s11, $0x1;
	s12 =	sshll.u32 s12, $0x5;
	s10 =	smov.u32 @p0 s8  }
0x14: {  	s13 =	sshrl.u32 s13, $0x3;
	s8 =	sadd.s32 s9, s12;
	s10 =	sshll.u32 s10, $0x5  }
0x15: {  	s12 =	sadd.s32 $0xFFFFF000, s31;
	s9 =	sadd.s32 s9, s10;
	s10 =	sadd.s32 $0x2B200, s0  }
.LBB2_1:
0x16: {  	[spmem:s13], [sflag:s6] =	dma.local [hbm:s5], $0x2800  }
0x17: {  	_ =	swait.ge [sflag:s14], $0x2800  }
0x18: {  	[sflag:s14] =	ssyncset.done $0x0  }
0x19: {  	[sflag:s14] =	ssyncadd.s32 $0xFFFFD800  }
0x1a: {  	s0 =	simm.s32 $0x0;
	[bflag:$0x0] =	sbarrier.arrive $0xFFFF  }
0x1b: {  	[tilespmem:s0], [sflag:$0x5] =	stream.linear.gather [hbm4b:s8+s0], $0x3E00, $0x38;
	[tilespmem:$0x1FE00] =	vst v63  }
0x1c: {  	_ =	swait.ge [sflag:s14], $0x3E00  }
0x1d: {  	[sflag:s14] =	ssyncset.done $0x0  }
0x1e: {  	[sflag:s14] =	ssyncadd.s32 $0xFFFFC200  }
0x1f: {  	[tilespmem:s16], [sflag:$0x1] =	stream.indirect.gather [hbm4b:s2+s15], $0x80, s0, s15, $0xb8;
	[tilespmem:$0x1FE00] =	vst v63  }
0x20: {  	_ = 	snop  }
0x21: {  	[tilespmem:s18], [sflag:$0x2] =	stream.indirect.gather [hbm4b:s2+s15], $0x80, s17, s15, $0xb8;
	[tilespmem:$0x1FE00] =	vst v63  }
0x22: {  	_ =	swait.ge [sflag:s19], $0x4000  }
0x23: {  	[sflag:s19] =	ssyncset.done $0x0  }
0x24: {  	[sflag:s19] =	ssyncadd.s32 $0xFFFFC000  }
0x25: {  	[spmem:s3] =	stream.indirect.scatter.add.f32 [tilespmem:s16], [sflag:$0x3], $0x80, s15, s15, $0xb8;
	[tilespmem:$0x1FE00] =	vst v63  }
0x26: {  	_ =	swait.ge [sflag:s20], $0x4000  }
0x27: {  	[sflag:s20] =	ssyncset.done $0x0  }
0x28: {  	[sflag:s20] =	ssyncadd.s32 $0xFFFFC000  }
0x29: {  	[spmem:s3] =	stream.indirect.scatter.add.f32 [tilespmem:s18], [sflag:$0x4], $0x80, s21, s15, $0xb8;
	[tilespmem:$0x1FE00] =	vst v63  }
0x2a: {  	_ =	swait.ge [sflag:s22], $0x4000  }
0x2b: {  	[sflag:s22] =	ssyncset.done $0x0  }
0x2c: {  	[sflag:s22] =	ssyncadd.s32 $0xFFFFC000  }
0x2d: {  	[tilespmem:s16], [sflag:$0x1] =	stream.indirect.gather [hbm4b:s2+s15], $0x80, s23, s15, $0xb8;
	[tilespmem:$0x1FE00] =	vst v63  }
0x2e: {  	_ =	swait.ge [sflag:s19], $0x4000  }
0x2f: {  	p0 =	sle.u32 s7, $0x3;
	[sflag:s19] =	ssyncset.done $0x0  }
0x30: {  	s4 =	simm.s32 $0x280;
	s26 =	simm.s32 @!p0 $0x4;
	[sflag:s19] =	ssyncadd.s32 $0xFFFFC000  }
0x31: {  	[spmem:s3] =	stream.indirect.scatter.add.f32 [tilespmem:s16], [sflag:$0x3], $0x80, s4, s15, $0xb8;
	[tilespmem:$0x1FE00] =	vst v63  }
0x32: {  	_ =	swait.ge @!p0 [sflag:s26], $0x4000  }
0x33: {  	s28 =	simm.s32 @!p0 $0x80;
	[sflag:s26] =	ssyncset.done @!p0 $0x0  }
0x34: {  	s29 =	simm.s32 @!p0 $0x7E00;
	s0 =	simm.s32 @!p0 $0x300;
	[sflag:s26] =	ssyncadd.s32 @!p0 $0xFFFFC000  }
0x35: {  	[tilespmem:s29], [sflag:$0x2] =	stream.indirect.gather @!p0 [hbm4b:s2+s28], $0x80, s0, s28, $0xb8;
	[tilespmem:$0x1FE00] =	vst v63  }
0x36: {  	p1 =	sne.s32 s12, $0x800;
	s26 =	simm.s32 $0x380;
	_ =	swait.ge [sflag:s20], $0x4000  }
.Ltmp0:
0x37: {  	p0 =	sle.u32 s7, $0x4;
	[sflag:s20] =	ssyncset.done $0x0;
	(pc) =	sbr.rel @!p1 .LBB2_3-.Ltmp0, $4  }
0x38: {  	s28 =	simm.s32 $0x4;
	s29 =	simm.s32 @!p0 $0x3;
	[sflag:s20] =	ssyncadd.s32 $0xFFFFC000  }
0x39: {  	[spmem:s3] =	stream.indirect.scatter.add.f32 [tilespmem:s18], [sflag:$0x4], $0x80, s26, s15, $0xb8;
	[tilespmem:$0x1FE00] =	vst v63  }
0x3a: {  	s30 =	simm.s32 @!p0 $0x400;
	s31 =	simm.s32 @!p0 $0x80;
	_ =	swait.ge @!p0 [sflag:s29], $0x4000  }
0x3b: {  	s0 =	simm.s32 @!p0 $0x3E00;
	s26 =	simm.s32 $0x800;
	[sflag:s29] =	ssyncset.done @!p0 $0x0  }
.LBB2_2:
0x3c: {  	[sflag:s29] =	ssyncadd.s32 @!p0 $0xFFFFC000  }
0x3d: {  	s28 =	sadd.s32 $0x2, s28;
	s1 =	smov.u32 s26;
	s26 =	sadd.s32 $0x800, s26  }
0x3e: {  	[tilespmem:s0], [sflag:$0x1] =	stream.indirect.gather @!p0 [hbm4b:s2+s31], $0x80, s30, s31, $0xb8;
	[tilespmem:$0x1FE00] =	vst v63  }
0x3f: {  	s0 =	sshra.s32 s1, $0x2;
	s29 =	sadd.s32 $0xFFFFFFFF, s28;
	_ =	swait.ge [sflag:s19], $0x4000  }
0x40: {  	s30 =	sadd.s32 $0x280, s0;
	p0 =	sge.u32 s29, s7;
	[sflag:s19] =	ssyncset.done $0x0  }
0x41: {  	s29 =	simm.s32 @!p0 $0x4;
	s31 =	sshra.s32 @!p0 s1, $0x2;
	[sflag:s19] =	ssyncadd.s32 $0xFFFFC000  }
0x42: {  	[spmem:s3] =	stream.indirect.scatter.add.f32 [tilespmem:s16], [sflag:$0x3], $0x80, s30, s15, $0xb8;
	[tilespmem:$0x1FE00] =	vst v63  }
0x43: {  	p1 =	sne.s32 s12, s26;
	s30 =	sadd.s32 @!p0 $0x300, s31;
	_ =	swait.ge @!p0 [sflag:s29], $0x4000  }
0x44: {  	s4 =	simm.s32 @!p0 $0x7E00;
	s31 =	simm.s32 @!p0 $0x80;
	[sflag:s29] =	ssyncset.done @!p0 $0x0  }
0x45: {  	[sflag:s29] =	ssyncadd.s32 @!p0 $0xFFFFC000  }
0x46: {  	[tilespmem:s4], [sflag:$0x2] =	stream.indirect.gather @!p0 [hbm4b:s2+s31], $0x80, s30, s31, $0xb8;
	[tilespmem:$0x1FE00] =	vst v63  }
0x47: {  	p0 =	sge.u32 s28, s7;
	_ =	swait.ge [sflag:s20], $0x4000  }
.Ltmp1:
0x48: {  	s0 =	sadd.s32 $0x380, s0;
	[sflag:s20] =	ssyncset.done $0x0;
	(pc) =	sbr.rel @p1 .LBB2_2-.Ltmp1, $4  }
0x49: {  	s29 =	simm.s32 @!p0 $0x3;
	s1 =	sshra.s32 @!p0 s1, $0x2;
	[sflag:s20] =	ssyncadd.s32 $0xFFFFC000  }
0x4a: {  	[spmem:s3] =	stream.indirect.scatter.add.f32 [tilespmem:s18], [sflag:$0x4], $0x80, s0, s15, $0xb8;
	[tilespmem:$0x1FE00] =	vst v63  }
0x4b: {  	s30 =	sadd.s32 @!p0 $0x400, s1;
	_ =	swait.ge @!p0 [sflag:s29], $0x4000  }
0x4c: {  	s31 =	simm.s32 @!p0 $0x80;
	s0 =	simm.s32 @!p0 $0x3E00;
	[sflag:s29] =	ssyncset.done @!p0 $0x0  }
.LBB2_3:
0x4d: {  	[sflag:s29] =	ssyncadd.s32 @!p0 $0xFFFFC000  }
0x4e: {  	[tilespmem:s0], [sflag:$0x1] =	stream.indirect.gather @!p0 [hbm4b:s2+s31], $0x80, s30, s31, $0xb8;
	[tilespmem:$0x1FE00] =	vst v63  }
0x4f: {  	s4 =	sshra.s32 s26, $0x2;
	s1 =	sadd.s32 $0x2, s28;
	_ =	swait.ge [sflag:s19], $0x4000  }
0x50: {  	s0 =	sadd.s32 $0x280, s4;
	s4 =	sadd.s32 $0xFFFFFFFF, s1;
	[sflag:s19] =	ssyncset.done $0x0  }
0x51: {  	p0 =	slt.u32 s4, s7;
	[sflag:s19] =	ssyncadd.s32 $0xFFFFC000  }
0x52: {  	[spmem:s3] =	stream.indirect.scatter.add.f32 [tilespmem:s16], [sflag:$0x3], $0x80, s0, s15, $0xb8;
	[tilespmem:$0x1FE00] =	vst v63  }
0x53: {  	s0 =	simm.s32 @p0 $0x4  }
0x54: {  	_ =	swait.ge @p0 [sflag:s0], $0x4000  }
0x55: {  	[sflag:s0] =	ssyncset.done @p0 $0x0  }
0x56: {  	[sflag:s0] =	ssyncadd.s32 @p0 $0xFFFFC000;
	s0 =	sshra.s32 @p0 s26, $0x2  }
0x57: {  	s4 =	simm.s32 @p0 $0x80;
	s28 =	simm.s32 @p0 $0x7E00;
	s0 =	sadd.s32 @p0 $0x300, s0  }
0x58: {  	[tilespmem:s28], [sflag:$0x2] =	stream.indirect.gather @p0 [hbm4b:s2+s4], $0x80, s0, s4, $0xb8;
	[tilespmem:$0x1FE00] =	vst v63  }
0x59: {  	s0 =	sadd.s32 @p0 $0xC00, s26;
	s4 =	sadd.s32 @!p0 $0xC00, s26  }
0x5a: {  	s4 =	smov.u32 @p0 s0;
	_ =	swait.ge [sflag:s20], $0x4000  }
0x5b: {  	[sflag:s20] =	ssyncset.done $0x0;
	s0 =	sshra.s32 s4, $0x2  }
0x5c: {  	p0 =	sge.u32 s1, s7;
	[sflag:s20] =	ssyncadd.s32 $0xFFFFC000;
	s0 =	sadd.s32 $0x80, s0  }
0x5d: {  	[spmem:s3] =	stream.indirect.scatter.add.f32 [tilespmem:s18], [sflag:$0x4], $0x80, s0, s15, $0xb8;
	[tilespmem:$0x1FE00] =	vst v63  }
0x5e: {  	s0 =	simm.s32 @!p0 $0x3  }
0x5f: {  	_ =	swait.ge @!p0 [sflag:s0], $0x4000  }
0x60: {  	[sflag:s0] =	ssyncset.done @!p0 $0x0  }
0x61: {  	[sflag:s0] =	ssyncadd.s32 @!p0 $0xFFFFC000;
	s0 =	sshra.s32 @!p0 s26, $0x2  }
0x62: {  	s1 =	simm.s32 @!p0 $0x80;
	s4 =	simm.s32 @!p0 $0x3E00;
	s0 =	sadd.s32 @!p0 $0x400, s0  }
0x63: {  	[tilespmem:s4], [sflag:$0x1] =	stream.indirect.gather @!p0 [hbm4b:s2+s1], $0x80, s0, s1, $0xb8;
	[tilespmem:$0x1FE00] =	vst v63  }
0x64: {  	_ =	swait.ge [sflag:s22], $0x4000  }
0x65: {  	[sflag:s22] =	ssyncset.done $0x0  }
0x66: {  	s26 =	simm.s32 $0x4;
	[sflag:s22] =	ssyncadd.s32 $0xFFFFC000  }
0x67: {  	_ =	swait.ge [sflag:s26], $0x4000  }
0x68: {  	[sflag:s26] =	ssyncset.done $0x0  }
0x69: {  	s1 =	simm.s32 $0x0;
	[sflag:s26] =	ssyncadd.s32 $0xFFFFC000  }
0x6a: {  	[tilespmem:s1], [sflag:$0x5] =	stream.linear.gather [hbm4b:s9+s1], $0x3E00, $0x38;
	[tilespmem:$0x1FE00] =	vst v63  }
0x6b: {  	_ =	swait.ge [sflag:s14], $0x3E00  }
0x6c: {  	[sflag:s14] =	ssyncset.done $0x0  }
0x6d: {  	[sflag:s14] =	ssyncadd.s32 $0xFFFFC200  }
0x6e: {  	[tilespmem:s16], [sflag:$0x1] =	stream.indirect.gather [hbm4b:s2+s15], $0x80, s1, s15, $0xb8;
	[tilespmem:$0x1FE00] =	vst v63  }
0x6f: {  	_ = 	snop  }
0x70: {  	[tilespmem:s18], [sflag:$0x2] =	stream.indirect.gather [hbm4b:s2+s15], $0x80, s17, s15, $0xb8;
	[tilespmem:$0x1FE00] =	vst v63  }
0x71: {  	_ =	swait.ge [sflag:s19], $0x4000  }
0x72: {  	[sflag:s19] =	ssyncset.done $0x0  }
0x73: {  	[sflag:s19] =	ssyncadd.s32 $0xFFFFC000  }
0x74: {  	[spmem:s3] =	stream.indirect.scatter.add.f32 [tilespmem:s16], [sflag:$0x3], $0x80, s15, s15, $0xb8;
	[tilespmem:$0x1FE00] =	vst v63  }
0x75: {  	_ =	swait.ge [sflag:s20], $0x4000  }
0x76: {  	[sflag:s20] =	ssyncset.done $0x0  }
0x77: {  	[sflag:s20] =	ssyncadd.s32 $0xFFFFC000  }
0x78: {  	[spmem:s3] =	stream.indirect.scatter.add.f32 [tilespmem:s18], [sflag:$0x4], $0x80, s21, s15, $0xb8;
	[tilespmem:$0x1FE00] =	vst v63  }
0x79: {  	_ =	swait.ge [sflag:s22], $0x4000  }
0x7a: {  	[sflag:s22] =	ssyncset.done $0x0  }
0x7b: {  	[sflag:s22] =	ssyncadd.s32 $0xFFFFC000  }
0x7c: {  	[tilespmem:s16], [sflag:$0x1] =	stream.indirect.gather [hbm4b:s2+s15], $0x80, s23, s15, $0xb8;
	[tilespmem:$0x1FE00] =	vst v63  }
0x7d: {  	_ =	swait.ge [sflag:s19], $0x4000  }
0x7e: {  	p0 =	sle.u32 s7, $0x3;
	[sflag:s19] =	ssyncset.done $0x0  }
0x7f: {  	s4 =	simm.s32 $0x280;
	s1 =	simm.s32 @!p0 $0x4;
	[sflag:s19] =	ssyncadd.s32 $0xFFFFC000  }
0x80: {  	[spmem:s3] =	stream.indirect.scatter.add.f32 [tilespmem:s16], [sflag:$0x3], $0x80, s4, s15, $0xb8;
	[tilespmem:$0x1FE00] =	vst v63  }
0x81: {  	_ =	swait.ge @!p0 [sflag:s1], $0x4000  }
0x82: {  	s0 =	simm.s32 @!p0 $0x300;
	[sflag:s1] =	ssyncset.done @!p0 $0x0  }
0x83: {  	s28 =	simm.s32 @!p0 $0x7E00;
	s4 =	simm.s32 @!p0 $0x80;
	[sflag:s1] =	ssyncadd.s32 @!p0 $0xFFFFC000  }
0x84: {  	[tilespmem:s28], [sflag:$0x2] =	stream.indirect.gather @!p0 [hbm4b:s2+s4], $0x80, s0, s4, $0xb8;
	[tilespmem:$0x1FE00] =	vst v63  }
0x85: {  	p1 =	sne.s32 s12, $0x800;
	_ =	swait.ge [sflag:s20], $0x4000  }
.Ltmp2:
0x86: {  	p0 =	sle.u32 s7, $0x4;
	[sflag:s20] =	ssyncset.done $0x0;
	(pc) =	sbr.rel @!p1 .LBB2_5-.Ltmp2, $4  }
0x87: {  	s4 =	simm.s32 $0x380;
	s29 =	simm.s32 @!p0 $0x3;
	[sflag:s20] =	ssyncadd.s32 $0xFFFFC000  }
0x88: {  	[spmem:s3] =	stream.indirect.scatter.add.f32 [tilespmem:s18], [sflag:$0x4], $0x80, s4, s15, $0xb8;
	[tilespmem:$0x1FE00] =	vst v63  }
0x89: {  	s28 =	simm.s32 $0x800;
	s30 =	simm.s32 @!p0 $0x400;
	_ =	swait.ge @!p0 [sflag:s29], $0x4000  }
0x8a: {  	s31 =	simm.s32 @!p0 $0x80;
	s0 =	simm.s32 @!p0 $0x3E00;
	[sflag:s29] =	ssyncset.done @!p0 $0x0  }
.LBB2_4:
0x8b: {  	[sflag:s29] =	ssyncadd.s32 @!p0 $0xFFFFC000  }
0x8c: {  	s26 =	sadd.s32 $0x2, s26;
	s1 =	smov.u32 s28;
	s28 =	sadd.s32 $0x800, s28  }
0x8d: {  	[tilespmem:s0], [sflag:$0x1] =	stream.indirect.gather @!p0 [hbm4b:s2+s31], $0x80, s30, s31, $0xb8;
	[tilespmem:$0x1FE00] =	vst v63  }
0x8e: {  	s0 =	sshra.s32 s1, $0x2;
	s4 =	sadd.s32 $0xFFFFFFFF, s26;
	_ =	swait.ge [sflag:s19], $0x4000  }
0x8f: {  	s29 =	sadd.s32 $0x280, s0;
	p0 =	sge.u32 s4, s7;
	[sflag:s19] =	ssyncset.done $0x0  }
0x90: {  	s4 =	simm.s32 @!p0 $0x4;
	s30 =	sshra.s32 @!p0 s1, $0x2;
	[sflag:s19] =	ssyncadd.s32 $0xFFFFC000  }
0x91: {  	[spmem:s3] =	stream.indirect.scatter.add.f32 [tilespmem:s16], [sflag:$0x3], $0x80, s29, s15, $0xb8;
	[tilespmem:$0x1FE00] =	vst v63  }
0x92: {  	p1 =	sne.s32 s12, s28;
	s29 =	sadd.s32 @!p0 $0x300, s30;
	_ =	swait.ge @!p0 [sflag:s4], $0x4000  }
0x93: {  	s31 =	simm.s32 @!p0 $0x7E00;
	s30 =	simm.s32 @!p0 $0x80;
	[sflag:s4] =	ssyncset.done @!p0 $0x0  }
0x94: {  	[sflag:s4] =	ssyncadd.s32 @!p0 $0xFFFFC000  }
0x95: {  	[tilespmem:s31], [sflag:$0x2] =	stream.indirect.gather @!p0 [hbm4b:s2+s30], $0x80, s29, s30, $0xb8;
	[tilespmem:$0x1FE00] =	vst v63  }
0x96: {  	p0 =	sge.u32 s26, s7;
	_ =	swait.ge [sflag:s20], $0x4000  }
.Ltmp3:
0x97: {  	s0 =	sadd.s32 $0x380, s0;
	[sflag:s20] =	ssyncset.done $0x0;
	(pc) =	sbr.rel @p1 .LBB2_4-.Ltmp3, $4  }
0x98: {  	s29 =	simm.s32 @!p0 $0x3;
	s1 =	sshra.s32 @!p0 s1, $0x2;
	[sflag:s20] =	ssyncadd.s32 $0xFFFFC000  }
0x99: {  	[spmem:s3] =	stream.indirect.scatter.add.f32 [tilespmem:s18], [sflag:$0x4], $0x80, s0, s15, $0xb8;
	[tilespmem:$0x1FE00] =	vst v63  }
0x9a: {  	s30 =	sadd.s32 @!p0 $0x400, s1;
	_ =	swait.ge @!p0 [sflag:s29], $0x4000  }
0x9b: {  	s31 =	simm.s32 @!p0 $0x80;
	s0 =	simm.s32 @!p0 $0x3E00;
	[sflag:s29] =	ssyncset.done @!p0 $0x0  }
.LBB2_5:
0x9c: {  	[sflag:s29] =	ssyncadd.s32 @!p0 $0xFFFFC000  }
0x9d: {  	[tilespmem:s0], [sflag:$0x1] =	stream.indirect.gather @!p0 [hbm4b:s2+s31], $0x80, s30, s31, $0xb8;
	[tilespmem:$0x1FE00] =	vst v63  }
0x9e: {  	s1 =	sadd.s32 $0x2, s26;
	_ =	swait.ge [sflag:s19], $0x4000  }
0x9f: {  	s30 =	sshra.s32 s28, $0x2;
	s31 =	sadd.s32 $0xFFFFFFFF, s1;
	[sflag:s19] =	ssyncset.done $0x0  }
0xa0: {  	s0 =	sadd.s32 $0x280, s30;
	p0 =	slt.u32 s31, s7;
	[sflag:s19] =	ssyncadd.s32 $0xFFFFC000  }
0xa1: {  	[spmem:s3] =	stream.indirect.scatter.add.f32 [tilespmem:s16], [sflag:$0x3], $0x80, s0, s15, $0xb8;
	[tilespmem:$0x1FE00] =	vst v63  }
0xa2: {  	s0 =	simm.s32 @p0 $0x4  }
0xa3: {  	_ =	swait.ge @p0 [sflag:s0], $0x4000  }
0xa4: {  	[sflag:s0] =	ssyncset.done @p0 $0x0  }
0xa5: {  	[sflag:s0] =	ssyncadd.s32 @p0 $0xFFFFC000;
	s0 =	sshra.s32 @p0 s28, $0x2  }
0xa6: {  	s4 =	simm.s32 @p0 $0x80;
	s26 =	simm.s32 @p0 $0x7E00;
	s0 =	sadd.s32 @p0 $0x300, s0  }
0xa7: {  	[tilespmem:s26], [sflag:$0x2] =	stream.indirect.gather @p0 [hbm4b:s2+s4], $0x80, s0, s4, $0xb8;
	[tilespmem:$0x1FE00] =	vst v63  }
0xa8: {  	s0 =	sadd.s32 @p0 $0xC00, s28;
	s4 =	sadd.s32 @!p0 $0xC00, s28  }
0xa9: {  	s4 =	smov.u32 @p0 s0;
	_ =	swait.ge [sflag:s20], $0x4000  }
0xaa: {  	[sflag:s20] =	ssyncset.done $0x0;
	s0 =	sshra.s32 s4, $0x2  }
0xab: {  	p0 =	sge.u32 s1, s7;
	[sflag:s20] =	ssyncadd.s32 $0xFFFFC000;
	s0 =	sadd.s32 $0x80, s0  }
0xac: {  	[spmem:s3] =	stream.indirect.scatter.add.f32 [tilespmem:s18], [sflag:$0x4], $0x80, s0, s15, $0xb8;
	[tilespmem:$0x1FE00] =	vst v63  }
0xad: {  	s0 =	simm.s32 @!p0 $0x3  }
0xae: {  	_ =	swait.ge @!p0 [sflag:s0], $0x4000  }
0xaf: {  	[sflag:s0] =	ssyncset.done @!p0 $0x0  }
0xb0: {  	[sflag:s0] =	ssyncadd.s32 @!p0 $0xFFFFC000;
	s0 =	sshra.s32 @!p0 s28, $0x2  }
0xb1: {  	s1 =	simm.s32 @!p0 $0x80;
	s4 =	simm.s32 @!p0 $0x3E00;
	s0 =	sadd.s32 @!p0 $0x400, s0  }
0xb2: {  	[tilespmem:s4], [sflag:$0x1] =	stream.indirect.gather @!p0 [hbm4b:s2+s1], $0x80, s0, s1, $0xb8;
	[tilespmem:$0x1FE00] =	vst v63  }
0xb3: {  	_ =	swait.ge [sflag:s22], $0x4000  }
0xb4: {  	[sflag:s22] =	ssyncset.done $0x0  }
0xb5: {  	[sflag:s22] =	ssyncadd.s32 $0xFFFFC000  }
0xb6: {  	_ =	swait.ge [sflag:s24], $0x4000  }
0xb7: {  	s25 =	sadd.s32 $0x1, s25;
	[sflag:s24] =	ssyncset.done $0x0  }
0xb8: {  	p0 =	sne.s32 s25, s11;
	[sflag:s24] =	ssyncadd.s32 $0xFFFFC000  }
.Ltmp4:
0xb9: {  	[bflag:$0x0] =	sbarrier.arrive $0xFFFF;
	(pc) =	sbr.rel @p0 .LBB2_1-.Ltmp4, $4  }
0xba: {  	[hbm:s10], [sflag:s6] =	dma.local [spmem:s13], $0x2800  }
0xbb: {  	_ =	swait.ge [sflag:s14], $0x2800  }
0xbc: {  	[sflag:s14] =	ssyncset.done $0x0  }
0xbd: {  	[sflag:s14] =	ssyncadd.s32 $0xFFFFD800  }
0xbe: {  	_ =	sfence.sel $0x180000  }
0xbf: {  	[bflag:$0x0] =	sbarrier.arrive $0xFFFF  }
0xc0: {  	_ =	strace $0x90000050  }
0xc1: {  	s0 =	stileid.u32;
	[bflag:$0x2] =	sbarrier.arrive $0xFFFF  }
0xc2: {  	p0 =	sne.s32 s0, $0x0;
	s0 =	rddreg [dreg:$0x3]  }
0xc3: {  	s0 =	sadd.s32 @!p0 $0x100000, s0  }
0xc4: {  	[sflag:s0] =	ssyncadd.tile.s32 @!p0 $0x1;
	_ =	shalt  }
.Lfunc_end2:
_tile_overlayer_lowered:
.L_overlay_start_2:
0xc5: {  	(tag) =	ssettag $0x2  }
0xc6: {  	s0 =	rddreg [dreg:$0x0];
	s2 =	stileid.u32  }
0xc7: {  	s1 =	rddreg [dreg:$0x1];
	p0 =	sne.s32 s2, $0x0  }
0xc8: {  	s3 =	rddreg [dreg:$0x2];
	[bflag:$0x3] =	sbarrier.arrive $0xFFFF;
	s2 =	simm.s32 @!p0 $0x1C05  }
0xc9: {  	[timem:s3], [sflag:s2] =	dma.local @!p0 [hbm:s0], s1  }
0xca: {  	s0 =	simm.s32 @!p0 $0x5  }
0xcb: {  	_ =	swait.ge @!p0 [sflag:s0], s1  }
0xcc: {  	s1 =	ssub.s32 @!p0 $0x0, s1;
	[sflag:s0] =	ssyncset.done @!p0 $0x0  }
0xcd: {  	[sflag:s0] =	ssyncadd.s32 @!p0 s1  }
0xce: {  	[bflag:$0x3] =	sbarrier.arrive $0xFFFF  }
0xcf: {  	_ =	shalt  }

</sc_bundles>
